<compile_context>
chip_gen: v7x
topology: tpu7x:2x2x1
jax: 0.10.2.dev20260603
libtpu: 0.0.44.dev20260713+nightly
codegen_flags: <defaults>
</compile_context>

<pallas_src>
import functools

import jax
import jax.numpy as jnp
from jax import lax
from jax.experimental import pallas as pl
from jax.experimental.pallas import tpu as pltpu
from jax.experimental.pallas import tpu_sc as plsc

N = 10000
E = 320000
D = 128
G = 512
EPS = 1e-5

NC = 2
NS = 16
NW = NC * NS

N_PAD = 10240
ROWS_PER_SUB = N_PAD // NS
CHUNK = 128
CH = 80
E_PAD = NW * CH * CHUNK
TOTCH = E_PAD // CHUNK
SP0 = 2
SP1 = 2
CPS = TOTCH // (NS * (SP0 + SP1))

_tc_params = pltpu.CompilerParams(vmem_limit_bytes=120 * 1024 * 1024)



def _deg_body(edges_hbm, out_hbm, dst_v, deg_v):
    c = lax.axis_index("c")
    s = lax.axis_index("s")
    w = c * NS + s
    pltpu.sync_copy(edges_hbm.at[1, pl.ds(w * CH, CH)], dst_v)
    zero16 = jnp.zeros((16,), jnp.float32)

    def _zero(i, carry):
        deg_v[pl.ds(i * 16, 16)] = zero16
        return carry

    lax.fori_loop(0, N_PAD // 16, _zero, 0)
    one16 = jnp.ones((16,), jnp.float32)

    def _count(j, carry):
        for k in range(CHUNK // 16):
            idx = dst_v[j, pl.ds(k * 16, 16)]
            plsc.addupdate_scatter(deg_v, [idx], one16)
        return carry

    lax.fori_loop(0, CH, _count, 0)
    pltpu.sync_copy(deg_v, out_hbm.at[w])


def _scatter_body(y_hbm, edges_hbm, zeros_hbm, out_hbm,
                  src_v, dst_v, buf_a, buf_b, zsh, sem_a, sem_b):
    c = lax.axis_index("c")
    s = lax.axis_index("s")

    with jax.named_scope("zero_phase"):
        pltpu.sync_copy(zeros_hbm, buf_a)
        for k in range(ROWS_PER_SUB // CHUNK):
            pltpu.async_copy(
                buf_a, zsh.at[pl.ds(s * ROWS_PER_SUB + k * CHUNK, CHUNK)],
                sem_a)
        for k in range(ROWS_PER_SUB // CHUNK):
            pltpu.make_async_copy(
                buf_a, zsh.at[pl.ds(s * ROWS_PER_SUB + k * CHUNK, CHUNK)],
                sem_a).wait()
        plsc.subcore_barrier()

    npass = jnp.where(c == 0, SP0, SP1)

    def _stripe(q, carry):
        stripe = jnp.where(c == 0, SP0 * s + q, NS * SP0 + SP1 * s + q)
        base = stripe * CPS
        pltpu.sync_copy(edges_hbm.at[0, pl.ds(base, CPS)], src_v)
        pltpu.sync_copy(edges_hbm.at[1, pl.ds(base, CPS)], dst_v)
        pltpu.async_copy(y_hbm.at[src_v.at[0]], buf_a, sem_a)

        def _pair(p, carry2):
            j0 = 2 * p
            pltpu.async_copy(y_hbm.at[src_v.at[j0 + 1]], buf_b, sem_b)
            pltpu.make_async_copy(y_hbm.at[src_v.at[j0]], buf_a, sem_a).wait()
            pltpu.sync_copy(buf_a, zsh.at[dst_v.at[j0]], add=True)

            @pl.when(p < CPS // 2 - 1)
            def _():
                pltpu.async_copy(y_hbm.at[src_v.at[j0 + 2]], buf_a, sem_a)

            pltpu.make_async_copy(y_hbm.at[src_v.at[j0 + 1]], buf_b,
                                  sem_b).wait()
            pltpu.sync_copy(buf_b, zsh.at[dst_v.at[j0 + 1]], add=True)
            return carry2

        lax.fori_loop(0, CPS // 2, _pair, 0)
        return carry

    with jax.named_scope("edge_phase"):
        lax.fori_loop(0, npass, _stripe, 0)
        plsc.subcore_barrier()

    with jax.named_scope("export_phase"):
        bufs = (buf_a, buf_b)
        sems = (sem_a, sem_b)
        nk = ROWS_PER_SUB // CHUNK
        pltpu.sync_copy(zsh.at[pl.ds(s * ROWS_PER_SUB, CHUNK)], buf_a)
        for k in range(nk):
            r = s * ROWS_PER_SUB + k * CHUNK
            if k > 0:
                pltpu.make_async_copy(bufs[(k - 1) % 2],
                                      out_hbm.at[c, pl.ds(r - CHUNK, CHUNK)],
                                      sems[(k - 1) % 2]).wait()
            if k + 1 < nk:
                pltpu.sync_copy(zsh.at[pl.ds(r + CHUNK, CHUNK)],
                                bufs[(k + 1) % 2])
            pltpu.async_copy(bufs[k % 2], out_hbm.at[c, pl.ds(r, CHUNK)],
                             sems[k % 2])
        pltpu.make_async_copy(
            bufs[(nk - 1) % 2],
            out_hbm.at[c, pl.ds(s * ROWS_PER_SUB + (nk - 1) * CHUNK, CHUNK)],
            sems[(nk - 1) % 2]).wait()


@functools.lru_cache(maxsize=1)
def _sc_kernels():
    mesh = plsc.VectorSubcoreMesh(core_axis_name="c", subcore_axis_name="s",
                                  num_cores=NC, num_subcores=NS)
    sc_params = pltpu.CompilerParams(needs_layout_passes=False)
    deg = pl.kernel(
        _deg_body,
        out_type=jax.ShapeDtypeStruct((NW, N_PAD), jnp.float32),
        mesh=mesh,
        compiler_params=sc_params,
        scratch_types=[
            pltpu.VMEM((CH, CHUNK), jnp.int32),
            pltpu.VMEM((N_PAD,), jnp.float32),
        ],
    )
    scatter = pl.kernel(
        _scatter_body,
        out_type=jax.ShapeDtypeStruct((NC, N_PAD, D), jnp.float32),
        mesh=mesh,
        compiler_params=sc_params,
        scratch_types=[
            pltpu.VMEM((CPS, CHUNK), jnp.int32),
            pltpu.VMEM((CPS, CHUNK), jnp.int32),
            pltpu.VMEM((CHUNK, D), jnp.float32),
            pltpu.VMEM((CHUNK, D), jnp.float32),
            pltpu.VMEM_SHARED((N_PAD, D), jnp.float32),
            pltpu.SemaphoreType.DMA,
            pltpu.SemaphoreType.DMA,
        ],
    )
    return deg, scatter



def _row_mask():
    rows = lax.broadcasted_iota(jnp.int32, (N_PAD, 1), 0)
    return rows < N


def _pre_body(x_ref, w_ref, degp_ref, y_ref, dinv_ref):
    deg = jnp.sum(degp_ref[...], axis=0, keepdims=True) + 1.0
    dinv = lax.rsqrt(deg).reshape(N_PAD, 1)
    xw = jnp.dot(x_ref[...], w_ref[...], preferred_element_type=jnp.float32)
    y_ref[...] = xw * dinv
    dinv_ref[...] = dinv


_pre_call = pl.pallas_call(
    _pre_body,
    out_shape=(
        jax.ShapeDtypeStruct((N_PAD, D), jnp.float32),
        jax.ShapeDtypeStruct((N_PAD, 1), jnp.float32),
    ),
    compiler_params=_tc_params,
)


def _bn_block(z_ref, y_ref, dinv_ref, b_ref, g_ref, be_ref):
    z = z_ref[0] + z_ref[1] + y_ref[...]
    h = z * dinv_ref[...] + b_ref[...]
    mask = _row_mask()
    h = jnp.where(mask, jnp.maximum(h, 0.0), 0.0)
    mean = jnp.sum(h, axis=0, keepdims=True) * (1.0 / N)
    d = jnp.where(mask, h - mean, 0.0)
    var = jnp.sum(d * d, axis=0, keepdims=True) * (1.0 / N)
    hn = (h - mean) * lax.rsqrt(var + EPS) * g_ref[...] + be_ref[...]
    return jnp.where(mask, hn, 0.0)


def _mid_body(z_ref, y_ref, dinv_ref, b_ref, g_ref, be_ref, w_ref, yn_ref):
    hn = _bn_block(z_ref, y_ref, dinv_ref, b_ref, g_ref, be_ref)
    yn_ref[...] = jnp.dot(hn, w_ref[...],
                          preferred_element_type=jnp.float32) * dinv_ref[...]


_mid_call = pl.pallas_call(
    _mid_body,
    out_shape=jax.ShapeDtypeStruct((N_PAD, D), jnp.float32),
    compiler_params=_tc_params,
)


def _final_body(z_ref, y_ref, dinv_ref, b_ref, g_ref, be_ref, batch_ref,
                out_ref):
    hn = _bn_block(z_ref, y_ref, dinv_ref, b_ref, g_ref, be_ref)
    NPC = 2048
    gid = lax.broadcasted_iota(jnp.int32, (G, NPC), 0)
    acc = jnp.zeros((G, D), jnp.float32)
    cnt = jnp.zeros((G, 1), jnp.float32)
    bvec = batch_ref[...]
    for k in range(N_PAD // NPC):
        mk = (gid == bvec[:, k * NPC:(k + 1) * NPC]).astype(jnp.float32)
        acc = acc + jnp.dot(mk, hn[k * NPC:(k + 1) * NPC, :],
                            preferred_element_type=jnp.float32)
        cnt = cnt + jnp.sum(mk, axis=1, keepdims=True)
    out_ref[...] = acc / jnp.maximum(cnt, 1.0)


_final_call = pl.pallas_call(
    _final_body,
    out_shape=jax.ShapeDtypeStruct((G, D), jnp.float32),
    compiler_params=_tc_params,
)



def kernel(x, edge_index, batch, W1, b1, g1, be1, W2, b2, g2, be2,
           W3, b3, g3, be3):
    pad_e = E_PAD - E
    pad_src = jnp.arange(pad_e, dtype=jnp.int32) % N
    pad_dst = N + jnp.arange(pad_e, dtype=jnp.int32) % (N_PAD - N)
    edges_p = jnp.concatenate(
        [edge_index, jnp.stack([pad_src, pad_dst])], axis=1
    ).reshape(2, TOTCH, CHUNK)
    x_p = jnp.pad(x, ((0, N_PAD - N), (0, 0)))
    batch_p = jnp.concatenate(
        [batch, jnp.full((N_PAD - N,), -1, jnp.int32)]).reshape(1, N_PAD)
    zeros_tile = jnp.zeros((CHUNK, D), jnp.float32)
    b1r, g1r, be1r = b1.reshape(1, D), g1.reshape(1, D), be1.reshape(1, D)
    b2r, g2r, be2r = b2.reshape(1, D), g2.reshape(1, D), be2.reshape(1, D)
    b3r, g3r, be3r = b3.reshape(1, D), g3.reshape(1, D), be3.reshape(1, D)

    _deg_call, _scatter_call = _sc_kernels()
    degp = _deg_call(edges_p)
    y1, dinv = _pre_call(x_p, W1, degp)
    z1 = _scatter_call(y1, edges_p, zeros_tile)
    y2 = _mid_call(z1, y1, dinv, b1r, g1r, be1r, W2)
    z2 = _scatter_call(y2, edges_p, zeros_tile)
    y3 = _mid_call(z2, y2, dinv, b2r, g2r, be2r, W3)
    z3 = _scatter_call(y3, edges_p, zeros_tile)
    return _final_call(z3, y3, dinv, b3r, g3r, be3r, batch_p)

# --- scband reference (transcript-rebuilt; emitter-appended) ---
"""Pipeline reference for scband-drug-gcn-36266703847440 (READ-ONLY COPY).

The authoritative reference and input builder live on the scoring server;
editing this copy changes nothing except your own understanding.
"""

import jax, jax.numpy as jnp
import numpy as np

N = 10000
E = 320000
D_IN = 128
D_H = 128
D_OUT = 128
G = 512
EPS = 1e-5


def setup_inputs(seed: int = 0) -> dict:
    key = jax.random.key(seed)
    ks = jax.random.split(key, 16)
    x = jax.random.normal(ks[0], (N, D_IN), dtype=jnp.float32)
    edge_index = jax.random.randint(ks[1], (2, E), 0, N, dtype=jnp.int32)
    batch = jnp.sort(jax.random.randint(ks[2], (N,), 0, G, dtype=jnp.int32))
    def lin(k, fan_in, fan_out):
        bound = 1.0 / np.sqrt(fan_in)
        kw, kb = jax.random.split(k)
        W = jax.random.uniform(kw, (fan_in, fan_out), jnp.float32, -bound, bound)
        b = jax.random.uniform(kb, (fan_out,), jnp.float32, -bound, bound)
        return W, b
    W1, b1 = lin(ks[3], D_IN, D_H)
    W2, b2 = lin(ks[4], D_H, D_H)
    W3, b3 = lin(ks[5], D_H, D_OUT)
    g1 = jnp.ones((D_H,), jnp.float32); be1 = jnp.zeros((D_H,), jnp.float32)
    g2 = jnp.ones((D_H,), jnp.float32); be2 = jnp.zeros((D_H,), jnp.float32)
    g3 = jnp.ones((D_OUT,), jnp.float32); be3 = jnp.zeros((D_OUT,), jnp.float32)
    return {"x": x, "edge_index": edge_index, "batch": batch,
            "W1": W1, "b1": b1, "g1": g1, "be1": be1,
            "W2": W2, "b2": b2, "g2": g2, "be2": be2,
            "W3": W3, "b3": b3, "g3": g3, "be3": be3}


def _gcn_conv(x, edge_index, W, b):
    # GCNConv with added self-loops and symmetric normalization (PyG default)
    loop = jnp.arange(N, dtype=edge_index.dtype)
    src = jnp.concatenate([edge_index[0], loop])
    dst = jnp.concatenate([edge_index[1], loop])
    deg = jnp.zeros((N,), jnp.float32).at[dst].add(1.0)
    dinv = jnp.where(deg > 0, jax.lax.rsqrt(deg), 0.0)
    norm = dinv[src] * dinv[dst]
    xw = x @ W
    msg = xw[src] * norm[:, None]
    out = jnp.zeros((N, W.shape[1]), jnp.float32).at[dst].add(msg)
    return out + b


def _batch_norm(h, gamma, beta):
    mean = jnp.mean(h, axis=0)
    var = jnp.var(h, axis=0)
    return (h - mean) * jax.lax.rsqrt(var + EPS) * gamma + beta


def reference(x, edge_index, batch, W1, b1, g1, be1, W2, b2, g2, be2, W3, b3, g3, be3):
    # embedding layer
    h = _gcn_conv(x, edge_index, W1, b1)
    h = jax.nn.relu(h)
    h = _batch_norm(h, g1, be1)
    # dropout is identity in eval/deterministic reference
    # hidden layer (num_hidden - 2 = 1 block)
    h = _gcn_conv(h, edge_index, W2, b2)
    h = jax.nn.relu(h)
    h = _batch_norm(h, g2, be2)
    # output layer
    h = _gcn_conv(h, edge_index, W3, b3)
    h = jax.nn.relu(h)
    h = _batch_norm(h, g3, be3)
    # global mean pool over graphs
    summed = jax.ops.segment_sum(h, batch, num_segments=G)
    cnt = jax.ops.segment_sum(jnp.ones((N,), jnp.float32), batch, num_segments=G)
    pooled = summed / jnp.maximum(cnt, 1.0)[:, None]
    return pooled

if __name__ == "__main__":
    import jax
    _d = setup_inputs()
    print(jax.jit(kernel)(*tuple(_d.values())))

</pallas_src>

<mosaic_0001>
#map = affine_map<(d0, d1) -> (0, 0)>
#map1 = affine_map<(d0, d1) -> (0, 0, 0)>
module attributes {stable_mosaic.version = 14 : i64} {
  func.func @_scatter_body(%arg0: i32, %arg1: i32, %arg2: memref<10240x128xf32, #tpu.memory_space<hbm>>, %arg3: memref<2x2560x128xi32, #tpu.memory_space<hbm>>, %arg4: memref<128x128xf32, #tpu.memory_space<hbm>>, %arg5: memref<2x10240x128xf32, #tpu.memory_space<hbm>>, %arg6: memref<40x128xi32, #tpu.memory_space<vmem>>, %arg7: memref<40x128xi32, #tpu.memory_space<vmem>>, %arg8: memref<128x128xf32, #tpu.memory_space<vmem>>, %arg9: memref<128x128xf32, #tpu.memory_space<vmem>>, %arg10: memref<10240x128xf32, #tpu.memory_space<vmem_shared>>, %arg11: memref<!tpu.dma_semaphore, #tpu.memory_space<semaphore_mem>>, %arg12: memref<!tpu.dma_semaphore, #tpu.memory_space<semaphore_mem>>) attributes {dimension_semantics = [#tpu.dimension_semantics<core_parallel>, #tpu.dimension_semantics<subcore_parallel>], iteration_bounds = array<i64: 2, 16>, scalar_prefetch = 0 : i64, scratch_operands = 7 : i64, tpu.core_type = #tpu.core_type<sc_vector_subcore>, window_params = [{transform_indices = #map}, {transform_indices = #map1}, {transform_indices = #map}, {transform_indices = #map1}]} {
    "tpu.trace_start"() <{level = 10 : i32, message = "zero_phase"}> : () -> ()
    "tpu.region"() ({
      %run_scoped3A = tpu.sem_alloc : memref<!tpu.dma_semaphore, #tpu.memory_space<semaphore_mem>>
      tpu.enqueue_dma source(%arg4 : memref<128x128xf32, #tpu.memory_space<hbm>>) target(%arg8 : memref<128x128xf32, #tpu.memory_space<vmem>>) target_semaphore(%run_scoped3A : memref<!tpu.dma_semaphore, #tpu.memory_space<semaphore_mem>>)
      tpu.wait_dma2 semaphore(%run_scoped3A : memref<!tpu.dma_semaphore, #tpu.memory_space<semaphore_mem>>) src(%arg4 : memref<128x128xf32, #tpu.memory_space<hbm>>) dst(%arg8 : memref<128x128xf32, #tpu.memory_space<vmem>>)
      tpu.yield
    }) : () -> ()
    %mul3A = arith.constant 640 : i32
    %mul3A_0 = arith.muli %arg1, %mul3A : i32
    %add3A = arith.constant 0 : i32
    %add3A_1 = arith.addi %mul3A_0, %add3A : i32
    %dma_start3A = arith.constant 0 : i32
    %dma_start3A_2 = tpu.memref_slice %arg10[%add3A_1, %dma_start3A] : memref<10240x128xf32, #tpu.memory_space<vmem_shared>> -> memref<128x128xf32, #tpu.memory_space<vmem_shared>>
    %dma_start3A_3 = arith.constant 0 : i32
    %dma_start3A_4 = tpu.memref_slice %arg10[%add3A_1, %dma_start3A_3] : memref<10240x128xf32, #tpu.memory_space<vmem_shared>> -> memref<128x128xf32, #tpu.memory_space<vmem_shared>>
    tpu.enqueue_dma source(%arg8 : memref<128x128xf32, #tpu.memory_space<vmem>>) target(%dma_start3A_4 : memref<128x128xf32, #tpu.memory_space<vmem_shared>>) target_semaphore(%arg11 : memref<!tpu.dma_semaphore, #tpu.memory_space<semaphore_mem>>)
    %mul3A_5 = arith.constant 640 : i32
    %mul3A_6 = arith.muli %arg1, %mul3A_5 : i32
    %add3A_7 = arith.constant 128 : i32
    %add3A_8 = arith.addi %mul3A_6, %add3A_7 : i32
    %dma_start3A_9 = arith.constant 0 : i32
    %dma_start3A_10 = tpu.memref_slice %arg10[%add3A_8, %dma_start3A_9] : memref<10240x128xf32, #tpu.memory_space<vmem_shared>> -> memref<128x128xf32, #tpu.memory_space<vmem_shared>>
    %dma_start3A_11 = arith.constant 0 : i32
    %dma_start3A_12 = tpu.memref_slice %arg10[%add3A_8, %dma_start3A_11] : memref<10240x128xf32, #tpu.memory_space<vmem_shared>> -> memref<128x128xf32, #tpu.memory_space<vmem_shared>>
    tpu.enqueue_dma source(%arg8 : memref<128x128xf32, #tpu.memory_space<vmem>>) target(%dma_start3A_12 : memref<128x128xf32, #tpu.memory_space<vmem_shared>>) target_semaphore(%arg11 : memref<!tpu.dma_semaphore, #tpu.memory_space<semaphore_mem>>)
    %mul3A_13 = arith.constant 640 : i32
    %mul3A_14 = arith.muli %arg1, %mul3A_13 : i32
    %add3A_15 = arith.constant 256 : i32
    %add3A_16 = arith.addi %mul3A_14, %add3A_15 : i32
    %dma_start3A_17 = arith.constant 0 : i32
    %dma_start3A_18 = tpu.memref_slice %arg10[%add3A_16, %dma_start3A_17] : memref<10240x128xf32, #tpu.memory_space<vmem_shared>> -> memref<128x128xf32, #tpu.memory_space<vmem_shared>>
    %dma_start3A_19 = arith.constant 0 : i32
    %dma_start3A_20 = tpu.memref_slice %arg10[%add3A_16, %dma_start3A_19] : memref<10240x128xf32, #tpu.memory_space<vmem_shared>> -> memref<128x128xf32, #tpu.memory_space<vmem_shared>>
    tpu.enqueue_dma source(%arg8 : memref<128x128xf32, #tpu.memory_space<vmem>>) target(%dma_start3A_20 : memref<128x128xf32, #tpu.memory_space<vmem_shared>>) target_semaphore(%arg11 : memref<!tpu.dma_semaphore, #tpu.memory_space<semaphore_mem>>)
    %mul3A_21 = arith.constant 640 : i32
    %mul3A_22 = arith.muli %arg1, %mul3A_21 : i32
    %add3A_23 = arith.constant 384 : i32
    %add3A_24 = arith.addi %mul3A_22, %add3A_23 : i32
    %dma_start3A_25 = arith.constant 0 : i32
    %dma_start3A_26 = tpu.memref_slice %arg10[%add3A_24, %dma_start3A_25] : memref<10240x128xf32, #tpu.memory_space<vmem_shared>> -> memref<128x128xf32, #tpu.memory_space<vmem_shared>>
    %dma_start3A_27 = arith.constant 0 : i32
    %dma_start3A_28 = tpu.memref_slice %arg10[%add3A_24, %dma_start3A_27] : memref<10240x128xf32, #tpu.memory_space<vmem_shared>> -> memref<128x128xf32, #tpu.memory_space<vmem_shared>>
    tpu.enqueue_dma source(%arg8 : memref<128x128xf32, #tpu.memory_space<vmem>>) target(%dma_start3A_28 : memref<128x128xf32, #tpu.memory_space<vmem_shared>>) target_semaphore(%arg11 : memref<!tpu.dma_semaphore, #tpu.memory_space<semaphore_mem>>)
    %mul3A_29 = arith.constant 640 : i32
    %mul3A_30 = arith.muli %arg1, %mul3A_29 : i32
    %add3A_31 = arith.constant 512 : i32
    %add3A_32 = arith.addi %mul3A_30, %add3A_31 : i32
    %dma_start3A_33 = arith.constant 0 : i32
    %dma_start3A_34 = tpu.memref_slice %arg10[%add3A_32, %dma_start3A_33] : memref<10240x128xf32, #tpu.memory_space<vmem_shared>> -> memref<128x128xf32, #tpu.memory_space<vmem_shared>>
    %dma_start3A_35 = arith.constant 0 : i32
    %dma_start3A_36 = tpu.memref_slice %arg10[%add3A_32, %dma_start3A_35] : memref<10240x128xf32, #tpu.memory_space<vmem_shared>> -> memref<128x128xf32, #tpu.memory_space<vmem_shared>>
    tpu.enqueue_dma source(%arg8 : memref<128x128xf32, #tpu.memory_space<vmem>>) target(%dma_start3A_36 : memref<128x128xf32, #tpu.memory_space<vmem_shared>>) target_semaphore(%arg11 : memref<!tpu.dma_semaphore, #tpu.memory_space<semaphore_mem>>)
    %mul3A_37 = arith.constant 640 : i32
    %mul3A_38 = arith.muli %arg1, %mul3A_37 : i32
    %add3A_39 = arith.constant 0 : i32
    %add3A_40 = arith.addi %mul3A_38, %add3A_39 : i32
    %dma_wait3A = arith.constant 0 : i32
    %dma_wait3A_41 = tpu.memref_slice %arg10[%add3A_40, %dma_wait3A] : memref<10240x128xf32, #tpu.memory_space<vmem_shared>> -> memref<128x128xf32, #tpu.memory_space<vmem_shared>>
    %dma_wait3A_42 = arith.constant 0 : i32
    %dma_wait3A_43 = tpu.memref_slice %arg10[%add3A_40, %dma_wait3A_42] : memref<10240x128xf32, #tpu.memory_space<vmem_shared>> -> memref<128x128xf32, #tpu.memory_space<vmem_shared>>
    tpu.wait_dma2 semaphore(%arg11 : memref<!tpu.dma_semaphore, #tpu.memory_space<semaphore_mem>>) src(%arg8 : memref<128x128xf32, #tpu.memory_space<vmem>>) dst(%dma_wait3A_43 : memref<128x128xf32, #tpu.memory_space<vmem_shared>>)
    %mul3A_44 = arith.constant 640 : i32
    %mul3A_45 = arith.muli %arg1, %mul3A_44 : i32
    %add3A_46 = arith.constant 128 : i32
    %add3A_47 = arith.addi %mul3A_45, %add3A_46 : i32
    %dma_wait3A_48 = arith.constant 0 : i32
    %dma_wait3A_49 = tpu.memref_slice %arg10[%add3A_47, %dma_wait3A_48] : memref<10240x128xf32, #tpu.memory_space<vmem_shared>> -> memref<128x128xf32, #tpu.memory_space<vmem_shared>>
    %dma_wait3A_50 = arith.constant 0 : i32
    %dma_wait3A_51 = tpu.memref_slice %arg10[%add3A_47, %dma_wait3A_50] : memref<10240x128xf32, #tpu.memory_space<vmem_shared>> -> memref<128x128xf32, #tpu.memory_space<vmem_shared>>
    tpu.wait_dma2 semaphore(%arg11 : memref<!tpu.dma_semaphore, #tpu.memory_space<semaphore_mem>>) src(%arg8 : memref<128x128xf32, #tpu.memory_space<vmem>>) dst(%dma_wait3A_51 : memref<128x128xf32, #tpu.memory_space<vmem_shared>>)
    %mul3A_52 = arith.constant 640 : i32
    %mul3A_53 = arith.muli %arg1, %mul3A_52 : i32
    %add3A_54 = arith.constant 256 : i32
    %add3A_55 = arith.addi %mul3A_53, %add3A_54 : i32
    %dma_wait3A_56 = arith.constant 0 : i32
    %dma_wait3A_57 = tpu.memref_slice %arg10[%add3A_55, %dma_wait3A_56] : memref<10240x128xf32, #tpu.memory_space<vmem_shared>> -> memref<128x128xf32, #tpu.memory_space<vmem_shared>>
    %dma_wait3A_58 = arith.constant 0 : i32
    %dma_wait3A_59 = tpu.memref_slice %arg10[%add3A_55, %dma_wait3A_58] : memref<10240x128xf32, #tpu.memory_space<vmem_shared>> -> memref<128x128xf32, #tpu.memory_space<vmem_shared>>
    tpu.wait_dma2 semaphore(%arg11 : memref<!tpu.dma_semaphore, #tpu.memory_space<semaphore_mem>>) src(%arg8 : memref<128x128xf32, #tpu.memory_space<vmem>>) dst(%dma_wait3A_59 : memref<128x128xf32, #tpu.memory_space<vmem_shared>>)
    %mul3A_60 = arith.constant 640 : i32
    %mul3A_61 = arith.muli %arg1, %mul3A_60 : i32
    %add3A_62 = arith.constant 384 : i32
    %add3A_63 = arith.addi %mul3A_61, %add3A_62 : i32
    %dma_wait3A_64 = arith.constant 0 : i32
    %dma_wait3A_65 = tpu.memref_slice %arg10[%add3A_63, %dma_wait3A_64] : memref<10240x128xf32, #tpu.memory_space<vmem_shared>> -> memref<128x128xf32, #tpu.memory_space<vmem_shared>>
    %dma_wait3A_66 = arith.constant 0 : i32
    %dma_wait3A_67 = tpu.memref_slice %arg10[%add3A_63, %dma_wait3A_66] : memref<10240x128xf32, #tpu.memory_space<vmem_shared>> -> memref<128x128xf32, #tpu.memory_space<vmem_shared>>
    tpu.wait_dma2 semaphore(%arg11 : memref<!tpu.dma_semaphore, #tpu.memory_space<semaphore_mem>>) src(%arg8 : memref<128x128xf32, #tpu.memory_space<vmem>>) dst(%dma_wait3A_67 : memref<128x128xf32, #tpu.memory_space<vmem_shared>>)
    %mul3A_68 = arith.constant 640 : i32
    %mul3A_69 = arith.muli %arg1, %mul3A_68 : i32
    %add3A_70 = arith.constant 512 : i32
    %add3A_71 = arith.addi %mul3A_69, %add3A_70 : i32
    %dma_wait3A_72 = arith.constant 0 : i32
    %dma_wait3A_73 = tpu.memref_slice %arg10[%add3A_71, %dma_wait3A_72] : memref<10240x128xf32, #tpu.memory_space<vmem_shared>> -> memref<128x128xf32, #tpu.memory_space<vmem_shared>>
    %dma_wait3A_74 = arith.constant 0 : i32
    %dma_wait3A_75 = tpu.memref_slice %arg10[%add3A_71, %dma_wait3A_74] : memref<10240x128xf32, #tpu.memory_space<vmem_shared>> -> memref<128x128xf32, #tpu.memory_space<vmem_shared>>
    tpu.wait_dma2 semaphore(%arg11 : memref<!tpu.dma_semaphore, #tpu.memory_space<semaphore_mem>>) src(%arg8 : memref<128x128xf32, #tpu.memory_space<vmem>>) dst(%dma_wait3A_75 : memref<128x128xf32, #tpu.memory_space<vmem_shared>>)
    %barrier3A = arith.constant 0 : index
    tpu.barrier barrier_id(%barrier3A)
    %eq3A = arith.constant 0 : i32
    "tpu.trace_stop"() : () -> ()
    %eq3A_76 = arith.cmpi eq, %arg0, %eq3A : i32
    %jit3A = arith.constant 2 : i32
    %jit3A_77 = arith.constant 2 : i32
    %select_n3A = arith.select %eq3A_76, %jit3A, %jit3A_77 : i32
    %while3A = arith.constant 0 : i32
    %while3A_78 = arith.constant 0 : i32
    "tpu.trace_start"() <{level = 10 : i32, message = "edge_phase"}> : () -> ()
    %while3A_79 = arith.subi %select_n3A, %while3A_78 : i32
    %while3A_80 = arith.addi %while3A_78, %while3A_79 : i32
    %while3A_81 = arith.constant 1 : i32
    %while3A_82 = arith.divsi %while3A_79, %while3A_81 : i32
    %while3A_83 = arith.muli %while3A_82, %while3A_81 : i32
    %while3A_84 = arith.addi %while3A_78, %while3A_83 : i32
    %while3A_85 = arith.constant 1 : i32
    scf.for %while3A_189 = %while3A_78 to %while3A_84 step %while3A_85  : i32 {
      %eq3A_190 = arith.constant 0 : i32
      %eq3A_191 = arith.cmpi eq, %arg0, %eq3A_190 : i32
      %mul3A_192 = arith.constant 2 : i32
      %mul3A_193 = arith.muli %mul3A_192, %arg1 : i32
      %add3A_194 = arith.addi %mul3A_193, %while3A_189 : i32
      %mul3A_195 = arith.constant 2 : i32
      %mul3A_196 = arith.muli %mul3A_195, %arg1 : i32
      %add3A_197 = arith.constant 32 : i32
      %add3A_198 = arith.addi %add3A_197, %mul3A_196 : i32
      %add3A_199 = arith.addi %add3A_198, %while3A_189 : i32
      %select_n3A_200 = arith.select %eq3A_191, %add3A_194, %add3A_199 : i32
      %mul3A_201 = arith.constant 40 : i32
      %mul3A_202 = arith.muli %select_n3A_200, %mul3A_201 : i32
      %run_scoped3A = arith.constant 0 : i32
      "tpu.region"() ({
        %run_scoped3A_216 = tpu.sem_alloc : memref<!tpu.dma_semaphore, #tpu.memory_space<semaphore_mem>>
        %dma_start3A_217 = arith.constant 0 : i32
        %dma_start3A_218 = tpu.memref_slice %arg3[%run_scoped3A, %mul3A_202, %dma_start3A_217] : memref<2x2560x128xi32, #tpu.memory_space<hbm>> -> memref<1x40x128xi32, #tpu.memory_space<hbm>>
        %dma_start3A_219 = tpu.memref_squeeze %dma_start3A_218 : memref<1x40x128xi32, #tpu.memory_space<hbm>> -> memref<40x128xi32, #tpu.memory_space<hbm>>
        %dma_start3A_220 = arith.constant 0 : i32
        %dma_start3A_221 = tpu.memref_slice %arg3[%run_scoped3A, %mul3A_202, %dma_start3A_220] : memref<2x2560x128xi32, #tpu.memory_space<hbm>> -> memref<1x40x128xi32, #tpu.memory_space<hbm>>
        %dma_start3A_222 = tpu.memref_squeeze %dma_start3A_221 : memref<1x40x128xi32, #tpu.memory_space<hbm>> -> memref<40x128xi32, #tpu.memory_space<hbm>>
        tpu.enqueue_dma source(%dma_start3A_222 : memref<40x128xi32, #tpu.memory_space<hbm>>) target(%arg6 : memref<40x128xi32, #tpu.memory_space<vmem>>) target_semaphore(%run_scoped3A_216 : memref<!tpu.dma_semaphore, #tpu.memory_space<semaphore_mem>>)
        %dma_wait3A_223 = arith.constant 0 : i32
        %dma_wait3A_224 = tpu.memref_slice %arg3[%run_scoped3A, %mul3A_202, %dma_wait3A_223] : memref<2x2560x128xi32, #tpu.memory_space<hbm>> -> memref<1x40x128xi32, #tpu.memory_space<hbm>>
        %dma_wait3A_225 = tpu.memref_squeeze %dma_wait3A_224 : memref<1x40x128xi32, #tpu.memory_space<hbm>> -> memref<40x128xi32, #tpu.memory_space<hbm>>
        %dma_wait3A_226 = arith.constant 0 : i32
        %dma_wait3A_227 = tpu.memref_slice %arg3[%run_scoped3A, %mul3A_202, %dma_wait3A_226] : memref<2x2560x128xi32, #tpu.memory_space<hbm>> -> memref<1x40x128xi32, #tpu.memory_space<hbm>>
        %dma_wait3A_228 = tpu.memref_squeeze %dma_wait3A_227 : memref<1x40x128xi32, #tpu.memory_space<hbm>> -> memref<40x128xi32, #tpu.memory_space<hbm>>
        tpu.wait_dma2 semaphore(%run_scoped3A_216 : memref<!tpu.dma_semaphore, #tpu.memory_space<semaphore_mem>>) src(%dma_wait3A_228 : memref<40x128xi32, #tpu.memory_space<hbm>>) dst(%arg6 : memref<40x128xi32, #tpu.memory_space<vmem>>)
        tpu.yield
      }) : () -> ()
      %run_scoped3A_203 = arith.constant 1 : i32
      "tpu.region"() ({
        %run_scoped3A_216 = tpu.sem_alloc : memref<!tpu.dma_semaphore, #tpu.memory_space<semaphore_mem>>
        %dma_start3A_217 = arith.constant 0 : i32
        %dma_start3A_218 = tpu.memref_slice %arg3[%run_scoped3A_203, %mul3A_202, %dma_start3A_217] : memref<2x2560x128xi32, #tpu.memory_space<hbm>> -> memref<1x40x128xi32, #tpu.memory_space<hbm>>
        %dma_start3A_219 = tpu.memref_squeeze %dma_start3A_218 : memref<1x40x128xi32, #tpu.memory_space<hbm>> -> memref<40x128xi32, #tpu.memory_space<hbm>>
        %dma_start3A_220 = arith.constant 0 : i32
        %dma_start3A_221 = tpu.memref_slice %arg3[%run_scoped3A_203, %mul3A_202, %dma_start3A_220] : memref<2x2560x128xi32, #tpu.memory_space<hbm>> -> memref<1x40x128xi32, #tpu.memory_space<hbm>>
        %dma_start3A_222 = tpu.memref_squeeze %dma_start3A_221 : memref<1x40x128xi32, #tpu.memory_space<hbm>> -> memref<40x128xi32, #tpu.memory_space<hbm>>
        tpu.enqueue_dma source(%dma_start3A_222 : memref<40x128xi32, #tpu.memory_space<hbm>>) target(%arg7 : memref<40x128xi32, #tpu.memory_space<vmem>>) target_semaphore(%run_scoped3A_216 : memref<!tpu.dma_semaphore, #tpu.memory_space<semaphore_mem>>)
        %dma_wait3A_223 = arith.constant 0 : i32
        %dma_wait3A_224 = tpu.memref_slice %arg3[%run_scoped3A_203, %mul3A_202, %dma_wait3A_223] : memref<2x2560x128xi32, #tpu.memory_space<hbm>> -> memref<1x40x128xi32, #tpu.memory_space<hbm>>
        %dma_wait3A_225 = tpu.memref_squeeze %dma_wait3A_224 : memref<1x40x128xi32, #tpu.memory_space<hbm>> -> memref<40x128xi32, #tpu.memory_space<hbm>>
        %dma_wait3A_226 = arith.constant 0 : i32
        %dma_wait3A_227 = tpu.memref_slice %arg3[%run_scoped3A_203, %mul3A_202, %dma_wait3A_226] : memref<2x2560x128xi32, #tpu.memory_space<hbm>> -> memref<1x40x128xi32, #tpu.memory_space<hbm>>
        %dma_wait3A_228 = tpu.memref_squeeze %dma_wait3A_227 : memref<1x40x128xi32, #tpu.memory_space<hbm>> -> memref<40x128xi32, #tpu.memory_space<hbm>>
        tpu.wait_dma2 semaphore(%run_scoped3A_216 : memref<!tpu.dma_semaphore, #tpu.memory_space<semaphore_mem>>) src(%dma_wait3A_228 : memref<40x128xi32, #tpu.memory_space<hbm>>) dst(%arg7 : memref<40x128xi32, #tpu.memory_space<vmem>>)
        tpu.yield
      }) : () -> ()
      %dma_start3A_204 = arith.constant 0 : i32
      %dma_start3A_205 = arith.constant 0 : i32
      %dma_start3A_206 = tpu.memref_slice %arg6[%dma_start3A_204, %dma_start3A_205] : memref<40x128xi32, #tpu.memory_space<vmem>> -> memref<1x128xi32, #tpu.memory_space<vmem>>
      %dma_start3A_207 = tpu.memref_squeeze %dma_start3A_206 : memref<1x128xi32, #tpu.memory_space<vmem>> -> memref<128xi32, #tpu.memory_space<vmem>>
      %dma_start3A_208 = arith.constant 0 : i32
      %dma_start3A_209 = arith.constant 0 : i32
      %dma_start3A_210 = tpu.memref_slice %arg2[%dma_start3A_208, %dma_start3A_209] : memref<10240x128xf32, #tpu.memory_space<hbm>> -> memref<10240x128xf32, #tpu.memory_space<hbm>>
      tpu.enqueue_indirect_dma source(%dma_start3A_210 : memref<10240x128xf32, #tpu.memory_space<hbm>>) target(%arg8 : memref<128x128xf32, #tpu.memory_space<vmem>>) offsets(%dma_start3A_207 : memref<128xi32, #tpu.memory_space<vmem>>) semaphore(%arg11 : memref<!tpu.dma_semaphore, #tpu.memory_space<semaphore_mem>>)
      %scan3A = arith.constant 0 : i32
      %scan3A_211 = arith.constant 0 : i32
      %scan3A_212 = arith.constant 20 : i32
      %scan3A_213 = arith.addi %scan3A_211, %scan3A_212 : i32
      %scan3A_214 = arith.constant 1 : i32
      scf.for %scan3A_216 = %scan3A_211 to %scan3A_213 step %scan3A_214  : i32 {
        %mul3A_217 = arith.constant 2 : i32
        %mul3A_218 = arith.muli %mul3A_217, %scan3A_216 : i32
        %add3A_219 = arith.constant 1 : i32
        %add3A_220 = arith.addi %mul3A_218, %add3A_219 : i32
        %dma_start3A_221 = arith.constant 0 : i32
        %dma_start3A_222 = tpu.memref_slice %arg6[%add3A_220, %dma_start3A_221] : memref<40x128xi32, #tpu.memory_space<vmem>> -> memref<1x128xi32, #tpu.memory_space<vmem>>
        %dma_start3A_223 = tpu.memref_squeeze %dma_start3A_222 : memref<1x128xi32, #tpu.memory_space<vmem>> -> memref<128xi32, #tpu.memory_space<vmem>>
        %dma_start3A_224 = arith.constant 0 : i32
        %dma_start3A_225 = arith.constant 0 : i32
        %dma_start3A_226 = tpu.memref_slice %arg2[%dma_start3A_224, %dma_start3A_225] : memref<10240x128xf32, #tpu.memory_space<hbm>> -> memref<10240x128xf32, #tpu.memory_space<hbm>>
        tpu.enqueue_indirect_dma source(%dma_start3A_226 : memref<10240x128xf32, #tpu.memory_space<hbm>>) target(%arg9 : memref<128x128xf32, #tpu.memory_space<vmem>>) offsets(%dma_start3A_223 : memref<128xi32, #tpu.memory_space<vmem>>) semaphore(%arg12 : memref<!tpu.dma_semaphore, #tpu.memory_space<semaphore_mem>>)
        %dma_wait3A_227 = arith.constant 0 : i32
        %dma_wait3A_228 = tpu.memref_slice %arg6[%mul3A_218, %dma_wait3A_227] : memref<40x128xi32, #tpu.memory_space<vmem>> -> memref<1x128xi32, #tpu.memory_space<vmem>>
        %dma_wait3A_229 = tpu.memref_squeeze %dma_wait3A_228 : memref<1x128xi32, #tpu.memory_space<vmem>> -> memref<128xi32, #tpu.memory_space<vmem>>
        %dma_wait3A_230 = arith.constant 0 : i32
        %dma_wait3A_231 = arith.constant 0 : i32
        %dma_wait3A_232 = tpu.memref_slice %arg2[%dma_wait3A_230, %dma_wait3A_231] : memref<10240x128xf32, #tpu.memory_space<hbm>> -> memref<10240x128xf32, #tpu.memory_space<hbm>>
        tpu.wait_indirect_dma semaphore(%arg11 : memref<!tpu.dma_semaphore, #tpu.memory_space<semaphore_mem>>) src(%dma_wait3A_232 : memref<10240x128xf32, #tpu.memory_space<hbm>>) dst(%arg8 : memref<128x128xf32, #tpu.memory_space<vmem>>)
        "tpu.region"() ({
          %run_scoped3A_245 = tpu.sem_alloc : memref<!tpu.dma_semaphore, #tpu.memory_space<semaphore_mem>>
          %dma_start3A_246 = arith.constant 0 : i32
          %dma_start3A_247 = tpu.memref_slice %arg7[%mul3A_218, %dma_start3A_246] : memref<40x128xi32, #tpu.memory_space<vmem>> -> memref<1x128xi32, #tpu.memory_space<vmem>>
          %dma_start3A_248 = tpu.memref_squeeze %dma_start3A_247 : memref<1x128xi32, #tpu.memory_space<vmem>> -> memref<128xi32, #tpu.memory_space<vmem>>
          %dma_start3A_249 = arith.constant 0 : i32
          %dma_start3A_250 = arith.constant 0 : i32
          %dma_start3A_251 = tpu.memref_slice %arg10[%dma_start3A_249, %dma_start3A_250] : memref<10240x128xf32, #tpu.memory_space<vmem_shared>> -> memref<10240x128xf32, #tpu.memory_space<vmem_shared>>
          tpu.enqueue_indirect_dma source(%arg8 : memref<128x128xf32, #tpu.memory_space<vmem>>) target(%dma_start3A_251 : memref<10240x128xf32, #tpu.memory_space<vmem_shared>>) offsets(%dma_start3A_248 : memref<128xi32, #tpu.memory_space<vmem>>) semaphore(%run_scoped3A_245 : memref<!tpu.dma_semaphore, #tpu.memory_space<semaphore_mem>>) {add = true}
          %dma_wait3A_252 = arith.constant 0 : i32
          %dma_wait3A_253 = tpu.memref_slice %arg7[%mul3A_218, %dma_wait3A_252] : memref<40x128xi32, #tpu.memory_space<vmem>> -> memref<1x128xi32, #tpu.memory_space<vmem>>
          %dma_wait3A_254 = tpu.memref_squeeze %dma_wait3A_253 : memref<1x128xi32, #tpu.memory_space<vmem>> -> memref<128xi32, #tpu.memory_space<vmem>>
          %dma_wait3A_255 = arith.constant 0 : i32
          %dma_wait3A_256 = arith.constant 0 : i32
          %dma_wait3A_257 = tpu.memref_slice %arg10[%dma_wait3A_255, %dma_wait3A_256] : memref<10240x128xf32, #tpu.memory_space<vmem_shared>> -> memref<10240x128xf32, #tpu.memory_space<vmem_shared>>
          tpu.wait_indirect_dma semaphore(%run_scoped3A_245 : memref<!tpu.dma_semaphore, #tpu.memory_space<semaphore_mem>>) src(%arg8 : memref<128x128xf32, #tpu.memory_space<vmem>>) dst(%dma_wait3A_257 : memref<10240x128xf32, #tpu.memory_space<vmem_shared>>)
          tpu.yield
        }) : () -> ()
        %lt3A = arith.constant 19 : i32
        %lt3A_233 = arith.cmpi slt, %scan3A_216, %lt3A : i32
        %convert_element_type3A = arith.extui %lt3A_233 : i1 to i32
        %cond3A = arith.constant 0 : i32
        %cond3A_234 = arith.cmpi ne, %convert_element_type3A, %cond3A : i32
        scf.if %cond3A_234 {
          %add3A_245 = arith.constant 2 : i32
          %add3A_246 = arith.addi %mul3A_218, %add3A_245 : i32
          %dma_start3A_247 = arith.constant 0 : i32
          %dma_start3A_248 = tpu.memref_slice %arg6[%add3A_246, %dma_start3A_247] : memref<40x128xi32, #tpu.memory_space<vmem>> -> memref<1x128xi32, #tpu.memory_space<vmem>>
          %dma_start3A_249 = tpu.memref_squeeze %dma_start3A_248 : memref<1x128xi32, #tpu.memory_space<vmem>> -> memref<128xi32, #tpu.memory_space<vmem>>
          %dma_start3A_250 = arith.constant 0 : i32
          %dma_start3A_251 = arith.constant 0 : i32
          %dma_start3A_252 = tpu.memref_slice %arg2[%dma_start3A_250, %dma_start3A_251] : memref<10240x128xf32, #tpu.memory_space<hbm>> -> memref<10240x128xf32, #tpu.memory_space<hbm>>
          tpu.enqueue_indirect_dma source(%dma_start3A_252 : memref<10240x128xf32, #tpu.memory_space<hbm>>) target(%arg8 : memref<128x128xf32, #tpu.memory_space<vmem>>) offsets(%dma_start3A_249 : memref<128xi32, #tpu.memory_space<vmem>>) semaphore(%arg11 : memref<!tpu.dma_semaphore, #tpu.memory_space<semaphore_mem>>)
        } else {
        }
        %add3A_235 = arith.constant 1 : i32
        %add3A_236 = arith.addi %mul3A_218, %add3A_235 : i32
        %dma_wait3A_237 = arith.constant 0 : i32
        %dma_wait3A_238 = tpu.memref_slice %arg6[%add3A_236, %dma_wait3A_237] : memref<40x128xi32, #tpu.memory_space<vmem>> -> memref<1x128xi32, #tpu.memory_space<vmem>>
        %dma_wait3A_239 = tpu.memref_squeeze %dma_wait3A_238 : memref<1x128xi32, #tpu.memory_space<vmem>> -> memref<128xi32, #tpu.memory_space<vmem>>
        %dma_wait3A_240 = arith.constant 0 : i32
        %dma_wait3A_241 = arith.constant 0 : i32
        %dma_wait3A_242 = tpu.memref_slice %arg2[%dma_wait3A_240, %dma_wait3A_241] : memref<10240x128xf32, #tpu.memory_space<hbm>> -> memref<10240x128xf32, #tpu.memory_space<hbm>>
        tpu.wait_indirect_dma semaphore(%arg12 : memref<!tpu.dma_semaphore, #tpu.memory_space<semaphore_mem>>) src(%dma_wait3A_242 : memref<10240x128xf32, #tpu.memory_space<hbm>>) dst(%arg9 : memref<128x128xf32, #tpu.memory_space<vmem>>)
        %add3A_243 = arith.constant 1 : i32
        %add3A_244 = arith.addi %mul3A_218, %add3A_243 : i32
        "tpu.region"() ({
          %run_scoped3A_245 = tpu.sem_alloc : memref<!tpu.dma_semaphore, #tpu.memory_space<semaphore_mem>>
          %dma_start3A_246 = arith.constant 0 : i32
          %dma_start3A_247 = tpu.memref_slice %arg7[%add3A_244, %dma_start3A_246] : memref<40x128xi32, #tpu.memory_space<vmem>> -> memref<1x128xi32, #tpu.memory_space<vmem>>
          %dma_start3A_248 = tpu.memref_squeeze %dma_start3A_247 : memref<1x128xi32, #tpu.memory_space<vmem>> -> memref<128xi32, #tpu.memory_space<vmem>>
          %dma_start3A_249 = arith.constant 0 : i32
          %dma_start3A_250 = arith.constant 0 : i32
          %dma_start3A_251 = tpu.memref_slice %arg10[%dma_start3A_249, %dma_start3A_250] : memref<10240x128xf32, #tpu.memory_space<vmem_shared>> -> memref<10240x128xf32, #tpu.memory_space<vmem_shared>>
          tpu.enqueue_indirect_dma source(%arg9 : memref<128x128xf32, #tpu.memory_space<vmem>>) target(%dma_start3A_251 : memref<10240x128xf32, #tpu.memory_space<vmem_shared>>) offsets(%dma_start3A_248 : memref<128xi32, #tpu.memory_space<vmem>>) semaphore(%run_scoped3A_245 : memref<!tpu.dma_semaphore, #tpu.memory_space<semaphore_mem>>) {add = true}
          %dma_wait3A_252 = arith.constant 0 : i32
          %dma_wait3A_253 = tpu.memref_slice %arg7[%add3A_244, %dma_wait3A_252] : memref<40x128xi32, #tpu.memory_space<vmem>> -> memref<1x128xi32, #tpu.memory_space<vmem>>
          %dma_wait3A_254 = tpu.memref_squeeze %dma_wait3A_253 : memref<1x128xi32, #tpu.memory_space<vmem>> -> memref<128xi32, #tpu.memory_space<vmem>>
          %dma_wait3A_255 = arith.constant 0 : i32
          %dma_wait3A_256 = arith.constant 0 : i32
          %dma_wait3A_257 = tpu.memref_slice %arg10[%dma_wait3A_255, %dma_wait3A_256] : memref<10240x128xf32, #tpu.memory_space<vmem_shared>> -> memref<10240x128xf32, #tpu.memory_space<vmem_shared>>
          tpu.wait_indirect_dma semaphore(%run_scoped3A_245 : memref<!tpu.dma_semaphore, #tpu.memory_space<semaphore_mem>>) src(%arg9 : memref<128x128xf32, #tpu.memory_space<vmem>>) dst(%dma_wait3A_257 : memref<10240x128xf32, #tpu.memory_space<vmem_shared>>)
          tpu.yield
        }) : () -> ()
      }
      %scan3A_215 = arith.constant 20 : i32
    }
    %while3A_86 = arith.constant 1 : i32
    scf.for %while3A_189 = %while3A_84 to %while3A_80 step %while3A_86  : i32 {
      %eq3A_190 = arith.constant 0 : i32
      %eq3A_191 = arith.cmpi eq, %arg0, %eq3A_190 : i32
      %mul3A_192 = arith.constant 2 : i32
      %mul3A_193 = arith.muli %mul3A_192, %arg1 : i32
      %add3A_194 = arith.addi %mul3A_193, %while3A_189 : i32
      %mul3A_195 = arith.constant 2 : i32
      %mul3A_196 = arith.muli %mul3A_195, %arg1 : i32
      %add3A_197 = arith.constant 32 : i32
      %add3A_198 = arith.addi %add3A_197, %mul3A_196 : i32
      %add3A_199 = arith.addi %add3A_198, %while3A_189 : i32
      %select_n3A_200 = arith.select %eq3A_191, %add3A_194, %add3A_199 : i32
      %mul3A_201 = arith.constant 40 : i32
      %mul3A_202 = arith.muli %select_n3A_200, %mul3A_201 : i32
      %run_scoped3A = arith.constant 0 : i32
      "tpu.region"() ({
        %run_scoped3A_216 = tpu.sem_alloc : memref<!tpu.dma_semaphore, #tpu.memory_space<semaphore_mem>>
        %dma_start3A_217 = arith.constant 0 : i32
        %dma_start3A_218 = tpu.memref_slice %arg3[%run_scoped3A, %mul3A_202, %dma_start3A_217] : memref<2x2560x128xi32, #tpu.memory_space<hbm>> -> memref<1x40x128xi32, #tpu.memory_space<hbm>>
        %dma_start3A_219 = tpu.memref_squeeze %dma_start3A_218 : memref<1x40x128xi32, #tpu.memory_space<hbm>> -> memref<40x128xi32, #tpu.memory_space<hbm>>
        %dma_start3A_220 = arith.constant 0 : i32
        %dma_start3A_221 = tpu.memref_slice %arg3[%run_scoped3A, %mul3A_202, %dma_start3A_220] : memref<2x2560x128xi32, #tpu.memory_space<hbm>> -> memref<1x40x128xi32, #tpu.memory_space<hbm>>
        %dma_start3A_222 = tpu.memref_squeeze %dma_start3A_221 : memref<1x40x128xi32, #tpu.memory_space<hbm>> -> memref<40x128xi32, #tpu.memory_space<hbm>>
        tpu.enqueue_dma source(%dma_start3A_222 : memref<40x128xi32, #tpu.memory_space<hbm>>) target(%arg6 : memref<40x128xi32, #tpu.memory_space<vmem>>) target_semaphore(%run_scoped3A_216 : memref<!tpu.dma_semaphore, #tpu.memory_space<semaphore_mem>>)
        %dma_wait3A_223 = arith.constant 0 : i32
        %dma_wait3A_224 = tpu.memref_slice %arg3[%run_scoped3A, %mul3A_202, %dma_wait3A_223] : memref<2x2560x128xi32, #tpu.memory_space<hbm>> -> memref<1x40x128xi32, #tpu.memory_space<hbm>>
        %dma_wait3A_225 = tpu.memref_squeeze %dma_wait3A_224 : memref<1x40x128xi32, #tpu.memory_space<hbm>> -> memref<40x128xi32, #tpu.memory_space<hbm>>
        %dma_wait3A_226 = arith.constant 0 : i32
        %dma_wait3A_227 = tpu.memref_slice %arg3[%run_scoped3A, %mul3A_202, %dma_wait3A_226] : memref<2x2560x128xi32, #tpu.memory_space<hbm>> -> memref<1x40x128xi32, #tpu.memory_space<hbm>>
        %dma_wait3A_228 = tpu.memref_squeeze %dma_wait3A_227 : memref<1x40x128xi32, #tpu.memory_space<hbm>> -> memref<40x128xi32, #tpu.memory_space<hbm>>
        tpu.wait_dma2 semaphore(%run_scoped3A_216 : memref<!tpu.dma_semaphore, #tpu.memory_space<semaphore_mem>>) src(%dma_wait3A_228 : memref<40x128xi32, #tpu.memory_space<hbm>>) dst(%arg6 : memref<40x128xi32, #tpu.memory_space<vmem>>)
        tpu.yield
      }) : () -> ()
      %run_scoped3A_203 = arith.constant 1 : i32
      "tpu.region"() ({
        %run_scoped3A_216 = tpu.sem_alloc : memref<!tpu.dma_semaphore, #tpu.memory_space<semaphore_mem>>
        %dma_start3A_217 = arith.constant 0 : i32
        %dma_start3A_218 = tpu.memref_slice %arg3[%run_scoped3A_203, %mul3A_202, %dma_start3A_217] : memref<2x2560x128xi32, #tpu.memory_space<hbm>> -> memref<1x40x128xi32, #tpu.memory_space<hbm>>
        %dma_start3A_219 = tpu.memref_squeeze %dma_start3A_218 : memref<1x40x128xi32, #tpu.memory_space<hbm>> -> memref<40x128xi32, #tpu.memory_space<hbm>>
        %dma_start3A_220 = arith.constant 0 : i32
        %dma_start3A_221 = tpu.memref_slice %arg3[%run_scoped3A_203, %mul3A_202, %dma_start3A_220] : memref<2x2560x128xi32, #tpu.memory_space<hbm>> -> memref<1x40x128xi32, #tpu.memory_space<hbm>>
        %dma_start3A_222 = tpu.memref_squeeze %dma_start3A_221 : memref<1x40x128xi32, #tpu.memory_space<hbm>> -> memref<40x128xi32, #tpu.memory_space<hbm>>
        tpu.enqueue_dma source(%dma_start3A_222 : memref<40x128xi32, #tpu.memory_space<hbm>>) target(%arg7 : memref<40x128xi32, #tpu.memory_space<vmem>>) target_semaphore(%run_scoped3A_216 : memref<!tpu.dma_semaphore, #tpu.memory_space<semaphore_mem>>)
        %dma_wait3A_223 = arith.constant 0 : i32
        %dma_wait3A_224 = tpu.memref_slice %arg3[%run_scoped3A_203, %mul3A_202, %dma_wait3A_223] : memref<2x2560x128xi32, #tpu.memory_space<hbm>> -> memref<1x40x128xi32, #tpu.memory_space<hbm>>
        %dma_wait3A_225 = tpu.memref_squeeze %dma_wait3A_224 : memref<1x40x128xi32, #tpu.memory_space<hbm>> -> memref<40x128xi32, #tpu.memory_space<hbm>>
        %dma_wait3A_226 = arith.constant 0 : i32
        %dma_wait3A_227 = tpu.memref_slice %arg3[%run_scoped3A_203, %mul3A_202, %dma_wait3A_226] : memref<2x2560x128xi32, #tpu.memory_space<hbm>> -> memref<1x40x128xi32, #tpu.memory_space<hbm>>
        %dma_wait3A_228 = tpu.memref_squeeze %dma_wait3A_227 : memref<1x40x128xi32, #tpu.memory_space<hbm>> -> memref<40x128xi32, #tpu.memory_space<hbm>>
        tpu.wait_dma2 semaphore(%run_scoped3A_216 : memref<!tpu.dma_semaphore, #tpu.memory_space<semaphore_mem>>) src(%dma_wait3A_228 : memref<40x128xi32, #tpu.memory_space<hbm>>) dst(%arg7 : memref<40x128xi32, #tpu.memory_space<vmem>>)
        tpu.yield
      }) : () -> ()
      %dma_start3A_204 = arith.constant 0 : i32
      %dma_start3A_205 = arith.constant 0 : i32
      %dma_start3A_206 = tpu.memref_slice %arg6[%dma_start3A_204, %dma_start3A_205] : memref<40x128xi32, #tpu.memory_space<vmem>> -> memref<1x128xi32, #tpu.memory_space<vmem>>
      %dma_start3A_207 = tpu.memref_squeeze %dma_start3A_206 : memref<1x128xi32, #tpu.memory_space<vmem>> -> memref<128xi32, #tpu.memory_space<vmem>>
      %dma_start3A_208 = arith.constant 0 : i32
      %dma_start3A_209 = arith.constant 0 : i32
      %dma_start3A_210 = tpu.memref_slice %arg2[%dma_start3A_208, %dma_start3A_209] : memref<10240x128xf32, #tpu.memory_space<hbm>> -> memref<10240x128xf32, #tpu.memory_space<hbm>>
      tpu.enqueue_indirect_dma source(%dma_start3A_210 : memref<10240x128xf32, #tpu.memory_space<hbm>>) target(%arg8 : memref<128x128xf32, #tpu.memory_space<vmem>>) offsets(%dma_start3A_207 : memref<128xi32, #tpu.memory_space<vmem>>) semaphore(%arg11 : memref<!tpu.dma_semaphore, #tpu.memory_space<semaphore_mem>>)
      %scan3A = arith.constant 0 : i32
      %scan3A_211 = arith.constant 0 : i32
      %scan3A_212 = arith.constant 20 : i32
      %scan3A_213 = arith.addi %scan3A_211, %scan3A_212 : i32
      %scan3A_214 = arith.constant 1 : i32
      scf.for %scan3A_216 = %scan3A_211 to %scan3A_213 step %scan3A_214  : i32 {
        %mul3A_217 = arith.constant 2 : i32
        %mul3A_218 = arith.muli %mul3A_217, %scan3A_216 : i32
        %add3A_219 = arith.constant 1 : i32
        %add3A_220 = arith.addi %mul3A_218, %add3A_219 : i32
        %dma_start3A_221 = arith.constant 0 : i32
        %dma_start3A_222 = tpu.memref_slice %arg6[%add3A_220, %dma_start3A_221] : memref<40x128xi32, #tpu.memory_space<vmem>> -> memref<1x128xi32, #tpu.memory_space<vmem>>
        %dma_start3A_223 = tpu.memref_squeeze %dma_start3A_222 : memref<1x128xi32, #tpu.memory_space<vmem>> -> memref<128xi32, #tpu.memory_space<vmem>>
        %dma_start3A_224 = arith.constant 0 : i32
        %dma_start3A_225 = arith.constant 0 : i32
        %dma_start3A_226 = tpu.memref_slice %arg2[%dma_start3A_224, %dma_start3A_225] : memref<10240x128xf32, #tpu.memory_space<hbm>> -> memref<10240x128xf32, #tpu.memory_space<hbm>>
        tpu.enqueue_indirect_dma source(%dma_start3A_226 : memref<10240x128xf32, #tpu.memory_space<hbm>>) target(%arg9 : memref<128x128xf32, #tpu.memory_space<vmem>>) offsets(%dma_start3A_223 : memref<128xi32, #tpu.memory_space<vmem>>) semaphore(%arg12 : memref<!tpu.dma_semaphore, #tpu.memory_space<semaphore_mem>>)
        %dma_wait3A_227 = arith.constant 0 : i32
        %dma_wait3A_228 = tpu.memref_slice %arg6[%mul3A_218, %dma_wait3A_227] : memref<40x128xi32, #tpu.memory_space<vmem>> -> memref<1x128xi32, #tpu.memory_space<vmem>>
        %dma_wait3A_229 = tpu.memref_squeeze %dma_wait3A_228 : memref<1x128xi32, #tpu.memory_space<vmem>> -> memref<128xi32, #tpu.memory_space<vmem>>
        %dma_wait3A_230 = arith.constant 0 : i32
        %dma_wait3A_231 = arith.constant 0 : i32
        %dma_wait3A_232 = tpu.memref_slice %arg2[%dma_wait3A_230, %dma_wait3A_231] : memref<10240x128xf32, #tpu.memory_space<hbm>> -> memref<10240x128xf32, #tpu.memory_space<hbm>>
        tpu.wait_indirect_dma semaphore(%arg11 : memref<!tpu.dma_semaphore, #tpu.memory_space<semaphore_mem>>) src(%dma_wait3A_232 : memref<10240x128xf32, #tpu.memory_space<hbm>>) dst(%arg8 : memref<128x128xf32, #tpu.memory_space<vmem>>)
        "tpu.region"() ({
          %run_scoped3A_245 = tpu.sem_alloc : memref<!tpu.dma_semaphore, #tpu.memory_space<semaphore_mem>>
          %dma_start3A_246 = arith.constant 0 : i32
          %dma_start3A_247 = tpu.memref_slice %arg7[%mul3A_218, %dma_start3A_246] : memref<40x128xi32, #tpu.memory_space<vmem>> -> memref<1x128xi32, #tpu.memory_space<vmem>>
          %dma_start3A_248 = tpu.memref_squeeze %dma_start3A_247 : memref<1x128xi32, #tpu.memory_space<vmem>> -> memref<128xi32, #tpu.memory_space<vmem>>
          %dma_start3A_249 = arith.constant 0 : i32
          %dma_start3A_250 = arith.constant 0 : i32
          %dma_start3A_251 = tpu.memref_slice %arg10[%dma_start3A_249, %dma_start3A_250] : memref<10240x128xf32, #tpu.memory_space<vmem_shared>> -> memref<10240x128xf32, #tpu.memory_space<vmem_shared>>
          tpu.enqueue_indirect_dma source(%arg8 : memref<128x128xf32, #tpu.memory_space<vmem>>) target(%dma_start3A_251 : memref<10240x128xf32, #tpu.memory_space<vmem_shared>>) offsets(%dma_start3A_248 : memref<128xi32, #tpu.memory_space<vmem>>) semaphore(%run_scoped3A_245 : memref<!tpu.dma_semaphore, #tpu.memory_space<semaphore_mem>>) {add = true}
          %dma_wait3A_252 = arith.constant 0 : i32
          %dma_wait3A_253 = tpu.memref_slice %arg7[%mul3A_218, %dma_wait3A_252] : memref<40x128xi32, #tpu.memory_space<vmem>> -> memref<1x128xi32, #tpu.memory_space<vmem>>
          %dma_wait3A_254 = tpu.memref_squeeze %dma_wait3A_253 : memref<1x128xi32, #tpu.memory_space<vmem>> -> memref<128xi32, #tpu.memory_space<vmem>>
          %dma_wait3A_255 = arith.constant 0 : i32
          %dma_wait3A_256 = arith.constant 0 : i32
          %dma_wait3A_257 = tpu.memref_slice %arg10[%dma_wait3A_255, %dma_wait3A_256] : memref<10240x128xf32, #tpu.memory_space<vmem_shared>> -> memref<10240x128xf32, #tpu.memory_space<vmem_shared>>
          tpu.wait_indirect_dma semaphore(%run_scoped3A_245 : memref<!tpu.dma_semaphore, #tpu.memory_space<semaphore_mem>>) src(%arg8 : memref<128x128xf32, #tpu.memory_space<vmem>>) dst(%dma_wait3A_257 : memref<10240x128xf32, #tpu.memory_space<vmem_shared>>)
          tpu.yield
        }) : () -> ()
        %lt3A = arith.constant 19 : i32
        %lt3A_233 = arith.cmpi slt, %scan3A_216, %lt3A : i32
        %convert_element_type3A = arith.extui %lt3A_233 : i1 to i32
        %cond3A = arith.constant 0 : i32
        %cond3A_234 = arith.cmpi ne, %convert_element_type3A, %cond3A : i32
        scf.if %cond3A_234 {
          %add3A_245 = arith.constant 2 : i32
          %add3A_246 = arith.addi %mul3A_218, %add3A_245 : i32
          %dma_start3A_247 = arith.constant 0 : i32
          %dma_start3A_248 = tpu.memref_slice %arg6[%add3A_246, %dma_start3A_247] : memref<40x128xi32, #tpu.memory_space<vmem>> -> memref<1x128xi32, #tpu.memory_space<vmem>>
          %dma_start3A_249 = tpu.memref_squeeze %dma_start3A_248 : memref<1x128xi32, #tpu.memory_space<vmem>> -> memref<128xi32, #tpu.memory_space<vmem>>
          %dma_start3A_250 = arith.constant 0 : i32
          %dma_start3A_251 = arith.constant 0 : i32
          %dma_start3A_252 = tpu.memref_slice %arg2[%dma_start3A_250, %dma_start3A_251] : memref<10240x128xf32, #tpu.memory_space<hbm>> -> memref<10240x128xf32, #tpu.memory_space<hbm>>
          tpu.enqueue_indirect_dma source(%dma_start3A_252 : memref<10240x128xf32, #tpu.memory_space<hbm>>) target(%arg8 : memref<128x128xf32, #tpu.memory_space<vmem>>) offsets(%dma_start3A_249 : memref<128xi32, #tpu.memory_space<vmem>>) semaphore(%arg11 : memref<!tpu.dma_semaphore, #tpu.memory_space<semaphore_mem>>)
        } else {
        }
        %add3A_235 = arith.constant 1 : i32
        %add3A_236 = arith.addi %mul3A_218, %add3A_235 : i32
        %dma_wait3A_237 = arith.constant 0 : i32
        %dma_wait3A_238 = tpu.memref_slice %arg6[%add3A_236, %dma_wait3A_237] : memref<40x128xi32, #tpu.memory_space<vmem>> -> memref<1x128xi32, #tpu.memory_space<vmem>>
        %dma_wait3A_239 = tpu.memref_squeeze %dma_wait3A_238 : memref<1x128xi32, #tpu.memory_space<vmem>> -> memref<128xi32, #tpu.memory_space<vmem>>
        %dma_wait3A_240 = arith.constant 0 : i32
        %dma_wait3A_241 = arith.constant 0 : i32
        %dma_wait3A_242 = tpu.memref_slice %arg2[%dma_wait3A_240, %dma_wait3A_241] : memref<10240x128xf32, #tpu.memory_space<hbm>> -> memref<10240x128xf32, #tpu.memory_space<hbm>>
        tpu.wait_indirect_dma semaphore(%arg12 : memref<!tpu.dma_semaphore, #tpu.memory_space<semaphore_mem>>) src(%dma_wait3A_242 : memref<10240x128xf32, #tpu.memory_space<hbm>>) dst(%arg9 : memref<128x128xf32, #tpu.memory_space<vmem>>)
        %add3A_243 = arith.constant 1 : i32
        %add3A_244 = arith.addi %mul3A_218, %add3A_243 : i32
        "tpu.region"() ({
          %run_scoped3A_245 = tpu.sem_alloc : memref<!tpu.dma_semaphore, #tpu.memory_space<semaphore_mem>>
          %dma_start3A_246 = arith.constant 0 : i32
          %dma_start3A_247 = tpu.memref_slice %arg7[%add3A_244, %dma_start3A_246] : memref<40x128xi32, #tpu.memory_space<vmem>> -> memref<1x128xi32, #tpu.memory_space<vmem>>
          %dma_start3A_248 = tpu.memref_squeeze %dma_start3A_247 : memref<1x128xi32, #tpu.memory_space<vmem>> -> memref<128xi32, #tpu.memory_space<vmem>>
          %dma_start3A_249 = arith.constant 0 : i32
          %dma_start3A_250 = arith.constant 0 : i32
          %dma_start3A_251 = tpu.memref_slice %arg10[%dma_start3A_249, %dma_start3A_250] : memref<10240x128xf32, #tpu.memory_space<vmem_shared>> -> memref<10240x128xf32, #tpu.memory_space<vmem_shared>>
          tpu.enqueue_indirect_dma source(%arg9 : memref<128x128xf32, #tpu.memory_space<vmem>>) target(%dma_start3A_251 : memref<10240x128xf32, #tpu.memory_space<vmem_shared>>) offsets(%dma_start3A_248 : memref<128xi32, #tpu.memory_space<vmem>>) semaphore(%run_scoped3A_245 : memref<!tpu.dma_semaphore, #tpu.memory_space<semaphore_mem>>) {add = true}
          %dma_wait3A_252 = arith.constant 0 : i32
          %dma_wait3A_253 = tpu.memref_slice %arg7[%add3A_244, %dma_wait3A_252] : memref<40x128xi32, #tpu.memory_space<vmem>> -> memref<1x128xi32, #tpu.memory_space<vmem>>
          %dma_wait3A_254 = tpu.memref_squeeze %dma_wait3A_253 : memref<1x128xi32, #tpu.memory_space<vmem>> -> memref<128xi32, #tpu.memory_space<vmem>>
          %dma_wait3A_255 = arith.constant 0 : i32
          %dma_wait3A_256 = arith.constant 0 : i32
          %dma_wait3A_257 = tpu.memref_slice %arg10[%dma_wait3A_255, %dma_wait3A_256] : memref<10240x128xf32, #tpu.memory_space<vmem_shared>> -> memref<10240x128xf32, #tpu.memory_space<vmem_shared>>
          tpu.wait_indirect_dma semaphore(%run_scoped3A_245 : memref<!tpu.dma_semaphore, #tpu.memory_space<semaphore_mem>>) src(%arg9 : memref<128x128xf32, #tpu.memory_space<vmem>>) dst(%dma_wait3A_257 : memref<10240x128xf32, #tpu.memory_space<vmem_shared>>)
          tpu.yield
        }) : () -> ()
      }
      %scan3A_215 = arith.constant 20 : i32
    }
    %barrier3A_87 = arith.constant 0 : index
    tpu.barrier barrier_id(%barrier3A_87)
    "tpu.trace_stop"() : () -> ()
    "tpu.trace_start"() <{level = 10 : i32, message = "export_phase"}> : () -> ()
    %mul3A_88 = arith.constant 640 : i32
    %mul3A_89 = arith.muli %arg1, %mul3A_88 : i32
    "tpu.region"() ({
      %run_scoped3A = tpu.sem_alloc : memref<!tpu.dma_semaphore, #tpu.memory_space<semaphore_mem>>
      %dma_start3A_189 = arith.constant 0 : i32
      %dma_start3A_190 = tpu.memref_slice %arg10[%mul3A_89, %dma_start3A_189] : memref<10240x128xf32, #tpu.memory_space<vmem_shared>> -> memref<128x128xf32, #tpu.memory_space<vmem_shared>>
      %dma_start3A_191 = arith.constant 0 : i32
      %dma_start3A_192 = tpu.memref_slice %arg10[%mul3A_89, %dma_start3A_191] : memref<10240x128xf32, #tpu.memory_space<vmem_shared>> -> memref<128x128xf32, #tpu.memory_space<vmem_shared>>
      tpu.enqueue_dma source(%dma_start3A_192 : memref<128x128xf32, #tpu.memory_space<vmem_shared>>) target(%arg8 : memref<128x128xf32, #tpu.memory_space<vmem>>) target_semaphore(%run_scoped3A : memref<!tpu.dma_semaphore, #tpu.memory_space<semaphore_mem>>)
      %dma_wait3A_193 = arith.constant 0 : i32
      %dma_wait3A_194 = tpu.memref_slice %arg10[%mul3A_89, %dma_wait3A_193] : memref<10240x128xf32, #tpu.memory_space<vmem_shared>> -> memref<128x128xf32, #tpu.memory_space<vmem_shared>>
      %dma_wait3A_195 = arith.constant 0 : i32
      %dma_wait3A_196 = tpu.memref_slice %arg10[%mul3A_89, %dma_wait3A_195] : memref<10240x128xf32, #tpu.memory_space<vmem_shared>> -> memref<128x128xf32, #tpu.memory_space<vmem_shared>>
      tpu.wait_dma2 semaphore(%run_scoped3A : memref<!tpu.dma_semaphore, #tpu.memory_space<semaphore_mem>>) src(%dma_wait3A_196 : memref<128x128xf32, #tpu.memory_space<vmem_shared>>) dst(%arg8 : memref<128x128xf32, #tpu.memory_space<vmem>>)
      tpu.yield
    }) : () -> ()
    %mul3A_90 = arith.constant 640 : i32
    %mul3A_91 = arith.muli %arg1, %mul3A_90 : i32
    %add3A_92 = arith.constant 0 : i32
    %add3A_93 = arith.addi %mul3A_91, %add3A_92 : i32
    %add3A_94 = arith.constant 128 : i32
    %add3A_95 = arith.addi %add3A_93, %add3A_94 : i32
    "tpu.region"() ({
      %run_scoped3A = tpu.sem_alloc : memref<!tpu.dma_semaphore, #tpu.memory_space<semaphore_mem>>
      %dma_start3A_189 = arith.constant 0 : i32
      %dma_start3A_190 = tpu.memref_slice %arg10[%add3A_95, %dma_start3A_189] : memref<10240x128xf32, #tpu.memory_space<vmem_shared>> -> memref<128x128xf32, #tpu.memory_space<vmem_shared>>
      %dma_start3A_191 = arith.constant 0 : i32
      %dma_start3A_192 = tpu.memref_slice %arg10[%add3A_95, %dma_start3A_191] : memref<10240x128xf32, #tpu.memory_space<vmem_shared>> -> memref<128x128xf32, #tpu.memory_space<vmem_shared>>
      tpu.enqueue_dma source(%dma_start3A_192 : memref<128x128xf32, #tpu.memory_space<vmem_shared>>) target(%arg9 : memref<128x128xf32, #tpu.memory_space<vmem>>) target_semaphore(%run_scoped3A : memref<!tpu.dma_semaphore, #tpu.memory_space<semaphore_mem>>)
      %dma_wait3A_193 = arith.constant 0 : i32
      %dma_wait3A_194 = tpu.memref_slice %arg10[%add3A_95, %dma_wait3A_193] : memref<10240x128xf32, #tpu.memory_space<vmem_shared>> -> memref<128x128xf32, #tpu.memory_space<vmem_shared>>
      %dma_wait3A_195 = arith.constant 0 : i32
      %dma_wait3A_196 = tpu.memref_slice %arg10[%add3A_95, %dma_wait3A_195] : memref<10240x128xf32, #tpu.memory_space<vmem_shared>> -> memref<128x128xf32, #tpu.memory_space<vmem_shared>>
      tpu.wait_dma2 semaphore(%run_scoped3A : memref<!tpu.dma_semaphore, #tpu.memory_space<semaphore_mem>>) src(%dma_wait3A_196 : memref<128x128xf32, #tpu.memory_space<vmem_shared>>) dst(%arg9 : memref<128x128xf32, #tpu.memory_space<vmem>>)
      tpu.yield
    }) : () -> ()
    %dma_start3A_96 = arith.constant 0 : i32
    %dma_start3A_97 = tpu.memref_slice %arg5[%arg0, %add3A_93, %dma_start3A_96] : memref<2x10240x128xf32, #tpu.memory_space<hbm>> -> memref<1x128x128xf32, #tpu.memory_space<hbm>>
    %dma_start3A_98 = tpu.memref_squeeze %dma_start3A_97 : memref<1x128x128xf32, #tpu.memory_space<hbm>> -> memref<128x128xf32, #tpu.memory_space<hbm>>
    %dma_start3A_99 = arith.constant 0 : i32
    %dma_start3A_100 = tpu.memref_slice %arg5[%arg0, %add3A_93, %dma_start3A_99] : memref<2x10240x128xf32, #tpu.memory_space<hbm>> -> memref<1x128x128xf32, #tpu.memory_space<hbm>>
    %dma_start3A_101 = tpu.memref_squeeze %dma_start3A_100 : memref<1x128x128xf32, #tpu.memory_space<hbm>> -> memref<128x128xf32, #tpu.memory_space<hbm>>
    tpu.enqueue_dma source(%arg8 : memref<128x128xf32, #tpu.memory_space<vmem>>) target(%dma_start3A_101 : memref<128x128xf32, #tpu.memory_space<hbm>>) target_semaphore(%arg11 : memref<!tpu.dma_semaphore, #tpu.memory_space<semaphore_mem>>)
    %mul3A_102 = arith.constant 640 : i32
    %mul3A_103 = arith.muli %arg1, %mul3A_102 : i32
    %add3A_104 = arith.constant 128 : i32
    %add3A_105 = arith.addi %mul3A_103, %add3A_104 : i32
    %sub3A = arith.constant 128 : i32
    %sub3A_106 = arith.subi %add3A_105, %sub3A : i32
    %dma_wait3A_107 = arith.constant 0 : i32
    %dma_wait3A_108 = tpu.memref_slice %arg5[%arg0, %sub3A_106, %dma_wait3A_107] : memref<2x10240x128xf32, #tpu.memory_space<hbm>> -> memref<1x128x128xf32, #tpu.memory_space<hbm>>
    %dma_wait3A_109 = tpu.memref_squeeze %dma_wait3A_108 : memref<1x128x128xf32, #tpu.memory_space<hbm>> -> memref<128x128xf32, #tpu.memory_space<hbm>>
    %dma_wait3A_110 = arith.constant 0 : i32
    %dma_wait3A_111 = tpu.memref_slice %arg5[%arg0, %sub3A_106, %dma_wait3A_110] : memref<2x10240x128xf32, #tpu.memory_space<hbm>> -> memref<1x128x128xf32, #tpu.memory_space<hbm>>
    %dma_wait3A_112 = tpu.memref_squeeze %dma_wait3A_111 : memref<1x128x128xf32, #tpu.memory_space<hbm>> -> memref<128x128xf32, #tpu.memory_space<hbm>>
    tpu.wait_dma2 semaphore(%arg11 : memref<!tpu.dma_semaphore, #tpu.memory_space<semaphore_mem>>) src(%arg8 : memref<128x128xf32, #tpu.memory_space<vmem>>) dst(%dma_wait3A_112 : memref<128x128xf32, #tpu.memory_space<hbm>>)
    %add3A_113 = arith.constant 128 : i32
    %add3A_114 = arith.addi %add3A_105, %add3A_113 : i32
    "tpu.region"() ({
      %run_scoped3A = tpu.sem_alloc : memref<!tpu.dma_semaphore, #tpu.memory_space<semaphore_mem>>
      %dma_start3A_189 = arith.constant 0 : i32
      %dma_start3A_190 = tpu.memref_slice %arg10[%add3A_114, %dma_start3A_189] : memref<10240x128xf32, #tpu.memory_space<vmem_shared>> -> memref<128x128xf32, #tpu.memory_space<vmem_shared>>
      %dma_start3A_191 = arith.constant 0 : i32
      %dma_start3A_192 = tpu.memref_slice %arg10[%add3A_114, %dma_start3A_191] : memref<10240x128xf32, #tpu.memory_space<vmem_shared>> -> memref<128x128xf32, #tpu.memory_space<vmem_shared>>
      tpu.enqueue_dma source(%dma_start3A_192 : memref<128x128xf32, #tpu.memory_space<vmem_shared>>) target(%arg8 : memref<128x128xf32, #tpu.memory_space<vmem>>) target_semaphore(%run_scoped3A : memref<!tpu.dma_semaphore, #tpu.memory_space<semaphore_mem>>)
      %dma_wait3A_193 = arith.constant 0 : i32
      %dma_wait3A_194 = tpu.memref_slice %arg10[%add3A_114, %dma_wait3A_193] : memref<10240x128xf32, #tpu.memory_space<vmem_shared>> -> memref<128x128xf32, #tpu.memory_space<vmem_shared>>
      %dma_wait3A_195 = arith.constant 0 : i32
      %dma_wait3A_196 = tpu.memref_slice %arg10[%add3A_114, %dma_wait3A_195] : memref<10240x128xf32, #tpu.memory_space<vmem_shared>> -> memref<128x128xf32, #tpu.memory_space<vmem_shared>>
      tpu.wait_dma2 semaphore(%run_scoped3A : memref<!tpu.dma_semaphore, #tpu.memory_space<semaphore_mem>>) src(%dma_wait3A_196 : memref<128x128xf32, #tpu.memory_space<vmem_shared>>) dst(%arg8 : memref<128x128xf32, #tpu.memory_space<vmem>>)
      tpu.yield
    }) : () -> ()
    %dma_start3A_115 = arith.constant 0 : i32
    %dma_start3A_116 = tpu.memref_slice %arg5[%arg0, %add3A_105, %dma_start3A_115] : memref<2x10240x128xf32, #tpu.memory_space<hbm>> -> memref<1x128x128xf32, #tpu.memory_space<hbm>>
    %dma_start3A_117 = tpu.memref_squeeze %dma_start3A_116 : memref<1x128x128xf32, #tpu.memory_space<hbm>> -> memref<128x128xf32, #tpu.memory_space<hbm>>
    %dma_start3A_118 = arith.constant 0 : i32
    %dma_start3A_119 = tpu.memref_slice %arg5[%arg0, %add3A_105, %dma_start3A_118] : memref<2x10240x128xf32, #tpu.memory_space<hbm>> -> memref<1x128x128xf32, #tpu.memory_space<hbm>>
    %dma_start3A_120 = tpu.memref_squeeze %dma_start3A_119 : memref<1x128x128xf32, #tpu.memory_space<hbm>> -> memref<128x128xf32, #tpu.memory_space<hbm>>
    tpu.enqueue_dma source(%arg9 : memref<128x128xf32, #tpu.memory_space<vmem>>) target(%dma_start3A_120 : memref<128x128xf32, #tpu.memory_space<hbm>>) target_semaphore(%arg12 : memref<!tpu.dma_semaphore, #tpu.memory_space<semaphore_mem>>)
    %mul3A_121 = arith.constant 640 : i32
    %mul3A_122 = arith.muli %arg1, %mul3A_121 : i32
    %add3A_123 = arith.constant 256 : i32
    %add3A_124 = arith.addi %mul3A_122, %add3A_123 : i32
    %sub3A_125 = arith.constant 128 : i32
    %sub3A_126 = arith.subi %add3A_124, %sub3A_125 : i32
    %dma_wait3A_127 = arith.constant 0 : i32
    %dma_wait3A_128 = tpu.memref_slice %arg5[%arg0, %sub3A_126, %dma_wait3A_127] : memref<2x10240x128xf32, #tpu.memory_space<hbm>> -> memref<1x128x128xf32, #tpu.memory_space<hbm>>
    %dma_wait3A_129 = tpu.memref_squeeze %dma_wait3A_128 : memref<1x128x128xf32, #tpu.memory_space<hbm>> -> memref<128x128xf32, #tpu.memory_space<hbm>>
    %dma_wait3A_130 = arith.constant 0 : i32
    %dma_wait3A_131 = tpu.memref_slice %arg5[%arg0, %sub3A_126, %dma_wait3A_130] : memref<2x10240x128xf32, #tpu.memory_space<hbm>> -> memref<1x128x128xf32, #tpu.memory_space<hbm>>
    %dma_wait3A_132 = tpu.memref_squeeze %dma_wait3A_131 : memref<1x128x128xf32, #tpu.memory_space<hbm>> -> memref<128x128xf32, #tpu.memory_space<hbm>>
    tpu.wait_dma2 semaphore(%arg12 : memref<!tpu.dma_semaphore, #tpu.memory_space<semaphore_mem>>) src(%arg9 : memref<128x128xf32, #tpu.memory_space<vmem>>) dst(%dma_wait3A_132 : memref<128x128xf32, #tpu.memory_space<hbm>>)
    %add3A_133 = arith.constant 128 : i32
    %add3A_134 = arith.addi %add3A_124, %add3A_133 : i32
    "tpu.region"() ({
      %run_scoped3A = tpu.sem_alloc : memref<!tpu.dma_semaphore, #tpu.memory_space<semaphore_mem>>
      %dma_start3A_189 = arith.constant 0 : i32
      %dma_start3A_190 = tpu.memref_slice %arg10[%add3A_134, %dma_start3A_189] : memref<10240x128xf32, #tpu.memory_space<vmem_shared>> -> memref<128x128xf32, #tpu.memory_space<vmem_shared>>
      %dma_start3A_191 = arith.constant 0 : i32
      %dma_start3A_192 = tpu.memref_slice %arg10[%add3A_134, %dma_start3A_191] : memref<10240x128xf32, #tpu.memory_space<vmem_shared>> -> memref<128x128xf32, #tpu.memory_space<vmem_shared>>
      tpu.enqueue_dma source(%dma_start3A_192 : memref<128x128xf32, #tpu.memory_space<vmem_shared>>) target(%arg9 : memref<128x128xf32, #tpu.memory_space<vmem>>) target_semaphore(%run_scoped3A : memref<!tpu.dma_semaphore, #tpu.memory_space<semaphore_mem>>)
      %dma_wait3A_193 = arith.constant 0 : i32
      %dma_wait3A_194 = tpu.memref_slice %arg10[%add3A_134, %dma_wait3A_193] : memref<10240x128xf32, #tpu.memory_space<vmem_shared>> -> memref<128x128xf32, #tpu.memory_space<vmem_shared>>
      %dma_wait3A_195 = arith.constant 0 : i32
      %dma_wait3A_196 = tpu.memref_slice %arg10[%add3A_134, %dma_wait3A_195] : memref<10240x128xf32, #tpu.memory_space<vmem_shared>> -> memref<128x128xf32, #tpu.memory_space<vmem_shared>>
      tpu.wait_dma2 semaphore(%run_scoped3A : memref<!tpu.dma_semaphore, #tpu.memory_space<semaphore_mem>>) src(%dma_wait3A_196 : memref<128x128xf32, #tpu.memory_space<vmem_shared>>) dst(%arg9 : memref<128x128xf32, #tpu.memory_space<vmem>>)
      tpu.yield
    }) : () -> ()
    %dma_start3A_135 = arith.constant 0 : i32
    %dma_start3A_136 = tpu.memref_slice %arg5[%arg0, %add3A_124, %dma_start3A_135] : memref<2x10240x128xf32, #tpu.memory_space<hbm>> -> memref<1x128x128xf32, #tpu.memory_space<hbm>>
    %dma_start3A_137 = tpu.memref_squeeze %dma_start3A_136 : memref<1x128x128xf32, #tpu.memory_space<hbm>> -> memref<128x128xf32, #tpu.memory_space<hbm>>
    %dma_start3A_138 = arith.constant 0 : i32
    %dma_start3A_139 = tpu.memref_slice %arg5[%arg0, %add3A_124, %dma_start3A_138] : memref<2x10240x128xf32, #tpu.memory_space<hbm>> -> memref<1x128x128xf32, #tpu.memory_space<hbm>>
    %dma_start3A_140 = tpu.memref_squeeze %dma_start3A_139 : memref<1x128x128xf32, #tpu.memory_space<hbm>> -> memref<128x128xf32, #tpu.memory_space<hbm>>
    tpu.enqueue_dma source(%arg8 : memref<128x128xf32, #tpu.memory_space<vmem>>) target(%dma_start3A_140 : memref<128x128xf32, #tpu.memory_space<hbm>>) target_semaphore(%arg11 : memref<!tpu.dma_semaphore, #tpu.memory_space<semaphore_mem>>)
    %mul3A_141 = arith.constant 640 : i32
    %mul3A_142 = arith.muli %arg1, %mul3A_141 : i32
    %add3A_143 = arith.constant 384 : i32
    %add3A_144 = arith.addi %mul3A_142, %add3A_143 : i32
    %sub3A_145 = arith.constant 128 : i32
    %sub3A_146 = arith.subi %add3A_144, %sub3A_145 : i32
    %dma_wait3A_147 = arith.constant 0 : i32
    %dma_wait3A_148 = tpu.memref_slice %arg5[%arg0, %sub3A_146, %dma_wait3A_147] : memref<2x10240x128xf32, #tpu.memory_space<hbm>> -> memref<1x128x128xf32, #tpu.memory_space<hbm>>
    %dma_wait3A_149 = tpu.memref_squeeze %dma_wait3A_148 : memref<1x128x128xf32, #tpu.memory_space<hbm>> -> memref<128x128xf32, #tpu.memory_space<hbm>>
    %dma_wait3A_150 = arith.constant 0 : i32
    %dma_wait3A_151 = tpu.memref_slice %arg5[%arg0, %sub3A_146, %dma_wait3A_150] : memref<2x10240x128xf32, #tpu.memory_space<hbm>> -> memref<1x128x128xf32, #tpu.memory_space<hbm>>
    %dma_wait3A_152 = tpu.memref_squeeze %dma_wait3A_151 : memref<1x128x128xf32, #tpu.memory_space<hbm>> -> memref<128x128xf32, #tpu.memory_space<hbm>>
    tpu.wait_dma2 semaphore(%arg11 : memref<!tpu.dma_semaphore, #tpu.memory_space<semaphore_mem>>) src(%arg8 : memref<128x128xf32, #tpu.memory_space<vmem>>) dst(%dma_wait3A_152 : memref<128x128xf32, #tpu.memory_space<hbm>>)
    %add3A_153 = arith.constant 128 : i32
    %add3A_154 = arith.addi %add3A_144, %add3A_153 : i32
    "tpu.region"() ({
      %run_scoped3A = tpu.sem_alloc : memref<!tpu.dma_semaphore, #tpu.memory_space<semaphore_mem>>
      %dma_start3A_189 = arith.constant 0 : i32
      %dma_start3A_190 = tpu.memref_slice %arg10[%add3A_154, %dma_start3A_189] : memref<10240x128xf32, #tpu.memory_space<vmem_shared>> -> memref<128x128xf32, #tpu.memory_space<vmem_shared>>
      %dma_start3A_191 = arith.constant 0 : i32
      %dma_start3A_192 = tpu.memref_slice %arg10[%add3A_154, %dma_start3A_191] : memref<10240x128xf32, #tpu.memory_space<vmem_shared>> -> memref<128x128xf32, #tpu.memory_space<vmem_shared>>
      tpu.enqueue_dma source(%dma_start3A_192 : memref<128x128xf32, #tpu.memory_space<vmem_shared>>) target(%arg8 : memref<128x128xf32, #tpu.memory_space<vmem>>) target_semaphore(%run_scoped3A : memref<!tpu.dma_semaphore, #tpu.memory_space<semaphore_mem>>)
      %dma_wait3A_193 = arith.constant 0 : i32
      %dma_wait3A_194 = tpu.memref_slice %arg10[%add3A_154, %dma_wait3A_193] : memref<10240x128xf32, #tpu.memory_space<vmem_shared>> -> memref<128x128xf32, #tpu.memory_space<vmem_shared>>
      %dma_wait3A_195 = arith.constant 0 : i32
      %dma_wait3A_196 = tpu.memref_slice %arg10[%add3A_154, %dma_wait3A_195] : memref<10240x128xf32, #tpu.memory_space<vmem_shared>> -> memref<128x128xf32, #tpu.memory_space<vmem_shared>>
      tpu.wait_dma2 semaphore(%run_scoped3A : memref<!tpu.dma_semaphore, #tpu.memory_space<semaphore_mem>>) src(%dma_wait3A_196 : memref<128x128xf32, #tpu.memory_space<vmem_shared>>) dst(%arg8 : memref<128x128xf32, #tpu.memory_space<vmem>>)
      tpu.yield
    }) : () -> ()
    %dma_start3A_155 = arith.constant 0 : i32
    %dma_start3A_156 = tpu.memref_slice %arg5[%arg0, %add3A_144, %dma_start3A_155] : memref<2x10240x128xf32, #tpu.memory_space<hbm>> -> memref<1x128x128xf32, #tpu.memory_space<hbm>>
    %dma_start3A_157 = tpu.memref_squeeze %dma_start3A_156 : memref<1x128x128xf32, #tpu.memory_space<hbm>> -> memref<128x128xf32, #tpu.memory_space<hbm>>
    %dma_start3A_158 = arith.constant 0 : i32
    %dma_start3A_159 = tpu.memref_slice %arg5[%arg0, %add3A_144, %dma_start3A_158] : memref<2x10240x128xf32, #tpu.memory_space<hbm>> -> memref<1x128x128xf32, #tpu.memory_space<hbm>>
    %dma_start3A_160 = tpu.memref_squeeze %dma_start3A_159 : memref<1x128x128xf32, #tpu.memory_space<hbm>> -> memref<128x128xf32, #tpu.memory_space<hbm>>
    tpu.enqueue_dma source(%arg9 : memref<128x128xf32, #tpu.memory_space<vmem>>) target(%dma_start3A_160 : memref<128x128xf32, #tpu.memory_space<hbm>>) target_semaphore(%arg12 : memref<!tpu.dma_semaphore, #tpu.memory_space<semaphore_mem>>)
    %mul3A_161 = arith.constant 640 : i32
    %mul3A_162 = arith.muli %arg1, %mul3A_161 : i32
    %add3A_163 = arith.constant 512 : i32
    %add3A_164 = arith.addi %mul3A_162, %add3A_163 : i32
    %sub3A_165 = arith.constant 128 : i32
    %sub3A_166 = arith.subi %add3A_164, %sub3A_165 : i32
    %dma_wait3A_167 = arith.constant 0 : i32
    %dma_wait3A_168 = tpu.memref_slice %arg5[%arg0, %sub3A_166, %dma_wait3A_167] : memref<2x10240x128xf32, #tpu.memory_space<hbm>> -> memref<1x128x128xf32, #tpu.memory_space<hbm>>
    %dma_wait3A_169 = tpu.memref_squeeze %dma_wait3A_168 : memref<1x128x128xf32, #tpu.memory_space<hbm>> -> memref<128x128xf32, #tpu.memory_space<hbm>>
    %dma_wait3A_170 = arith.constant 0 : i32
    %dma_wait3A_171 = tpu.memref_slice %arg5[%arg0, %sub3A_166, %dma_wait3A_170] : memref<2x10240x128xf32, #tpu.memory_space<hbm>> -> memref<1x128x128xf32, #tpu.memory_space<hbm>>
    %dma_wait3A_172 = tpu.memref_squeeze %dma_wait3A_171 : memref<1x128x128xf32, #tpu.memory_space<hbm>> -> memref<128x128xf32, #tpu.memory_space<hbm>>
    tpu.wait_dma2 semaphore(%arg12 : memref<!tpu.dma_semaphore, #tpu.memory_space<semaphore_mem>>) src(%arg9 : memref<128x128xf32, #tpu.memory_space<vmem>>) dst(%dma_wait3A_172 : memref<128x128xf32, #tpu.memory_space<hbm>>)
    %dma_start3A_173 = arith.constant 0 : i32
    %dma_start3A_174 = tpu.memref_slice %arg5[%arg0, %add3A_164, %dma_start3A_173] : memref<2x10240x128xf32, #tpu.memory_space<hbm>> -> memref<1x128x128xf32, #tpu.memory_space<hbm>>
    %dma_start3A_175 = tpu.memref_squeeze %dma_start3A_174 : memref<1x128x128xf32, #tpu.memory_space<hbm>> -> memref<128x128xf32, #tpu.memory_space<hbm>>
    %dma_start3A_176 = arith.constant 0 : i32
    %dma_start3A_177 = tpu.memref_slice %arg5[%arg0, %add3A_164, %dma_start3A_176] : memref<2x10240x128xf32, #tpu.memory_space<hbm>> -> memref<1x128x128xf32, #tpu.memory_space<hbm>>
    %dma_start3A_178 = tpu.memref_squeeze %dma_start3A_177 : memref<1x128x128xf32, #tpu.memory_space<hbm>> -> memref<128x128xf32, #tpu.memory_space<hbm>>
    tpu.enqueue_dma source(%arg8 : memref<128x128xf32, #tpu.memory_space<vmem>>) target(%dma_start3A_178 : memref<128x128xf32, #tpu.memory_space<hbm>>) target_semaphore(%arg11 : memref<!tpu.dma_semaphore, #tpu.memory_space<semaphore_mem>>)
    %mul3A_179 = arith.constant 640 : i32
    %mul3A_180 = arith.muli %arg1, %mul3A_179 : i32
    %add3A_181 = arith.constant 512 : i32
    %add3A_182 = arith.addi %mul3A_180, %add3A_181 : i32
    %dma_wait3A_183 = arith.constant 0 : i32
    %dma_wait3A_184 = tpu.memref_slice %arg5[%arg0, %add3A_182, %dma_wait3A_183] : memref<2x10240x128xf32, #tpu.memory_space<hbm>> -> memref<1x128x128xf32, #tpu.memory_space<hbm>>
    %dma_wait3A_185 = tpu.memref_squeeze %dma_wait3A_184 : memref<1x128x128xf32, #tpu.memory_space<hbm>> -> memref<128x128xf32, #tpu.memory_space<hbm>>
    %dma_wait3A_186 = arith.constant 0 : i32
    %dma_wait3A_187 = tpu.memref_slice %arg5[%arg0, %add3A_182, %dma_wait3A_186] : memref<2x10240x128xf32, #tpu.memory_space<hbm>> -> memref<1x128x128xf32, #tpu.memory_space<hbm>>
    %dma_wait3A_188 = tpu.memref_squeeze %dma_wait3A_187 : memref<1x128x128xf32, #tpu.memory_space<hbm>> -> memref<128x128xf32, #tpu.memory_space<hbm>>
    tpu.wait_dma2 semaphore(%arg11 : memref<!tpu.dma_semaphore, #tpu.memory_space<semaphore_mem>>) src(%arg8 : memref<128x128xf32, #tpu.memory_space<vmem>>) dst(%dma_wait3A_188 : memref<128x128xf32, #tpu.memory_space<hbm>>)
    "tpu.trace_stop"() : () -> ()
    return
  }
}

#map = affine_map<(d0, d1) -> (0, 0, 0)>
#map1 = affine_map<(d0, d1) -> (0, 0)>
module attributes {stable_mosaic.version = 14 : i64} {
  func.func @_deg_body(%arg0: i32, %arg1: i32, %arg2: memref<2x2560x128xi32, #tpu.memory_space<hbm>>, %arg3: memref<32x10240xf32, #tpu.memory_space<hbm>>, %arg4: memref<80x128xi32, #tpu.memory_space<vmem>>, %arg5: memref<10240xf32, #tpu.memory_space<vmem>>) attributes {dimension_semantics = [#tpu.dimension_semantics<core_parallel>, #tpu.dimension_semantics<subcore_parallel>], iteration_bounds = array<i64: 2, 16>, scalar_prefetch = 0 : i64, scratch_operands = 2 : i64, tpu.core_type = #tpu.core_type<sc_vector_subcore>, window_params = [{transform_indices = #map}, {transform_indices = #map1}]} {
    %mul3A = arith.constant 16 : i32
    %mul3A_0 = arith.muli %arg0, %mul3A : i32
    %add3A = arith.addi %mul3A_0, %arg1 : i32
    %mul3A_1 = arith.constant 80 : i32
    %mul3A_2 = arith.muli %add3A, %mul3A_1 : i32
    %run_scoped3A = arith.constant 1 : i32
    "tpu.region"() ({
      %run_scoped3A_17 = tpu.sem_alloc : memref<!tpu.dma_semaphore, #tpu.memory_space<semaphore_mem>>
      %dma_start3A = arith.constant 0 : i32
      %dma_start3A_18 = tpu.memref_slice %arg2[%run_scoped3A, %mul3A_2, %dma_start3A] : memref<2x2560x128xi32, #tpu.memory_space<hbm>> -> memref<1x80x128xi32, #tpu.memory_space<hbm>>
      %dma_start3A_19 = tpu.memref_squeeze %dma_start3A_18 : memref<1x80x128xi32, #tpu.memory_space<hbm>> -> memref<80x128xi32, #tpu.memory_space<hbm>>
      %dma_start3A_20 = arith.constant 0 : i32
      %dma_start3A_21 = tpu.memref_slice %arg2[%run_scoped3A, %mul3A_2, %dma_start3A_20] : memref<2x2560x128xi32, #tpu.memory_space<hbm>> -> memref<1x80x128xi32, #tpu.memory_space<hbm>>
      %dma_start3A_22 = tpu.memref_squeeze %dma_start3A_21 : memref<1x80x128xi32, #tpu.memory_space<hbm>> -> memref<80x128xi32, #tpu.memory_space<hbm>>
      tpu.enqueue_dma source(%dma_start3A_22 : memref<80x128xi32, #tpu.memory_space<hbm>>) target(%arg4 : memref<80x128xi32, #tpu.memory_space<vmem>>) target_semaphore(%run_scoped3A_17 : memref<!tpu.dma_semaphore, #tpu.memory_space<semaphore_mem>>)
      %dma_wait3A = arith.constant 0 : i32
      %dma_wait3A_23 = tpu.memref_slice %arg2[%run_scoped3A, %mul3A_2, %dma_wait3A] : memref<2x2560x128xi32, #tpu.memory_space<hbm>> -> memref<1x80x128xi32, #tpu.memory_space<hbm>>
      %dma_wait3A_24 = tpu.memref_squeeze %dma_wait3A_23 : memref<1x80x128xi32, #tpu.memory_space<hbm>> -> memref<80x128xi32, #tpu.memory_space<hbm>>
      %dma_wait3A_25 = arith.constant 0 : i32
      %dma_wait3A_26 = tpu.memref_slice %arg2[%run_scoped3A, %mul3A_2, %dma_wait3A_25] : memref<2x2560x128xi32, #tpu.memory_space<hbm>> -> memref<1x80x128xi32, #tpu.memory_space<hbm>>
      %dma_wait3A_27 = tpu.memref_squeeze %dma_wait3A_26 : memref<1x80x128xi32, #tpu.memory_space<hbm>> -> memref<80x128xi32, #tpu.memory_space<hbm>>
      tpu.wait_dma2 semaphore(%run_scoped3A_17 : memref<!tpu.dma_semaphore, #tpu.memory_space<semaphore_mem>>) src(%dma_wait3A_27 : memref<80x128xi32, #tpu.memory_space<hbm>>) dst(%arg4 : memref<80x128xi32, #tpu.memory_space<vmem>>)
      tpu.yield
    }) : () -> ()
    %broadcast_in_dim3A = arith.constant 0.000000e+00 : f32
    %broadcast_in_dim3A_3 = vector.broadcast %broadcast_in_dim3A : f32 to vector<16xf32>
    %scan3A = arith.constant 0 : i32
    %scan3A_4 = arith.constant 0 : i32
    %scan3A_5 = arith.constant 640 : i32
    %scan3A_6 = arith.addi %scan3A_4, %scan3A_5 : i32
    %scan3A_7 = arith.constant 1 : i32
    scf.for %scan3A_17 = %scan3A_4 to %scan3A_6 step %scan3A_7  : i32 {
      %mul3A_18 = arith.constant 16 : i32
      %mul3A_19 = arith.muli %scan3A_17, %mul3A_18 : i32
      %swap3A = arith.index_cast %mul3A_19 : i32 to index
      %swap3A_20 = tpu.vector_load %arg5[%swap3A] {strides = array<i32>} : memref<10240xf32, #tpu.memory_space<vmem>>, vector<16xf32>,
      tpu.vector_store %arg5[%swap3A], %broadcast_in_dim3A_3 {strides = array<i32>} : memref<10240xf32, #tpu.memory_space<vmem>>, vector<16xf32>,
    }
    %scan3A_8 = arith.constant 640 : i32
    %broadcast_in_dim3A_9 = arith.constant 1.000000e+00 : f32
    %broadcast_in_dim3A_10 = vector.broadcast %broadcast_in_dim3A_9 : f32 to vector<16xf32>
    %scan3A_11 = arith.constant 0 : i32
    %scan3A_12 = arith.constant 0 : i32
    %scan3A_13 = arith.constant 80 : i32
    %scan3A_14 = arith.addi %scan3A_12, %scan3A_13 : i32
    %scan3A_15 = arith.constant 1 : i32
    scf.for %scan3A_17 = %scan3A_12 to %scan3A_14 step %scan3A_15  : i32 {
      %get3A = arith.index_cast %scan3A_17 : i32 to index
      %get3A_18 = arith.constant 0 : index
      %get3A_19 = tpu.vector_load %arg4[%get3A, %get3A_18] {strides = array<i32>} : memref<80x128xi32, #tpu.memory_space<vmem>>, vector<16xi32>,
      tpu.vector_store_idx %arg5[%get3A_19], %broadcast_in_dim3A_10 {add = true} : memref<10240xf32, #tpu.memory_space<vmem>>[vector<16xi32>], vector<16xf32>,
      %get3A_20 = arith.index_cast %scan3A_17 : i32 to index
      %get3A_21 = arith.constant 16 : index
      %get3A_22 = tpu.vector_load %arg4[%get3A_20, %get3A_21] {strides = array<i32>} : memref<80x128xi32, #tpu.memory_space<vmem>>, vector<16xi32>,
      tpu.vector_store_idx %arg5[%get3A_22], %broadcast_in_dim3A_10 {add = true} : memref<10240xf32, #tpu.memory_space<vmem>>[vector<16xi32>], vector<16xf32>,
      %get3A_23 = arith.index_cast %scan3A_17 : i32 to index
      %get3A_24 = arith.constant 32 : index
      %get3A_25 = tpu.vector_load %arg4[%get3A_23, %get3A_24] {strides = array<i32>} : memref<80x128xi32, #tpu.memory_space<vmem>>, vector<16xi32>,
      tpu.vector_store_idx %arg5[%get3A_25], %broadcast_in_dim3A_10 {add = true} : memref<10240xf32, #tpu.memory_space<vmem>>[vector<16xi32>], vector<16xf32>,
      %get3A_26 = arith.index_cast %scan3A_17 : i32 to index
      %get3A_27 = arith.constant 48 : index
      %get3A_28 = tpu.vector_load %arg4[%get3A_26, %get3A_27] {strides = array<i32>} : memref<80x128xi32, #tpu.memory_space<vmem>>, vector<16xi32>,
      tpu.vector_store_idx %arg5[%get3A_28], %broadcast_in_dim3A_10 {add = true} : memref<10240xf32, #tpu.memory_space<vmem>>[vector<16xi32>], vector<16xf32>,
      %get3A_29 = arith.index_cast %scan3A_17 : i32 to index
      %get3A_30 = arith.constant 64 : index
      %get3A_31 = tpu.vector_load %arg4[%get3A_29, %get3A_30] {strides = array<i32>} : memref<80x128xi32, #tpu.memory_space<vmem>>, vector<16xi32>,
      tpu.vector_store_idx %arg5[%get3A_31], %broadcast_in_dim3A_10 {add = true} : memref<10240xf32, #tpu.memory_space<vmem>>[vector<16xi32>], vector<16xf32>,
      %get3A_32 = arith.index_cast %scan3A_17 : i32 to index
      %get3A_33 = arith.constant 80 : index
      %get3A_34 = tpu.vector_load %arg4[%get3A_32, %get3A_33] {strides = array<i32>} : memref<80x128xi32, #tpu.memory_space<vmem>>, vector<16xi32>,
      tpu.vector_store_idx %arg5[%get3A_34], %broadcast_in_dim3A_10 {add = true} : memref<10240xf32, #tpu.memory_space<vmem>>[vector<16xi32>], vector<16xf32>,
      %get3A_35 = arith.index_cast %scan3A_17 : i32 to index
      %get3A_36 = arith.constant 96 : index
      %get3A_37 = tpu.vector_load %arg4[%get3A_35, %get3A_36] {strides = array<i32>} : memref<80x128xi32, #tpu.memory_space<vmem>>, vector<16xi32>,
      tpu.vector_store_idx %arg5[%get3A_37], %broadcast_in_dim3A_10 {add = true} : memref<10240xf32, #tpu.memory_space<vmem>>[vector<16xi32>], vector<16xf32>,
      %get3A_38 = arith.index_cast %scan3A_17 : i32 to index
      %get3A_39 = arith.constant 112 : index
      %get3A_40 = tpu.vector_load %arg4[%get3A_38, %get3A_39] {strides = array<i32>} : memref<80x128xi32, #tpu.memory_space<vmem>>, vector<16xi32>,
      tpu.vector_store_idx %arg5[%get3A_40], %broadcast_in_dim3A_10 {add = true} : memref<10240xf32, #tpu.memory_space<vmem>>[vector<16xi32>], vector<16xf32>,
    }
    %scan3A_16 = arith.constant 80 : i32
    "tpu.region"() ({
      %run_scoped3A_17 = tpu.sem_alloc : memref<!tpu.dma_semaphore, #tpu.memory_space<semaphore_mem>>
      %dma_start3A = arith.constant 0 : i32
      %dma_start3A_18 = tpu.memref_slice %arg3[%add3A, %dma_start3A] : memref<32x10240xf32, #tpu.memory_space<hbm>> -> memref<1x10240xf32, #tpu.memory_space<hbm>>
      %dma_start3A_19 = tpu.memref_squeeze %dma_start3A_18 : memref<1x10240xf32, #tpu.memory_space<hbm>> -> memref<10240xf32, #tpu.memory_space<hbm>>
      %dma_start3A_20 = arith.constant 0 : i32
      %dma_start3A_21 = tpu.memref_slice %arg3[%add3A, %dma_start3A_20] : memref<32x10240xf32, #tpu.memory_space<hbm>> -> memref<1x10240xf32, #tpu.memory_space<hbm>>
      %dma_start3A_22 = tpu.memref_squeeze %dma_start3A_21 : memref<1x10240xf32, #tpu.memory_space<hbm>> -> memref<10240xf32, #tpu.memory_space<hbm>>
      tpu.enqueue_dma source(%arg5 : memref<10240xf32, #tpu.memory_space<vmem>>) target(%dma_start3A_22 : memref<10240xf32, #tpu.memory_space<hbm>>) target_semaphore(%run_scoped3A_17 : memref<!tpu.dma_semaphore, #tpu.memory_space<semaphore_mem>>)
      %dma_wait3A = arith.constant 0 : i32
      %dma_wait3A_23 = tpu.memref_slice %arg3[%add3A, %dma_wait3A] : memref<32x10240xf32, #tpu.memory_space<hbm>> -> memref<1x10240xf32, #tpu.memory_space<hbm>>
      %dma_wait3A_24 = tpu.memref_squeeze %dma_wait3A_23 : memref<1x10240xf32, #tpu.memory_space<hbm>> -> memref<10240xf32, #tpu.memory_space<hbm>>
      %dma_wait3A_25 = arith.constant 0 : i32
      %dma_wait3A_26 = tpu.memref_slice %arg3[%add3A, %dma_wait3A_25] : memref<32x10240xf32, #tpu.memory_space<hbm>> -> memref<1x10240xf32, #tpu.memory_space<hbm>>
      %dma_wait3A_27 = tpu.memref_squeeze %dma_wait3A_26 : memref<1x10240xf32, #tpu.memory_space<hbm>> -> memref<10240xf32, #tpu.memory_space<hbm>>
      tpu.wait_dma2 semaphore(%run_scoped3A_17 : memref<!tpu.dma_semaphore, #tpu.memory_space<semaphore_mem>>) src(%arg5 : memref<10240xf32, #tpu.memory_space<vmem>>) dst(%dma_wait3A_27 : memref<10240xf32, #tpu.memory_space<hbm>>)
      tpu.yield
    }) : () -> ()
    return
  }
}

#map = affine_map<(d0, d1) -> (0, 0)>
#map1 = affine_map<(d0, d1) -> (0, 0, 0)>
module attributes {stable_mosaic.version = 14 : i64} {
  func.func @_scatter_body(%arg0: i32, %arg1: i32, %arg2: memref<10240x128xf32, #tpu.memory_space<hbm>>, %arg3: memref<2x2560x128xi32, #tpu.memory_space<hbm>>, %arg4: memref<128x128xf32, #tpu.memory_space<hbm>>, %arg5: memref<2x10240x128xf32, #tpu.memory_space<hbm>>, %arg6: memref<40x128xi32, #tpu.memory_space<vmem>>, %arg7: memref<40x128xi32, #tpu.memory_space<vmem>>, %arg8: memref<128x128xf32, #tpu.memory_space<vmem>>, %arg9: memref<128x128xf32, #tpu.memory_space<vmem>>, %arg10: memref<10240x128xf32, #tpu.memory_space<vmem_shared>>, %arg11: memref<!tpu.dma_semaphore, #tpu.memory_space<semaphore_mem>>, %arg12: memref<!tpu.dma_semaphore, #tpu.memory_space<semaphore_mem>>) attributes {dimension_semantics = [#tpu.dimension_semantics<core_parallel>, #tpu.dimension_semantics<subcore_parallel>], iteration_bounds = array<i64: 2, 16>, scalar_prefetch = 0 : i64, scratch_operands = 7 : i64, tpu.core_type = #tpu.core_type<sc_vector_subcore>, window_params = [{transform_indices = #map}, {transform_indices = #map1}, {transform_indices = #map}, {transform_indices = #map1}]} {
    "tpu.trace_start"() <{level = 10 : i32, message = "zero_phase"}> : () -> ()
    "tpu.region"() ({
      %run_scoped3A = tpu.sem_alloc : memref<!tpu.dma_semaphore, #tpu.memory_space<semaphore_mem>>
      tpu.enqueue_dma source(%arg4 : memref<128x128xf32, #tpu.memory_space<hbm>>) target(%arg8 : memref<128x128xf32, #tpu.memory_space<vmem>>) target_semaphore(%run_scoped3A : memref<!tpu.dma_semaphore, #tpu.memory_space<semaphore_mem>>)
      tpu.wait_dma2 semaphore(%run_scoped3A : memref<!tpu.dma_semaphore, #tpu.memory_space<semaphore_mem>>) src(%arg4 : memref<128x128xf32, #tpu.memory_space<hbm>>) dst(%arg8 : memref<128x128xf32, #tpu.memory_space<vmem>>)
      tpu.yield
    }) : () -> ()
    %mul3A = arith.constant 640 : i32
    %mul3A_0 = arith.muli %arg1, %mul3A : i32
    %add3A = arith.constant 0 : i32
    %add3A_1 = arith.addi %mul3A_0, %add3A : i32
    %dma_start3A = arith.constant 0 : i32
    %dma_start3A_2 = tpu.memref_slice %arg10[%add3A_1, %dma_start3A] : memref<10240x128xf32, #tpu.memory_space<vmem_shared>> -> memref<128x128xf32, #tpu.memory_space<vmem_shared>>
    %dma_start3A_3 = arith.constant 0 : i32
    %dma_start3A_4 = tpu.memref_slice %arg10[%add3A_1, %dma_start3A_3] : memref<10240x128xf32, #tpu.memory_space<vmem_shared>> -> memref<128x128xf32, #tpu.memory_space<vmem_shared>>
    tpu.enqueue_dma source(%arg8 : memref<128x128xf32, #tpu.memory_space<vmem>>) target(%dma_start3A_4 : memref<128x128xf32, #tpu.memory_space<vmem_shared>>) target_semaphore(%arg11 : memref<!tpu.dma_semaphore, #tpu.memory_space<semaphore_mem>>)
    %mul3A_5 = arith.constant 640 : i32
    %mul3A_6 = arith.muli %arg1, %mul3A_5 : i32
    %add3A_7 = arith.constant 128 : i32
    %add3A_8 = arith.addi %mul3A_6, %add3A_7 : i32
    %dma_start3A_9 = arith.constant 0 : i32
    %dma_start3A_10 = tpu.memref_slice %arg10[%add3A_8, %dma_start3A_9] : memref<10240x128xf32, #tpu.memory_space<vmem_shared>> -> memref<128x128xf32, #tpu.memory_space<vmem_shared>>
    %dma_start3A_11 = arith.constant 0 : i32
    %dma_start3A_12 = tpu.memref_slice %arg10[%add3A_8, %dma_start3A_11] : memref<10240x128xf32, #tpu.memory_space<vmem_shared>> -> memref<128x128xf32, #tpu.memory_space<vmem_shared>>
    tpu.enqueue_dma source(%arg8 : memref<128x128xf32, #tpu.memory_space<vmem>>) target(%dma_start3A_12 : memref<128x128xf32, #tpu.memory_space<vmem_shared>>) target_semaphore(%arg11 : memref<!tpu.dma_semaphore, #tpu.memory_space<semaphore_mem>>)
    %mul3A_13 = arith.constant 640 : i32
    %mul3A_14 = arith.muli %arg1, %mul3A_13 : i32
    %add3A_15 = arith.constant 256 : i32
    %add3A_16 = arith.addi %mul3A_14, %add3A_15 : i32
    %dma_start3A_17 = arith.constant 0 : i32
    %dma_start3A_18 = tpu.memref_slice %arg10[%add3A_16, %dma_start3A_17] : memref<10240x128xf32, #tpu.memory_space<vmem_shared>> -> memref<128x128xf32, #tpu.memory_space<vmem_shared>>
    %dma_start3A_19 = arith.constant 0 : i32
    %dma_start3A_20 = tpu.memref_slice %arg10[%add3A_16, %dma_start3A_19] : memref<10240x128xf32, #tpu.memory_space<vmem_shared>> -> memref<128x128xf32, #tpu.memory_space<vmem_shared>>
    tpu.enqueue_dma source(%arg8 : memref<128x128xf32, #tpu.memory_space<vmem>>) target(%dma_start3A_20 : memref<128x128xf32, #tpu.memory_space<vmem_shared>>) target_semaphore(%arg11 : memref<!tpu.dma_semaphore, #tpu.memory_space<semaphore_mem>>)
    %mul3A_21 = arith.constant 640 : i32
    %mul3A_22 = arith.muli %arg1, %mul3A_21 : i32
    %add3A_23 = arith.constant 384 : i32
    %add3A_24 = arith.addi %mul3A_22, %add3A_23 : i32
    %dma_start3A_25 = arith.constant 0 : i32
    %dma_start3A_26 = tpu.memref_slice %arg10[%add3A_24, %dma_start3A_25] : memref<10240x128xf32, #tpu.memory_space<vmem_shared>> -> memref<128x128xf32, #tpu.memory_space<vmem_shared>>
    %dma_start3A_27 = arith.constant 0 : i32
    %dma_start3A_28 = tpu.memref_slice %arg10[%add3A_24, %dma_start3A_27] : memref<10240x128xf32, #tpu.memory_space<vmem_shared>> -> memref<128x128xf32, #tpu.memory_space<vmem_shared>>
    tpu.enqueue_dma source(%arg8 : memref<128x128xf32, #tpu.memory_space<vmem>>) target(%dma_start3A_28 : memref<128x128xf32, #tpu.memory_space<vmem_shared>>) target_semaphore(%arg11 : memref<!tpu.dma_semaphore, #tpu.memory_space<semaphore_mem>>)
    %mul3A_29 = arith.constant 640 : i32
    %mul3A_30 = arith.muli %arg1, %mul3A_29 : i32
    %add3A_31 = arith.constant 512 : i32
    %add3A_32 = arith.addi %mul3A_30, %add3A_31 : i32
    %dma_start3A_33 = arith.constant 0 : i32
    %dma_start3A_34 = tpu.memref_slice %arg10[%add3A_32, %dma_start3A_33] : memref<10240x128xf32, #tpu.memory_space<vmem_shared>> -> memref<128x128xf32, #tpu.memory_space<vmem_shared>>
    %dma_start3A_35 = arith.constant 0 : i32
    %dma_start3A_36 = tpu.memref_slice %arg10[%add3A_32, %dma_start3A_35] : memref<10240x128xf32, #tpu.memory_space<vmem_shared>> -> memref<128x128xf32, #tpu.memory_space<vmem_shared>>
    tpu.enqueue_dma source(%arg8 : memref<128x128xf32, #tpu.memory_space<vmem>>) target(%dma_start3A_36 : memref<128x128xf32, #tpu.memory_space<vmem_shared>>) target_semaphore(%arg11 : memref<!tpu.dma_semaphore, #tpu.memory_space<semaphore_mem>>)
    %mul3A_37 = arith.constant 640 : i32
    %mul3A_38 = arith.muli %arg1, %mul3A_37 : i32
    %add3A_39 = arith.constant 0 : i32
    %add3A_40 = arith.addi %mul3A_38, %add3A_39 : i32
    %dma_wait3A = arith.constant 0 : i32
    %dma_wait3A_41 = tpu.memref_slice %arg10[%add3A_40, %dma_wait3A] : memref<10240x128xf32, #tpu.memory_space<vmem_shared>> -> memref<128x128xf32, #tpu.memory_space<vmem_shared>>
    %dma_wait3A_42 = arith.constant 0 : i32
    %dma_wait3A_43 = tpu.memref_slice %arg10[%add3A_40, %dma_wait3A_42] : memref<10240x128xf32, #tpu.memory_space<vmem_shared>> -> memref<128x128xf32, #tpu.memory_space<vmem_shared>>
    tpu.wait_dma2 semaphore(%arg11 : memref<!tpu.dma_semaphore, #tpu.memory_space<semaphore_mem>>) src(%arg8 : memref<128x128xf32, #tpu.memory_space<vmem>>) dst(%dma_wait3A_43 : memref<128x128xf32, #tpu.memory_space<vmem_shared>>)
    %mul3A_44 = arith.constant 640 : i32
    %mul3A_45 = arith.muli %arg1, %mul3A_44 : i32
    %add3A_46 = arith.constant 128 : i32
    %add3A_47 = arith.addi %mul3A_45, %add3A_46 : i32
    %dma_wait3A_48 = arith.constant 0 : i32
    %dma_wait3A_49 = tpu.memref_slice %arg10[%add3A_47, %dma_wait3A_48] : memref<10240x128xf32, #tpu.memory_space<vmem_shared>> -> memref<128x128xf32, #tpu.memory_space<vmem_shared>>
    %dma_wait3A_50 = arith.constant 0 : i32
    %dma_wait3A_51 = tpu.memref_slice %arg10[%add3A_47, %dma_wait3A_50] : memref<10240x128xf32, #tpu.memory_space<vmem_shared>> -> memref<128x128xf32, #tpu.memory_space<vmem_shared>>
    tpu.wait_dma2 semaphore(%arg11 : memref<!tpu.dma_semaphore, #tpu.memory_space<semaphore_mem>>) src(%arg8 : memref<128x128xf32, #tpu.memory_space<vmem>>) dst(%dma_wait3A_51 : memref<128x128xf32, #tpu.memory_space<vmem_shared>>)
    %mul3A_52 = arith.constant 640 : i32
    %mul3A_53 = arith.muli %arg1, %mul3A_52 : i32
    %add3A_54 = arith.constant 256 : i32
    %add3A_55 = arith.addi %mul3A_53, %add3A_54 : i32
    %dma_wait3A_56 = arith.constant 0 : i32
    %dma_wait3A_57 = tpu.memref_slice %arg10[%add3A_55, %dma_wait3A_56] : memref<10240x128xf32, #tpu.memory_space<vmem_shared>> -> memref<128x128xf32, #tpu.memory_space<vmem_shared>>
    %dma_wait3A_58 = arith.constant 0 : i32
    %dma_wait3A_59 = tpu.memref_slice %arg10[%add3A_55, %dma_wait3A_58] : memref<10240x128xf32, #tpu.memory_space<vmem_shared>> -> memref<128x128xf32, #tpu.memory_space<vmem_shared>>
    tpu.wait_dma2 semaphore(%arg11 : memref<!tpu.dma_semaphore, #tpu.memory_space<semaphore_mem>>) src(%arg8 : memref<128x128xf32, #tpu.memory_space<vmem>>) dst(%dma_wait3A_59 : memref<128x128xf32, #tpu.memory_space<vmem_shared>>)
    %mul3A_60 = arith.constant 640 : i32
    %mul3A_61 = arith.muli %arg1, %mul3A_60 : i32
    %add3A_62 = arith.constant 384 : i32
    %add3A_63 = arith.addi %mul3A_61, %add3A_62 : i32
    %dma_wait3A_64 = arith.constant 0 : i32
    %dma_wait3A_65 = tpu.memref_slice %arg10[%add3A_63, %dma_wait3A_64] : memref<10240x128xf32, #tpu.memory_space<vmem_shared>> -> memref<128x128xf32, #tpu.memory_space<vmem_shared>>
    %dma_wait3A_66 = arith.constant 0 : i32
    %dma_wait3A_67 = tpu.memref_slice %arg10[%add3A_63, %dma_wait3A_66] : memref<10240x128xf32, #tpu.memory_space<vmem_shared>> -> memref<128x128xf32, #tpu.memory_space<vmem_shared>>
    tpu.wait_dma2 semaphore(%arg11 : memref<!tpu.dma_semaphore, #tpu.memory_space<semaphore_mem>>) src(%arg8 : memref<128x128xf32, #tpu.memory_space<vmem>>) dst(%dma_wait3A_67 : memref<128x128xf32, #tpu.memory_space<vmem_shared>>)
    %mul3A_68 = arith.constant 640 : i32
    %mul3A_69 = arith.muli %arg1, %mul3A_68 : i32
    %add3A_70 = arith.constant 512 : i32
    %add3A_71 = arith.addi %mul3A_69, %add3A_70 : i32
    %dma_wait3A_72 = arith.constant 0 : i32
    %dma_wait3A_73 = tpu.memref_slice %arg10[%add3A_71, %dma_wait3A_72] : memref<10240x128xf32, #tpu.memory_space<vmem_shared>> -> memref<128x128xf32, #tpu.memory_space<vmem_shared>>
    %dma_wait3A_74 = arith.constant 0 : i32
    %dma_wait3A_75 = tpu.memref_slice %arg10[%add3A_71, %dma_wait3A_74] : memref<10240x128xf32, #tpu.memory_space<vmem_shared>> -> memref<128x128xf32, #tpu.memory_space<vmem_shared>>
    tpu.wait_dma2 semaphore(%arg11 : memref<!tpu.dma_semaphore, #tpu.memory_space<semaphore_mem>>) src(%arg8 : memref<128x128xf32, #tpu.memory_space<vmem>>) dst(%dma_wait3A_75 : memref<128x128xf32, #tpu.memory_space<vmem_shared>>)
    %barrier3A = arith.constant 0 : index
    tpu.barrier barrier_id(%barrier3A)
    %eq3A = arith.constant 0 : i32
    "tpu.trace_stop"() : () -> ()
    %eq3A_76 = arith.cmpi eq, %arg0, %eq3A : i32
    %jit3A = arith.constant 2 : i32
    %jit3A_77 = arith.constant 2 : i32
    %select_n3A = arith.select %eq3A_76, %jit3A, %jit3A_77 : i32
    %while3A = arith.constant 0 : i32
    %while3A_78 = arith.constant 0 : i32
    "tpu.trace_start"() <{level = 10 : i32, message = "edge_phase"}> : () -> ()
    %while3A_79 = arith.subi %select_n3A, %while3A_78 : i32
    %while3A_80 = arith.addi %while3A_78, %while3A_79 : i32
    %while3A_81 = arith.constant 1 : i32
    %while3A_82 = arith.divsi %while3A_79, %while3A_81 : i32
    %while3A_83 = arith.muli %while3A_82, %while3A_81 : i32
    %while3A_84 = arith.addi %while3A_78, %while3A_83 : i32
    %while3A_85 = arith.constant 1 : i32
    scf.for %while3A_189 = %while3A_78 to %while3A_84 step %while3A_85  : i32 {
      %eq3A_190 = arith.constant 0 : i32
      %eq3A_191 = arith.cmpi eq, %arg0, %eq3A_190 : i32
      %mul3A_192 = arith.constant 2 : i32
      %mul3A_193 = arith.muli %mul3A_192, %arg1 : i32
      %add3A_194 = arith.addi %mul3A_193, %while3A_189 : i32
      %mul3A_195 = arith.constant 2 : i32
      %mul3A_196 = arith.muli %mul3A_195, %arg1 : i32
      %add3A_197 = arith.constant 32 : i32
      %add3A_198 = arith.addi %add3A_197, %mul3A_196 : i32
      %add3A_199 = arith.addi %add3A_198, %while3A_189 : i32
      %select_n3A_200 = arith.select %eq3A_191, %add3A_194, %add3A_199 : i32
      %mul3A_201 = arith.constant 40 : i32
      %mul3A_202 = arith.muli %select_n3A_200, %mul3A_201 : i32
      %run_scoped3A = arith.constant 0 : i32
      "tpu.region"() ({
        %run_scoped3A_216 = tpu.sem_alloc : memref<!tpu.dma_semaphore, #tpu.memory_space<semaphore_mem>>
        %dma_start3A_217 = arith.constant 0 : i32
        %dma_start3A_218 = tpu.memref_slice %arg3[%run_scoped3A, %mul3A_202, %dma_start3A_217] : memref<2x2560x128xi32, #tpu.memory_space<hbm>> -> memref<1x40x128xi32, #tpu.memory_space<hbm>>
        %dma_start3A_219 = tpu.memref_squeeze %dma_start3A_218 : memref<1x40x128xi32, #tpu.memory_space<hbm>> -> memref<40x128xi32, #tpu.memory_space<hbm>>
        %dma_start3A_220 = arith.constant 0 : i32
        %dma_start3A_221 = tpu.memref_slice %arg3[%run_scoped3A, %mul3A_202, %dma_start3A_220] : memref<2x2560x128xi32, #tpu.memory_space<hbm>> -> memref<1x40x128xi32, #tpu.memory_space<hbm>>
        %dma_start3A_222 = tpu.memref_squeeze %dma_start3A_221 : memref<1x40x128xi32, #tpu.memory_space<hbm>> -> memref<40x128xi32, #tpu.memory_space<hbm>>
        tpu.enqueue_dma source(%dma_start3A_222 : memref<40x128xi32, #tpu.memory_space<hbm>>) target(%arg6 : memref<40x128xi32, #tpu.memory_space<vmem>>) target_semaphore(%run_scoped3A_216 : memref<!tpu.dma_semaphore, #tpu.memory_space<semaphore_mem>>)
        %dma_wait3A_223 = arith.constant 0 : i32
        %dma_wait3A_224 = tpu.memref_slice %arg3[%run_scoped3A, %mul3A_202, %dma_wait3A_223] : memref<2x2560x128xi32, #tpu.memory_space<hbm>> -> memref<1x40x128xi32, #tpu.memory_space<hbm>>
        %dma_wait3A_225 = tpu.memref_squeeze %dma_wait3A_224 : memref<1x40x128xi32, #tpu.memory_space<hbm>> -> memref<40x128xi32, #tpu.memory_space<hbm>>
        %dma_wait3A_226 = arith.constant 0 : i32
        %dma_wait3A_227 = tpu.memref_slice %arg3[%run_scoped3A, %mul3A_202, %dma_wait3A_226] : memref<2x2560x128xi32, #tpu.memory_space<hbm>> -> memref<1x40x128xi32, #tpu.memory_space<hbm>>
        %dma_wait3A_228 = tpu.memref_squeeze %dma_wait3A_227 : memref<1x40x128xi32, #tpu.memory_space<hbm>> -> memref<40x128xi32, #tpu.memory_space<hbm>>
        tpu.wait_dma2 semaphore(%run_scoped3A_216 : memref<!tpu.dma_semaphore, #tpu.memory_space<semaphore_mem>>) src(%dma_wait3A_228 : memref<40x128xi32, #tpu.memory_space<hbm>>) dst(%arg6 : memref<40x128xi32, #tpu.memory_space<vmem>>)
        tpu.yield
      }) : () -> ()
      %run_scoped3A_203 = arith.constant 1 : i32
      "tpu.region"() ({
        %run_scoped3A_216 = tpu.sem_alloc : memref<!tpu.dma_semaphore, #tpu.memory_space<semaphore_mem>>
        %dma_start3A_217 = arith.constant 0 : i32
        %dma_start3A_218 = tpu.memref_slice %arg3[%run_scoped3A_203, %mul3A_202, %dma_start3A_217] : memref<2x2560x128xi32, #tpu.memory_space<hbm>> -> memref<1x40x128xi32, #tpu.memory_space<hbm>>
        %dma_start3A_219 = tpu.memref_squeeze %dma_start3A_218 : memref<1x40x128xi32, #tpu.memory_space<hbm>> -> memref<40x128xi32, #tpu.memory_space<hbm>>
        %dma_start3A_220 = arith.constant 0 : i32
        %dma_start3A_221 = tpu.memref_slice %arg3[%run_scoped3A_203, %mul3A_202, %dma_start3A_220] : memref<2x2560x128xi32, #tpu.memory_space<hbm>> -> memref<1x40x128xi32, #tpu.memory_space<hbm>>
        %dma_start3A_222 = tpu.memref_squeeze %dma_start3A_221 : memref<1x40x128xi32, #tpu.memory_space<hbm>> -> memref<40x128xi32, #tpu.memory_space<hbm>>
        tpu.enqueue_dma source(%dma_start3A_222 : memref<40x128xi32, #tpu.memory_space<hbm>>) target(%arg7 : memref<40x128xi32, #tpu.memory_space<vmem>>) target_semaphore(%run_scoped3A_216 : memref<!tpu.dma_semaphore, #tpu.memory_space<semaphore_mem>>)
        %dma_wait3A_223 = arith.constant 0 : i32
        %dma_wait3A_224 = tpu.memref_slice %arg3[%run_scoped3A_203, %mul3A_202, %dma_wait3A_223] : memref<2x2560x128xi32, #tpu.memory_space<hbm>> -> memref<1x40x128xi32, #tpu.memory_space<hbm>>
        %dma_wait3A_225 = tpu.memref_squeeze %dma_wait3A_224 : memref<1x40x128xi32, #tpu.memory_space<hbm>> -> memref<40x128xi32, #tpu.memory_space<hbm>>
        %dma_wait3A_226 = arith.constant 0 : i32
        %dma_wait3A_227 = tpu.memref_slice %arg3[%run_scoped3A_203, %mul3A_202, %dma_wait3A_226] : memref<2x2560x128xi32, #tpu.memory_space<hbm>> -> memref<1x40x128xi32, #tpu.memory_space<hbm>>
        %dma_wait3A_228 = tpu.memref_squeeze %dma_wait3A_227 : memref<1x40x128xi32, #tpu.memory_space<hbm>> -> memref<40x128xi32, #tpu.memory_space<hbm>>
        tpu.wait_dma2 semaphore(%run_scoped3A_216 : memref<!tpu.dma_semaphore, #tpu.memory_space<semaphore_mem>>) src(%dma_wait3A_228 : memref<40x128xi32, #tpu.memory_space<hbm>>) dst(%arg7 : memref<40x128xi32, #tpu.memory_space<vmem>>)
        tpu.yield
      }) : () -> ()
      %dma_start3A_204 = arith.constant 0 : i32
      %dma_start3A_205 = arith.constant 0 : i32
      %dma_start3A_206 = tpu.memref_slice %arg6[%dma_start3A_204, %dma_start3A_205] : memref<40x128xi32, #tpu.memory_space<vmem>> -> memref<1x128xi32, #tpu.memory_space<vmem>>
      %dma_start3A_207 = tpu.memref_squeeze %dma_start3A_206 : memref<1x128xi32, #tpu.memory_space<vmem>> -> memref<128xi32, #tpu.memory_space<vmem>>
      %dma_start3A_208 = arith.constant 0 : i32
      %dma_start3A_209 = arith.constant 0 : i32
      %dma_start3A_210 = tpu.memref_slice %arg2[%dma_start3A_208, %dma_start3A_209] : memref<10240x128xf32, #tpu.memory_space<hbm>> -> memref<10240x128xf32, #tpu.memory_space<hbm>>
      tpu.enqueue_indirect_dma source(%dma_start3A_210 : memref<10240x128xf32, #tpu.memory_space<hbm>>) target(%arg8 : memref<128x128xf32, #tpu.memory_space<vmem>>) offsets(%dma_start3A_207 : memref<128xi32, #tpu.memory_space<vmem>>) semaphore(%arg11 : memref<!tpu.dma_semaphore, #tpu.memory_space<semaphore_mem>>)
      %scan3A = arith.constant 0 : i32
      %scan3A_211 = arith.constant 0 : i32
      %scan3A_212 = arith.constant 20 : i32
      %scan3A_213 = arith.addi %scan3A_211, %scan3A_212 : i32
      %scan3A_214 = arith.constant 1 : i32
      scf.for %scan3A_216 = %scan3A_211 to %scan3A_213 step %scan3A_214  : i32 {
        %mul3A_217 = arith.constant 2 : i32
        %mul3A_218 = arith.muli %mul3A_217, %scan3A_216 : i32
        %add3A_219 = arith.constant 1 : i32
        %add3A_220 = arith.addi %mul3A_218, %add3A_219 : i32
        %dma_start3A_221 = arith.constant 0 : i32
        %dma_start3A_222 = tpu.memref_slice %arg6[%add3A_220, %dma_start3A_221] : memref<40x128xi32, #tpu.memory_space<vmem>> -> memref<1x128xi32, #tpu.memory_space<vmem>>
        %dma_start3A_223 = tpu.memref_squeeze %dma_start3A_222 : memref<1x128xi32, #tpu.memory_space<vmem>> -> memref<128xi32, #tpu.memory_space<vmem>>
        %dma_start3A_224 = arith.constant 0 : i32
        %dma_start3A_225 = arith.constant 0 : i32
        %dma_start3A_226 = tpu.memref_slice %arg2[%dma_start3A_224, %dma_start3A_225] : memref<10240x128xf32, #tpu.memory_space<hbm>> -> memref<10240x128xf32, #tpu.memory_space<hbm>>
        tpu.enqueue_indirect_dma source(%dma_start3A_226 : memref<10240x128xf32, #tpu.memory_space<hbm>>) target(%arg9 : memref<128x128xf32, #tpu.memory_space<vmem>>) offsets(%dma_start3A_223 : memref<128xi32, #tpu.memory_space<vmem>>) semaphore(%arg12 : memref<!tpu.dma_semaphore, #tpu.memory_space<semaphore_mem>>)
        %dma_wait3A_227 = arith.constant 0 : i32
        %dma_wait3A_228 = tpu.memref_slice %arg6[%mul3A_218, %dma_wait3A_227] : memref<40x128xi32, #tpu.memory_space<vmem>> -> memref<1x128xi32, #tpu.memory_space<vmem>>
        %dma_wait3A_229 = tpu.memref_squeeze %dma_wait3A_228 : memref<1x128xi32, #tpu.memory_space<vmem>> -> memref<128xi32, #tpu.memory_space<vmem>>
        %dma_wait3A_230 = arith.constant 0 : i32
        %dma_wait3A_231 = arith.constant 0 : i32
        %dma_wait3A_232 = tpu.memref_slice %arg2[%dma_wait3A_230, %dma_wait3A_231] : memref<10240x128xf32, #tpu.memory_space<hbm>> -> memref<10240x128xf32, #tpu.memory_space<hbm>>
        tpu.wait_indirect_dma semaphore(%arg11 : memref<!tpu.dma_semaphore, #tpu.memory_space<semaphore_mem>>) src(%dma_wait3A_232 : memref<10240x128xf32, #tpu.memory_space<hbm>>) dst(%arg8 : memref<128x128xf32, #tpu.memory_space<vmem>>)
        "tpu.region"() ({
          %run_scoped3A_245 = tpu.sem_alloc : memref<!tpu.dma_semaphore, #tpu.memory_space<semaphore_mem>>
          %dma_start3A_246 = arith.constant 0 : i32
          %dma_start3A_247 = tpu.memref_slice %arg7[%mul3A_218, %dma_start3A_246] : memref<40x128xi32, #tpu.memory_space<vmem>> -> memref<1x128xi32, #tpu.memory_space<vmem>>
          %dma_start3A_248 = tpu.memref_squeeze %dma_start3A_247 : memref<1x128xi32, #tpu.memory_space<vmem>> -> memref<128xi32, #tpu.memory_space<vmem>>
          %dma_start3A_249 = arith.constant 0 : i32
          %dma_start3A_250 = arith.constant 0 : i32
          %dma_start3A_251 = tpu.memref_slice %arg10[%dma_start3A_249, %dma_start3A_250] : memref<10240x128xf32, #tpu.memory_space<vmem_shared>> -> memref<10240x128xf32, #tpu.memory_space<vmem_shared>>
          tpu.enqueue_indirect_dma source(%arg8 : memref<128x128xf32, #tpu.memory_space<vmem>>) target(%dma_start3A_251 : memref<10240x128xf32, #tpu.memory_space<vmem_shared>>) offsets(%dma_start3A_248 : memref<128xi32, #tpu.memory_space<vmem>>) semaphore(%run_scoped3A_245 : memref<!tpu.dma_semaphore, #tpu.memory_space<semaphore_mem>>) {add = true}
          %dma_wait3A_252 = arith.constant 0 : i32
          %dma_wait3A_253 = tpu.memref_slice %arg7[%mul3A_218, %dma_wait3A_252] : memref<40x128xi32, #tpu.memory_space<vmem>> -> memref<1x128xi32, #tpu.memory_space<vmem>>
          %dma_wait3A_254 = tpu.memref_squeeze %dma_wait3A_253 : memref<1x128xi32, #tpu.memory_space<vmem>> -> memref<128xi32, #tpu.memory_space<vmem>>
          %dma_wait3A_255 = arith.constant 0 : i32
          %dma_wait3A_256 = arith.constant 0 : i32
          %dma_wait3A_257 = tpu.memref_slice %arg10[%dma_wait3A_255, %dma_wait3A_256] : memref<10240x128xf32, #tpu.memory_space<vmem_shared>> -> memref<10240x128xf32, #tpu.memory_space<vmem_shared>>
          tpu.wait_indirect_dma semaphore(%run_scoped3A_245 : memref<!tpu.dma_semaphore, #tpu.memory_space<semaphore_mem>>) src(%arg8 : memref<128x128xf32, #tpu.memory_space<vmem>>) dst(%dma_wait3A_257 : memref<10240x128xf32, #tpu.memory_space<vmem_shared>>)
          tpu.yield
        }) : () -> ()
        %lt3A = arith.constant 19 : i32
        %lt3A_233 = arith.cmpi slt, %scan3A_216, %lt3A : i32
        %convert_element_type3A = arith.extui %lt3A_233 : i1 to i32
        %cond3A = arith.constant 0 : i32
        %cond3A_234 = arith.cmpi ne, %convert_element_type3A, %cond3A : i32
        scf.if %cond3A_234 {
          %add3A_245 = arith.constant 2 : i32
          %add3A_246 = arith.addi %mul3A_218, %add3A_245 : i32
          %dma_start3A_247 = arith.constant 0 : i32
          %dma_start3A_248 = tpu.memref_slice %arg6[%add3A_246, %dma_start3A_247] : memref<40x128xi32, #tpu.memory_space<vmem>> -> memref<1x128xi32, #tpu.memory_space<vmem>>
          %dma_start3A_249 = tpu.memref_squeeze %dma_start3A_248 : memref<1x128xi32, #tpu.memory_space<vmem>> -> memref<128xi32, #tpu.memory_space<vmem>>
          %dma_start3A_250 = arith.constant 0 : i32
          %dma_start3A_251 = arith.constant 0 : i32
          %dma_start3A_252 = tpu.memref_slice %arg2[%dma_start3A_250, %dma_start3A_251] : memref<10240x128xf32, #tpu.memory_space<hbm>> -> memref<10240x128xf32, #tpu.memory_space<hbm>>
          tpu.enqueue_indirect_dma source(%dma_start3A_252 : memref<10240x128xf32, #tpu.memory_space<hbm>>) target(%arg8 : memref<128x128xf32, #tpu.memory_space<vmem>>) offsets(%dma_start3A_249 : memref<128xi32, #tpu.memory_space<vmem>>) semaphore(%arg11 : memref<!tpu.dma_semaphore, #tpu.memory_space<semaphore_mem>>)
        } else {
        }
        %add3A_235 = arith.constant 1 : i32
        %add3A_236 = arith.addi %mul3A_218, %add3A_235 : i32
        %dma_wait3A_237 = arith.constant 0 : i32
        %dma_wait3A_238 = tpu.memref_slice %arg6[%add3A_236, %dma_wait3A_237] : memref<40x128xi32, #tpu.memory_space<vmem>> -> memref<1x128xi32, #tpu.memory_space<vmem>>
        %dma_wait3A_239 = tpu.memref_squeeze %dma_wait3A_238 : memref<1x128xi32, #tpu.memory_space<vmem>> -> memref<128xi32, #tpu.memory_space<vmem>>
        %dma_wait3A_240 = arith.constant 0 : i32
        %dma_wait3A_241 = arith.constant 0 : i32
        %dma_wait3A_242 = tpu.memref_slice %arg2[%dma_wait3A_240, %dma_wait3A_241] : memref<10240x128xf32, #tpu.memory_space<hbm>> -> memref<10240x128xf32, #tpu.memory_space<hbm>>
        tpu.wait_indirect_dma semaphore(%arg12 : memref<!tpu.dma_semaphore, #tpu.memory_space<semaphore_mem>>) src(%dma_wait3A_242 : memref<10240x128xf32, #tpu.memory_space<hbm>>) dst(%arg9 : memref<128x128xf32, #tpu.memory_space<vmem>>)
        %add3A_243 = arith.constant 1 : i32
        %add3A_244 = arith.addi %mul3A_218, %add3A_243 : i32
        "tpu.region"() ({
          %run_scoped3A_245 = tpu.sem_alloc : memref<!tpu.dma_semaphore, #tpu.memory_space<semaphore_mem>>
          %dma_start3A_246 = arith.constant 0 : i32
          %dma_start3A_247 = tpu.memref_slice %arg7[%add3A_244, %dma_start3A_246] : memref<40x128xi32, #tpu.memory_space<vmem>> -> memref<1x128xi32, #tpu.memory_space<vmem>>
          %dma_start3A_248 = tpu.memref_squeeze %dma_start3A_247 : memref<1x128xi32, #tpu.memory_space<vmem>> -> memref<128xi32, #tpu.memory_space<vmem>>
          %dma_start3A_249 = arith.constant 0 : i32
          %dma_start3A_250 = arith.constant 0 : i32
          %dma_start3A_251 = tpu.memref_slice %arg10[%dma_start3A_249, %dma_start3A_250] : memref<10240x128xf32, #tpu.memory_space<vmem_shared>> -> memref<10240x128xf32, #tpu.memory_space<vmem_shared>>
          tpu.enqueue_indirect_dma source(%arg9 : memref<128x128xf32, #tpu.memory_space<vmem>>) target(%dma_start3A_251 : memref<10240x128xf32, #tpu.memory_space<vmem_shared>>) offsets(%dma_start3A_248 : memref<128xi32, #tpu.memory_space<vmem>>) semaphore(%run_scoped3A_245 : memref<!tpu.dma_semaphore, #tpu.memory_space<semaphore_mem>>) {add = true}
          %dma_wait3A_252 = arith.constant 0 : i32
          %dma_wait3A_253 = tpu.memref_slice %arg7[%add3A_244, %dma_wait3A_252] : memref<40x128xi32, #tpu.memory_space<vmem>> -> memref<1x128xi32, #tpu.memory_space<vmem>>
          %dma_wait3A_254 = tpu.memref_squeeze %dma_wait3A_253 : memref<1x128xi32, #tpu.memory_space<vmem>> -> memref<128xi32, #tpu.memory_space<vmem>>
          %dma_wait3A_255 = arith.constant 0 : i32
          %dma_wait3A_256 = arith.constant 0 : i32
          %dma_wait3A_257 = tpu.memref_slice %arg10[%dma_wait3A_255, %dma_wait3A_256] : memref<10240x128xf32, #tpu.memory_space<vmem_shared>> -> memref<10240x128xf32, #tpu.memory_space<vmem_shared>>
          tpu.wait_indirect_dma semaphore(%run_scoped3A_245 : memref<!tpu.dma_semaphore, #tpu.memory_space<semaphore_mem>>) src(%arg9 : memref<128x128xf32, #tpu.memory_space<vmem>>) dst(%dma_wait3A_257 : memref<10240x128xf32, #tpu.memory_space<vmem_shared>>)
          tpu.yield
        }) : () -> ()
      }
      %scan3A_215 = arith.constant 20 : i32
    }
    %while3A_86 = arith.constant 1 : i32
    scf.for %while3A_189 = %while3A_84 to %while3A_80 step %while3A_86  : i32 {
      %eq3A_190 = arith.constant 0 : i32
      %eq3A_191 = arith.cmpi eq, %arg0, %eq3A_190 : i32
      %mul3A_192 = arith.constant 2 : i32
      %mul3A_193 = arith.muli %mul3A_192, %arg1 : i32
      %add3A_194 = arith.addi %mul3A_193, %while3A_189 : i32
      %mul3A_195 = arith.constant 2 : i32
      %mul3A_196 = arith.muli %mul3A_195, %arg1 : i32
      %add3A_197 = arith.constant 32 : i32
      %add3A_198 = arith.addi %add3A_197, %mul3A_196 : i32
      %add3A_199 = arith.addi %add3A_198, %while3A_189 : i32
      %select_n3A_200 = arith.select %eq3A_191, %add3A_194, %add3A_199 : i32
      %mul3A_201 = arith.constant 40 : i32
      %mul3A_202 = arith.muli %select_n3A_200, %mul3A_201 : i32
      %run_scoped3A = arith.constant 0 : i32
      "tpu.region"() ({
        %run_scoped3A_216 = tpu.sem_alloc : memref<!tpu.dma_semaphore, #tpu.memory_space<semaphore_mem>>
        %dma_start3A_217 = arith.constant 0 : i32
        %dma_start3A_218 = tpu.memref_slice %arg3[%run_scoped3A, %mul3A_202, %dma_start3A_217] : memref<2x2560x128xi32, #tpu.memory_space<hbm>> -> memref<1x40x128xi32, #tpu.memory_space<hbm>>
        %dma_start3A_219 = tpu.memref_squeeze %dma_start3A_218 : memref<1x40x128xi32, #tpu.memory_space<hbm>> -> memref<40x128xi32, #tpu.memory_space<hbm>>
        %dma_start3A_220 = arith.constant 0 : i32
        %dma_start3A_221 = tpu.memref_slice %arg3[%run_scoped3A, %mul3A_202, %dma_start3A_220] : memref<2x2560x128xi32, #tpu.memory_space<hbm>> -> memref<1x40x128xi32, #tpu.memory_space<hbm>>
        %dma_start3A_222 = tpu.memref_squeeze %dma_start3A_221 : memref<1x40x128xi32, #tpu.memory_space<hbm>> -> memref<40x128xi32, #tpu.memory_space<hbm>>
        tpu.enqueue_dma source(%dma_start3A_222 : memref<40x128xi32, #tpu.memory_space<hbm>>) target(%arg6 : memref<40x128xi32, #tpu.memory_space<vmem>>) target_semaphore(%run_scoped3A_216 : memref<!tpu.dma_semaphore, #tpu.memory_space<semaphore_mem>>)
        %dma_wait3A_223 = arith.constant 0 : i32
        %dma_wait3A_224 = tpu.memref_slice %arg3[%run_scoped3A, %mul3A_202, %dma_wait3A_223] : memref<2x2560x128xi32, #tpu.memory_space<hbm>> -> memref<1x40x128xi32, #tpu.memory_space<hbm>>
        %dma_wait3A_225 = tpu.memref_squeeze %dma_wait3A_224 : memref<1x40x128xi32, #tpu.memory_space<hbm>> -> memref<40x128xi32, #tpu.memory_space<hbm>>
        %dma_wait3A_226 = arith.constant 0 : i32
        %dma_wait3A_227 = tpu.memref_slice %arg3[%run_scoped3A, %mul3A_202, %dma_wait3A_226] : memref<2x2560x128xi32, #tpu.memory_space<hbm>> -> memref<1x40x128xi32, #tpu.memory_space<hbm>>
        %dma_wait3A_228 = tpu.memref_squeeze %dma_wait3A_227 : memref<1x40x128xi32, #tpu.memory_space<hbm>> -> memref<40x128xi32, #tpu.memory_space<hbm>>
        tpu.wait_dma2 semaphore(%run_scoped3A_216 : memref<!tpu.dma_semaphore, #tpu.memory_space<semaphore_mem>>) src(%dma_wait3A_228 : memref<40x128xi32, #tpu.memory_space<hbm>>) dst(%arg6 : memref<40x128xi32, #tpu.memory_space<vmem>>)
        tpu.yield
      }) : () -> ()
      %run_scoped3A_203 = arith.constant 1 : i32
      "tpu.region"() ({
        %run_scoped3A_216 = tpu.sem_alloc : memref<!tpu.dma_semaphore, #tpu.memory_space<semaphore_mem>>
        %dma_start3A_217 = arith.constant 0 : i32
        %dma_start3A_218 = tpu.memref_slice %arg3[%run_scoped3A_203, %mul3A_202, %dma_start3A_217] : memref<2x2560x128xi32, #tpu.memory_space<hbm>> -> memref<1x40x128xi32, #tpu.memory_space<hbm>>
        %dma_start3A_219 = tpu.memref_squeeze %dma_start3A_218 : memref<1x40x128xi32, #tpu.memory_space<hbm>> -> memref<40x128xi32, #tpu.memory_space<hbm>>
        %dma_start3A_220 = arith.constant 0 : i32
        %dma_start3A_221 = tpu.memref_slice %arg3[%run_scoped3A_203, %mul3A_202, %dma_start3A_220] : memref<2x2560x128xi32, #tpu.memory_space<hbm>> -> memref<1x40x128xi32, #tpu.memory_space<hbm>>
        %dma_start3A_222 = tpu.memref_squeeze %dma_start3A_221 : memref<1x40x128xi32, #tpu.memory_space<hbm>> -> memref<40x128xi32, #tpu.memory_space<hbm>>
        tpu.enqueue_dma source(%dma_start3A_222 : memref<40x128xi32, #tpu.memory_space<hbm>>) target(%arg7 : memref<40x128xi32, #tpu.memory_space<vmem>>) target_semaphore(%run_scoped3A_216 : memref<!tpu.dma_semaphore, #tpu.memory_space<semaphore_mem>>)
        %dma_wait3A_223 = arith.constant 0 : i32
        %dma_wait3A_224 = tpu.memref_slice %arg3[%run_scoped3A_203, %mul3A_202, %dma_wait3A_223] : memref<2x2560x128xi32, #tpu.memory_space<hbm>> -> memref<1x40x128xi32, #tpu.memory_space<hbm>>
        %dma_wait3A_225 = tpu.memref_squeeze %dma_wait3A_224 : memref<1x40x128xi32, #tpu.memory_space<hbm>> -> memref<40x128xi32, #tpu.memory_space<hbm>>
        %dma_wait3A_226 = arith.constant 0 : i32
        %dma_wait3A_227 = tpu.memref_slice %arg3[%run_scoped3A_203, %mul3A_202, %dma_wait3A_226] : memref<2x2560x128xi32, #tpu.memory_space<hbm>> -> memref<1x40x128xi32, #tpu.memory_space<hbm>>
        %dma_wait3A_228 = tpu.memref_squeeze %dma_wait3A_227 : memref<1x40x128xi32, #tpu.memory_space<hbm>> -> memref<40x128xi32, #tpu.memory_space<hbm>>
        tpu.wait_dma2 semaphore(%run_scoped3A_216 : memref<!tpu.dma_semaphore, #tpu.memory_space<semaphore_mem>>) src(%dma_wait3A_228 : memref<40x128xi32, #tpu.memory_space<hbm>>) dst(%arg7 : memref<40x128xi32, #tpu.memory_space<vmem>>)
        tpu.yield
      }) : () -> ()
      %dma_start3A_204 = arith.constant 0 : i32
      %dma_start3A_205 = arith.constant 0 : i32
      %dma_start3A_206 = tpu.memref_slice %arg6[%dma_start3A_204, %dma_start3A_205] : memref<40x128xi32, #tpu.memory_space<vmem>> -> memref<1x128xi32, #tpu.memory_space<vmem>>
      %dma_start3A_207 = tpu.memref_squeeze %dma_start3A_206 : memref<1x128xi32, #tpu.memory_space<vmem>> -> memref<128xi32, #tpu.memory_space<vmem>>
      %dma_start3A_208 = arith.constant 0 : i32
      %dma_start3A_209 = arith.constant 0 : i32
      %dma_start3A_210 = tpu.memref_slice %arg2[%dma_start3A_208, %dma_start3A_209] : memref<10240x128xf32, #tpu.memory_space<hbm>> -> memref<10240x128xf32, #tpu.memory_space<hbm>>
      tpu.enqueue_indirect_dma source(%dma_start3A_210 : memref<10240x128xf32, #tpu.memory_space<hbm>>) target(%arg8 : memref<128x128xf32, #tpu.memory_space<vmem>>) offsets(%dma_start3A_207 : memref<128xi32, #tpu.memory_space<vmem>>) semaphore(%arg11 : memref<!tpu.dma_semaphore, #tpu.memory_space<semaphore_mem>>)
      %scan3A = arith.constant 0 : i32
      %scan3A_211 = arith.constant 0 : i32
      %scan3A_212 = arith.constant 20 : i32
      %scan3A_213 = arith.addi %scan3A_211, %scan3A_212 : i32
      %scan3A_214 = arith.constant 1 : i32
      scf.for %scan3A_216 = %scan3A_211 to %scan3A_213 step %scan3A_214  : i32 {
        %mul3A_217 = arith.constant 2 : i32
        %mul3A_218 = arith.muli %mul3A_217, %scan3A_216 : i32
        %add3A_219 = arith.constant 1 : i32
        %add3A_220 = arith.addi %mul3A_218, %add3A_219 : i32
        %dma_start3A_221 = arith.constant 0 : i32
        %dma_start3A_222 = tpu.memref_slice %arg6[%add3A_220, %dma_start3A_221] : memref<40x128xi32, #tpu.memory_space<vmem>> -> memref<1x128xi32, #tpu.memory_space<vmem>>
        %dma_start3A_223 = tpu.memref_squeeze %dma_start3A_222 : memref<1x128xi32, #tpu.memory_space<vmem>> -> memref<128xi32, #tpu.memory_space<vmem>>
        %dma_start3A_224 = arith.constant 0 : i32
        %dma_start3A_225 = arith.constant 0 : i32
        %dma_start3A_226 = tpu.memref_slice %arg2[%dma_start3A_224, %dma_start3A_225] : memref<10240x128xf32, #tpu.memory_space<hbm>> -> memref<10240x128xf32, #tpu.memory_space<hbm>>
        tpu.enqueue_indirect_dma source(%dma_start3A_226 : memref<10240x128xf32, #tpu.memory_space<hbm>>) target(%arg9 : memref<128x128xf32, #tpu.memory_space<vmem>>) offsets(%dma_start3A_223 : memref<128xi32, #tpu.memory_space<vmem>>) semaphore(%arg12 : memref<!tpu.dma_semaphore, #tpu.memory_space<semaphore_mem>>)
        %dma_wait3A_227 = arith.constant 0 : i32
        %dma_wait3A_228 = tpu.memref_slice %arg6[%mul3A_218, %dma_wait3A_227] : memref<40x128xi32, #tpu.memory_space<vmem>> -> memref<1x128xi32, #tpu.memory_space<vmem>>
        %dma_wait3A_229 = tpu.memref_squeeze %dma_wait3A_228 : memref<1x128xi32, #tpu.memory_space<vmem>> -> memref<128xi32, #tpu.memory_space<vmem>>
        %dma_wait3A_230 = arith.constant 0 : i32
        %dma_wait3A_231 = arith.constant 0 : i32
        %dma_wait3A_232 = tpu.memref_slice %arg2[%dma_wait3A_230, %dma_wait3A_231] : memref<10240x128xf32, #tpu.memory_space<hbm>> -> memref<10240x128xf32, #tpu.memory_space<hbm>>
        tpu.wait_indirect_dma semaphore(%arg11 : memref<!tpu.dma_semaphore, #tpu.memory_space<semaphore_mem>>) src(%dma_wait3A_232 : memref<10240x128xf32, #tpu.memory_space<hbm>>) dst(%arg8 : memref<128x128xf32, #tpu.memory_space<vmem>>)
        "tpu.region"() ({
          %run_scoped3A_245 = tpu.sem_alloc : memref<!tpu.dma_semaphore, #tpu.memory_space<semaphore_mem>>
          %dma_start3A_246 = arith.constant 0 : i32
          %dma_start3A_247 = tpu.memref_slice %arg7[%mul3A_218, %dma_start3A_246] : memref<40x128xi32, #tpu.memory_space<vmem>> -> memref<1x128xi32, #tpu.memory_space<vmem>>
          %dma_start3A_248 = tpu.memref_squeeze %dma_start3A_247 : memref<1x128xi32, #tpu.memory_space<vmem>> -> memref<128xi32, #tpu.memory_space<vmem>>
          %dma_start3A_249 = arith.constant 0 : i32
          %dma_start3A_250 = arith.constant 0 : i32
          %dma_start3A_251 = tpu.memref_slice %arg10[%dma_start3A_249, %dma_start3A_250] : memref<10240x128xf32, #tpu.memory_space<vmem_shared>> -> memref<10240x128xf32, #tpu.memory_space<vmem_shared>>
          tpu.enqueue_indirect_dma source(%arg8 : memref<128x128xf32, #tpu.memory_space<vmem>>) target(%dma_start3A_251 : memref<10240x128xf32, #tpu.memory_space<vmem_shared>>) offsets(%dma_start3A_248 : memref<128xi32, #tpu.memory_space<vmem>>) semaphore(%run_scoped3A_245 : memref<!tpu.dma_semaphore, #tpu.memory_space<semaphore_mem>>) {add = true}
          %dma_wait3A_252 = arith.constant 0 : i32
          %dma_wait3A_253 = tpu.memref_slice %arg7[%mul3A_218, %dma_wait3A_252] : memref<40x128xi32, #tpu.memory_space<vmem>> -> memref<1x128xi32, #tpu.memory_space<vmem>>
          %dma_wait3A_254 = tpu.memref_squeeze %dma_wait3A_253 : memref<1x128xi32, #tpu.memory_space<vmem>> -> memref<128xi32, #tpu.memory_space<vmem>>
          %dma_wait3A_255 = arith.constant 0 : i32
          %dma_wait3A_256 = arith.constant 0 : i32
          %dma_wait3A_257 = tpu.memref_slice %arg10[%dma_wait3A_255, %dma_wait3A_256] : memref<10240x128xf32, #tpu.memory_space<vmem_shared>> -> memref<10240x128xf32, #tpu.memory_space<vmem_shared>>
          tpu.wait_indirect_dma semaphore(%run_scoped3A_245 : memref<!tpu.dma_semaphore, #tpu.memory_space<semaphore_mem>>) src(%arg8 : memref<128x128xf32, #tpu.memory_space<vmem>>) dst(%dma_wait3A_257 : memref<10240x128xf32, #tpu.memory_space<vmem_shared>>)
          tpu.yield
        }) : () -> ()
        %lt3A = arith.constant 19 : i32
        %lt3A_233 = arith.cmpi slt, %scan3A_216, %lt3A : i32
        %convert_element_type3A = arith.extui %lt3A_233 : i1 to i32
        %cond3A = arith.constant 0 : i32
        %cond3A_234 = arith.cmpi ne, %convert_element_type3A, %cond3A : i32
        scf.if %cond3A_234 {
          %add3A_245 = arith.constant 2 : i32
          %add3A_246 = arith.addi %mul3A_218, %add3A_245 : i32
          %dma_start3A_247 = arith.constant 0 : i32
          %dma_start3A_248 = tpu.memref_slice %arg6[%add3A_246, %dma_start3A_247] : memref<40x128xi32, #tpu.memory_space<vmem>> -> memref<1x128xi32, #tpu.memory_space<vmem>>
          %dma_start3A_249 = tpu.memref_squeeze %dma_start3A_248 : memref<1x128xi32, #tpu.memory_space<vmem>> -> memref<128xi32, #tpu.memory_space<vmem>>
          %dma_start3A_250 = arith.constant 0 : i32
          %dma_start3A_251 = arith.constant 0 : i32
          %dma_start3A_252 = tpu.memref_slice %arg2[%dma_start3A_250, %dma_start3A_251] : memref<10240x128xf32, #tpu.memory_space<hbm>> -> memref<10240x128xf32, #tpu.memory_space<hbm>>
          tpu.enqueue_indirect_dma source(%dma_start3A_252 : memref<10240x128xf32, #tpu.memory_space<hbm>>) target(%arg8 : memref<128x128xf32, #tpu.memory_space<vmem>>) offsets(%dma_start3A_249 : memref<128xi32, #tpu.memory_space<vmem>>) semaphore(%arg11 : memref<!tpu.dma_semaphore, #tpu.memory_space<semaphore_mem>>)
        } else {
        }
        %add3A_235 = arith.constant 1 : i32
        %add3A_236 = arith.addi %mul3A_218, %add3A_235 : i32
        %dma_wait3A_237 = arith.constant 0 : i32
        %dma_wait3A_238 = tpu.memref_slice %arg6[%add3A_236, %dma_wait3A_237] : memref<40x128xi32, #tpu.memory_space<vmem>> -> memref<1x128xi32, #tpu.memory_space<vmem>>
        %dma_wait3A_239 = tpu.memref_squeeze %dma_wait3A_238 : memref<1x128xi32, #tpu.memory_space<vmem>> -> memref<128xi32, #tpu.memory_space<vmem>>
        %dma_wait3A_240 = arith.constant 0 : i32
        %dma_wait3A_241 = arith.constant 0 : i32
        %dma_wait3A_242 = tpu.memref_slice %arg2[%dma_wait3A_240, %dma_wait3A_241] : memref<10240x128xf32, #tpu.memory_space<hbm>> -> memref<10240x128xf32, #tpu.memory_space<hbm>>
        tpu.wait_indirect_dma semaphore(%arg12 : memref<!tpu.dma_semaphore, #tpu.memory_space<semaphore_mem>>) src(%dma_wait3A_242 : memref<10240x128xf32, #tpu.memory_space<hbm>>) dst(%arg9 : memref<128x128xf32, #tpu.memory_space<vmem>>)
        %add3A_243 = arith.constant 1 : i32
        %add3A_244 = arith.addi %mul3A_218, %add3A_243 : i32
        "tpu.region"() ({
          %run_scoped3A_245 = tpu.sem_alloc : memref<!tpu.dma_semaphore, #tpu.memory_space<semaphore_mem>>
          %dma_start3A_246 = arith.constant 0 : i32
          %dma_start3A_247 = tpu.memref_slice %arg7[%add3A_244, %dma_start3A_246] : memref<40x128xi32, #tpu.memory_space<vmem>> -> memref<1x128xi32, #tpu.memory_space<vmem>>
          %dma_start3A_248 = tpu.memref_squeeze %dma_start3A_247 : memref<1x128xi32, #tpu.memory_space<vmem>> -> memref<128xi32, #tpu.memory_space<vmem>>
          %dma_start3A_249 = arith.constant 0 : i32
          %dma_start3A_250 = arith.constant 0 : i32
          %dma_start3A_251 = tpu.memref_slice %arg10[%dma_start3A_249, %dma_start3A_250] : memref<10240x128xf32, #tpu.memory_space<vmem_shared>> -> memref<10240x128xf32, #tpu.memory_space<vmem_shared>>
          tpu.enqueue_indirect_dma source(%arg9 : memref<128x128xf32, #tpu.memory_space<vmem>>) target(%dma_start3A_251 : memref<10240x128xf32, #tpu.memory_space<vmem_shared>>) offsets(%dma_start3A_248 : memref<128xi32, #tpu.memory_space<vmem>>) semaphore(%run_scoped3A_245 : memref<!tpu.dma_semaphore, #tpu.memory_space<semaphore_mem>>) {add = true}
          %dma_wait3A_252 = arith.constant 0 : i32
          %dma_wait3A_253 = tpu.memref_slice %arg7[%add3A_244, %dma_wait3A_252] : memref<40x128xi32, #tpu.memory_space<vmem>> -> memref<1x128xi32, #tpu.memory_space<vmem>>
          %dma_wait3A_254 = tpu.memref_squeeze %dma_wait3A_253 : memref<1x128xi32, #tpu.memory_space<vmem>> -> memref<128xi32, #tpu.memory_space<vmem>>
          %dma_wait3A_255 = arith.constant 0 : i32
          %dma_wait3A_256 = arith.constant 0 : i32
          %dma_wait3A_257 = tpu.memref_slice %arg10[%dma_wait3A_255, %dma_wait3A_256] : memref<10240x128xf32, #tpu.memory_space<vmem_shared>> -> memref<10240x128xf32, #tpu.memory_space<vmem_shared>>
          tpu.wait_indirect_dma semaphore(%run_scoped3A_245 : memref<!tpu.dma_semaphore, #tpu.memory_space<semaphore_mem>>) src(%arg9 : memref<128x128xf32, #tpu.memory_space<vmem>>) dst(%dma_wait3A_257 : memref<10240x128xf32, #tpu.memory_space<vmem_shared>>)
          tpu.yield
        }) : () -> ()
      }
      %scan3A_215 = arith.constant 20 : i32
    }
    %barrier3A_87 = arith.constant 0 : index
    tpu.barrier barrier_id(%barrier3A_87)
    "tpu.trace_stop"() : () -> ()
    "tpu.trace_start"() <{level = 10 : i32, message = "export_phase"}> : () -> ()
    %mul3A_88 = arith.constant 640 : i32
    %mul3A_89 = arith.muli %arg1, %mul3A_88 : i32
    "tpu.region"() ({
      %run_scoped3A = tpu.sem_alloc : memref<!tpu.dma_semaphore, #tpu.memory_space<semaphore_mem>>
      %dma_start3A_189 = arith.constant 0 : i32
      %dma_start3A_190 = tpu.memref_slice %arg10[%mul3A_89, %dma_start3A_189] : memref<10240x128xf32, #tpu.memory_space<vmem_shared>> -> memref<128x128xf32, #tpu.memory_space<vmem_shared>>
      %dma_start3A_191 = arith.constant 0 : i32
      %dma_start3A_192 = tpu.memref_slice %arg10[%mul3A_89, %dma_start3A_191] : memref<10240x128xf32, #tpu.memory_space<vmem_shared>> -> memref<128x128xf32, #tpu.memory_space<vmem_shared>>
      tpu.enqueue_dma source(%dma_start3A_192 : memref<128x128xf32, #tpu.memory_space<vmem_shared>>) target(%arg8 : memref<128x128xf32, #tpu.memory_space<vmem>>) target_semaphore(%run_scoped3A : memref<!tpu.dma_semaphore, #tpu.memory_space<semaphore_mem>>)
      %dma_wait3A_193 = arith.constant 0 : i32
      %dma_wait3A_194 = tpu.memref_slice %arg10[%mul3A_89, %dma_wait3A_193] : memref<10240x128xf32, #tpu.memory_space<vmem_shared>> -> memref<128x128xf32, #tpu.memory_space<vmem_shared>>
      %dma_wait3A_195 = arith.constant 0 : i32
      %dma_wait3A_196 = tpu.memref_slice %arg10[%mul3A_89, %dma_wait3A_195] : memref<10240x128xf32, #tpu.memory_space<vmem_shared>> -> memref<128x128xf32, #tpu.memory_space<vmem_shared>>
      tpu.wait_dma2 semaphore(%run_scoped3A : memref<!tpu.dma_semaphore, #tpu.memory_space<semaphore_mem>>) src(%dma_wait3A_196 : memref<128x128xf32, #tpu.memory_space<vmem_shared>>) dst(%arg8 : memref<128x128xf32, #tpu.memory_space<vmem>>)
      tpu.yield
    }) : () -> ()
    %mul3A_90 = arith.constant 640 : i32
    %mul3A_91 = arith.muli %arg1, %mul3A_90 : i32
    %add3A_92 = arith.constant 0 : i32
    %add3A_93 = arith.addi %mul3A_91, %add3A_92 : i32
    %add3A_94 = arith.constant 128 : i32
    %add3A_95 = arith.addi %add3A_93, %add3A_94 : i32
    "tpu.region"() ({
      %run_scoped3A = tpu.sem_alloc : memref<!tpu.dma_semaphore, #tpu.memory_space<semaphore_mem>>
      %dma_start3A_189 = arith.constant 0 : i32
      %dma_start3A_190 = tpu.memref_slice %arg10[%add3A_95, %dma_start3A_189] : memref<10240x128xf32, #tpu.memory_space<vmem_shared>> -> memref<128x128xf32, #tpu.memory_space<vmem_shared>>
      %dma_start3A_191 = arith.constant 0 : i32
      %dma_start3A_192 = tpu.memref_slice %arg10[%add3A_95, %dma_start3A_191] : memref<10240x128xf32, #tpu.memory_space<vmem_shared>> -> memref<128x128xf32, #tpu.memory_space<vmem_shared>>
      tpu.enqueue_dma source(%dma_start3A_192 : memref<128x128xf32, #tpu.memory_space<vmem_shared>>) target(%arg9 : memref<128x128xf32, #tpu.memory_space<vmem>>) target_semaphore(%run_scoped3A : memref<!tpu.dma_semaphore, #tpu.memory_space<semaphore_mem>>)
      %dma_wait3A_193 = arith.constant 0 : i32
      %dma_wait3A_194 = tpu.memref_slice %arg10[%add3A_95, %dma_wait3A_193] : memref<10240x128xf32, #tpu.memory_space<vmem_shared>> -> memref<128x128xf32, #tpu.memory_space<vmem_shared>>
      %dma_wait3A_195 = arith.constant 0 : i32
      %dma_wait3A_196 = tpu.memref_slice %arg10[%add3A_95, %dma_wait3A_195] : memref<10240x128xf32, #tpu.memory_space<vmem_shared>> -> memref<128x128xf32, #tpu.memory_space<vmem_shared>>
      tpu.wait_dma2 semaphore(%run_scoped3A : memref<!tpu.dma_semaphore, #tpu.memory_space<semaphore_mem>>) src(%dma_wait3A_196 : memref<128x128xf32, #tpu.memory_space<vmem_shared>>) dst(%arg9 : memref<128x128xf32, #tpu.memory_space<vmem>>)
      tpu.yield
    }) : () -> ()
    %dma_start3A_96 = arith.constant 0 : i32
    %dma_start3A_97 = tpu.memref_slice %arg5[%arg0, %add3A_93, %dma_start3A_96] : memref<2x10240x128xf32, #tpu.memory_space<hbm>> -> memref<1x128x128xf32, #tpu.memory_space<hbm>>
    %dma_start3A_98 = tpu.memref_squeeze %dma_start3A_97 : memref<1x128x128xf32, #tpu.memory_space<hbm>> -> memref<128x128xf32, #tpu.memory_space<hbm>>
    %dma_start3A_99 = arith.constant 0 : i32
    %dma_start3A_100 = tpu.memref_slice %arg5[%arg0, %add3A_93, %dma_start3A_99] : memref<2x10240x128xf32, #tpu.memory_space<hbm>> -> memref<1x128x128xf32, #tpu.memory_space<hbm>>
    %dma_start3A_101 = tpu.memref_squeeze %dma_start3A_100 : memref<1x128x128xf32, #tpu.memory_space<hbm>> -> memref<128x128xf32, #tpu.memory_space<hbm>>
    tpu.enqueue_dma source(%arg8 : memref<128x128xf32, #tpu.memory_space<vmem>>) target(%dma_start3A_101 : memref<128x128xf32, #tpu.memory_space<hbm>>) target_semaphore(%arg11 : memref<!tpu.dma_semaphore, #tpu.memory_space<semaphore_mem>>)
    %mul3A_102 = arith.constant 640 : i32
    %mul3A_103 = arith.muli %arg1, %mul3A_102 : i32
    %add3A_104 = arith.constant 128 : i32
    %add3A_105 = arith.addi %mul3A_103, %add3A_104 : i32
    %sub3A = arith.constant 128 : i32
    %sub3A_106 = arith.subi %add3A_105, %sub3A : i32
    %dma_wait3A_107 = arith.constant 0 : i32
    %dma_wait3A_108 = tpu.memref_slice %arg5[%arg0, %sub3A_106, %dma_wait3A_107] : memref<2x10240x128xf32, #tpu.memory_space<hbm>> -> memref<1x128x128xf32, #tpu.memory_space<hbm>>
    %dma_wait3A_109 = tpu.memref_squeeze %dma_wait3A_108 : memref<1x128x128xf32, #tpu.memory_space<hbm>> -> memref<128x128xf32, #tpu.memory_space<hbm>>
    %dma_wait3A_110 = arith.constant 0 : i32
    %dma_wait3A_111 = tpu.memref_slice %arg5[%arg0, %sub3A_106, %dma_wait3A_110] : memref<2x10240x128xf32, #tpu.memory_space<hbm>> -> memref<1x128x128xf32, #tpu.memory_space<hbm>>
    %dma_wait3A_112 = tpu.memref_squeeze %dma_wait3A_111 : memref<1x128x128xf32, #tpu.memory_space<hbm>> -> memref<128x128xf32, #tpu.memory_space<hbm>>
    tpu.wait_dma2 semaphore(%arg11 : memref<!tpu.dma_semaphore, #tpu.memory_space<semaphore_mem>>) src(%arg8 : memref<128x128xf32, #tpu.memory_space<vmem>>) dst(%dma_wait3A_112 : memref<128x128xf32, #tpu.memory_space<hbm>>)
    %add3A_113 = arith.constant 128 : i32
    %add3A_114 = arith.addi %add3A_105, %add3A_113 : i32
    "tpu.region"() ({
      %run_scoped3A = tpu.sem_alloc : memref<!tpu.dma_semaphore, #tpu.memory_space<semaphore_mem>>
      %dma_start3A_189 = arith.constant 0 : i32
      %dma_start3A_190 = tpu.memref_slice %arg10[%add3A_114, %dma_start3A_189] : memref<10240x128xf32, #tpu.memory_space<vmem_shared>> -> memref<128x128xf32, #tpu.memory_space<vmem_shared>>
      %dma_start3A_191 = arith.constant 0 : i32
      %dma_start3A_192 = tpu.memref_slice %arg10[%add3A_114, %dma_start3A_191] : memref<10240x128xf32, #tpu.memory_space<vmem_shared>> -> memref<128x128xf32, #tpu.memory_space<vmem_shared>>
      tpu.enqueue_dma source(%dma_start3A_192 : memref<128x128xf32, #tpu.memory_space<vmem_shared>>) target(%arg8 : memref<128x128xf32, #tpu.memory_space<vmem>>) target_semaphore(%run_scoped3A : memref<!tpu.dma_semaphore, #tpu.memory_space<semaphore_mem>>)
      %dma_wait3A_193 = arith.constant 0 : i32
      %dma_wait3A_194 = tpu.memref_slice %arg10[%add3A_114, %dma_wait3A_193] : memref<10240x128xf32, #tpu.memory_space<vmem_shared>> -> memref<128x128xf32, #tpu.memory_space<vmem_shared>>
      %dma_wait3A_195 = arith.constant 0 : i32
      %dma_wait3A_196 = tpu.memref_slice %arg10[%add3A_114, %dma_wait3A_195] : memref<10240x128xf32, #tpu.memory_space<vmem_shared>> -> memref<128x128xf32, #tpu.memory_space<vmem_shared>>
      tpu.wait_dma2 semaphore(%run_scoped3A : memref<!tpu.dma_semaphore, #tpu.memory_space<semaphore_mem>>) src(%dma_wait3A_196 : memref<128x128xf32, #tpu.memory_space<vmem_shared>>) dst(%arg8 : memref<128x128xf32, #tpu.memory_space<vmem>>)
      tpu.yield
    }) : () -> ()
    %dma_start3A_115 = arith.constant 0 : i32
    %dma_start3A_116 = tpu.memref_slice %arg5[%arg0, %add3A_105, %dma_start3A_115] : memref<2x10240x128xf32, #tpu.memory_space<hbm>> -> memref<1x128x128xf32, #tpu.memory_space<hbm>>
    %dma_start3A_117 = tpu.memref_squeeze %dma_start3A_116 : memref<1x128x128xf32, #tpu.memory_space<hbm>> -> memref<128x128xf32, #tpu.memory_space<hbm>>
    %dma_start3A_118 = arith.constant 0 : i32
    %dma_start3A_119 = tpu.memref_slice %arg5[%arg0, %add3A_105, %dma_start3A_118] : memref<2x10240x128xf32, #tpu.memory_space<hbm>> -> memref<1x128x128xf32, #tpu.memory_space<hbm>>
    %dma_start3A_120 = tpu.memref_squeeze %dma_start3A_119 : memref<1x128x128xf32, #tpu.memory_space<hbm>> -> memref<128x128xf32, #tpu.memory_space<hbm>>
    tpu.enqueue_dma source(%arg9 : memref<128x128xf32, #tpu.memory_space<vmem>>) target(%dma_start3A_120 : memref<128x128xf32, #tpu.memory_space<hbm>>) target_semaphore(%arg12 : memref<!tpu.dma_semaphore, #tpu.memory_space<semaphore_mem>>)
    %mul3A_121 = arith.constant 640 : i32
    %mul3A_122 = arith.muli %arg1, %mul3A_121 : i32
    %add3A_123 = arith.constant 256 : i32
    %add3A_124 = arith.addi %mul3A_122, %add3A_123 : i32
    %sub3A_125 = arith.constant 128 : i32
    %sub3A_126 = arith.subi %add3A_124, %sub3A_125 : i32
    %dma_wait3A_127 = arith.constant 0 : i32
    %dma_wait3A_128 = tpu.memref_slice %arg5[%arg0, %sub3A_126, %dma_wait3A_127] : memref<2x10240x128xf32, #tpu.memory_space<hbm>> -> memref<1x128x128xf32, #tpu.memory_space<hbm>>
    %dma_wait3A_129 = tpu.memref_squeeze %dma_wait3A_128 : memref<1x128x128xf32, #tpu.memory_space<hbm>> -> memref<128x128xf32, #tpu.memory_space<hbm>>
    %dma_wait3A_130 = arith.constant 0 : i32
    %dma_wait3A_131 = tpu.memref_slice %arg5[%arg0, %sub3A_126, %dma_wait3A_130] : memref<2x10240x128xf32, #tpu.memory_space<hbm>> -> memref<1x128x128xf32, #tpu.memory_space<hbm>>
    %dma_wait3A_132 = tpu.memref_squeeze %dma_wait3A_131 : memref<1x128x128xf32, #tpu.memory_space<hbm>> -> memref<128x128xf32, #tpu.memory_space<hbm>>
    tpu.wait_dma2 semaphore(%arg12 : memref<!tpu.dma_semaphore, #tpu.memory_space<semaphore_mem>>) src(%arg9 : memref<128x128xf32, #tpu.memory_space<vmem>>) dst(%dma_wait3A_132 : memref<128x128xf32, #tpu.memory_space<hbm>>)
    %add3A_133 = arith.constant 128 : i32
    %add3A_134 = arith.addi %add3A_124, %add3A_133 : i32
    "tpu.region"() ({
      %run_scoped3A = tpu.sem_alloc : memref<!tpu.dma_semaphore, #tpu.memory_space<semaphore_mem>>
      %dma_start3A_189 = arith.constant 0 : i32
      %dma_start3A_190 = tpu.memref_slice %arg10[%add3A_134, %dma_start3A_189] : memref<10240x128xf32, #tpu.memory_space<vmem_shared>> -> memref<128x128xf32, #tpu.memory_space<vmem_shared>>
      %dma_start3A_191 = arith.constant 0 : i32
      %dma_start3A_192 = tpu.memref_slice %arg10[%add3A_134, %dma_start3A_191] : memref<10240x128xf32, #tpu.memory_space<vmem_shared>> -> memref<128x128xf32, #tpu.memory_space<vmem_shared>>
      tpu.enqueue_dma source(%dma_start3A_192 : memref<128x128xf32, #tpu.memory_space<vmem_shared>>) target(%arg9 : memref<128x128xf32, #tpu.memory_space<vmem>>) target_semaphore(%run_scoped3A : memref<!tpu.dma_semaphore, #tpu.memory_space<semaphore_mem>>)
      %dma_wait3A_193 = arith.constant 0 : i32
      %dma_wait3A_194 = tpu.memref_slice %arg10[%add3A_134, %dma_wait3A_193] : memref<10240x128xf32, #tpu.memory_space<vmem_shared>> -> memref<128x128xf32, #tpu.memory_space<vmem_shared>>
      %dma_wait3A_195 = arith.constant 0 : i32
      %dma_wait3A_196 = tpu.memref_slice %arg10[%add3A_134, %dma_wait3A_195] : memref<10240x128xf32, #tpu.memory_space<vmem_shared>> -> memref<128x128xf32, #tpu.memory_space<vmem_shared>>
      tpu.wait_dma2 semaphore(%run_scoped3A : memref<!tpu.dma_semaphore, #tpu.memory_space<semaphore_mem>>) src(%dma_wait3A_196 : memref<128x128xf32, #tpu.memory_space<vmem_shared>>) dst(%arg9 : memref<128x128xf32, #tpu.memory_space<vmem>>)
      tpu.yield
    }) : () -> ()
    %dma_start3A_135 = arith.constant 0 : i32
    %dma_start3A_136 = tpu.memref_slice %arg5[%arg0, %add3A_124, %dma_start3A_135] : memref<2x10240x128xf32, #tpu.memory_space<hbm>> -> memref<1x128x128xf32, #tpu.memory_space<hbm>>
    %dma_start3A_137 = tpu.memref_squeeze %dma_start3A_136 : memref<1x128x128xf32, #tpu.memory_space<hbm>> -> memref<128x128xf32, #tpu.memory_space<hbm>>
    %dma_start3A_138 = arith.constant 0 : i32
    %dma_start3A_139 = tpu.memref_slice %arg5[%arg0, %add3A_124, %dma_start3A_138] : memref<2x10240x128xf32, #tpu.memory_space<hbm>> -> memref<1x128x128xf32, #tpu.memory_space<hbm>>
    %dma_start3A_140 = tpu.memref_squeeze %dma_start3A_139 : memref<1x128x128xf32, #tpu.memory_space<hbm>> -> memref<128x128xf32, #tpu.memory_space<hbm>>
    tpu.enqueue_dma source(%arg8 : memref<128x128xf32, #tpu.memory_space<vmem>>) target(%dma_start3A_140 : memref<128x128xf32, #tpu.memory_space<hbm>>) target_semaphore(%arg11 : memref<!tpu.dma_semaphore, #tpu.memory_space<semaphore_mem>>)
    %mul3A_141 = arith.constant 640 : i32
    %mul3A_142 = arith.muli %arg1, %mul3A_141 : i32
    %add3A_143 = arith.constant 384 : i32
    %add3A_144 = arith.addi %mul3A_142, %add3A_143 : i32
    %sub3A_145 = arith.constant 128 : i32
    %sub3A_146 = arith.subi %add3A_144, %sub3A_145 : i32
    %dma_wait3A_147 = arith.constant 0 : i32
    %dma_wait3A_148 = tpu.memref_slice %arg5[%arg0, %sub3A_146, %dma_wait3A_147] : memref<2x10240x128xf32, #tpu.memory_space<hbm>> -> memref<1x128x128xf32, #tpu.memory_space<hbm>>
    %dma_wait3A_149 = tpu.memref_squeeze %dma_wait3A_148 : memref<1x128x128xf32, #tpu.memory_space<hbm>> -> memref<128x128xf32, #tpu.memory_space<hbm>>
    %dma_wait3A_150 = arith.constant 0 : i32
    %dma_wait3A_151 = tpu.memref_slice %arg5[%arg0, %sub3A_146, %dma_wait3A_150] : memref<2x10240x128xf32, #tpu.memory_space<hbm>> -> memref<1x128x128xf32, #tpu.memory_space<hbm>>
    %dma_wait3A_152 = tpu.memref_squeeze %dma_wait3A_151 : memref<1x128x128xf32, #tpu.memory_space<hbm>> -> memref<128x128xf32, #tpu.memory_space<hbm>>
    tpu.wait_dma2 semaphore(%arg11 : memref<!tpu.dma_semaphore, #tpu.memory_space<semaphore_mem>>) src(%arg8 : memref<128x128xf32, #tpu.memory_space<vmem>>) dst(%dma_wait3A_152 : memref<128x128xf32, #tpu.memory_space<hbm>>)
    %add3A_153 = arith.constant 128 : i32
    %add3A_154 = arith.addi %add3A_144, %add3A_153 : i32
    "tpu.region"() ({
      %run_scoped3A = tpu.sem_alloc : memref<!tpu.dma_semaphore, #tpu.memory_space<semaphore_mem>>
      %dma_start3A_189 = arith.constant 0 : i32
      %dma_start3A_190 = tpu.memref_slice %arg10[%add3A_154, %dma_start3A_189] : memref<10240x128xf32, #tpu.memory_space<vmem_shared>> -> memref<128x128xf32, #tpu.memory_space<vmem_shared>>
      %dma_start3A_191 = arith.constant 0 : i32
      %dma_start3A_192 = tpu.memref_slice %arg10[%add3A_154, %dma_start3A_191] : memref<10240x128xf32, #tpu.memory_space<vmem_shared>> -> memref<128x128xf32, #tpu.memory_space<vmem_shared>>
      tpu.enqueue_dma source(%dma_start3A_192 : memref<128x128xf32, #tpu.memory_space<vmem_shared>>) target(%arg8 : memref<128x128xf32, #tpu.memory_space<vmem>>) target_semaphore(%run_scoped3A : memref<!tpu.dma_semaphore, #tpu.memory_space<semaphore_mem>>)
      %dma_wait3A_193 = arith.constant 0 : i32
      %dma_wait3A_194 = tpu.memref_slice %arg10[%add3A_154, %dma_wait3A_193] : memref<10240x128xf32, #tpu.memory_space<vmem_shared>> -> memref<128x128xf32, #tpu.memory_space<vmem_shared>>
      %dma_wait3A_195 = arith.constant 0 : i32
      %dma_wait3A_196 = tpu.memref_slice %arg10[%add3A_154, %dma_wait3A_195] : memref<10240x128xf32, #tpu.memory_space<vmem_shared>> -> memref<128x128xf32, #tpu.memory_space<vmem_shared>>
      tpu.wait_dma2 semaphore(%run_scoped3A : memref<!tpu.dma_semaphore, #tpu.memory_space<semaphore_mem>>) src(%dma_wait3A_196 : memref<128x128xf32, #tpu.memory_space<vmem_shared>>) dst(%arg8 : memref<128x128xf32, #tpu.memory_space<vmem>>)
      tpu.yield
    }) : () -> ()
    %dma_start3A_155 = arith.constant 0 : i32
    %dma_start3A_156 = tpu.memref_slice %arg5[%arg0, %add3A_144, %dma_start3A_155] : memref<2x10240x128xf32, #tpu.memory_space<hbm>> -> memref<1x128x128xf32, #tpu.memory_space<hbm>>
    %dma_start3A_157 = tpu.memref_squeeze %dma_start3A_156 : memref<1x128x128xf32, #tpu.memory_space<hbm>> -> memref<128x128xf32, #tpu.memory_space<hbm>>
    %dma_start3A_158 = arith.constant 0 : i32
    %dma_start3A_159 = tpu.memref_slice %arg5[%arg0, %add3A_144, %dma_start3A_158] : memref<2x10240x128xf32, #tpu.memory_space<hbm>> -> memref<1x128x128xf32, #tpu.memory_space<hbm>>
    %dma_start3A_160 = tpu.memref_squeeze %dma_start3A_159 : memref<1x128x128xf32, #tpu.memory_space<hbm>> -> memref<128x128xf32, #tpu.memory_space<hbm>>
    tpu.enqueue_dma source(%arg9 : memref<128x128xf32, #tpu.memory_space<vmem>>) target(%dma_start3A_160 : memref<128x128xf32, #tpu.memory_space<hbm>>) target_semaphore(%arg12 : memref<!tpu.dma_semaphore, #tpu.memory_space<semaphore_mem>>)
    %mul3A_161 = arith.constant 640 : i32
    %mul3A_162 = arith.muli %arg1, %mul3A_161 : i32
    %add3A_163 = arith.constant 512 : i32
    %add3A_164 = arith.addi %mul3A_162, %add3A_163 : i32
    %sub3A_165 = arith.constant 128 : i32
    %sub3A_166 = arith.subi %add3A_164, %sub3A_165 : i32
    %dma_wait3A_167 = arith.constant 0 : i32
    %dma_wait3A_168 = tpu.memref_slice %arg5[%arg0, %sub3A_166, %dma_wait3A_167] : memref<2x10240x128xf32, #tpu.memory_space<hbm>> -> memref<1x128x128xf32, #tpu.memory_space<hbm>>
    %dma_wait3A_169 = tpu.memref_squeeze %dma_wait3A_168 : memref<1x128x128xf32, #tpu.memory_space<hbm>> -> memref<128x128xf32, #tpu.memory_space<hbm>>
    %dma_wait3A_170 = arith.constant 0 : i32
    %dma_wait3A_171 = tpu.memref_slice %arg5[%arg0, %sub3A_166, %dma_wait3A_170] : memref<2x10240x128xf32, #tpu.memory_space<hbm>> -> memref<1x128x128xf32, #tpu.memory_space<hbm>>
    %dma_wait3A_172 = tpu.memref_squeeze %dma_wait3A_171 : memref<1x128x128xf32, #tpu.memory_space<hbm>> -> memref<128x128xf32, #tpu.memory_space<hbm>>
    tpu.wait_dma2 semaphore(%arg12 : memref<!tpu.dma_semaphore, #tpu.memory_space<semaphore_mem>>) src(%arg9 : memref<128x128xf32, #tpu.memory_space<vmem>>) dst(%dma_wait3A_172 : memref<128x128xf32, #tpu.memory_space<hbm>>)
    %dma_start3A_173 = arith.constant 0 : i32
    %dma_start3A_174 = tpu.memref_slice %arg5[%arg0, %add3A_164, %dma_start3A_173] : memref<2x10240x128xf32, #tpu.memory_space<hbm>> -> memref<1x128x128xf32, #tpu.memory_space<hbm>>
    %dma_start3A_175 = tpu.memref_squeeze %dma_start3A_174 : memref<1x128x128xf32, #tpu.memory_space<hbm>> -> memref<128x128xf32, #tpu.memory_space<hbm>>
    %dma_start3A_176 = arith.constant 0 : i32
    %dma_start3A_177 = tpu.memref_slice %arg5[%arg0, %add3A_164, %dma_start3A_176] : memref<2x10240x128xf32, #tpu.memory_space<hbm>> -> memref<1x128x128xf32, #tpu.memory_space<hbm>>
    %dma_start3A_178 = tpu.memref_squeeze %dma_start3A_177 : memref<1x128x128xf32, #tpu.memory_space<hbm>> -> memref<128x128xf32, #tpu.memory_space<hbm>>
    tpu.enqueue_dma source(%arg8 : memref<128x128xf32, #tpu.memory_space<vmem>>) target(%dma_start3A_178 : memref<128x128xf32, #tpu.memory_space<hbm>>) target_semaphore(%arg11 : memref<!tpu.dma_semaphore, #tpu.memory_space<semaphore_mem>>)
    %mul3A_179 = arith.constant 640 : i32
    %mul3A_180 = arith.muli %arg1, %mul3A_179 : i32
    %add3A_181 = arith.constant 512 : i32
    %add3A_182 = arith.addi %mul3A_180, %add3A_181 : i32
    %dma_wait3A_183 = arith.constant 0 : i32
    %dma_wait3A_184 = tpu.memref_slice %arg5[%arg0, %add3A_182, %dma_wait3A_183] : memref<2x10240x128xf32, #tpu.memory_space<hbm>> -> memref<1x128x128xf32, #tpu.memory_space<hbm>>
    %dma_wait3A_185 = tpu.memref_squeeze %dma_wait3A_184 : memref<1x128x128xf32, #tpu.memory_space<hbm>> -> memref<128x128xf32, #tpu.memory_space<hbm>>
    %dma_wait3A_186 = arith.constant 0 : i32
    %dma_wait3A_187 = tpu.memref_slice %arg5[%arg0, %add3A_182, %dma_wait3A_186] : memref<2x10240x128xf32, #tpu.memory_space<hbm>> -> memref<1x128x128xf32, #tpu.memory_space<hbm>>
    %dma_wait3A_188 = tpu.memref_squeeze %dma_wait3A_187 : memref<1x128x128xf32, #tpu.memory_space<hbm>> -> memref<128x128xf32, #tpu.memory_space<hbm>>
    tpu.wait_dma2 semaphore(%arg11 : memref<!tpu.dma_semaphore, #tpu.memory_space<semaphore_mem>>) src(%arg8 : memref<128x128xf32, #tpu.memory_space<vmem>>) dst(%dma_wait3A_188 : memref<128x128xf32, #tpu.memory_space<hbm>>)
    "tpu.trace_stop"() : () -> ()
    return
  }
}

#map = affine_map<(d0, d1) -> (0, 0)>
#map1 = affine_map<(d0, d1) -> (0, 0, 0)>
module attributes {stable_mosaic.version = 14 : i64} {
  func.func @_scatter_body(%arg0: i32, %arg1: i32, %arg2: memref<10240x128xf32, #tpu.memory_space<hbm>>, %arg3: memref<2x2560x128xi32, #tpu.memory_space<hbm>>, %arg4: memref<128x128xf32, #tpu.memory_space<hbm>>, %arg5: memref<2x10240x128xf32, #tpu.memory_space<hbm>>, %arg6: memref<40x128xi32, #tpu.memory_space<vmem>>, %arg7: memref<40x128xi32, #tpu.memory_space<vmem>>, %arg8: memref<128x128xf32, #tpu.memory_space<vmem>>, %arg9: memref<128x128xf32, #tpu.memory_space<vmem>>, %arg10: memref<10240x128xf32, #tpu.memory_space<vmem_shared>>, %arg11: memref<!tpu.dma_semaphore, #tpu.memory_space<semaphore_mem>>, %arg12: memref<!tpu.dma_semaphore, #tpu.memory_space<semaphore_mem>>) attributes {dimension_semantics = [#tpu.dimension_semantics<core_parallel>, #tpu.dimension_semantics<subcore_parallel>], iteration_bounds = array<i64: 2, 16>, scalar_prefetch = 0 : i64, scratch_operands = 7 : i64, tpu.core_type = #tpu.core_type<sc_vector_subcore>, window_params = [{transform_indices = #map}, {transform_indices = #map1}, {transform_indices = #map}, {transform_indices = #map1}]} {
    "tpu.trace_start"() <{level = 10 : i32, message = "zero_phase"}> : () -> ()
    "tpu.region"() ({
      %run_scoped3A = tpu.sem_alloc : memref<!tpu.dma_semaphore, #tpu.memory_space<semaphore_mem>>
      tpu.enqueue_dma source(%arg4 : memref<128x128xf32, #tpu.memory_space<hbm>>) target(%arg8 : memref<128x128xf32, #tpu.memory_space<vmem>>) target_semaphore(%run_scoped3A : memref<!tpu.dma_semaphore, #tpu.memory_space<semaphore_mem>>)
      tpu.wait_dma2 semaphore(%run_scoped3A : memref<!tpu.dma_semaphore, #tpu.memory_space<semaphore_mem>>) src(%arg4 : memref<128x128xf32, #tpu.memory_space<hbm>>) dst(%arg8 : memref<128x128xf32, #tpu.memory_space<vmem>>)
      tpu.yield
    }) : () -> ()
    %mul3A = arith.constant 640 : i32
    %mul3A_0 = arith.muli %arg1, %mul3A : i32
    %add3A = arith.constant 0 : i32
    %add3A_1 = arith.addi %mul3A_0, %add3A : i32
    %dma_start3A = arith.constant 0 : i32
    %dma_start3A_2 = tpu.memref_slice %arg10[%add3A_1, %dma_start3A] : memref<10240x128xf32, #tpu.memory_space<vmem_shared>> -> memref<128x128xf32, #tpu.memory_space<vmem_shared>>
    %dma_start3A_3 = arith.constant 0 : i32
    %dma_start3A_4 = tpu.memref_slice %arg10[%add3A_1, %dma_start3A_3] : memref<10240x128xf32, #tpu.memory_space<vmem_shared>> -> memref<128x128xf32, #tpu.memory_space<vmem_shared>>
    tpu.enqueue_dma source(%arg8 : memref<128x128xf32, #tpu.memory_space<vmem>>) target(%dma_start3A_4 : memref<128x128xf32, #tpu.memory_space<vmem_shared>>) target_semaphore(%arg11 : memref<!tpu.dma_semaphore, #tpu.memory_space<semaphore_mem>>)
    %mul3A_5 = arith.constant 640 : i32
    %mul3A_6 = arith.muli %arg1, %mul3A_5 : i32
    %add3A_7 = arith.constant 128 : i32
    %add3A_8 = arith.addi %mul3A_6, %add3A_7 : i32
    %dma_start3A_9 = arith.constant 0 : i32
    %dma_start3A_10 = tpu.memref_slice %arg10[%add3A_8, %dma_start3A_9] : memref<10240x128xf32, #tpu.memory_space<vmem_shared>> -> memref<128x128xf32, #tpu.memory_space<vmem_shared>>
    %dma_start3A_11 = arith.constant 0 : i32
    %dma_start3A_12 = tpu.memref_slice %arg10[%add3A_8, %dma_start3A_11] : memref<10240x128xf32, #tpu.memory_space<vmem_shared>> -> memref<128x128xf32, #tpu.memory_space<vmem_shared>>
    tpu.enqueue_dma source(%arg8 : memref<128x128xf32, #tpu.memory_space<vmem>>) target(%dma_start3A_12 : memref<128x128xf32, #tpu.memory_space<vmem_shared>>) target_semaphore(%arg11 : memref<!tpu.dma_semaphore, #tpu.memory_space<semaphore_mem>>)
    %mul3A_13 = arith.constant 640 : i32
    %mul3A_14 = arith.muli %arg1, %mul3A_13 : i32
    %add3A_15 = arith.constant 256 : i32
    %add3A_16 = arith.addi %mul3A_14, %add3A_15 : i32
    %dma_start3A_17 = arith.constant 0 : i32
    %dma_start3A_18 = tpu.memref_slice %arg10[%add3A_16, %dma_start3A_17] : memref<10240x128xf32, #tpu.memory_space<vmem_shared>> -> memref<128x128xf32, #tpu.memory_space<vmem_shared>>
    %dma_start3A_19 = arith.constant 0 : i32
    %dma_start3A_20 = tpu.memref_slice %arg10[%add3A_16, %dma_start3A_19] : memref<10240x128xf32, #tpu.memory_space<vmem_shared>> -> memref<128x128xf32, #tpu.memory_space<vmem_shared>>
    tpu.enqueue_dma source(%arg8 : memref<128x128xf32, #tpu.memory_space<vmem>>) target(%dma_start3A_20 : memref<128x128xf32, #tpu.memory_space<vmem_shared>>) target_semaphore(%arg11 : memref<!tpu.dma_semaphore, #tpu.memory_space<semaphore_mem>>)
    %mul3A_21 = arith.constant 640 : i32
    %mul3A_22 = arith.muli %arg1, %mul3A_21 : i32
    %add3A_23 = arith.constant 384 : i32
    %add3A_24 = arith.addi %mul3A_22, %add3A_23 : i32
    %dma_start3A_25 = arith.constant 0 : i32
    %dma_start3A_26 = tpu.memref_slice %arg10[%add3A_24, %dma_start3A_25] : memref<10240x128xf32, #tpu.memory_space<vmem_shared>> -> memref<128x128xf32, #tpu.memory_space<vmem_shared>>
    %dma_start3A_27 = arith.constant 0 : i32
    %dma_start3A_28 = tpu.memref_slice %arg10[%add3A_24, %dma_start3A_27] : memref<10240x128xf32, #tpu.memory_space<vmem_shared>> -> memref<128x128xf32, #tpu.memory_space<vmem_shared>>
    tpu.enqueue_dma source(%arg8 : memref<128x128xf32, #tpu.memory_space<vmem>>) target(%dma_start3A_28 : memref<128x128xf32, #tpu.memory_space<vmem_shared>>) target_semaphore(%arg11 : memref<!tpu.dma_semaphore, #tpu.memory_space<semaphore_mem>>)
    %mul3A_29 = arith.constant 640 : i32
    %mul3A_30 = arith.muli %arg1, %mul3A_29 : i32
    %add3A_31 = arith.constant 512 : i32
    %add3A_32 = arith.addi %mul3A_30, %add3A_31 : i32
    %dma_start3A_33 = arith.constant 0 : i32
    %dma_start3A_34 = tpu.memref_slice %arg10[%add3A_32, %dma_start3A_33] : memref<10240x128xf32, #tpu.memory_space<vmem_shared>> -> memref<128x128xf32, #tpu.memory_space<vmem_shared>>
    %dma_start3A_35 = arith.constant 0 : i32
    %dma_start3A_36 = tpu.memref_slice %arg10[%add3A_32, %dma_start3A_35] : memref<10240x128xf32, #tpu.memory_space<vmem_shared>> -> memref<128x128xf32, #tpu.memory_space<vmem_shared>>
    tpu.enqueue_dma source(%arg8 : memref<128x128xf32, #tpu.memory_space<vmem>>) target(%dma_start3A_36 : memref<128x128xf32, #tpu.memory_space<vmem_shared>>) target_semaphore(%arg11 : memref<!tpu.dma_semaphore, #tpu.memory_space<semaphore_mem>>)
    %mul3A_37 = arith.constant 640 : i32
    %mul3A_38 = arith.muli %arg1, %mul3A_37 : i32
    %add3A_39 = arith.constant 0 : i32
    %add3A_40 = arith.addi %mul3A_38, %add3A_39 : i32
    %dma_wait3A = arith.constant 0 : i32
    %dma_wait3A_41 = tpu.memref_slice %arg10[%add3A_40, %dma_wait3A] : memref<10240x128xf32, #tpu.memory_space<vmem_shared>> -> memref<128x128xf32, #tpu.memory_space<vmem_shared>>
    %dma_wait3A_42 = arith.constant 0 : i32
    %dma_wait3A_43 = tpu.memref_slice %arg10[%add3A_40, %dma_wait3A_42] : memref<10240x128xf32, #tpu.memory_space<vmem_shared>> -> memref<128x128xf32, #tpu.memory_space<vmem_shared>>
    tpu.wait_dma2 semaphore(%arg11 : memref<!tpu.dma_semaphore, #tpu.memory_space<semaphore_mem>>) src(%arg8 : memref<128x128xf32, #tpu.memory_space<vmem>>) dst(%dma_wait3A_43 : memref<128x128xf32, #tpu.memory_space<vmem_shared>>)
    %mul3A_44 = arith.constant 640 : i32
    %mul3A_45 = arith.muli %arg1, %mul3A_44 : i32
    %add3A_46 = arith.constant 128 : i32
    %add3A_47 = arith.addi %mul3A_45, %add3A_46 : i32
    %dma_wait3A_48 = arith.constant 0 : i32
    %dma_wait3A_49 = tpu.memref_slice %arg10[%add3A_47, %dma_wait3A_48] : memref<10240x128xf32, #tpu.memory_space<vmem_shared>> -> memref<128x128xf32, #tpu.memory_space<vmem_shared>>
    %dma_wait3A_50 = arith.constant 0 : i32
    %dma_wait3A_51 = tpu.memref_slice %arg10[%add3A_47, %dma_wait3A_50] : memref<10240x128xf32, #tpu.memory_space<vmem_shared>> -> memref<128x128xf32, #tpu.memory_space<vmem_shared>>
    tpu.wait_dma2 semaphore(%arg11 : memref<!tpu.dma_semaphore, #tpu.memory_space<semaphore_mem>>) src(%arg8 : memref<128x128xf32, #tpu.memory_space<vmem>>) dst(%dma_wait3A_51 : memref<128x128xf32, #tpu.memory_space<vmem_shared>>)
    %mul3A_52 = arith.constant 640 : i32
    %mul3A_53 = arith.muli %arg1, %mul3A_52 : i32
    %add3A_54 = arith.constant 256 : i32
    %add3A_55 = arith.addi %mul3A_53, %add3A_54 : i32
    %dma_wait3A_56 = arith.constant 0 : i32
    %dma_wait3A_57 = tpu.memref_slice %arg10[%add3A_55, %dma_wait3A_56] : memref<10240x128xf32, #tpu.memory_space<vmem_shared>> -> memref<128x128xf32, #tpu.memory_space<vmem_shared>>
    %dma_wait3A_58 = arith.constant 0 : i32
    %dma_wait3A_59 = tpu.memref_slice %arg10[%add3A_55, %dma_wait3A_58] : memref<10240x128xf32, #tpu.memory_space<vmem_shared>> -> memref<128x128xf32, #tpu.memory_space<vmem_shared>>
    tpu.wait_dma2 semaphore(%arg11 : memref<!tpu.dma_semaphore, #tpu.memory_space<semaphore_mem>>) src(%arg8 : memref<128x128xf32, #tpu.memory_space<vmem>>) dst(%dma_wait3A_59 : memref<128x128xf32, #tpu.memory_space<vmem_shared>>)
    %mul3A_60 = arith.constant 640 : i32
    %mul3A_61 = arith.muli %arg1, %mul3A_60 : i32
    %add3A_62 = arith.constant 384 : i32
    %add3A_63 = arith.addi %mul3A_61, %add3A_62 : i32
    %dma_wait3A_64 = arith.constant 0 : i32
    %dma_wait3A_65 = tpu.memref_slice %arg10[%add3A_63, %dma_wait3A_64] : memref<10240x128xf32, #tpu.memory_space<vmem_shared>> -> memref<128x128xf32, #tpu.memory_space<vmem_shared>>
    %dma_wait3A_66 = arith.constant 0 : i32
    %dma_wait3A_67 = tpu.memref_slice %arg10[%add3A_63, %dma_wait3A_66] : memref<10240x128xf32, #tpu.memory_space<vmem_shared>> -> memref<128x128xf32, #tpu.memory_space<vmem_shared>>
    tpu.wait_dma2 semaphore(%arg11 : memref<!tpu.dma_semaphore, #tpu.memory_space<semaphore_mem>>) src(%arg8 : memref<128x128xf32, #tpu.memory_space<vmem>>) dst(%dma_wait3A_67 : memref<128x128xf32, #tpu.memory_space<vmem_shared>>)
    %mul3A_68 = arith.constant 640 : i32
    %mul3A_69 = arith.muli %arg1, %mul3A_68 : i32
    %add3A_70 = arith.constant 512 : i32
    %add3A_71 = arith.addi %mul3A_69, %add3A_70 : i32
    %dma_wait3A_72 = arith.constant 0 : i32
    %dma_wait3A_73 = tpu.memref_slice %arg10[%add3A_71, %dma_wait3A_72] : memref<10240x128xf32, #tpu.memory_space<vmem_shared>> -> memref<128x128xf32, #tpu.memory_space<vmem_shared>>
    %dma_wait3A_74 = arith.constant 0 : i32
    %dma_wait3A_75 = tpu.memref_slice %arg10[%add3A_71, %dma_wait3A_74] : memref<10240x128xf32, #tpu.memory_space<vmem_shared>> -> memref<128x128xf32, #tpu.memory_space<vmem_shared>>
    tpu.wait_dma2 semaphore(%arg11 : memref<!tpu.dma_semaphore, #tpu.memory_space<semaphore_mem>>) src(%arg8 : memref<128x128xf32, #tpu.memory_space<vmem>>) dst(%dma_wait3A_75 : memref<128x128xf32, #tpu.memory_space<vmem_shared>>)
    %barrier3A = arith.constant 0 : index
    tpu.barrier barrier_id(%barrier3A)
    %eq3A = arith.constant 0 : i32
    "tpu.trace_stop"() : () -> ()
    %eq3A_76 = arith.cmpi eq, %arg0, %eq3A : i32
    %jit3A = arith.constant 2 : i32
    %jit3A_77 = arith.constant 2 : i32
    %select_n3A = arith.select %eq3A_76, %jit3A, %jit3A_77 : i32
    %while3A = arith.constant 0 : i32
    %while3A_78 = arith.constant 0 : i32
    "tpu.trace_start"() <{level = 10 : i32, message = "edge_phase"}> : () -> ()
    %while3A_79 = arith.subi %select_n3A, %while3A_78 : i32
    %while3A_80 = arith.addi %while3A_78, %while3A_79 : i32
    %while3A_81 = arith.constant 1 : i32
    %while3A_82 = arith.divsi %while3A_79, %while3A_81 : i32
    %while3A_83 = arith.muli %while3A_82, %while3A_81 : i32
    %while3A_84 = arith.addi %while3A_78, %while3A_83 : i32
    %while3A_85 = arith.constant 1 : i32
    scf.for %while3A_189 = %while3A_78 to %while3A_84 step %while3A_85  : i32 {
      %eq3A_190 = arith.constant 0 : i32
      %eq3A_191 = arith.cmpi eq, %arg0, %eq3A_190 : i32
      %mul3A_192 = arith.constant 2 : i32
      %mul3A_193 = arith.muli %mul3A_192, %arg1 : i32
      %add3A_194 = arith.addi %mul3A_193, %while3A_189 : i32
      %mul3A_195 = arith.constant 2 : i32
      %mul3A_196 = arith.muli %mul3A_195, %arg1 : i32
      %add3A_197 = arith.constant 32 : i32
      %add3A_198 = arith.addi %add3A_197, %mul3A_196 : i32
      %add3A_199 = arith.addi %add3A_198, %while3A_189 : i32
      %select_n3A_200 = arith.select %eq3A_191, %add3A_194, %add3A_199 : i32
      %mul3A_201 = arith.constant 40 : i32
      %mul3A_202 = arith.muli %select_n3A_200, %mul3A_201 : i32
      %run_scoped3A = arith.constant 0 : i32
      "tpu.region"() ({
        %run_scoped3A_216 = tpu.sem_alloc : memref<!tpu.dma_semaphore, #tpu.memory_space<semaphore_mem>>
        %dma_start3A_217 = arith.constant 0 : i32
        %dma_start3A_218 = tpu.memref_slice %arg3[%run_scoped3A, %mul3A_202, %dma_start3A_217] : memref<2x2560x128xi32, #tpu.memory_space<hbm>> -> memref<1x40x128xi32, #tpu.memory_space<hbm>>
        %dma_start3A_219 = tpu.memref_squeeze %dma_start3A_218 : memref<1x40x128xi32, #tpu.memory_space<hbm>> -> memref<40x128xi32, #tpu.memory_space<hbm>>
        %dma_start3A_220 = arith.constant 0 : i32
        %dma_start3A_221 = tpu.memref_slice %arg3[%run_scoped3A, %mul3A_202, %dma_start3A_220] : memref<2x2560x128xi32, #tpu.memory_space<hbm>> -> memref<1x40x128xi32, #tpu.memory_space<hbm>>
        %dma_start3A_222 = tpu.memref_squeeze %dma_start3A_221 : memref<1x40x128xi32, #tpu.memory_space<hbm>> -> memref<40x128xi32, #tpu.memory_space<hbm>>
        tpu.enqueue_dma source(%dma_start3A_222 : memref<40x128xi32, #tpu.memory_space<hbm>>) target(%arg6 : memref<40x128xi32, #tpu.memory_space<vmem>>) target_semaphore(%run_scoped3A_216 : memref<!tpu.dma_semaphore, #tpu.memory_space<semaphore_mem>>)
        %dma_wait3A_223 = arith.constant 0 : i32
        %dma_wait3A_224 = tpu.memref_slice %arg3[%run_scoped3A, %mul3A_202, %dma_wait3A_223] : memref<2x2560x128xi32, #tpu.memory_space<hbm>> -> memref<1x40x128xi32, #tpu.memory_space<hbm>>
        %dma_wait3A_225 = tpu.memref_squeeze %dma_wait3A_224 : memref<1x40x128xi32, #tpu.memory_space<hbm>> -> memref<40x128xi32, #tpu.memory_space<hbm>>
        %dma_wait3A_226 = arith.constant 0 : i32
        %dma_wait3A_227 = tpu.memref_slice %arg3[%run_scoped3A, %mul3A_202, %dma_wait3A_226] : memref<2x2560x128xi32, #tpu.memory_space<hbm>> -> memref<1x40x128xi32, #tpu.memory_space<hbm>>
        %dma_wait3A_228 = tpu.memref_squeeze %dma_wait3A_227 : memref<1x40x128xi32, #tpu.memory_space<hbm>> -> memref<40x128xi32, #tpu.memory_space<hbm>>
        tpu.wait_dma2 semaphore(%run_scoped3A_216 : memref<!tpu.dma_semaphore, #tpu.memory_space<semaphore_mem>>) src(%dma_wait3A_228 : memref<40x128xi32, #tpu.memory_space<hbm>>) dst(%arg6 : memref<40x128xi32, #tpu.memory_space<vmem>>)
        tpu.yield
      }) : () -> ()
      %run_scoped3A_203 = arith.constant 1 : i32
      "tpu.region"() ({
        %run_scoped3A_216 = tpu.sem_alloc : memref<!tpu.dma_semaphore, #tpu.memory_space<semaphore_mem>>
        %dma_start3A_217 = arith.constant 0 : i32
        %dma_start3A_218 = tpu.memref_slice %arg3[%run_scoped3A_203, %mul3A_202, %dma_start3A_217] : memref<2x2560x128xi32, #tpu.memory_space<hbm>> -> memref<1x40x128xi32, #tpu.memory_space<hbm>>
        %dma_start3A_219 = tpu.memref_squeeze %dma_start3A_218 : memref<1x40x128xi32, #tpu.memory_space<hbm>> -> memref<40x128xi32, #tpu.memory_space<hbm>>
        %dma_start3A_220 = arith.constant 0 : i32
        %dma_start3A_221 = tpu.memref_slice %arg3[%run_scoped3A_203, %mul3A_202, %dma_start3A_220] : memref<2x2560x128xi32, #tpu.memory_space<hbm>> -> memref<1x40x128xi32, #tpu.memory_space<hbm>>
        %dma_start3A_222 = tpu.memref_squeeze %dma_start3A_221 : memref<1x40x128xi32, #tpu.memory_space<hbm>> -> memref<40x128xi32, #tpu.memory_space<hbm>>
        tpu.enqueue_dma source(%dma_start3A_222 : memref<40x128xi32, #tpu.memory_space<hbm>>) target(%arg7 : memref<40x128xi32, #tpu.memory_space<vmem>>) target_semaphore(%run_scoped3A_216 : memref<!tpu.dma_semaphore, #tpu.memory_space<semaphore_mem>>)
        %dma_wait3A_223 = arith.constant 0 : i32
        %dma_wait3A_224 = tpu.memref_slice %arg3[%run_scoped3A_203, %mul3A_202, %dma_wait3A_223] : memref<2x2560x128xi32, #tpu.memory_space<hbm>> -> memref<1x40x128xi32, #tpu.memory_space<hbm>>
        %dma_wait3A_225 = tpu.memref_squeeze %dma_wait3A_224 : memref<1x40x128xi32, #tpu.memory_space<hbm>> -> memref<40x128xi32, #tpu.memory_space<hbm>>
        %dma_wait3A_226 = arith.constant 0 : i32
        %dma_wait3A_227 = tpu.memref_slice %arg3[%run_scoped3A_203, %mul3A_202, %dma_wait3A_226] : memref<2x2560x128xi32, #tpu.memory_space<hbm>> -> memref<1x40x128xi32, #tpu.memory_space<hbm>>
        %dma_wait3A_228 = tpu.memref_squeeze %dma_wait3A_227 : memref<1x40x128xi32, #tpu.memory_space<hbm>> -> memref<40x128xi32, #tpu.memory_space<hbm>>
        tpu.wait_dma2 semaphore(%run_scoped3A_216 : memref<!tpu.dma_semaphore, #tpu.memory_space<semaphore_mem>>) src(%dma_wait3A_228 : memref<40x128xi32, #tpu.memory_space<hbm>>) dst(%arg7 : memref<40x128xi32, #tpu.memory_space<vmem>>)
        tpu.yield
      }) : () -> ()
      %dma_start3A_204 = arith.constant 0 : i32
      %dma_start3A_205 = arith.constant 0 : i32
      %dma_start3A_206 = tpu.memref_slice %arg6[%dma_start3A_204, %dma_start3A_205] : memref<40x128xi32, #tpu.memory_space<vmem>> -> memref<1x128xi32, #tpu.memory_space<vmem>>
      %dma_start3A_207 = tpu.memref_squeeze %dma_start3A_206 : memref<1x128xi32, #tpu.memory_space<vmem>> -> memref<128xi32, #tpu.memory_space<vmem>>
      %dma_start3A_208 = arith.constant 0 : i32
      %dma_start3A_209 = arith.constant 0 : i32
      %dma_start3A_210 = tpu.memref_slice %arg2[%dma_start3A_208, %dma_start3A_209] : memref<10240x128xf32, #tpu.memory_space<hbm>> -> memref<10240x128xf32, #tpu.memory_space<hbm>>
      tpu.enqueue_indirect_dma source(%dma_start3A_210 : memref<10240x128xf32, #tpu.memory_space<hbm>>) target(%arg8 : memref<128x128xf32, #tpu.memory_space<vmem>>) offsets(%dma_start3A_207 : memref<128xi32, #tpu.memory_space<vmem>>) semaphore(%arg11 : memref<!tpu.dma_semaphore, #tpu.memory_space<semaphore_mem>>)
      %scan3A = arith.constant 0 : i32
      %scan3A_211 = arith.constant 0 : i32
      %scan3A_212 = arith.constant 20 : i32
      %scan3A_213 = arith.addi %scan3A_211, %scan3A_212 : i32
      %scan3A_214 = arith.constant 1 : i32
      scf.for %scan3A_216 = %scan3A_211 to %scan3A_213 step %scan3A_214  : i32 {
        %mul3A_217 = arith.constant 2 : i32
        %mul3A_218 = arith.muli %mul3A_217, %scan3A_216 : i32
        %add3A_219 = arith.constant 1 : i32
        %add3A_220 = arith.addi %mul3A_218, %add3A_219 : i32
        %dma_start3A_221 = arith.constant 0 : i32
        %dma_start3A_222 = tpu.memref_slice %arg6[%add3A_220, %dma_start3A_221] : memref<40x128xi32, #tpu.memory_space<vmem>> -> memref<1x128xi32, #tpu.memory_space<vmem>>
        %dma_start3A_223 = tpu.memref_squeeze %dma_start3A_222 : memref<1x128xi32, #tpu.memory_space<vmem>> -> memref<128xi32, #tpu.memory_space<vmem>>
        %dma_start3A_224 = arith.constant 0 : i32
        %dma_start3A_225 = arith.constant 0 : i32
        %dma_start3A_226 = tpu.memref_slice %arg2[%dma_start3A_224, %dma_start3A_225] : memref<10240x128xf32, #tpu.memory_space<hbm>> -> memref<10240x128xf32, #tpu.memory_space<hbm>>
        tpu.enqueue_indirect_dma source(%dma_start3A_226 : memref<10240x128xf32, #tpu.memory_space<hbm>>) target(%arg9 : memref<128x128xf32, #tpu.memory_space<vmem>>) offsets(%dma_start3A_223 : memref<128xi32, #tpu.memory_space<vmem>>) semaphore(%arg12 : memref<!tpu.dma_semaphore, #tpu.memory_space<semaphore_mem>>)
        %dma_wait3A_227 = arith.constant 0 : i32
        %dma_wait3A_228 = tpu.memref_slice %arg6[%mul3A_218, %dma_wait3A_227] : memref<40x128xi32, #tpu.memory_space<vmem>> -> memref<1x128xi32, #tpu.memory_space<vmem>>
        %dma_wait3A_229 = tpu.memref_squeeze %dma_wait3A_228 : memref<1x128xi32, #tpu.memory_space<vmem>> -> memref<128xi32, #tpu.memory_space<vmem>>
        %dma_wait3A_230 = arith.constant 0 : i32
        %dma_wait3A_231 = arith.constant 0 : i32
        %dma_wait3A_232 = tpu.memref_slice %arg2[%dma_wait3A_230, %dma_wait3A_231] : memref<10240x128xf32, #tpu.memory_space<hbm>> -> memref<10240x128xf32, #tpu.memory_space<hbm>>
        tpu.wait_indirect_dma semaphore(%arg11 : memref<!tpu.dma_semaphore, #tpu.memory_space<semaphore_mem>>) src(%dma_wait3A_232 : memref<10240x128xf32, #tpu.memory_space<hbm>>) dst(%arg8 : memref<128x128xf32, #tpu.memory_space<vmem>>)
        "tpu.region"() ({
          %run_scoped3A_245 = tpu.sem_alloc : memref<!tpu.dma_semaphore, #tpu.memory_space<semaphore_mem>>
          %dma_start3A_246 = arith.constant 0 : i32
          %dma_start3A_247 = tpu.memref_slice %arg7[%mul3A_218, %dma_start3A_246] : memref<40x128xi32, #tpu.memory_space<vmem>> -> memref<1x128xi32, #tpu.memory_space<vmem>>
          %dma_start3A_248 = tpu.memref_squeeze %dma_start3A_247 : memref<1x128xi32, #tpu.memory_space<vmem>> -> memref<128xi32, #tpu.memory_space<vmem>>
          %dma_start3A_249 = arith.constant 0 : i32
          %dma_start3A_250 = arith.constant 0 : i32
          %dma_start3A_251 = tpu.memref_slice %arg10[%dma_start3A_249, %dma_start3A_250] : memref<10240x128xf32, #tpu.memory_space<vmem_shared>> -> memref<10240x128xf32, #tpu.memory_space<vmem_shared>>
          tpu.enqueue_indirect_dma source(%arg8 : memref<128x128xf32, #tpu.memory_space<vmem>>) target(%dma_start3A_251 : memref<10240x128xf32, #tpu.memory_space<vmem_shared>>) offsets(%dma_start3A_248 : memref<128xi32, #tpu.memory_space<vmem>>) semaphore(%run_scoped3A_245 : memref<!tpu.dma_semaphore, #tpu.memory_space<semaphore_mem>>) {add = true}
          %dma_wait3A_252 = arith.constant 0 : i32
          %dma_wait3A_253 = tpu.memref_slice %arg7[%mul3A_218, %dma_wait3A_252] : memref<40x128xi32, #tpu.memory_space<vmem>> -> memref<1x128xi32, #tpu.memory_space<vmem>>
          %dma_wait3A_254 = tpu.memref_squeeze %dma_wait3A_253 : memref<1x128xi32, #tpu.memory_space<vmem>> -> memref<128xi32, #tpu.memory_space<vmem>>
          %dma_wait3A_255 = arith.constant 0 : i32
          %dma_wait3A_256 = arith.constant 0 : i32
          %dma_wait3A_257 = tpu.memref_slice %arg10[%dma_wait3A_255, %dma_wait3A_256] : memref<10240x128xf32, #tpu.memory_space<vmem_shared>> -> memref<10240x128xf32, #tpu.memory_space<vmem_shared>>
          tpu.wait_indirect_dma semaphore(%run_scoped3A_245 : memref<!tpu.dma_semaphore, #tpu.memory_space<semaphore_mem>>) src(%arg8 : memref<128x128xf32, #tpu.memory_space<vmem>>) dst(%dma_wait3A_257 : memref<10240x128xf32, #tpu.memory_space<vmem_shared>>)
          tpu.yield
        }) : () -> ()
        %lt3A = arith.constant 19 : i32
        %lt3A_233 = arith.cmpi slt, %scan3A_216, %lt3A : i32
        %convert_element_type3A = arith.extui %lt3A_233 : i1 to i32
        %cond3A = arith.constant 0 : i32
        %cond3A_234 = arith.cmpi ne, %convert_element_type3A, %cond3A : i32
        scf.if %cond3A_234 {
          %add3A_245 = arith.constant 2 : i32
          %add3A_246 = arith.addi %mul3A_218, %add3A_245 : i32
          %dma_start3A_247 = arith.constant 0 : i32
          %dma_start3A_248 = tpu.memref_slice %arg6[%add3A_246, %dma_start3A_247] : memref<40x128xi32, #tpu.memory_space<vmem>> -> memref<1x128xi32, #tpu.memory_space<vmem>>
          %dma_start3A_249 = tpu.memref_squeeze %dma_start3A_248 : memref<1x128xi32, #tpu.memory_space<vmem>> -> memref<128xi32, #tpu.memory_space<vmem>>
          %dma_start3A_250 = arith.constant 0 : i32
          %dma_start3A_251 = arith.constant 0 : i32
          %dma_start3A_252 = tpu.memref_slice %arg2[%dma_start3A_250, %dma_start3A_251] : memref<10240x128xf32, #tpu.memory_space<hbm>> -> memref<10240x128xf32, #tpu.memory_space<hbm>>
          tpu.enqueue_indirect_dma source(%dma_start3A_252 : memref<10240x128xf32, #tpu.memory_space<hbm>>) target(%arg8 : memref<128x128xf32, #tpu.memory_space<vmem>>) offsets(%dma_start3A_249 : memref<128xi32, #tpu.memory_space<vmem>>) semaphore(%arg11 : memref<!tpu.dma_semaphore, #tpu.memory_space<semaphore_mem>>)
        } else {
        }
        %add3A_235 = arith.constant 1 : i32
        %add3A_236 = arith.addi %mul3A_218, %add3A_235 : i32
        %dma_wait3A_237 = arith.constant 0 : i32
        %dma_wait3A_238 = tpu.memref_slice %arg6[%add3A_236, %dma_wait3A_237] : memref<40x128xi32, #tpu.memory_space<vmem>> -> memref<1x128xi32, #tpu.memory_space<vmem>>
        %dma_wait3A_239 = tpu.memref_squeeze %dma_wait3A_238 : memref<1x128xi32, #tpu.memory_space<vmem>> -> memref<128xi32, #tpu.memory_space<vmem>>
        %dma_wait3A_240 = arith.constant 0 : i32
        %dma_wait3A_241 = arith.constant 0 : i32
        %dma_wait3A_242 = tpu.memref_slice %arg2[%dma_wait3A_240, %dma_wait3A_241] : memref<10240x128xf32, #tpu.memory_space<hbm>> -> memref<10240x128xf32, #tpu.memory_space<hbm>>
        tpu.wait_indirect_dma semaphore(%arg12 : memref<!tpu.dma_semaphore, #tpu.memory_space<semaphore_mem>>) src(%dma_wait3A_242 : memref<10240x128xf32, #tpu.memory_space<hbm>>) dst(%arg9 : memref<128x128xf32, #tpu.memory_space<vmem>>)
        %add3A_243 = arith.constant 1 : i32
        %add3A_244 = arith.addi %mul3A_218, %add3A_243 : i32
        "tpu.region"() ({
          %run_scoped3A_245 = tpu.sem_alloc : memref<!tpu.dma_semaphore, #tpu.memory_space<semaphore_mem>>
          %dma_start3A_246 = arith.constant 0 : i32
          %dma_start3A_247 = tpu.memref_slice %arg7[%add3A_244, %dma_start3A_246] : memref<40x128xi32, #tpu.memory_space<vmem>> -> memref<1x128xi32, #tpu.memory_space<vmem>>
          %dma_start3A_248 = tpu.memref_squeeze %dma_start3A_247 : memref<1x128xi32, #tpu.memory_space<vmem>> -> memref<128xi32, #tpu.memory_space<vmem>>
          %dma_start3A_249 = arith.constant 0 : i32
          %dma_start3A_250 = arith.constant 0 : i32
          %dma_start3A_251 = tpu.memref_slice %arg10[%dma_start3A_249, %dma_start3A_250] : memref<10240x128xf32, #tpu.memory_space<vmem_shared>> -> memref<10240x128xf32, #tpu.memory_space<vmem_shared>>
          tpu.enqueue_indirect_dma source(%arg9 : memref<128x128xf32, #tpu.memory_space<vmem>>) target(%dma_start3A_251 : memref<10240x128xf32, #tpu.memory_space<vmem_shared>>) offsets(%dma_start3A_248 : memref<128xi32, #tpu.memory_space<vmem>>) semaphore(%run_scoped3A_245 : memref<!tpu.dma_semaphore, #tpu.memory_space<semaphore_mem>>) {add = true}
          %dma_wait3A_252 = arith.constant 0 : i32
          %dma_wait3A_253 = tpu.memref_slice %arg7[%add3A_244, %dma_wait3A_252] : memref<40x128xi32, #tpu.memory_space<vmem>> -> memref<1x128xi32, #tpu.memory_space<vmem>>
          %dma_wait3A_254 = tpu.memref_squeeze %dma_wait3A_253 : memref<1x128xi32, #tpu.memory_space<vmem>> -> memref<128xi32, #tpu.memory_space<vmem>>
          %dma_wait3A_255 = arith.constant 0 : i32
          %dma_wait3A_256 = arith.constant 0 : i32
          %dma_wait3A_257 = tpu.memref_slice %arg10[%dma_wait3A_255, %dma_wait3A_256] : memref<10240x128xf32, #tpu.memory_space<vmem_shared>> -> memref<10240x128xf32, #tpu.memory_space<vmem_shared>>
          tpu.wait_indirect_dma semaphore(%run_scoped3A_245 : memref<!tpu.dma_semaphore, #tpu.memory_space<semaphore_mem>>) src(%arg9 : memref<128x128xf32, #tpu.memory_space<vmem>>) dst(%dma_wait3A_257 : memref<10240x128xf32, #tpu.memory_space<vmem_shared>>)
          tpu.yield
        }) : () -> ()
      }
      %scan3A_215 = arith.constant 20 : i32
    }
    %while3A_86 = arith.constant 1 : i32
    scf.for %while3A_189 = %while3A_84 to %while3A_80 step %while3A_86  : i32 {
      %eq3A_190 = arith.constant 0 : i32
      %eq3A_191 = arith.cmpi eq, %arg0, %eq3A_190 : i32
      %mul3A_192 = arith.constant 2 : i32
      %mul3A_193 = arith.muli %mul3A_192, %arg1 : i32
      %add3A_194 = arith.addi %mul3A_193, %while3A_189 : i32
      %mul3A_195 = arith.constant 2 : i32
      %mul3A_196 = arith.muli %mul3A_195, %arg1 : i32
      %add3A_197 = arith.constant 32 : i32
      %add3A_198 = arith.addi %add3A_197, %mul3A_196 : i32
      %add3A_199 = arith.addi %add3A_198, %while3A_189 : i32
      %select_n3A_200 = arith.select %eq3A_191, %add3A_194, %add3A_199 : i32
      %mul3A_201 = arith.constant 40 : i32
      %mul3A_202 = arith.muli %select_n3A_200, %mul3A_201 : i32
      %run_scoped3A = arith.constant 0 : i32
      "tpu.region"() ({
        %run_scoped3A_216 = tpu.sem_alloc : memref<!tpu.dma_semaphore, #tpu.memory_space<semaphore_mem>>
        %dma_start3A_217 = arith.constant 0 : i32
        %dma_start3A_218 = tpu.memref_slice %arg3[%run_scoped3A, %mul3A_202, %dma_start3A_217] : memref<2x2560x128xi32, #tpu.memory_space<hbm>> -> memref<1x40x128xi32, #tpu.memory_space<hbm>>
        %dma_start3A_219 = tpu.memref_squeeze %dma_start3A_218 : memref<1x40x128xi32, #tpu.memory_space<hbm>> -> memref<40x128xi32, #tpu.memory_space<hbm>>
        %dma_start3A_220 = arith.constant 0 : i32
        %dma_start3A_221 = tpu.memref_slice %arg3[%run_scoped3A, %mul3A_202, %dma_start3A_220] : memref<2x2560x128xi32, #tpu.memory_space<hbm>> -> memref<1x40x128xi32, #tpu.memory_space<hbm>>
        %dma_start3A_222 = tpu.memref_squeeze %dma_start3A_221 : memref<1x40x128xi32, #tpu.memory_space<hbm>> -> memref<40x128xi32, #tpu.memory_space<hbm>>
        tpu.enqueue_dma source(%dma_start3A_222 : memref<40x128xi32, #tpu.memory_space<hbm>>) target(%arg6 : memref<40x128xi32, #tpu.memory_space<vmem>>) target_semaphore(%run_scoped3A_216 : memref<!tpu.dma_semaphore, #tpu.memory_space<semaphore_mem>>)
        %dma_wait3A_223 = arith.constant 0 : i32
        %dma_wait3A_224 = tpu.memref_slice %arg3[%run_scoped3A, %mul3A_202, %dma_wait3A_223] : memref<2x2560x128xi32, #tpu.memory_space<hbm>> -> memref<1x40x128xi32, #tpu.memory_space<hbm>>
        %dma_wait3A_225 = tpu.memref_squeeze %dma_wait3A_224 : memref<1x40x128xi32, #tpu.memory_space<hbm>> -> memref<40x128xi32, #tpu.memory_space<hbm>>
        %dma_wait3A_226 = arith.constant 0 : i32
        %dma_wait3A_227 = tpu.memref_slice %arg3[%run_scoped3A, %mul3A_202, %dma_wait3A_226] : memref<2x2560x128xi32, #tpu.memory_space<hbm>> -> memref<1x40x128xi32, #tpu.memory_space<hbm>>
        %dma_wait3A_228 = tpu.memref_squeeze %dma_wait3A_227 : memref<1x40x128xi32, #tpu.memory_space<hbm>> -> memref<40x128xi32, #tpu.memory_space<hbm>>
        tpu.wait_dma2 semaphore(%run_scoped3A_216 : memref<!tpu.dma_semaphore, #tpu.memory_space<semaphore_mem>>) src(%dma_wait3A_228 : memref<40x128xi32, #tpu.memory_space<hbm>>) dst(%arg6 : memref<40x128xi32, #tpu.memory_space<vmem>>)
        tpu.yield
      }) : () -> ()
      %run_scoped3A_203 = arith.constant 1 : i32
      "tpu.region"() ({
        %run_scoped3A_216 = tpu.sem_alloc : memref<!tpu.dma_semaphore, #tpu.memory_space<semaphore_mem>>
        %dma_start3A_217 = arith.constant 0 : i32
        %dma_start3A_218 = tpu.memref_slice %arg3[%run_scoped3A_203, %mul3A_202, %dma_start3A_217] : memref<2x2560x128xi32, #tpu.memory_space<hbm>> -> memref<1x40x128xi32, #tpu.memory_space<hbm>>
        %dma_start3A_219 = tpu.memref_squeeze %dma_start3A_218 : memref<1x40x128xi32, #tpu.memory_space<hbm>> -> memref<40x128xi32, #tpu.memory_space<hbm>>
        %dma_start3A_220 = arith.constant 0 : i32
        %dma_start3A_221 = tpu.memref_slice %arg3[%run_scoped3A_203, %mul3A_202, %dma_start3A_220] : memref<2x2560x128xi32, #tpu.memory_space<hbm>> -> memref<1x40x128xi32, #tpu.memory_space<hbm>>
        %dma_start3A_222 = tpu.memref_squeeze %dma_start3A_221 : memref<1x40x128xi32, #tpu.memory_space<hbm>> -> memref<40x128xi32, #tpu.memory_space<hbm>>
        tpu.enqueue_dma source(%dma_start3A_222 : memref<40x128xi32, #tpu.memory_space<hbm>>) target(%arg7 : memref<40x128xi32, #tpu.memory_space<vmem>>) target_semaphore(%run_scoped3A_216 : memref<!tpu.dma_semaphore, #tpu.memory_space<semaphore_mem>>)
        %dma_wait3A_223 = arith.constant 0 : i32
        %dma_wait3A_224 = tpu.memref_slice %arg3[%run_scoped3A_203, %mul3A_202, %dma_wait3A_223] : memref<2x2560x128xi32, #tpu.memory_space<hbm>> -> memref<1x40x128xi32, #tpu.memory_space<hbm>>
        %dma_wait3A_225 = tpu.memref_squeeze %dma_wait3A_224 : memref<1x40x128xi32, #tpu.memory_space<hbm>> -> memref<40x128xi32, #tpu.memory_space<hbm>>
        %dma_wait3A_226 = arith.constant 0 : i32
        %dma_wait3A_227 = tpu.memref_slice %arg3[%run_scoped3A_203, %mul3A_202, %dma_wait3A_226] : memref<2x2560x128xi32, #tpu.memory_space<hbm>> -> memref<1x40x128xi32, #tpu.memory_space<hbm>>
        %dma_wait3A_228 = tpu.memref_squeeze %dma_wait3A_227 : memref<1x40x128xi32, #tpu.memory_space<hbm>> -> memref<40x128xi32, #tpu.memory_space<hbm>>
        tpu.wait_dma2 semaphore(%run_scoped3A_216 : memref<!tpu.dma_semaphore, #tpu.memory_space<semaphore_mem>>) src(%dma_wait3A_228 : memref<40x128xi32, #tpu.memory_space<hbm>>) dst(%arg7 : memref<40x128xi32, #tpu.memory_space<vmem>>)
        tpu.yield
      }) : () -> ()
      %dma_start3A_204 = arith.constant 0 : i32
      %dma_start3A_205 = arith.constant 0 : i32
      %dma_start3A_206 = tpu.memref_slice %arg6[%dma_start3A_204, %dma_start3A_205] : memref<40x128xi32, #tpu.memory_space<vmem>> -> memref<1x128xi32, #tpu.memory_space<vmem>>
      %dma_start3A_207 = tpu.memref_squeeze %dma_start3A_206 : memref<1x128xi32, #tpu.memory_space<vmem>> -> memref<128xi32, #tpu.memory_space<vmem>>
      %dma_start3A_208 = arith.constant 0 : i32
      %dma_start3A_209 = arith.constant 0 : i32
      %dma_start3A_210 = tpu.memref_slice %arg2[%dma_start3A_208, %dma_start3A_209] : memref<10240x128xf32, #tpu.memory_space<hbm>> -> memref<10240x128xf32, #tpu.memory_space<hbm>>
      tpu.enqueue_indirect_dma source(%dma_start3A_210 : memref<10240x128xf32, #tpu.memory_space<hbm>>) target(%arg8 : memref<128x128xf32, #tpu.memory_space<vmem>>) offsets(%dma_start3A_207 : memref<128xi32, #tpu.memory_space<vmem>>) semaphore(%arg11 : memref<!tpu.dma_semaphore, #tpu.memory_space<semaphore_mem>>)
      %scan3A = arith.constant 0 : i32
      %scan3A_211 = arith.constant 0 : i32
      %scan3A_212 = arith.constant 20 : i32
      %scan3A_213 = arith.addi %scan3A_211, %scan3A_212 : i32
      %scan3A_214 = arith.constant 1 : i32
      scf.for %scan3A_216 = %scan3A_211 to %scan3A_213 step %scan3A_214  : i32 {
        %mul3A_217 = arith.constant 2 : i32
        %mul3A_218 = arith.muli %mul3A_217, %scan3A_216 : i32
        %add3A_219 = arith.constant 1 : i32
        %add3A_220 = arith.addi %mul3A_218, %add3A_219 : i32
        %dma_start3A_221 = arith.constant 0 : i32
        %dma_start3A_222 = tpu.memref_slice %arg6[%add3A_220, %dma_start3A_221] : memref<40x128xi32, #tpu.memory_space<vmem>> -> memref<1x128xi32, #tpu.memory_space<vmem>>
        %dma_start3A_223 = tpu.memref_squeeze %dma_start3A_222 : memref<1x128xi32, #tpu.memory_space<vmem>> -> memref<128xi32, #tpu.memory_space<vmem>>
        %dma_start3A_224 = arith.constant 0 : i32
        %dma_start3A_225 = arith.constant 0 : i32
        %dma_start3A_226 = tpu.memref_slice %arg2[%dma_start3A_224, %dma_start3A_225] : memref<10240x128xf32, #tpu.memory_space<hbm>> -> memref<10240x128xf32, #tpu.memory_space<hbm>>
        tpu.enqueue_indirect_dma source(%dma_start3A_226 : memref<10240x128xf32, #tpu.memory_space<hbm>>) target(%arg9 : memref<128x128xf32, #tpu.memory_space<vmem>>) offsets(%dma_start3A_223 : memref<128xi32, #tpu.memory_space<vmem>>) semaphore(%arg12 : memref<!tpu.dma_semaphore, #tpu.memory_space<semaphore_mem>>)
        %dma_wait3A_227 = arith.constant 0 : i32
        %dma_wait3A_228 = tpu.memref_slice %arg6[%mul3A_218, %dma_wait3A_227] : memref<40x128xi32, #tpu.memory_space<vmem>> -> memref<1x128xi32, #tpu.memory_space<vmem>>
        %dma_wait3A_229 = tpu.memref_squeeze %dma_wait3A_228 : memref<1x128xi32, #tpu.memory_space<vmem>> -> memref<128xi32, #tpu.memory_space<vmem>>
        %dma_wait3A_230 = arith.constant 0 : i32
        %dma_wait3A_231 = arith.constant 0 : i32
        %dma_wait3A_232 = tpu.memref_slice %arg2[%dma_wait3A_230, %dma_wait3A_231] : memref<10240x128xf32, #tpu.memory_space<hbm>> -> memref<10240x128xf32, #tpu.memory_space<hbm>>
        tpu.wait_indirect_dma semaphore(%arg11 : memref<!tpu.dma_semaphore, #tpu.memory_space<semaphore_mem>>) src(%dma_wait3A_232 : memref<10240x128xf32, #tpu.memory_space<hbm>>) dst(%arg8 : memref<128x128xf32, #tpu.memory_space<vmem>>)
        "tpu.region"() ({
          %run_scoped3A_245 = tpu.sem_alloc : memref<!tpu.dma_semaphore, #tpu.memory_space<semaphore_mem>>
          %dma_start3A_246 = arith.constant 0 : i32
          %dma_start3A_247 = tpu.memref_slice %arg7[%mul3A_218, %dma_start3A_246] : memref<40x128xi32, #tpu.memory_space<vmem>> -> memref<1x128xi32, #tpu.memory_space<vmem>>
          %dma_start3A_248 = tpu.memref_squeeze %dma_start3A_247 : memref<1x128xi32, #tpu.memory_space<vmem>> -> memref<128xi32, #tpu.memory_space<vmem>>
          %dma_start3A_249 = arith.constant 0 : i32
          %dma_start3A_250 = arith.constant 0 : i32
          %dma_start3A_251 = tpu.memref_slice %arg10[%dma_start3A_249, %dma_start3A_250] : memref<10240x128xf32, #tpu.memory_space<vmem_shared>> -> memref<10240x128xf32, #tpu.memory_space<vmem_shared>>
          tpu.enqueue_indirect_dma source(%arg8 : memref<128x128xf32, #tpu.memory_space<vmem>>) target(%dma_start3A_251 : memref<10240x128xf32, #tpu.memory_space<vmem_shared>>) offsets(%dma_start3A_248 : memref<128xi32, #tpu.memory_space<vmem>>) semaphore(%run_scoped3A_245 : memref<!tpu.dma_semaphore, #tpu.memory_space<semaphore_mem>>) {add = true}
          %dma_wait3A_252 = arith.constant 0 : i32
          %dma_wait3A_253 = tpu.memref_slice %arg7[%mul3A_218, %dma_wait3A_252] : memref<40x128xi32, #tpu.memory_space<vmem>> -> memref<1x128xi32, #tpu.memory_space<vmem>>
          %dma_wait3A_254 = tpu.memref_squeeze %dma_wait3A_253 : memref<1x128xi32, #tpu.memory_space<vmem>> -> memref<128xi32, #tpu.memory_space<vmem>>
          %dma_wait3A_255 = arith.constant 0 : i32
          %dma_wait3A_256 = arith.constant 0 : i32
          %dma_wait3A_257 = tpu.memref_slice %arg10[%dma_wait3A_255, %dma_wait3A_256] : memref<10240x128xf32, #tpu.memory_space<vmem_shared>> -> memref<10240x128xf32, #tpu.memory_space<vmem_shared>>
          tpu.wait_indirect_dma semaphore(%run_scoped3A_245 : memref<!tpu.dma_semaphore, #tpu.memory_space<semaphore_mem>>) src(%arg8 : memref<128x128xf32, #tpu.memory_space<vmem>>) dst(%dma_wait3A_257 : memref<10240x128xf32, #tpu.memory_space<vmem_shared>>)
          tpu.yield
        }) : () -> ()
        %lt3A = arith.constant 19 : i32
        %lt3A_233 = arith.cmpi slt, %scan3A_216, %lt3A : i32
        %convert_element_type3A = arith.extui %lt3A_233 : i1 to i32
        %cond3A = arith.constant 0 : i32
        %cond3A_234 = arith.cmpi ne, %convert_element_type3A, %cond3A : i32
        scf.if %cond3A_234 {
          %add3A_245 = arith.constant 2 : i32
          %add3A_246 = arith.addi %mul3A_218, %add3A_245 : i32
          %dma_start3A_247 = arith.constant 0 : i32
          %dma_start3A_248 = tpu.memref_slice %arg6[%add3A_246, %dma_start3A_247] : memref<40x128xi32, #tpu.memory_space<vmem>> -> memref<1x128xi32, #tpu.memory_space<vmem>>
          %dma_start3A_249 = tpu.memref_squeeze %dma_start3A_248 : memref<1x128xi32, #tpu.memory_space<vmem>> -> memref<128xi32, #tpu.memory_space<vmem>>
          %dma_start3A_250 = arith.constant 0 : i32
          %dma_start3A_251 = arith.constant 0 : i32
          %dma_start3A_252 = tpu.memref_slice %arg2[%dma_start3A_250, %dma_start3A_251] : memref<10240x128xf32, #tpu.memory_space<hbm>> -> memref<10240x128xf32, #tpu.memory_space<hbm>>
          tpu.enqueue_indirect_dma source(%dma_start3A_252 : memref<10240x128xf32, #tpu.memory_space<hbm>>) target(%arg8 : memref<128x128xf32, #tpu.memory_space<vmem>>) offsets(%dma_start3A_249 : memref<128xi32, #tpu.memory_space<vmem>>) semaphore(%arg11 : memref<!tpu.dma_semaphore, #tpu.memory_space<semaphore_mem>>)
        } else {
        }
        %add3A_235 = arith.constant 1 : i32
        %add3A_236 = arith.addi %mul3A_218, %add3A_235 : i32
        %dma_wait3A_237 = arith.constant 0 : i32
        %dma_wait3A_238 = tpu.memref_slice %arg6[%add3A_236, %dma_wait3A_237] : memref<40x128xi32, #tpu.memory_space<vmem>> -> memref<1x128xi32, #tpu.memory_space<vmem>>
        %dma_wait3A_239 = tpu.memref_squeeze %dma_wait3A_238 : memref<1x128xi32, #tpu.memory_space<vmem>> -> memref<128xi32, #tpu.memory_space<vmem>>
        %dma_wait3A_240 = arith.constant 0 : i32
        %dma_wait3A_241 = arith.constant 0 : i32
        %dma_wait3A_242 = tpu.memref_slice %arg2[%dma_wait3A_240, %dma_wait3A_241] : memref<10240x128xf32, #tpu.memory_space<hbm>> -> memref<10240x128xf32, #tpu.memory_space<hbm>>
        tpu.wait_indirect_dma semaphore(%arg12 : memref<!tpu.dma_semaphore, #tpu.memory_space<semaphore_mem>>) src(%dma_wait3A_242 : memref<10240x128xf32, #tpu.memory_space<hbm>>) dst(%arg9 : memref<128x128xf32, #tpu.memory_space<vmem>>)
        %add3A_243 = arith.constant 1 : i32
        %add3A_244 = arith.addi %mul3A_218, %add3A_243 : i32
        "tpu.region"() ({
          %run_scoped3A_245 = tpu.sem_alloc : memref<!tpu.dma_semaphore, #tpu.memory_space<semaphore_mem>>
          %dma_start3A_246 = arith.constant 0 : i32
          %dma_start3A_247 = tpu.memref_slice %arg7[%add3A_244, %dma_start3A_246] : memref<40x128xi32, #tpu.memory_space<vmem>> -> memref<1x128xi32, #tpu.memory_space<vmem>>
          %dma_start3A_248 = tpu.memref_squeeze %dma_start3A_247 : memref<1x128xi32, #tpu.memory_space<vmem>> -> memref<128xi32, #tpu.memory_space<vmem>>
          %dma_start3A_249 = arith.constant 0 : i32
          %dma_start3A_250 = arith.constant 0 : i32
          %dma_start3A_251 = tpu.memref_slice %arg10[%dma_start3A_249, %dma_start3A_250] : memref<10240x128xf32, #tpu.memory_space<vmem_shared>> -> memref<10240x128xf32, #tpu.memory_space<vmem_shared>>
          tpu.enqueue_indirect_dma source(%arg9 : memref<128x128xf32, #tpu.memory_space<vmem>>) target(%dma_start3A_251 : memref<10240x128xf32, #tpu.memory_space<vmem_shared>>) offsets(%dma_start3A_248 : memref<128xi32, #tpu.memory_space<vmem>>) semaphore(%run_scoped3A_245 : memref<!tpu.dma_semaphore, #tpu.memory_space<semaphore_mem>>) {add = true}
          %dma_wait3A_252 = arith.constant 0 : i32
          %dma_wait3A_253 = tpu.memref_slice %arg7[%add3A_244, %dma_wait3A_252] : memref<40x128xi32, #tpu.memory_space<vmem>> -> memref<1x128xi32, #tpu.memory_space<vmem>>
          %dma_wait3A_254 = tpu.memref_squeeze %dma_wait3A_253 : memref<1x128xi32, #tpu.memory_space<vmem>> -> memref<128xi32, #tpu.memory_space<vmem>>
          %dma_wait3A_255 = arith.constant 0 : i32
          %dma_wait3A_256 = arith.constant 0 : i32
          %dma_wait3A_257 = tpu.memref_slice %arg10[%dma_wait3A_255, %dma_wait3A_256] : memref<10240x128xf32, #tpu.memory_space<vmem_shared>> -> memref<10240x128xf32, #tpu.memory_space<vmem_shared>>
          tpu.wait_indirect_dma semaphore(%run_scoped3A_245 : memref<!tpu.dma_semaphore, #tpu.memory_space<semaphore_mem>>) src(%arg9 : memref<128x128xf32, #tpu.memory_space<vmem>>) dst(%dma_wait3A_257 : memref<10240x128xf32, #tpu.memory_space<vmem_shared>>)
          tpu.yield
        }) : () -> ()
      }
      %scan3A_215 = arith.constant 20 : i32
    }
    %barrier3A_87 = arith.constant 0 : index
    tpu.barrier barrier_id(%barrier3A_87)
    "tpu.trace_stop"() : () -> ()
    "tpu.trace_start"() <{level = 10 : i32, message = "export_phase"}> : () -> ()
    %mul3A_88 = arith.constant 640 : i32
    %mul3A_89 = arith.muli %arg1, %mul3A_88 : i32
    "tpu.region"() ({
      %run_scoped3A = tpu.sem_alloc : memref<!tpu.dma_semaphore, #tpu.memory_space<semaphore_mem>>
      %dma_start3A_189 = arith.constant 0 : i32
      %dma_start3A_190 = tpu.memref_slice %arg10[%mul3A_89, %dma_start3A_189] : memref<10240x128xf32, #tpu.memory_space<vmem_shared>> -> memref<128x128xf32, #tpu.memory_space<vmem_shared>>
      %dma_start3A_191 = arith.constant 0 : i32
      %dma_start3A_192 = tpu.memref_slice %arg10[%mul3A_89, %dma_start3A_191] : memref<10240x128xf32, #tpu.memory_space<vmem_shared>> -> memref<128x128xf32, #tpu.memory_space<vmem_shared>>
      tpu.enqueue_dma source(%dma_start3A_192 : memref<128x128xf32, #tpu.memory_space<vmem_shared>>) target(%arg8 : memref<128x128xf32, #tpu.memory_space<vmem>>) target_semaphore(%run_scoped3A : memref<!tpu.dma_semaphore, #tpu.memory_space<semaphore_mem>>)
      %dma_wait3A_193 = arith.constant 0 : i32
      %dma_wait3A_194 = tpu.memref_slice %arg10[%mul3A_89, %dma_wait3A_193] : memref<10240x128xf32, #tpu.memory_space<vmem_shared>> -> memref<128x128xf32, #tpu.memory_space<vmem_shared>>
      %dma_wait3A_195 = arith.constant 0 : i32
      %dma_wait3A_196 = tpu.memref_slice %arg10[%mul3A_89, %dma_wait3A_195] : memref<10240x128xf32, #tpu.memory_space<vmem_shared>> -> memref<128x128xf32, #tpu.memory_space<vmem_shared>>
      tpu.wait_dma2 semaphore(%run_scoped3A : memref<!tpu.dma_semaphore, #tpu.memory_space<semaphore_mem>>) src(%dma_wait3A_196 : memref<128x128xf32, #tpu.memory_space<vmem_shared>>) dst(%arg8 : memref<128x128xf32, #tpu.memory_space<vmem>>)
      tpu.yield
    }) : () -> ()
    %mul3A_90 = arith.constant 640 : i32
    %mul3A_91 = arith.muli %arg1, %mul3A_90 : i32
    %add3A_92 = arith.constant 0 : i32
    %add3A_93 = arith.addi %mul3A_91, %add3A_92 : i32
    %add3A_94 = arith.constant 128 : i32
    %add3A_95 = arith.addi %add3A_93, %add3A_94 : i32
    "tpu.region"() ({
      %run_scoped3A = tpu.sem_alloc : memref<!tpu.dma_semaphore, #tpu.memory_space<semaphore_mem>>
      %dma_start3A_189 = arith.constant 0 : i32
      %dma_start3A_190 = tpu.memref_slice %arg10[%add3A_95, %dma_start3A_189] : memref<10240x128xf32, #tpu.memory_space<vmem_shared>> -> memref<128x128xf32, #tpu.memory_space<vmem_shared>>
      %dma_start3A_191 = arith.constant 0 : i32
      %dma_start3A_192 = tpu.memref_slice %arg10[%add3A_95, %dma_start3A_191] : memref<10240x128xf32, #tpu.memory_space<vmem_shared>> -> memref<128x128xf32, #tpu.memory_space<vmem_shared>>
      tpu.enqueue_dma source(%dma_start3A_192 : memref<128x128xf32, #tpu.memory_space<vmem_shared>>) target(%arg9 : memref<128x128xf32, #tpu.memory_space<vmem>>) target_semaphore(%run_scoped3A : memref<!tpu.dma_semaphore, #tpu.memory_space<semaphore_mem>>)
      %dma_wait3A_193 = arith.constant 0 : i32
      %dma_wait3A_194 = tpu.memref_slice %arg10[%add3A_95, %dma_wait3A_193] : memref<10240x128xf32, #tpu.memory_space<vmem_shared>> -> memref<128x128xf32, #tpu.memory_space<vmem_shared>>
      %dma_wait3A_195 = arith.constant 0 : i32
      %dma_wait3A_196 = tpu.memref_slice %arg10[%add3A_95, %dma_wait3A_195] : memref<10240x128xf32, #tpu.memory_space<vmem_shared>> -> memref<128x128xf32, #tpu.memory_space<vmem_shared>>
      tpu.wait_dma2 semaphore(%run_scoped3A : memref<!tpu.dma_semaphore, #tpu.memory_space<semaphore_mem>>) src(%dma_wait3A_196 : memref<128x128xf32, #tpu.memory_space<vmem_shared>>) dst(%arg9 : memref<128x128xf32, #tpu.memory_space<vmem>>)
      tpu.yield
    }) : () -> ()
    %dma_start3A_96 = arith.constant 0 : i32
    %dma_start3A_97 = tpu.memref_slice %arg5[%arg0, %add3A_93, %dma_start3A_96] : memref<2x10240x128xf32, #tpu.memory_space<hbm>> -> memref<1x128x128xf32, #tpu.memory_space<hbm>>
    %dma_start3A_98 = tpu.memref_squeeze %dma_start3A_97 : memref<1x128x128xf32, #tpu.memory_space<hbm>> -> memref<128x128xf32, #tpu.memory_space<hbm>>
    %dma_start3A_99 = arith.constant 0 : i32
    %dma_start3A_100 = tpu.memref_slice %arg5[%arg0, %add3A_93, %dma_start3A_99] : memref<2x10240x128xf32, #tpu.memory_space<hbm>> -> memref<1x128x128xf32, #tpu.memory_space<hbm>>
    %dma_start3A_101 = tpu.memref_squeeze %dma_start3A_100 : memref<1x128x128xf32, #tpu.memory_space<hbm>> -> memref<128x128xf32, #tpu.memory_space<hbm>>
    tpu.enqueue_dma source(%arg8 : memref<128x128xf32, #tpu.memory_space<vmem>>) target(%dma_start3A_101 : memref<128x128xf32, #tpu.memory_space<hbm>>) target_semaphore(%arg11 : memref<!tpu.dma_semaphore, #tpu.memory_space<semaphore_mem>>)
    %mul3A_102 = arith.constant 640 : i32
    %mul3A_103 = arith.muli %arg1, %mul3A_102 : i32
    %add3A_104 = arith.constant 128 : i32
    %add3A_105 = arith.addi %mul3A_103, %add3A_104 : i32
    %sub3A = arith.constant 128 : i32
    %sub3A_106 = arith.subi %add3A_105, %sub3A : i32
    %dma_wait3A_107 = arith.constant 0 : i32
    %dma_wait3A_108 = tpu.memref_slice %arg5[%arg0, %sub3A_106, %dma_wait3A_107] : memref<2x10240x128xf32, #tpu.memory_space<hbm>> -> memref<1x128x128xf32, #tpu.memory_space<hbm>>
    %dma_wait3A_109 = tpu.memref_squeeze %dma_wait3A_108 : memref<1x128x128xf32, #tpu.memory_space<hbm>> -> memref<128x128xf32, #tpu.memory_space<hbm>>
    %dma_wait3A_110 = arith.constant 0 : i32
    %dma_wait3A_111 = tpu.memref_slice %arg5[%arg0, %sub3A_106, %dma_wait3A_110] : memref<2x10240x128xf32, #tpu.memory_space<hbm>> -> memref<1x128x128xf32, #tpu.memory_space<hbm>>
    %dma_wait3A_112 = tpu.memref_squeeze %dma_wait3A_111 : memref<1x128x128xf32, #tpu.memory_space<hbm>> -> memref<128x128xf32, #tpu.memory_space<hbm>>
    tpu.wait_dma2 semaphore(%arg11 : memref<!tpu.dma_semaphore, #tpu.memory_space<semaphore_mem>>) src(%arg8 : memref<128x128xf32, #tpu.memory_space<vmem>>) dst(%dma_wait3A_112 : memref<128x128xf32, #tpu.memory_space<hbm>>)
    %add3A_113 = arith.constant 128 : i32
    %add3A_114 = arith.addi %add3A_105, %add3A_113 : i32
    "tpu.region"() ({
      %run_scoped3A = tpu.sem_alloc : memref<!tpu.dma_semaphore, #tpu.memory_space<semaphore_mem>>
      %dma_start3A_189 = arith.constant 0 : i32
      %dma_start3A_190 = tpu.memref_slice %arg10[%add3A_114, %dma_start3A_189] : memref<10240x128xf32, #tpu.memory_space<vmem_shared>> -> memref<128x128xf32, #tpu.memory_space<vmem_shared>>
      %dma_start3A_191 = arith.constant 0 : i32
      %dma_start3A_192 = tpu.memref_slice %arg10[%add3A_114, %dma_start3A_191] : memref<10240x128xf32, #tpu.memory_space<vmem_shared>> -> memref<128x128xf32, #tpu.memory_space<vmem_shared>>
      tpu.enqueue_dma source(%dma_start3A_192 : memref<128x128xf32, #tpu.memory_space<vmem_shared>>) target(%arg8 : memref<128x128xf32, #tpu.memory_space<vmem>>) target_semaphore(%run_scoped3A : memref<!tpu.dma_semaphore, #tpu.memory_space<semaphore_mem>>)
      %dma_wait3A_193 = arith.constant 0 : i32
      %dma_wait3A_194 = tpu.memref_slice %arg10[%add3A_114, %dma_wait3A_193] : memref<10240x128xf32, #tpu.memory_space<vmem_shared>> -> memref<128x128xf32, #tpu.memory_space<vmem_shared>>
      %dma_wait3A_195 = arith.constant 0 : i32
      %dma_wait3A_196 = tpu.memref_slice %arg10[%add3A_114, %dma_wait3A_195] : memref<10240x128xf32, #tpu.memory_space<vmem_shared>> -> memref<128x128xf32, #tpu.memory_space<vmem_shared>>
      tpu.wait_dma2 semaphore(%run_scoped3A : memref<!tpu.dma_semaphore, #tpu.memory_space<semaphore_mem>>) src(%dma_wait3A_196 : memref<128x128xf32, #tpu.memory_space<vmem_shared>>) dst(%arg8 : memref<128x128xf32, #tpu.memory_space<vmem>>)
      tpu.yield
    }) : () -> ()
    %dma_start3A_115 = arith.constant 0 : i32
    %dma_start3A_116 = tpu.memref_slice %arg5[%arg0, %add3A_105, %dma_start3A_115] : memref<2x10240x128xf32, #tpu.memory_space<hbm>> -> memref<1x128x128xf32, #tpu.memory_space<hbm>>
    %dma_start3A_117 = tpu.memref_squeeze %dma_start3A_116 : memref<1x128x128xf32, #tpu.memory_space<hbm>> -> memref<128x128xf32, #tpu.memory_space<hbm>>
    %dma_start3A_118 = arith.constant 0 : i32
    %dma_start3A_119 = tpu.memref_slice %arg5[%arg0, %add3A_105, %dma_start3A_118] : memref<2x10240x128xf32, #tpu.memory_space<hbm>> -> memref<1x128x128xf32, #tpu.memory_space<hbm>>
    %dma_start3A_120 = tpu.memref_squeeze %dma_start3A_119 : memref<1x128x128xf32, #tpu.memory_space<hbm>> -> memref<128x128xf32, #tpu.memory_space<hbm>>
    tpu.enqueue_dma source(%arg9 : memref<128x128xf32, #tpu.memory_space<vmem>>) target(%dma_start3A_120 : memref<128x128xf32, #tpu.memory_space<hbm>>) target_semaphore(%arg12 : memref<!tpu.dma_semaphore, #tpu.memory_space<semaphore_mem>>)
    %mul3A_121 = arith.constant 640 : i32
    %mul3A_122 = arith.muli %arg1, %mul3A_121 : i32
    %add3A_123 = arith.constant 256 : i32
    %add3A_124 = arith.addi %mul3A_122, %add3A_123 : i32
    %sub3A_125 = arith.constant 128 : i32
    %sub3A_126 = arith.subi %add3A_124, %sub3A_125 : i32
    %dma_wait3A_127 = arith.constant 0 : i32
    %dma_wait3A_128 = tpu.memref_slice %arg5[%arg0, %sub3A_126, %dma_wait3A_127] : memref<2x10240x128xf32, #tpu.memory_space<hbm>> -> memref<1x128x128xf32, #tpu.memory_space<hbm>>
    %dma_wait3A_129 = tpu.memref_squeeze %dma_wait3A_128 : memref<1x128x128xf32, #tpu.memory_space<hbm>> -> memref<128x128xf32, #tpu.memory_space<hbm>>
    %dma_wait3A_130 = arith.constant 0 : i32
    %dma_wait3A_131 = tpu.memref_slice %arg5[%arg0, %sub3A_126, %dma_wait3A_130] : memref<2x10240x128xf32, #tpu.memory_space<hbm>> -> memref<1x128x128xf32, #tpu.memory_space<hbm>>
    %dma_wait3A_132 = tpu.memref_squeeze %dma_wait3A_131 : memref<1x128x128xf32, #tpu.memory_space<hbm>> -> memref<128x128xf32, #tpu.memory_space<hbm>>
    tpu.wait_dma2 semaphore(%arg12 : memref<!tpu.dma_semaphore, #tpu.memory_space<semaphore_mem>>) src(%arg9 : memref<128x128xf32, #tpu.memory_space<vmem>>) dst(%dma_wait3A_132 : memref<128x128xf32, #tpu.memory_space<hbm>>)
    %add3A_133 = arith.constant 128 : i32
    %add3A_134 = arith.addi %add3A_124, %add3A_133 : i32
    "tpu.region"() ({
      %run_scoped3A = tpu.sem_alloc : memref<!tpu.dma_semaphore, #tpu.memory_space<semaphore_mem>>
      %dma_start3A_189 = arith.constant 0 : i32
      %dma_start3A_190 = tpu.memref_slice %arg10[%add3A_134, %dma_start3A_189] : memref<10240x128xf32, #tpu.memory_space<vmem_shared>> -> memref<128x128xf32, #tpu.memory_space<vmem_shared>>
      %dma_start3A_191 = arith.constant 0 : i32
      %dma_start3A_192 = tpu.memref_slice %arg10[%add3A_134, %dma_start3A_191] : memref<10240x128xf32, #tpu.memory_space<vmem_shared>> -> memref<128x128xf32, #tpu.memory_space<vmem_shared>>
      tpu.enqueue_dma source(%dma_start3A_192 : memref<128x128xf32, #tpu.memory_space<vmem_shared>>) target(%arg9 : memref<128x128xf32, #tpu.memory_space<vmem>>) target_semaphore(%run_scoped3A : memref<!tpu.dma_semaphore, #tpu.memory_space<semaphore_mem>>)
      %dma_wait3A_193 = arith.constant 0 : i32
      %dma_wait3A_194 = tpu.memref_slice %arg10[%add3A_134, %dma_wait3A_193] : memref<10240x128xf32, #tpu.memory_space<vmem_shared>> -> memref<128x128xf32, #tpu.memory_space<vmem_shared>>
      %dma_wait3A_195 = arith.constant 0 : i32
      %dma_wait3A_196 = tpu.memref_slice %arg10[%add3A_134, %dma_wait3A_195] : memref<10240x128xf32, #tpu.memory_space<vmem_shared>> -> memref<128x128xf32, #tpu.memory_space<vmem_shared>>
      tpu.wait_dma2 semaphore(%run_scoped3A : memref<!tpu.dma_semaphore, #tpu.memory_space<semaphore_mem>>) src(%dma_wait3A_196 : memref<128x128xf32, #tpu.memory_space<vmem_shared>>) dst(%arg9 : memref<128x128xf32, #tpu.memory_space<vmem>>)
      tpu.yield
    }) : () -> ()
    %dma_start3A_135 = arith.constant 0 : i32
    %dma_start3A_136 = tpu.memref_slice %arg5[%arg0, %add3A_124, %dma_start3A_135] : memref<2x10240x128xf32, #tpu.memory_space<hbm>> -> memref<1x128x128xf32, #tpu.memory_space<hbm>>
    %dma_start3A_137 = tpu.memref_squeeze %dma_start3A_136 : memref<1x128x128xf32, #tpu.memory_space<hbm>> -> memref<128x128xf32, #tpu.memory_space<hbm>>
    %dma_start3A_138 = arith.constant 0 : i32
    %dma_start3A_139 = tpu.memref_slice %arg5[%arg0, %add3A_124, %dma_start3A_138] : memref<2x10240x128xf32, #tpu.memory_space<hbm>> -> memref<1x128x128xf32, #tpu.memory_space<hbm>>
    %dma_start3A_140 = tpu.memref_squeeze %dma_start3A_139 : memref<1x128x128xf32, #tpu.memory_space<hbm>> -> memref<128x128xf32, #tpu.memory_space<hbm>>
    tpu.enqueue_dma source(%arg8 : memref<128x128xf32, #tpu.memory_space<vmem>>) target(%dma_start3A_140 : memref<128x128xf32, #tpu.memory_space<hbm>>) target_semaphore(%arg11 : memref<!tpu.dma_semaphore, #tpu.memory_space<semaphore_mem>>)
    %mul3A_141 = arith.constant 640 : i32
    %mul3A_142 = arith.muli %arg1, %mul3A_141 : i32
    %add3A_143 = arith.constant 384 : i32
    %add3A_144 = arith.addi %mul3A_142, %add3A_143 : i32
    %sub3A_145 = arith.constant 128 : i32
    %sub3A_146 = arith.subi %add3A_144, %sub3A_145 : i32
    %dma_wait3A_147 = arith.constant 0 : i32
    %dma_wait3A_148 = tpu.memref_slice %arg5[%arg0, %sub3A_146, %dma_wait3A_147] : memref<2x10240x128xf32, #tpu.memory_space<hbm>> -> memref<1x128x128xf32, #tpu.memory_space<hbm>>
    %dma_wait3A_149 = tpu.memref_squeeze %dma_wait3A_148 : memref<1x128x128xf32, #tpu.memory_space<hbm>> -> memref<128x128xf32, #tpu.memory_space<hbm>>
    %dma_wait3A_150 = arith.constant 0 : i32
    %dma_wait3A_151 = tpu.memref_slice %arg5[%arg0, %sub3A_146, %dma_wait3A_150] : memref<2x10240x128xf32, #tpu.memory_space<hbm>> -> memref<1x128x128xf32, #tpu.memory_space<hbm>>
    %dma_wait3A_152 = tpu.memref_squeeze %dma_wait3A_151 : memref<1x128x128xf32, #tpu.memory_space<hbm>> -> memref<128x128xf32, #tpu.memory_space<hbm>>
    tpu.wait_dma2 semaphore(%arg11 : memref<!tpu.dma_semaphore, #tpu.memory_space<semaphore_mem>>) src(%arg8 : memref<128x128xf32, #tpu.memory_space<vmem>>) dst(%dma_wait3A_152 : memref<128x128xf32, #tpu.memory_space<hbm>>)
    %add3A_153 = arith.constant 128 : i32
    %add3A_154 = arith.addi %add3A_144, %add3A_153 : i32
    "tpu.region"() ({
      %run_scoped3A = tpu.sem_alloc : memref<!tpu.dma_semaphore, #tpu.memory_space<semaphore_mem>>
      %dma_start3A_189 = arith.constant 0 : i32
      %dma_start3A_190 = tpu.memref_slice %arg10[%add3A_154, %dma_start3A_189] : memref<10240x128xf32, #tpu.memory_space<vmem_shared>> -> memref<128x128xf32, #tpu.memory_space<vmem_shared>>
      %dma_start3A_191 = arith.constant 0 : i32
      %dma_start3A_192 = tpu.memref_slice %arg10[%add3A_154, %dma_start3A_191] : memref<10240x128xf32, #tpu.memory_space<vmem_shared>> -> memref<128x128xf32, #tpu.memory_space<vmem_shared>>
      tpu.enqueue_dma source(%dma_start3A_192 : memref<128x128xf32, #tpu.memory_space<vmem_shared>>) target(%arg8 : memref<128x128xf32, #tpu.memory_space<vmem>>) target_semaphore(%run_scoped3A : memref<!tpu.dma_semaphore, #tpu.memory_space<semaphore_mem>>)
      %dma_wait3A_193 = arith.constant 0 : i32
      %dma_wait3A_194 = tpu.memref_slice %arg10[%add3A_154, %dma_wait3A_193] : memref<10240x128xf32, #tpu.memory_space<vmem_shared>> -> memref<128x128xf32, #tpu.memory_space<vmem_shared>>
      %dma_wait3A_195 = arith.constant 0 : i32
      %dma_wait3A_196 = tpu.memref_slice %arg10[%add3A_154, %dma_wait3A_195] : memref<10240x128xf32, #tpu.memory_space<vmem_shared>> -> memref<128x128xf32, #tpu.memory_space<vmem_shared>>
      tpu.wait_dma2 semaphore(%run_scoped3A : memref<!tpu.dma_semaphore, #tpu.memory_space<semaphore_mem>>) src(%dma_wait3A_196 : memref<128x128xf32, #tpu.memory_space<vmem_shared>>) dst(%arg8 : memref<128x128xf32, #tpu.memory_space<vmem>>)
      tpu.yield
    }) : () -> ()
    %dma_start3A_155 = arith.constant 0 : i32
    %dma_start3A_156 = tpu.memref_slice %arg5[%arg0, %add3A_144, %dma_start3A_155] : memref<2x10240x128xf32, #tpu.memory_space<hbm>> -> memref<1x128x128xf32, #tpu.memory_space<hbm>>
    %dma_start3A_157 = tpu.memref_squeeze %dma_start3A_156 : memref<1x128x128xf32, #tpu.memory_space<hbm>> -> memref<128x128xf32, #tpu.memory_space<hbm>>
    %dma_start3A_158 = arith.constant 0 : i32
    %dma_start3A_159 = tpu.memref_slice %arg5[%arg0, %add3A_144, %dma_start3A_158] : memref<2x10240x128xf32, #tpu.memory_space<hbm>> -> memref<1x128x128xf32, #tpu.memory_space<hbm>>
    %dma_start3A_160 = tpu.memref_squeeze %dma_start3A_159 : memref<1x128x128xf32, #tpu.memory_space<hbm>> -> memref<128x128xf32, #tpu.memory_space<hbm>>
    tpu.enqueue_dma source(%arg9 : memref<128x128xf32, #tpu.memory_space<vmem>>) target(%dma_start3A_160 : memref<128x128xf32, #tpu.memory_space<hbm>>) target_semaphore(%arg12 : memref<!tpu.dma_semaphore, #tpu.memory_space<semaphore_mem>>)
    %mul3A_161 = arith.constant 640 : i32
    %mul3A_162 = arith.muli %arg1, %mul3A_161 : i32
    %add3A_163 = arith.constant 512 : i32
    %add3A_164 = arith.addi %mul3A_162, %add3A_163 : i32
    %sub3A_165 = arith.constant 128 : i32
    %sub3A_166 = arith.subi %add3A_164, %sub3A_165 : i32
    %dma_wait3A_167 = arith.constant 0 : i32
    %dma_wait3A_168 = tpu.memref_slice %arg5[%arg0, %sub3A_166, %dma_wait3A_167] : memref<2x10240x128xf32, #tpu.memory_space<hbm>> -> memref<1x128x128xf32, #tpu.memory_space<hbm>>
    %dma_wait3A_169 = tpu.memref_squeeze %dma_wait3A_168 : memref<1x128x128xf32, #tpu.memory_space<hbm>> -> memref<128x128xf32, #tpu.memory_space<hbm>>
    %dma_wait3A_170 = arith.constant 0 : i32
    %dma_wait3A_171 = tpu.memref_slice %arg5[%arg0, %sub3A_166, %dma_wait3A_170] : memref<2x10240x128xf32, #tpu.memory_space<hbm>> -> memref<1x128x128xf32, #tpu.memory_space<hbm>>
    %dma_wait3A_172 = tpu.memref_squeeze %dma_wait3A_171 : memref<1x128x128xf32, #tpu.memory_space<hbm>> -> memref<128x128xf32, #tpu.memory_space<hbm>>
    tpu.wait_dma2 semaphore(%arg12 : memref<!tpu.dma_semaphore, #tpu.memory_space<semaphore_mem>>) src(%arg9 : memref<128x128xf32, #tpu.memory_space<vmem>>) dst(%dma_wait3A_172 : memref<128x128xf32, #tpu.memory_space<hbm>>)
    %dma_start3A_173 = arith.constant 0 : i32
    %dma_start3A_174 = tpu.memref_slice %arg5[%arg0, %add3A_164, %dma_start3A_173] : memref<2x10240x128xf32, #tpu.memory_space<hbm>> -> memref<1x128x128xf32, #tpu.memory_space<hbm>>
    %dma_start3A_175 = tpu.memref_squeeze %dma_start3A_174 : memref<1x128x128xf32, #tpu.memory_space<hbm>> -> memref<128x128xf32, #tpu.memory_space<hbm>>
    %dma_start3A_176 = arith.constant 0 : i32
    %dma_start3A_177 = tpu.memref_slice %arg5[%arg0, %add3A_164, %dma_start3A_176] : memref<2x10240x128xf32, #tpu.memory_space<hbm>> -> memref<1x128x128xf32, #tpu.memory_space<hbm>>
    %dma_start3A_178 = tpu.memref_squeeze %dma_start3A_177 : memref<1x128x128xf32, #tpu.memory_space<hbm>> -> memref<128x128xf32, #tpu.memory_space<hbm>>
    tpu.enqueue_dma source(%arg8 : memref<128x128xf32, #tpu.memory_space<vmem>>) target(%dma_start3A_178 : memref<128x128xf32, #tpu.memory_space<hbm>>) target_semaphore(%arg11 : memref<!tpu.dma_semaphore, #tpu.memory_space<semaphore_mem>>)
    %mul3A_179 = arith.constant 640 : i32
    %mul3A_180 = arith.muli %arg1, %mul3A_179 : i32
    %add3A_181 = arith.constant 512 : i32
    %add3A_182 = arith.addi %mul3A_180, %add3A_181 : i32
    %dma_wait3A_183 = arith.constant 0 : i32
    %dma_wait3A_184 = tpu.memref_slice %arg5[%arg0, %add3A_182, %dma_wait3A_183] : memref<2x10240x128xf32, #tpu.memory_space<hbm>> -> memref<1x128x128xf32, #tpu.memory_space<hbm>>
    %dma_wait3A_185 = tpu.memref_squeeze %dma_wait3A_184 : memref<1x128x128xf32, #tpu.memory_space<hbm>> -> memref<128x128xf32, #tpu.memory_space<hbm>>
    %dma_wait3A_186 = arith.constant 0 : i32
    %dma_wait3A_187 = tpu.memref_slice %arg5[%arg0, %add3A_182, %dma_wait3A_186] : memref<2x10240x128xf32, #tpu.memory_space<hbm>> -> memref<1x128x128xf32, #tpu.memory_space<hbm>>
    %dma_wait3A_188 = tpu.memref_squeeze %dma_wait3A_187 : memref<1x128x128xf32, #tpu.memory_space<hbm>> -> memref<128x128xf32, #tpu.memory_space<hbm>>
    tpu.wait_dma2 semaphore(%arg11 : memref<!tpu.dma_semaphore, #tpu.memory_space<semaphore_mem>>) src(%arg8 : memref<128x128xf32, #tpu.memory_space<vmem>>) dst(%dma_wait3A_188 : memref<128x128xf32, #tpu.memory_space<hbm>>)
    "tpu.trace_stop"() : () -> ()
    return
  }
}

module attributes {stable_mosaic.version = 14 : i64} {
  func.func @_pre_body(%arg0: memref<10240x128xf32, #tpu.memory_space<vmem>>, %arg1: memref<128x128xf32, #tpu.memory_space<vmem>>, %arg2: memref<32x10240xf32, #tpu.memory_space<vmem>>, %arg3: memref<10240x128xf32, #tpu.memory_space<vmem>>, %arg4: memref<10240x1xf32, #tpu.memory_space<vmem>>) attributes {dimension_semantics = [], scalar_prefetch = 0 : i64, scratch_operands = 0 : i64, tpu.core_type = #tpu.core_type<tc>} {
    %get3A = arith.constant 0 : index
    %get3A_0 = arith.constant 0 : index
    %get3A_1 = vector.load %arg2[%get3A, %get3A_0] : memref<32x10240xf32, #tpu.memory_space<vmem>>, vector<32x10240xf32>
    %reduce_sum3A = arith.constant dense<0.000000e+00> : vector<10240xf32>
    %reduce_sum3A_2 = vector.multi_reduction <add>, %get3A_1, %reduce_sum3A [0] : vector<32x10240xf32> to vector<10240xf32>
    %broadcast_in_dim3A = vector.shape_cast %reduce_sum3A_2 : vector<10240xf32> to vector<1x10240xf32>
    %add3A = arith.constant 1.000000e+00 : f32
    %add3A_3 = vector.broadcast %add3A : f32 to vector<1x10240xf32>
    %add3A_4 = arith.addf %broadcast_in_dim3A, %add3A_3 : vector<1x10240xf32>
    %rsqrt3A = math.rsqrt %add3A_4 : vector<1x10240xf32>
    %reshape3A = vector.shape_cast %rsqrt3A : vector<1x10240xf32> to vector<10240x1xf32>
    %get3A_5 = arith.constant 0 : index
    %get3A_6 = arith.constant 0 : index
    %get3A_7 = vector.load %arg0[%get3A_5, %get3A_6] : memref<10240x128xf32, #tpu.memory_space<vmem>>, vector<10240x128xf32>
    %get3A_8 = arith.constant 0 : index
    %get3A_9 = arith.constant 0 : index
    %get3A_10 = vector.load %arg1[%get3A_8, %get3A_9] : memref<128x128xf32, #tpu.memory_space<vmem>>, vector<128x128xf32>
    %dot_general3A = arith.constant dense<0.000000e+00> : vector<10240x128xf32>
    %dot_general3A_11 = tpu.matmul %get3A_7, %get3A_10, %dot_general3A {dimension_numbers = #tpu.dot_dimension_numbers<[1], [0], [0], [1], [0, 0, 1, 1], [], []>, transpose_lhs_hint = false} : vector<10240x128xf32>, vector<128x128xf32>, vector<10240x128xf32> -> vector<10240x128xf32>
    %mul3A = vector.broadcast %reshape3A : vector<10240x1xf32> to vector<10240x128xf32>
    %mul3A_12 = arith.mulf %dot_general3A_11, %mul3A : vector<10240x128xf32>
    %swap3A = arith.constant 0 : index
    %swap3A_13 = arith.constant 0 : index
    %swap3A_14 = vector.load %arg3[%swap3A, %swap3A_13] : memref<10240x128xf32, #tpu.memory_space<vmem>>, vector<10240x128xf32>
    tpu.vector_store %arg3[%swap3A, %swap3A_13], %mul3A_12 {strides = array<i32>} : memref<10240x128xf32, #tpu.memory_space<vmem>>, vector<10240x128xf32>,
    %swap3A_15 = arith.constant 0 : index
    %swap3A_16 = arith.constant 0 : index
    %swap3A_17 = vector.load %arg4[%swap3A_15, %swap3A_16] : memref<10240x1xf32, #tpu.memory_space<vmem>>, vector<10240x1xf32>
    tpu.vector_store %arg4[%swap3A_15, %swap3A_16], %reshape3A {strides = array<i32>} : memref<10240x1xf32, #tpu.memory_space<vmem>>, vector<10240x1xf32>,
    return
  }
}

module attributes {stable_mosaic.version = 14 : i64} {
  func.func @_mid_body(%arg0: memref<2x10240x128xf32, #tpu.memory_space<vmem>>, %arg1: memref<10240x128xf32, #tpu.memory_space<vmem>>, %arg2: memref<10240x1xf32, #tpu.memory_space<vmem>>, %arg3: memref<1x128xf32, #tpu.memory_space<vmem>>, %arg4: memref<1x128xf32, #tpu.memory_space<vmem>>, %arg5: memref<1x128xf32, #tpu.memory_space<vmem>>, %arg6: memref<128x128xf32, #tpu.memory_space<vmem>>, %arg7: memref<10240x128xf32, #tpu.memory_space<vmem>>) attributes {dimension_semantics = [], scalar_prefetch = 0 : i64, scratch_operands = 0 : i64, tpu.core_type = #tpu.core_type<tc>} {
    %get3A = arith.constant 0 : index
    %get3A_0 = arith.constant 0 : index
    %get3A_1 = arith.constant 0 : index
    %get3A_2 = vector.load %arg0[%get3A, %get3A_0, %get3A_1] : memref<2x10240x128xf32, #tpu.memory_space<vmem>>, vector<1x10240x128xf32>
    %get3A_3 = vector.shape_cast %get3A_2 : vector<1x10240x128xf32> to vector<10240x128xf32>
    %get3A_4 = arith.constant 1 : index
    %get3A_5 = arith.constant 0 : index
    %get3A_6 = arith.constant 0 : index
    %get3A_7 = vector.load %arg0[%get3A_4, %get3A_5, %get3A_6] : memref<2x10240x128xf32, #tpu.memory_space<vmem>>, vector<1x10240x128xf32>
    %get3A_8 = vector.shape_cast %get3A_7 : vector<1x10240x128xf32> to vector<10240x128xf32>
    %add3A = arith.addf %get3A_3, %get3A_8 : vector<10240x128xf32>
    %get3A_9 = arith.constant 0 : index
    %get3A_10 = arith.constant 0 : index
    %get3A_11 = vector.load %arg1[%get3A_9, %get3A_10] : memref<10240x128xf32, #tpu.memory_space<vmem>>, vector<10240x128xf32>
    %add3A_12 = arith.addf %add3A, %get3A_11 : vector<10240x128xf32>
    %get3A_13 = arith.constant 0 : index
    %get3A_14 = arith.constant 0 : index
    %get3A_15 = vector.load %arg2[%get3A_13, %get3A_14] : memref<10240x1xf32, #tpu.memory_space<vmem>>, vector<10240x1xf32>
    %mul3A = vector.broadcast %get3A_15 : vector<10240x1xf32> to vector<10240x128xf32>
    %mul3A_16 = arith.mulf %add3A_12, %mul3A : vector<10240x128xf32>
    %get3A_17 = arith.constant 0 : index
    %get3A_18 = arith.constant 0 : index
    %get3A_19 = vector.load %arg3[%get3A_17, %get3A_18] : memref<1x128xf32, #tpu.memory_space<vmem>>, vector<1x128xf32>
    %add3A_20 = vector.broadcast %get3A_19 : vector<1x128xf32> to vector<10240x128xf32>
    %add3A_21 = arith.addf %mul3A_16, %add3A_20 : vector<10240x128xf32>
    %iota3A = tpu.iota {dimensions = array<i32: 0>} : vector<10240x1xi32>
    %lt3A = arith.constant 10000 : i32
    %lt3A_22 = vector.broadcast %lt3A : i32 to vector<10240x1xi32>
    %lt3A_23 = arith.cmpi slt, %iota3A, %lt3A_22 : vector<10240x1xi32>
    %max3A = arith.constant 0.000000e+00 : f32
    %max3A_24 = vector.broadcast %max3A : f32 to vector<10240x128xf32>
    %max3A_25 = arith.maximumf %add3A_21, %max3A_24 : vector<10240x128xf32>
    %jit3A = arith.constant 0.000000e+00 : f32
    %broadcast_in_dim3A = vector.shape_cast %lt3A_23 : vector<10240x1xi1> to vector<10240x1xi1>
    %broadcast_in_dim3A_26 = vector.broadcast %broadcast_in_dim3A : vector<10240x1xi1> to vector<10240x128xi1>
    %broadcast_in_dim3A_27 = vector.broadcast %jit3A : f32 to vector<10240x128xf32>
    %select_n3A = arith.select %broadcast_in_dim3A_26, %max3A_25, %broadcast_in_dim3A_27 : vector<10240x128xi1>, vector<10240x128xf32>
    %reduce_sum3A = arith.constant dense<0.000000e+00> : vector<128xf32>
    %reduce_sum3A_28 = vector.multi_reduction <add>, %select_n3A, %reduce_sum3A [0] : vector<10240x128xf32> to vector<128xf32>
    %broadcast_in_dim3A_29 = vector.shape_cast %reduce_sum3A_28 : vector<128xf32> to vector<1x128xf32>
    %mul3A_30 = arith.constant 9.99999974E-5 : f32
    %mul3A_31 = vector.broadcast %mul3A_30 : f32 to vector<1x128xf32>
    %mul3A_32 = arith.mulf %broadcast_in_dim3A_29, %mul3A_31 : vector<1x128xf32>
    %sub3A = vector.broadcast %mul3A_32 : vector<1x128xf32> to vector<10240x128xf32>
    %sub3A_33 = arith.subf %select_n3A, %sub3A : vector<10240x128xf32>
    %jit3A_34 = arith.constant 0.000000e+00 : f32
    %broadcast_in_dim3A_35 = vector.shape_cast %lt3A_23 : vector<10240x1xi1> to vector<10240x1xi1>
    %broadcast_in_dim3A_36 = vector.broadcast %broadcast_in_dim3A_35 : vector<10240x1xi1> to vector<10240x128xi1>
    %broadcast_in_dim3A_37 = vector.broadcast %jit3A_34 : f32 to vector<10240x128xf32>
    %select_n3A_38 = arith.select %broadcast_in_dim3A_36, %sub3A_33, %broadcast_in_dim3A_37 : vector<10240x128xi1>, vector<10240x128xf32>
    %mul3A_39 = arith.mulf %select_n3A_38, %select_n3A_38 : vector<10240x128xf32>
    %reduce_sum3A_40 = arith.constant dense<0.000000e+00> : vector<128xf32>
    %reduce_sum3A_41 = vector.multi_reduction <add>, %mul3A_39, %reduce_sum3A_40 [0] : vector<10240x128xf32> to vector<128xf32>
    %broadcast_in_dim3A_42 = vector.shape_cast %reduce_sum3A_41 : vector<128xf32> to vector<1x128xf32>
    %mul3A_43 = arith.constant 9.99999974E-5 : f32
    %mul3A_44 = vector.broadcast %mul3A_43 : f32 to vector<1x128xf32>
    %mul3A_45 = arith.mulf %broadcast_in_dim3A_42, %mul3A_44 : vector<1x128xf32>
    %sub3A_46 = vector.broadcast %mul3A_32 : vector<1x128xf32> to vector<10240x128xf32>
    %sub3A_47 = arith.subf %select_n3A, %sub3A_46 : vector<10240x128xf32>
    %add3A_48 = arith.constant 9.99999974E-6 : f32
    %add3A_49 = vector.broadcast %add3A_48 : f32 to vector<1x128xf32>
    %add3A_50 = arith.addf %mul3A_45, %add3A_49 : vector<1x128xf32>
    %rsqrt3A = math.rsqrt %add3A_50 : vector<1x128xf32>
    %mul3A_51 = vector.broadcast %rsqrt3A : vector<1x128xf32> to vector<10240x128xf32>
    %mul3A_52 = arith.mulf %sub3A_47, %mul3A_51 : vector<10240x128xf32>
    %get3A_53 = arith.constant 0 : index
    %get3A_54 = arith.constant 0 : index
    %get3A_55 = vector.load %arg4[%get3A_53, %get3A_54] : memref<1x128xf32, #tpu.memory_space<vmem>>, vector<1x128xf32>
    %mul3A_56 = vector.broadcast %get3A_55 : vector<1x128xf32> to vector<10240x128xf32>
    %mul3A_57 = arith.mulf %mul3A_52, %mul3A_56 : vector<10240x128xf32>
    %get3A_58 = arith.constant 0 : index
    %get3A_59 = arith.constant 0 : index
    %get3A_60 = vector.load %arg5[%get3A_58, %get3A_59] : memref<1x128xf32, #tpu.memory_space<vmem>>, vector<1x128xf32>
    %add3A_61 = vector.broadcast %get3A_60 : vector<1x128xf32> to vector<10240x128xf32>
    %add3A_62 = arith.addf %mul3A_57, %add3A_61 : vector<10240x128xf32>
    %jit3A_63 = arith.constant 0.000000e+00 : f32
    %broadcast_in_dim3A_64 = vector.shape_cast %lt3A_23 : vector<10240x1xi1> to vector<10240x1xi1>
    %broadcast_in_dim3A_65 = vector.broadcast %broadcast_in_dim3A_64 : vector<10240x1xi1> to vector<10240x128xi1>
    %broadcast_in_dim3A_66 = vector.broadcast %jit3A_63 : f32 to vector<10240x128xf32>
    %select_n3A_67 = arith.select %broadcast_in_dim3A_65, %add3A_62, %broadcast_in_dim3A_66 : vector<10240x128xi1>, vector<10240x128xf32>
    %get3A_68 = arith.constant 0 : index
    %get3A_69 = arith.constant 0 : index
    %get3A_70 = vector.load %arg6[%get3A_68, %get3A_69] : memref<128x128xf32, #tpu.memory_space<vmem>>, vector<128x128xf32>
    %dot_general3A = arith.constant dense<0.000000e+00> : vector<10240x128xf32>
    %dot_general3A_71 = tpu.matmul %select_n3A_67, %get3A_70, %dot_general3A {dimension_numbers = #tpu.dot_dimension_numbers<[1], [0], [0], [1], [0, 0, 1, 1], [], []>, transpose_lhs_hint = false} : vector<10240x128xf32>, vector<128x128xf32>, vector<10240x128xf32> -> vector<10240x128xf32>
    %get3A_72 = arith.constant 0 : index
    %get3A_73 = arith.constant 0 : index
    %get3A_74 = vector.load %arg2[%get3A_72, %get3A_73] : memref<10240x1xf32, #tpu.memory_space<vmem>>, vector<10240x1xf32>
    %mul3A_75 = vector.broadcast %get3A_74 : vector<10240x1xf32> to vector<10240x128xf32>
    %mul3A_76 = arith.mulf %dot_general3A_71, %mul3A_75 : vector<10240x128xf32>
    %swap3A = arith.constant 0 : index
    %swap3A_77 = arith.constant 0 : index
    %swap3A_78 = vector.load %arg7[%swap3A, %swap3A_77] : memref<10240x128xf32, #tpu.memory_space<vmem>>, vector<10240x128xf32>
    tpu.vector_store %arg7[%swap3A, %swap3A_77], %mul3A_76 {strides = array<i32>} : memref<10240x128xf32, #tpu.memory_space<vmem>>, vector<10240x128xf32>,
    return
  }
}

module attributes {stable_mosaic.version = 14 : i64} {
  func.func @_final_body(%arg0: memref<2x10240x128xf32, #tpu.memory_space<vmem>>, %arg1: memref<10240x128xf32, #tpu.memory_space<vmem>>, %arg2: memref<10240x1xf32, #tpu.memory_space<vmem>>, %arg3: memref<1x128xf32, #tpu.memory_space<vmem>>, %arg4: memref<1x128xf32, #tpu.memory_space<vmem>>, %arg5: memref<1x128xf32, #tpu.memory_space<vmem>>, %arg6: memref<1x10240xi32, #tpu.memory_space<vmem>>, %arg7: memref<512x128xf32, #tpu.memory_space<vmem>>) attributes {dimension_semantics = [], scalar_prefetch = 0 : i64, scratch_operands = 0 : i64, tpu.core_type = #tpu.core_type<tc>} {
    %get3A = arith.constant 0 : index
    %get3A_0 = arith.constant 0 : index
    %get3A_1 = arith.constant 0 : index
    %get3A_2 = vector.load %arg0[%get3A, %get3A_0, %get3A_1] : memref<2x10240x128xf32, #tpu.memory_space<vmem>>, vector<1x10240x128xf32>
    %get3A_3 = vector.shape_cast %get3A_2 : vector<1x10240x128xf32> to vector<10240x128xf32>
    %get3A_4 = arith.constant 1 : index
    %get3A_5 = arith.constant 0 : index
    %get3A_6 = arith.constant 0 : index
    %get3A_7 = vector.load %arg0[%get3A_4, %get3A_5, %get3A_6] : memref<2x10240x128xf32, #tpu.memory_space<vmem>>, vector<1x10240x128xf32>
    %get3A_8 = vector.shape_cast %get3A_7 : vector<1x10240x128xf32> to vector<10240x128xf32>
    %add3A = arith.addf %get3A_3, %get3A_8 : vector<10240x128xf32>
    %get3A_9 = arith.constant 0 : index
    %get3A_10 = arith.constant 0 : index
    %get3A_11 = vector.load %arg1[%get3A_9, %get3A_10] : memref<10240x128xf32, #tpu.memory_space<vmem>>, vector<10240x128xf32>
    %add3A_12 = arith.addf %add3A, %get3A_11 : vector<10240x128xf32>
    %get3A_13 = arith.constant 0 : index
    %get3A_14 = arith.constant 0 : index
    %get3A_15 = vector.load %arg2[%get3A_13, %get3A_14] : memref<10240x1xf32, #tpu.memory_space<vmem>>, vector<10240x1xf32>
    %mul3A = vector.broadcast %get3A_15 : vector<10240x1xf32> to vector<10240x128xf32>
    %mul3A_16 = arith.mulf %add3A_12, %mul3A : vector<10240x128xf32>
    %get3A_17 = arith.constant 0 : index
    %get3A_18 = arith.constant 0 : index
    %get3A_19 = vector.load %arg3[%get3A_17, %get3A_18] : memref<1x128xf32, #tpu.memory_space<vmem>>, vector<1x128xf32>
    %add3A_20 = vector.broadcast %get3A_19 : vector<1x128xf32> to vector<10240x128xf32>
    %add3A_21 = arith.addf %mul3A_16, %add3A_20 : vector<10240x128xf32>
    %iota3A = tpu.iota {dimensions = array<i32: 0>} : vector<10240x1xi32>
    %lt3A = arith.constant 10000 : i32
    %lt3A_22 = vector.broadcast %lt3A : i32 to vector<10240x1xi32>
    %lt3A_23 = arith.cmpi slt, %iota3A, %lt3A_22 : vector<10240x1xi32>
    %max3A = arith.constant 0.000000e+00 : f32
    %max3A_24 = vector.broadcast %max3A : f32 to vector<10240x128xf32>
    %max3A_25 = arith.maximumf %add3A_21, %max3A_24 : vector<10240x128xf32>
    %jit3A = arith.constant 0.000000e+00 : f32
    %broadcast_in_dim3A = vector.shape_cast %lt3A_23 : vector<10240x1xi1> to vector<10240x1xi1>
    %broadcast_in_dim3A_26 = vector.broadcast %broadcast_in_dim3A : vector<10240x1xi1> to vector<10240x128xi1>
    %broadcast_in_dim3A_27 = vector.broadcast %jit3A : f32 to vector<10240x128xf32>
    %select_n3A = arith.select %broadcast_in_dim3A_26, %max3A_25, %broadcast_in_dim3A_27 : vector<10240x128xi1>, vector<10240x128xf32>
    %reduce_sum3A = arith.constant dense<0.000000e+00> : vector<128xf32>
    %reduce_sum3A_28 = vector.multi_reduction <add>, %select_n3A, %reduce_sum3A [0] : vector<10240x128xf32> to vector<128xf32>
    %broadcast_in_dim3A_29 = vector.shape_cast %reduce_sum3A_28 : vector<128xf32> to vector<1x128xf32>
    %mul3A_30 = arith.constant 9.99999974E-5 : f32
    %mul3A_31 = vector.broadcast %mul3A_30 : f32 to vector<1x128xf32>
    %mul3A_32 = arith.mulf %broadcast_in_dim3A_29, %mul3A_31 : vector<1x128xf32>
    %sub3A = vector.broadcast %mul3A_32 : vector<1x128xf32> to vector<10240x128xf32>
    %sub3A_33 = arith.subf %select_n3A, %sub3A : vector<10240x128xf32>
    %jit3A_34 = arith.constant 0.000000e+00 : f32
    %broadcast_in_dim3A_35 = vector.shape_cast %lt3A_23 : vector<10240x1xi1> to vector<10240x1xi1>
    %broadcast_in_dim3A_36 = vector.broadcast %broadcast_in_dim3A_35 : vector<10240x1xi1> to vector<10240x128xi1>
    %broadcast_in_dim3A_37 = vector.broadcast %jit3A_34 : f32 to vector<10240x128xf32>
    %select_n3A_38 = arith.select %broadcast_in_dim3A_36, %sub3A_33, %broadcast_in_dim3A_37 : vector<10240x128xi1>, vector<10240x128xf32>
    %mul3A_39 = arith.mulf %select_n3A_38, %select_n3A_38 : vector<10240x128xf32>
    %reduce_sum3A_40 = arith.constant dense<0.000000e+00> : vector<128xf32>
    %reduce_sum3A_41 = vector.multi_reduction <add>, %mul3A_39, %reduce_sum3A_40 [0] : vector<10240x128xf32> to vector<128xf32>
    %broadcast_in_dim3A_42 = vector.shape_cast %reduce_sum3A_41 : vector<128xf32> to vector<1x128xf32>
    %mul3A_43 = arith.constant 9.99999974E-5 : f32
    %mul3A_44 = vector.broadcast %mul3A_43 : f32 to vector<1x128xf32>
    %mul3A_45 = arith.mulf %broadcast_in_dim3A_42, %mul3A_44 : vector<1x128xf32>
    %sub3A_46 = vector.broadcast %mul3A_32 : vector<1x128xf32> to vector<10240x128xf32>
    %sub3A_47 = arith.subf %select_n3A, %sub3A_46 : vector<10240x128xf32>
    %add3A_48 = arith.constant 9.99999974E-6 : f32
    %add3A_49 = vector.broadcast %add3A_48 : f32 to vector<1x128xf32>
    %add3A_50 = arith.addf %mul3A_45, %add3A_49 : vector<1x128xf32>
    %rsqrt3A = math.rsqrt %add3A_50 : vector<1x128xf32>
    %mul3A_51 = vector.broadcast %rsqrt3A : vector<1x128xf32> to vector<10240x128xf32>
    %mul3A_52 = arith.mulf %sub3A_47, %mul3A_51 : vector<10240x128xf32>
    %get3A_53 = arith.constant 0 : index
    %get3A_54 = arith.constant 0 : index
    %get3A_55 = vector.load %arg4[%get3A_53, %get3A_54] : memref<1x128xf32, #tpu.memory_space<vmem>>, vector<1x128xf32>
    %mul3A_56 = vector.broadcast %get3A_55 : vector<1x128xf32> to vector<10240x128xf32>
    %mul3A_57 = arith.mulf %mul3A_52, %mul3A_56 : vector<10240x128xf32>
    %get3A_58 = arith.constant 0 : index
    %get3A_59 = arith.constant 0 : index
    %get3A_60 = vector.load %arg5[%get3A_58, %get3A_59] : memref<1x128xf32, #tpu.memory_space<vmem>>, vector<1x128xf32>
    %add3A_61 = vector.broadcast %get3A_60 : vector<1x128xf32> to vector<10240x128xf32>
    %add3A_62 = arith.addf %mul3A_57, %add3A_61 : vector<10240x128xf32>
    %jit3A_63 = arith.constant 0.000000e+00 : f32
    %broadcast_in_dim3A_64 = vector.shape_cast %lt3A_23 : vector<10240x1xi1> to vector<10240x1xi1>
    %broadcast_in_dim3A_65 = vector.broadcast %broadcast_in_dim3A_64 : vector<10240x1xi1> to vector<10240x128xi1>
    %broadcast_in_dim3A_66 = vector.broadcast %jit3A_63 : f32 to vector<10240x128xf32>
    %select_n3A_67 = arith.select %broadcast_in_dim3A_65, %add3A_62, %broadcast_in_dim3A_66 : vector<10240x128xi1>, vector<10240x128xf32>
    %iota3A_68 = tpu.iota {dimensions = array<i32: 0>} : vector<512x2048xi32>
    %broadcast_in_dim3A_69 = arith.constant 0.000000e+00 : f32
    %broadcast_in_dim3A_70 = vector.broadcast %broadcast_in_dim3A_69 : f32 to vector<512x128xf32>
    %broadcast_in_dim3A_71 = arith.constant 0.000000e+00 : f32
    %broadcast_in_dim3A_72 = vector.broadcast %broadcast_in_dim3A_71 : f32 to vector<512x1xf32>
    %get3A_73 = arith.constant 0 : index
    %get3A_74 = arith.constant 0 : index
    %get3A_75 = vector.load %arg6[%get3A_73, %get3A_74] : memref<1x10240xi32, #tpu.memory_space<vmem>>, vector<1x10240xi32>
    %slice3A = vector.extract_strided_slice %get3A_75 {offsets = [0, 0], sizes = [1, 2048], strides = [1, 1]} : vector<1x10240xi32> to vector<1x2048xi32>
    %eq3A = vector.broadcast %slice3A : vector<1x2048xi32> to vector<512x2048xi32>
    %eq3A_76 = arith.cmpi eq, %iota3A_68, %eq3A : vector<512x2048xi32>
    %convert_element_type3A = arith.extui %eq3A_76 : vector<512x2048xi1> to vector<512x2048xi32>
    %convert_element_type3A_77 = arith.sitofp %convert_element_type3A : vector<512x2048xi32> to vector<512x2048xf32>
    %slice3A_78 = vector.extract_strided_slice %select_n3A_67 {offsets = [0, 0], sizes = [2048, 128], strides = [1, 1]} : vector<10240x128xf32> to vector<2048x128xf32>
    %dot_general3A = arith.constant dense<0.000000e+00> : vector<512x128xf32>
    %dot_general3A_79 = tpu.matmul %convert_element_type3A_77, %slice3A_78, %dot_general3A {dimension_numbers = #tpu.dot_dimension_numbers<[1], [0], [0], [1], [0, 0, 1, 1], [], []>, transpose_lhs_hint = false} : vector<512x2048xf32>, vector<2048x128xf32>, vector<512x128xf32> -> vector<512x128xf32>
    %add3A_80 = arith.addf %broadcast_in_dim3A_70, %dot_general3A_79 : vector<512x128xf32>
    %reduce_sum3A_81 = arith.constant dense<0.000000e+00> : vector<512xf32>
    %reduce_sum3A_82 = vector.multi_reduction <add>, %convert_element_type3A_77, %reduce_sum3A_81 [1] : vector<512x2048xf32> to vector<512xf32>
    %broadcast_in_dim3A_83 = vector.shape_cast %reduce_sum3A_82 : vector<512xf32> to vector<512x1xf32>
    %add3A_84 = arith.addf %broadcast_in_dim3A_72, %broadcast_in_dim3A_83 : vector<512x1xf32>
    %slice3A_85 = vector.extract_strided_slice %get3A_75 {offsets = [0, 2048], sizes = [1, 2048], strides = [1, 1]} : vector<1x10240xi32> to vector<1x2048xi32>
    %eq3A_86 = vector.broadcast %slice3A_85 : vector<1x2048xi32> to vector<512x2048xi32>
    %eq3A_87 = arith.cmpi eq, %iota3A_68, %eq3A_86 : vector<512x2048xi32>
    %convert_element_type3A_88 = arith.extui %eq3A_87 : vector<512x2048xi1> to vector<512x2048xi32>
    %convert_element_type3A_89 = arith.sitofp %convert_element_type3A_88 : vector<512x2048xi32> to vector<512x2048xf32>
    %slice3A_90 = vector.extract_strided_slice %select_n3A_67 {offsets = [2048, 0], sizes = [2048, 128], strides = [1, 1]} : vector<10240x128xf32> to vector<2048x128xf32>
    %dot_general3A_91 = arith.constant dense<0.000000e+00> : vector<512x128xf32>
    %dot_general3A_92 = tpu.matmul %convert_element_type3A_89, %slice3A_90, %dot_general3A_91 {dimension_numbers = #tpu.dot_dimension_numbers<[1], [0], [0], [1], [0, 0, 1, 1], [], []>, transpose_lhs_hint = false} : vector<512x2048xf32>, vector<2048x128xf32>, vector<512x128xf32> -> vector<512x128xf32>
    %add3A_93 = arith.addf %add3A_80, %dot_general3A_92 : vector<512x128xf32>
    %reduce_sum3A_94 = arith.constant dense<0.000000e+00> : vector<512xf32>
    %reduce_sum3A_95 = vector.multi_reduction <add>, %convert_element_type3A_89, %reduce_sum3A_94 [1] : vector<512x2048xf32> to vector<512xf32>
    %broadcast_in_dim3A_96 = vector.shape_cast %reduce_sum3A_95 : vector<512xf32> to vector<512x1xf32>
    %add3A_97 = arith.addf %add3A_84, %broadcast_in_dim3A_96 : vector<512x1xf32>
    %slice3A_98 = vector.extract_strided_slice %get3A_75 {offsets = [0, 4096], sizes = [1, 2048], strides = [1, 1]} : vector<1x10240xi32> to vector<1x2048xi32>
    %eq3A_99 = vector.broadcast %slice3A_98 : vector<1x2048xi32> to vector<512x2048xi32>
    %eq3A_100 = arith.cmpi eq, %iota3A_68, %eq3A_99 : vector<512x2048xi32>
    %convert_element_type3A_101 = arith.extui %eq3A_100 : vector<512x2048xi1> to vector<512x2048xi32>
    %convert_element_type3A_102 = arith.sitofp %convert_element_type3A_101 : vector<512x2048xi32> to vector<512x2048xf32>
    %slice3A_103 = vector.extract_strided_slice %select_n3A_67 {offsets = [4096, 0], sizes = [2048, 128], strides = [1, 1]} : vector<10240x128xf32> to vector<2048x128xf32>
    %dot_general3A_104 = arith.constant dense<0.000000e+00> : vector<512x128xf32>
    %dot_general3A_105 = tpu.matmul %convert_element_type3A_102, %slice3A_103, %dot_general3A_104 {dimension_numbers = #tpu.dot_dimension_numbers<[1], [0], [0], [1], [0, 0, 1, 1], [], []>, transpose_lhs_hint = false} : vector<512x2048xf32>, vector<2048x128xf32>, vector<512x128xf32> -> vector<512x128xf32>
    %add3A_106 = arith.addf %add3A_93, %dot_general3A_105 : vector<512x128xf32>
    %reduce_sum3A_107 = arith.constant dense<0.000000e+00> : vector<512xf32>
    %reduce_sum3A_108 = vector.multi_reduction <add>, %convert_element_type3A_102, %reduce_sum3A_107 [1] : vector<512x2048xf32> to vector<512xf32>
    %broadcast_in_dim3A_109 = vector.shape_cast %reduce_sum3A_108 : vector<512xf32> to vector<512x1xf32>
    %add3A_110 = arith.addf %add3A_97, %broadcast_in_dim3A_109 : vector<512x1xf32>
    %slice3A_111 = vector.extract_strided_slice %get3A_75 {offsets = [0, 6144], sizes = [1, 2048], strides = [1, 1]} : vector<1x10240xi32> to vector<1x2048xi32>
    %eq3A_112 = vector.broadcast %slice3A_111 : vector<1x2048xi32> to vector<512x2048xi32>
    %eq3A_113 = arith.cmpi eq, %iota3A_68, %eq3A_112 : vector<512x2048xi32>
    %convert_element_type3A_114 = arith.extui %eq3A_113 : vector<512x2048xi1> to vector<512x2048xi32>
    %convert_element_type3A_115 = arith.sitofp %convert_element_type3A_114 : vector<512x2048xi32> to vector<512x2048xf32>
    %slice3A_116 = vector.extract_strided_slice %select_n3A_67 {offsets = [6144, 0], sizes = [2048, 128], strides = [1, 1]} : vector<10240x128xf32> to vector<2048x128xf32>
    %dot_general3A_117 = arith.constant dense<0.000000e+00> : vector<512x128xf32>
    %dot_general3A_118 = tpu.matmul %convert_element_type3A_115, %slice3A_116, %dot_general3A_117 {dimension_numbers = #tpu.dot_dimension_numbers<[1], [0], [0], [1], [0, 0, 1, 1], [], []>, transpose_lhs_hint = false} : vector<512x2048xf32>, vector<2048x128xf32>, vector<512x128xf32> -> vector<512x128xf32>
    %add3A_119 = arith.addf %add3A_106, %dot_general3A_118 : vector<512x128xf32>
    %reduce_sum3A_120 = arith.constant dense<0.000000e+00> : vector<512xf32>
    %reduce_sum3A_121 = vector.multi_reduction <add>, %convert_element_type3A_115, %reduce_sum3A_120 [1] : vector<512x2048xf32> to vector<512xf32>
    %broadcast_in_dim3A_122 = vector.shape_cast %reduce_sum3A_121 : vector<512xf32> to vector<512x1xf32>
    %add3A_123 = arith.addf %add3A_110, %broadcast_in_dim3A_122 : vector<512x1xf32>
    %slice3A_124 = vector.extract_strided_slice %get3A_75 {offsets = [0, 8192], sizes = [1, 2048], strides = [1, 1]} : vector<1x10240xi32> to vector<1x2048xi32>
    %eq3A_125 = vector.broadcast %slice3A_124 : vector<1x2048xi32> to vector<512x2048xi32>
    %eq3A_126 = arith.cmpi eq, %iota3A_68, %eq3A_125 : vector<512x2048xi32>
    %convert_element_type3A_127 = arith.extui %eq3A_126 : vector<512x2048xi1> to vector<512x2048xi32>
    %convert_element_type3A_128 = arith.sitofp %convert_element_type3A_127 : vector<512x2048xi32> to vector<512x2048xf32>
    %slice3A_129 = vector.extract_strided_slice %select_n3A_67 {offsets = [8192, 0], sizes = [2048, 128], strides = [1, 1]} : vector<10240x128xf32> to vector<2048x128xf32>
    %dot_general3A_130 = arith.constant dense<0.000000e+00> : vector<512x128xf32>
    %dot_general3A_131 = tpu.matmul %convert_element_type3A_128, %slice3A_129, %dot_general3A_130 {dimension_numbers = #tpu.dot_dimension_numbers<[1], [0], [0], [1], [0, 0, 1, 1], [], []>, transpose_lhs_hint = false} : vector<512x2048xf32>, vector<2048x128xf32>, vector<512x128xf32> -> vector<512x128xf32>
    %add3A_132 = arith.addf %add3A_119, %dot_general3A_131 : vector<512x128xf32>
    %reduce_sum3A_133 = arith.constant dense<0.000000e+00> : vector<512xf32>
    %reduce_sum3A_134 = vector.multi_reduction <add>, %convert_element_type3A_128, %reduce_sum3A_133 [1] : vector<512x2048xf32> to vector<512xf32>
    %broadcast_in_dim3A_135 = vector.shape_cast %reduce_sum3A_134 : vector<512xf32> to vector<512x1xf32>
    %add3A_136 = arith.addf %add3A_123, %broadcast_in_dim3A_135 : vector<512x1xf32>
    %max3A_137 = arith.constant 1.000000e+00 : f32
    %max3A_138 = vector.broadcast %max3A_137 : f32 to vector<512x1xf32>
    %max3A_139 = arith.maximumf %add3A_136, %max3A_138 : vector<512x1xf32>
    %div3A = vector.broadcast %max3A_139 : vector<512x1xf32> to vector<512x128xf32>
    %div3A_140 = arith.divf %add3A_132, %div3A : vector<512x128xf32>
    %swap3A = arith.constant 0 : index
    %swap3A_141 = arith.constant 0 : index
    %swap3A_142 = vector.load %arg7[%swap3A, %swap3A_141] : memref<512x128xf32, #tpu.memory_space<vmem>>, vector<512x128xf32>
    tpu.vector_store %arg7[%swap3A, %swap3A_141], %div3A_140 {strides = array<i32>} : memref<512x128xf32, #tpu.memory_space<vmem>>, vector<512x128xf32>,
    return
  }
}

</mosaic_0001>

<sc_bundles>
// kernel: kernel.10.cloned.1.call-start
scs
__scs_entry_jumppad:
0x0: {  	(pc) =	sbr.rel $0x88, $3  }
0x1: {  	(tag) =	ssettag $0x0;
	lr =	simm.s32 $0x1  }
0x2: {  	[smem:$0x3F92] =	sst lr;
	_ =	strace $0xD0000000  }
0x3: {  	_ = 	snop  }
0x4: {  	_ = 	snop  }
0x5: {  	_ = 	snop  }
0x6: {  	_ = 	snop  }
0x7: {  	_ = 	snop  }
__scs_overlays_trampoline_lowered:
0x8: {  	[smem:$0x3FA1] =	sst s0  }
0x9: {  	[smem:$0x3FA2] =	sst s1  }
0xa: {  	[smem:$0x3FA3] =	sst s2  }
0xb: {  	[smem:$0x3FA4] =	sst s3  }
0xc: {  	[smem:$0x3FA5] =	sst s4  }
0xd: {  	[smem:$0x3FA6] =	sst s5  }
0xe: {  	[smem:$0x3FA7] =	sst s6  }
0xf: {  	[smem:$0x3FA8] =	sst s7  }
0x10: {  	[smem:$0x3FA9] =	sst s8  }
0x11: {  	[smem:$0x3FAA] =	sst s9;
	s0 =	simm.s32 @!p0 $0x0  }
0x12: {  	s1 =	sld [smem:$0x3F90];
	s0 =	simm.s32 @p0 $0x1  }
0x13: {  	[smem:$0x3FAB] =	sst s0;
	s0 =	simm.s32 @!p1 $0x0  }
0x14: {  	s2 =	sld [smem:$0x3F8F];
	s0 =	simm.s32 @p1 $0x1  }
0x15: {  	[smem:$0x3FAC] =	sst s0;
	s0 =	simm.s32 @!p2 $0x0  }
0x16: {  	s3 =	sld [smem:$0x3FDB];
	s0 =	simm.s32 @p2 $0x1  }
0x17: {  	s4 =	simm.s32 $0x1BF5;
	[smem:$0x3FAE] =	sst s0  }
0x18: {  	s0 =	sld [smem:$0x3F91];
	_ =	swait.ge [sflag:s4], $0x0  }
0x19: {  	s7 =	sld [smem:$0x3F92]  }
0x1a: {  	s8 =	sadd.s32 $0xFFFFE003, lr  }
0x1b: {  	s9 =	sadd.s32 $0xFFFFFEF7, lr;
	s5 =	simm.s32 $0xFFFFFFFF;
	p2 =	slt.u32 s8, $0xFFFFF086  }
0x1c: {  	p1 =	slt.u32 s9, $0xF7A;
	s5 =	simm.s32 @!p2 $0x0  }
0x1d: {  	s5 =	simm.s32 @p1 $0x1;
	p0 =	seq.s32 s7, s2  }
0x1e: {  	s7 =	smul.u32 @!p0 $0xF7A, s2;
	p2 =	seq.s32 @!p0 s5, $0x0  }
0x1f: {  	s9 =	smul.u32 $0xF7A, s1;
	s8 =	simm.s32 @!p0 $0x1BF5;
	p2 =	por !p2, p0  }
0x20: {  	[sflag:s8] =	ssyncset.s32 @!p0 $0xFFFFF086;
	s6 =	sadd.s32 @!p0 s3, s7;
	s7 =	simm.s32 @!p0 $0x108  }
0x21: {  	s3 =	sadd.s32 s3, s9;
	s6 =	sadd.s32 @!p0 $0x88, s6;
	s7 =	simm.s32 @p2 $0x1082  }
0x22: {  	[simem:s7], [sflag:s8] =	dma.local @!p0 [hbm:s6], $0xF7A  }
0x23: {  	s9 =	sor.u32 $0xD0000000, s2;
	s6 =	simm.s32 $0x108;
	_ =	swait.ge @!p0 [sflag:s8], $0x0  }
0x24: {  	s3 =	sadd.s32 $0x88, s3;
	s6 =	simm.s32 @!p1 $0x1082;
	[sflag:s4] =	ssyncset.s32 $0xFFFFF086  }
0x25: {  	[simem:s6], [sflag:s4] =	dma.local [hbm:s3], $0xF7A  }
0x26: {  	[smem:$0x3F92] =	sst s1;
	(tag) =	ssettag s2;
	_ =	strace s9  }
0x27: {  	s1 =	sld [smem:$0x3FA2]  }
0x28: {  	s2 =	sld [smem:$0x3FA3]  }
0x29: {  	s4 =	sld [smem:$0x3FA5]  }
0x2a: {  	p0 =	seq.s32 s5, $0x0;
	s5 =	sld [smem:$0x3FA6]  }
0x2b: {  	s6 =	sld [smem:$0x3FA7]  }
0x2c: {  	s7 =	sld [smem:$0x3FA8]  }
0x2d: {  	s3 =	simm.s32 $0x108;
	s8 =	sld [smem:$0x3FA9]  }
0x2e: {  	s3 =	simm.s32 @!p0 $0x1082;
	s9 =	sld [smem:$0x3FAA]  }
0x2f: {  	lr =	sadd.s32 s0, s3;
	s0 =	sld [smem:$0x3FA1]  }
0x30: {  	s3 =	sld [smem:$0x3FA4]  }
0x31: {  	[smem:$0x3FAD] =	sst s10  }
0x32: {  	s10 =	sld [smem:$0x3FAB];
	_ =	sdelay $0x3  }
0x33: {  	p0 =	seq.s32 s10, $0x1;
	s10 =	sld [smem:$0x3FAD];
	_ =	sdelay $0x3  }
0x34: {  	[smem:$0x3FAD] =	sst s10  }
0x35: {  	s10 =	sld [smem:$0x3FAC];
	_ =	sdelay $0x3  }
0x36: {  	p1 =	seq.s32 s10, $0x1;
	s10 =	sld [smem:$0x3FAD];
	_ =	sdelay $0x3  }
0x37: {  	[smem:$0x3FAD] =	sst s10  }
0x38: {  	s10 =	sld [smem:$0x3FAE]  }
0x39: {  	_ = 	snop;
	(pc) =	sbr.ind lr, $3  }
0x3a: {  	_ = 	snop  }
0x3b: {  	_ = 	snop  }
0x3c: {  	p2 =	seq.s32 s10, $0x1;
	s10 =	sld [smem:$0x3FAD]  }
0x3d: {  	_ =	shalt  }
0x3e: {  	_ =	shalt  }
0x3f: {  	_ =	shalt  }
0x40: {  	_ =	shalt  }
0x41: {  	_ =	shalt  }
0x42: {  	_ =	shalt  }
0x43: {  	_ =	shalt  }
0x44: {  	_ =	shalt  }
0x45: {  	_ =	shalt  }
0x46: {  	_ =	shalt  }
0x47: {  	_ =	shalt  }
0x48: {  	_ =	shalt  }
0x49: {  	_ =	shalt  }
0x4a: {  	_ =	shalt  }
0x4b: {  	_ =	shalt  }
0x4c: {  	_ =	shalt  }
0x4d: {  	_ =	shalt  }
0x4e: {  	_ =	shalt  }
0x4f: {  	_ =	shalt  }
0x50: {  	_ =	shalt  }
0x51: {  	_ =	shalt  }
0x52: {  	_ =	shalt  }
0x53: {  	_ =	shalt  }
0x54: {  	_ =	shalt  }
0x55: {  	_ =	shalt  }
0x56: {  	_ =	shalt  }
0x57: {  	_ =	shalt  }
0x58: {  	_ =	shalt  }
0x59: {  	_ =	shalt  }
0x5a: {  	_ =	shalt  }
0x5b: {  	_ =	shalt  }
0x5c: {  	_ =	shalt  }
0x5d: {  	_ =	shalt  }
0x5e: {  	_ =	shalt  }
0x5f: {  	_ =	shalt  }
0x60: {  	_ =	shalt  }
0x61: {  	_ =	shalt  }
0x62: {  	_ =	shalt  }
0x63: {  	_ =	shalt  }
0x64: {  	_ =	shalt  }
0x65: {  	_ =	shalt  }
0x66: {  	_ =	shalt  }
0x67: {  	_ =	shalt  }
0x68: {  	_ =	shalt  }
0x69: {  	_ =	shalt  }
0x6a: {  	_ =	shalt  }
0x6b: {  	_ =	shalt  }
0x6c: {  	_ =	shalt  }
0x6d: {  	_ =	shalt  }
0x6e: {  	_ =	shalt  }
0x6f: {  	_ =	shalt  }
0x70: {  	_ =	shalt  }
0x71: {  	_ =	shalt  }
0x72: {  	_ =	shalt  }
0x73: {  	_ =	shalt  }
0x74: {  	_ =	shalt  }
0x75: {  	_ =	shalt  }
0x76: {  	_ =	shalt  }
0x77: {  	_ =	shalt  }
0x78: {  	_ =	shalt  }
0x79: {  	_ =	shalt  }
0x7a: {  	_ =	shalt  }
0x7b: {  	_ =	shalt  }
0x7c: {  	_ =	shalt  }
0x7d: {  	_ =	shalt  }
0x7e: {  	_ =	shalt  }
0x7f: {  	_ =	shalt  }
0x80: {  	_ =	shalt  }
0x81: {  	_ =	shalt  }
0x82: {  	_ =	shalt  }
0x83: {  	_ =	shalt  }
0x84: {  	_ =	shalt  }
0x85: {  	_ =	shalt  }
0x86: {  	_ =	shalt  }
0x87: {  	_ =	shalt  }
.Lfunc_end0:
.L_simem_size_0:
called_computation_lowered:
.L_overlay_start_0:
0x88: {  	s2 =	sld [smem:$0x3FD9]  }
0x89: {  	s3 =	sld [smem:$0x3FFE];
	_ =	sdelay $0x1  }
0x8a: {  	s1 =	srdreg.scid  }
0x8b: {  	s0 =	sand.u32 $0x1, s1  }
0x8c: {  	s16 =	sshll.u32 s0, $0xA;
	s2 =	sadd.s32 s3, s2  }
0x8d: {  	s2 =	sadd.s32 s2, s16  }
0x8e: {  	[smem:$0x3FB9] =	sst s2  }
0x8f: {  	_ = 	snop  }
0x90: {  	(tm) =	ssettm $0x1  }
0x91: {  	s17 =	sld [smem:$0x3FFB];
	_ =	sdelay $0x3  }
0x92: {  	_ =	strace s17  }
0x93: {  	s2 =	sld [smem:$0x3FFC];
	_ =	sdelay $0x3  }
0x94: {  	_ =	strace s2  }
0x95: {  	s2 =	sld [smem:$0x3FFD];
	_ =	sdelay $0x3  }
0x96: {  	_ =	strace s2  }
0x97: {  	_ =	strace $0x8FFFFFFF  }
0x98: {  	s18 =	sld [smem:$0x3FDB];
	_ =	sdelay $0x1  }
0x99: {  	s19 =	simm.s32 $_scs_section_size  }
0x9a: {  	s4 =	simm.s32 $_size__tile_overlayer_lowered;
	s5 =	simm.s32 $_tile_overlayer_lowered  }
0x9b: {  	s22 =	simm.s32 $0x1BFF;
	s21 =	sshll.u32 s5, $0x1;
	s2 =	sadd.s32 s19, s18  }
0x9c: {  	s6 =	simm.s32 $0x0;
	s20 =	sshll.u32 s4, $0x1;
	s4 =	sadd.s32 s21, s2  }
0x9d: {  	[timem:s6], [sflag:s22] =	dma.local [hbm:s4], s20  }
0x9e: {  	_ =	swait.ge [sflag:s22], s20  }
0x9f: {  	s3 =	ssub.s32 $0x0, s20;
	[sflag:s22] =	ssyncset.done $0x0  }
0xa0: {  	[sflag:s22] =	ssyncadd.s32 s3;
	_ =	sdelay $0x1  }
0xa1: {  	s23 =	simm.s32 $0x1B8B  }
0xa2: {  	_ =	swait.ge [sflag:s23], $0x1  }
0xa3: {  	[sflag:s23] =	ssyncset.done $0x0  }
0xa4: {  	s25 =	simm.s32 $0x1B8E;
	s24 =	sld [smem:$0x3FFE];
	[sflag:s23] =	ssyncadd.s32 $0xFFFFFFFF  }
0xa5: {  	s26 =	simm.s32 $execute0_lowered;
	[smem:$0x3FD2] =	sst s25  }
0xa6: {  	s4 =	sshll.u32 s26, $0x1;
	_ =	strace $0x80000046;
	[dreg:$0x1] =	wrdreg $0xFFFFFFFF  }
0xa7: {  	s28 =	simm.s32 $_size_execute0_lowered;
	s2 =	sadd.s32 s2, s4;
	[dreg:$0x0] =	wrdreg $0x0  }
0xa8: {  	s4 =	sshll.u32 s28, $0x1;
	[dreg:$0x2] =	wrdreg s2  }
0xa9: {  	[dreg:$0x3] =	wrdreg s4  }
0xaa: {  	[dreg:$0x4] =	wrdreg $0xC0  }
0xab: {  	_ =	task [dreg:s6], $0x5FFFF  }
0xac: {  	[dreg:$0x1] =	wrdreg $0xFFFFFFFF  }
0xad: {  	[dreg:$0x0] =	wrdreg $0x60  }
0xae: {  	[dreg:$0x2] =	wrdreg s24  }
0xaf: {  	[dreg:$0x3] =	wrdreg $0x9  }
0xb0: {  	_ =	task.clear_ibuf [dreg:s6], $0x4FFFF;
	_ =	strace $0x90000046  }
0xb1: {  	s29 =	simm.s32 $0x9;
	_ =	strace $0x80000048  }
0xb2: {  	_ =	swait.ge [sflag:s29], $0x1  }
0xb3: {  	[sflag:s29] =	ssyncadd.s32 $0xFFFFFFFF  }
0xb4: {  	_ =	strace $0x90000048  }
0xb5: {  	_ =	sfence  }
0xb6: {  	s30 =	sld [smem:$0x0];
	_ =	sdelay $0x2  }
0xb7: {  	s31 =	sshll.u32 s1, $0xD;
	s1 =	sshrl.u32 s1, $0x2  }
0xb8: {  	s3 =	sand.u32 $0x4000, s31;
	s1 =	sadd.s32 s1, s30  }
0xb9: {  	s0 =	sor.u32 s3, s0;
	s1 =	sshll.u32 s1, $0x11  }
0xba: {  	s0 =	sor.u32 s1, s0  }
0xbb: {  	s0 =	sadd.s32 $0x8F2B, s0  }
0xbc: {  	[sflag:s0] =	ssyncadd.remote.s32 $0x1  }
0xbd: {  	_ =	sfence.sel $0xFFFF  }
0xbe: {  	[dreg:$0x0] =	wrdreg $0xFFFFFFFF;
	(pc) =	sbr.abs _section_cstart, $3  }
0xbf: {  	[dreg:$0x1] =	wrdreg $0xFFFFFFFF  }
0xc0: {  	_ =	task.clear_ibuf [dreg:s6], $0x2FFFF;
	_ =	strace $0x9FFFFFFF  }
0xc1: {  	(tm) =	ssettm $0x7FFFFFFF  }
tec
execute0_lowered:
.L_overlay_start_1:
0x0: {  	(tag) =	ssettag $0x1  }
0x1: {  	s0 =	srdreg.scid  }
0x2: {  	s4 =	rddreg [dreg:$0x0];
	s2 =	simm.s32 $0x0;
	s3 =	sand.u32 $0x1, s0  }
0x3: {  	s8 =	simm.s32 $0x80;
	s0 =	stileid.u32;
	s1 =	sshll.u32 s3, $0x4  }
0x4: {  	s9 =	simm.s32 $0x400;
	s10 =	simm.s32 $0x0;
	s5 =	sor.u32 s0, s1  }
0x5: {  	[smem:$0x7FF] =	sst s2;
	s7 =	sshll.u32 s0, $0x7;
	s6 =	sshrl.u32 s5, $0x3  }
0x6: {  	s3 =	ssub.s32 $0x2, s3;
	s1 =	rddreg [dreg:$0x1];
	s6 =	smul.u32 $0x14000, s6  }
0x7: {  	s7 =	sand.u32 $0x380, s7;
	s30 =	sshrl.u32 s3, $0x1;
	s5 =	smul.u32 $0x2800, s5  }
0x8: {  	_ =	strace $0x80000047;
	s31 =	ssub.s32 s3, s30;
	s6 =	sor.u32 s7, s6  }
0x9: {  	s5 =	sshrl.u32 s5, $0x3;
	s7 =	simm.s32 $0x2800;
	s6 =	sshrl.u32 s6, $0x3  }
0xa: {  	s6 =	sadd.s32 s6, s4;
	s4 =	sadd.s32 s4, s5;
	s5 =	smax.u32 s31, $0x1  }
0xb: {  	v0 =	vimm.f32 $0.0e+00;
	v1 =	vimm.f32 $1.000000000e+00;
	s3 =	sadd.s32 $0xBC00, s4;
	s4 =	sadd.s32 $0x15C00, s6;
	s6 =	simm.s32 $0x1  }
.LBB2_1:
0xc: {  	[tilespmem:s2], [sflag:$0x1] =	stream.linear.gather [hbm4b:s3+s2], $0x2800, $0x38;
	[tilespmem:$0x5000] =	vst v63  }
0xd: {  	_ =	swait.ge [sflag:s6], $0x2800  }
0xe: {  	[sflag:s6] =	ssyncset.done $0x0  }
0xf: {  	s11 =	simm.s32 $0x0;
	[sflag:s6] =	ssyncadd.s32 $0xFFFFD800  }
.LBB2_2:
0x10: {  	p0 =	sne.s32 s11, $0x9FC0  }
.Ltmp0:
0x11: {  	_ = 	snop;
	(pc) =	sbr.rel @p0 .LBB2_2-.Ltmp0, $3  }
0x12: {  	_ =	sdelay $0x1  }
0x13: {  	s12 =	sshra.s32 s11, $0x2  }
0x14: {  	s11 =	sadd.s32 $0x40, s11;
	[tilespmem:s12+$0x2800] =	vst v0  }
0x15: {  	s11 =	simm.s32 $0x0  }
.LBB2_4:
0x16: {  	s12 =	sshra.s32 s11, $0x2  }
0x17: {  	v2 =	vld [tilespmem:s12+$0x0];
	_ =	sdelay $0x7  }
0x18: {  	[tilespmem:v2+s7+$0x0] =	vst.idx.add.f32.msk $0xffff, v1  }
0x19: {  	v2 =	vld [tilespmem:s12+$0x10];
	_ =	sdelay $0x7  }
0x1a: {  	[tilespmem:v2+s7+$0x0] =	vst.idx.add.f32.msk $0xffff, v1  }
0x1b: {  	v2 =	vld [tilespmem:s12+$0x20];
	_ =	sdelay $0x7  }
0x1c: {  	[tilespmem:v2+s7+$0x0] =	vst.idx.add.f32.msk $0xffff, v1  }
0x1d: {  	v2 =	vld [tilespmem:s12+$0x30];
	_ =	sdelay $0x7  }
0x1e: {  	[tilespmem:v2+s7+$0x0] =	vst.idx.add.f32.msk $0xffff, v1  }
0x1f: {  	v2 =	vld [tilespmem:s12+$0x40];
	_ =	sdelay $0x7  }
0x20: {  	[tilespmem:v2+s7+$0x0] =	vst.idx.add.f32.msk $0xffff, v1  }
0x21: {  	v2 =	vld [tilespmem:s12+$0x50];
	_ =	sdelay $0x7  }
0x22: {  	[tilespmem:v2+s7+$0x0] =	vst.idx.add.f32.msk $0xffff, v1  }
0x23: {  	v2 =	vld [tilespmem:s12+$0x60];
	_ =	sdelay $0x7  }
0x24: {  	[tilespmem:v2+s7+$0x0] =	vst.idx.add.f32.msk $0xffff, v1  }
0x25: {  	v2 =	vld [tilespmem:s12+$0x70];
	_ =	sdelay $0x2  }
0x26: {  	p0 =	sne.s32 s11, $0x9E00  }
.Ltmp1:
0x27: {  	_ = 	snop;
	(pc) =	sbr.rel @p0 .LBB2_4-.Ltmp1, $2  }
0x28: {  	_ =	sdelay $0x2  }
0x29: {  	s11 =	sadd.s32 $0x200, s11;
	[tilespmem:v2+s7+$0x0] =	vst.idx.add.f32.msk $0xffff, v1  }
0x2a: {  	s10 =	sadd.s32 $0x1, s10  }
0x2b: {  	p0 =	sne.s32 s10, s5  }
.Ltmp2:
0x2c: {  	_ = 	snop;
	(pc) =	sbr.rel @p0 .LBB2_1-.Ltmp2, $4  }
0x2d: {  	[hbm4b:s4+s8] =	stream.strided.scatter [tilespmem:s7], [sflag:$0x1], $0x2800, s9, s8, $0x38;
	[tilespmem:$0x5000] =	vst v63  }
0x2e: {  	_ =	swait.ge [sflag:s6], $0x2800  }
0x2f: {  	[sflag:s6] =	ssyncset.done $0x0  }
0x30: {  	[sflag:s6] =	ssyncadd.s32 $0xFFFFD800  }
0x31: {  	_ =	sfence.sel $0x180000  }
0x32: {  	[bflag:$0x0] =	sbarrier.arrive $0xFFFF  }
0x33: {  	p0 =	sne.s32 s0, $0x0;
	_ =	strace $0x90000047  }
0x34: {  	s0 =	sadd.s32 @!p0 $0x100000, s1;
	[bflag:$0x2] =	sbarrier.arrive $0xFFFF  }
0x35: {  	[sflag:s0] =	ssyncadd.tile.s32 @!p0 $0x1;
	_ =	shalt  }
.Lfunc_end2:
_tile_overlayer_lowered:
.L_overlay_start_2:
0x36: {  	(tag) =	ssettag $0x2  }
0x37: {  	s0 =	rddreg [dreg:$0x0];
	s2 =	stileid.u32  }
0x38: {  	s1 =	rddreg [dreg:$0x1];
	p0 =	sne.s32 s2, $0x0  }
0x39: {  	s3 =	rddreg [dreg:$0x2];
	[bflag:$0x3] =	sbarrier.arrive $0xFFFF;
	s2 =	simm.s32 @!p0 $0x1C01  }
0x3a: {  	[timem:s3], [sflag:s2] =	dma.local @!p0 [hbm:s0], s1  }
0x3b: {  	s0 =	simm.s32 @!p0 $0x1  }
0x3c: {  	_ =	swait.ge @!p0 [sflag:s0], s1  }
0x3d: {  	s1 =	ssub.s32 @!p0 $0x0, s1;
	[sflag:s0] =	ssyncset.done @!p0 $0x0  }
0x3e: {  	[sflag:s0] =	ssyncadd.s32 @!p0 s1  }
0x3f: {  	[bflag:$0x3] =	sbarrier.arrive $0xFFFF  }
0x40: {  	_ =	shalt  }

// kernel: kernel.13.cloned.1.call-start
scs
__scs_entry_jumppad:
0x0: {  	(pc) =	sbr.rel $0x88, $3  }
0x1: {  	(tag) =	ssettag $0x0;
	lr =	simm.s32 $0x1  }
0x2: {  	[smem:$0x3F92] =	sst lr;
	_ =	strace $0xD0000000  }
0x3: {  	_ = 	snop  }
0x4: {  	_ = 	snop  }
0x5: {  	_ = 	snop  }
0x6: {  	_ = 	snop  }
0x7: {  	_ = 	snop  }
__scs_overlays_trampoline_lowered:
0x8: {  	[smem:$0x3FA1] =	sst s0  }
0x9: {  	[smem:$0x3FA2] =	sst s1  }
0xa: {  	[smem:$0x3FA3] =	sst s2  }
0xb: {  	[smem:$0x3FA4] =	sst s3  }
0xc: {  	[smem:$0x3FA5] =	sst s4  }
0xd: {  	[smem:$0x3FA6] =	sst s5  }
0xe: {  	[smem:$0x3FA7] =	sst s6  }
0xf: {  	[smem:$0x3FA8] =	sst s7  }
0x10: {  	[smem:$0x3FA9] =	sst s8  }
0x11: {  	[smem:$0x3FAA] =	sst s9;
	s0 =	simm.s32 @!p0 $0x0  }
0x12: {  	s1 =	sld [smem:$0x3F90];
	s0 =	simm.s32 @p0 $0x1  }
0x13: {  	[smem:$0x3FAB] =	sst s0;
	s0 =	simm.s32 @!p1 $0x0  }
0x14: {  	s2 =	sld [smem:$0x3F8F];
	s0 =	simm.s32 @p1 $0x1  }
0x15: {  	[smem:$0x3FAC] =	sst s0;
	s0 =	simm.s32 @!p2 $0x0  }
0x16: {  	s3 =	sld [smem:$0x3FDB];
	s0 =	simm.s32 @p2 $0x1  }
0x17: {  	s4 =	simm.s32 $0x1BF5;
	[smem:$0x3FAE] =	sst s0  }
0x18: {  	s0 =	sld [smem:$0x3F91];
	_ =	swait.ge [sflag:s4], $0x0  }
0x19: {  	s7 =	sld [smem:$0x3F92]  }
0x1a: {  	s8 =	sadd.s32 $0xFFFFE003, lr  }
0x1b: {  	s9 =	sadd.s32 $0xFFFFFEF7, lr;
	s5 =	simm.s32 $0xFFFFFFFF;
	p2 =	slt.u32 s8, $0xFFFFF086  }
0x1c: {  	p1 =	slt.u32 s9, $0xF7A;
	s5 =	simm.s32 @!p2 $0x0  }
0x1d: {  	s5 =	simm.s32 @p1 $0x1;
	p0 =	seq.s32 s7, s2  }
0x1e: {  	s7 =	smul.u32 @!p0 $0xF7A, s2;
	p2 =	seq.s32 @!p0 s5, $0x0  }
0x1f: {  	s9 =	smul.u32 $0xF7A, s1;
	s8 =	simm.s32 @!p0 $0x1BF5;
	p2 =	por !p2, p0  }
0x20: {  	[sflag:s8] =	ssyncset.s32 @!p0 $0xFFFFF086;
	s6 =	sadd.s32 @!p0 s3, s7;
	s7 =	simm.s32 @!p0 $0x108  }
0x21: {  	s3 =	sadd.s32 s3, s9;
	s6 =	sadd.s32 @!p0 $0x88, s6;
	s7 =	simm.s32 @p2 $0x1082  }
0x22: {  	[simem:s7], [sflag:s8] =	dma.local @!p0 [hbm:s6], $0xF7A  }
0x23: {  	s9 =	sor.u32 $0xD0000000, s2;
	s6 =	simm.s32 $0x108;
	_ =	swait.ge @!p0 [sflag:s8], $0x0  }
0x24: {  	s3 =	sadd.s32 $0x88, s3;
	s6 =	simm.s32 @!p1 $0x1082;
	[sflag:s4] =	ssyncset.s32 $0xFFFFF086  }
0x25: {  	[simem:s6], [sflag:s4] =	dma.local [hbm:s3], $0xF7A  }
0x26: {  	[smem:$0x3F92] =	sst s1;
	(tag) =	ssettag s2;
	_ =	strace s9  }
0x27: {  	s1 =	sld [smem:$0x3FA2]  }
0x28: {  	s2 =	sld [smem:$0x3FA3]  }
0x29: {  	s4 =	sld [smem:$0x3FA5]  }
0x2a: {  	p0 =	seq.s32 s5, $0x0;
	s5 =	sld [smem:$0x3FA6]  }
0x2b: {  	s6 =	sld [smem:$0x3FA7]  }
0x2c: {  	s7 =	sld [smem:$0x3FA8]  }
0x2d: {  	s3 =	simm.s32 $0x108;
	s8 =	sld [smem:$0x3FA9]  }
0x2e: {  	s3 =	simm.s32 @!p0 $0x1082;
	s9 =	sld [smem:$0x3FAA]  }
0x2f: {  	lr =	sadd.s32 s0, s3;
	s0 =	sld [smem:$0x3FA1]  }
0x30: {  	s3 =	sld [smem:$0x3FA4]  }
0x31: {  	[smem:$0x3FAD] =	sst s10  }
0x32: {  	s10 =	sld [smem:$0x3FAB];
	_ =	sdelay $0x3  }
0x33: {  	p0 =	seq.s32 s10, $0x1;
	s10 =	sld [smem:$0x3FAD];
	_ =	sdelay $0x3  }
0x34: {  	[smem:$0x3FAD] =	sst s10  }
0x35: {  	s10 =	sld [smem:$0x3FAC];
	_ =	sdelay $0x3  }
0x36: {  	p1 =	seq.s32 s10, $0x1;
	s10 =	sld [smem:$0x3FAD];
	_ =	sdelay $0x3  }
0x37: {  	[smem:$0x3FAD] =	sst s10  }
0x38: {  	s10 =	sld [smem:$0x3FAE]  }
0x39: {  	_ = 	snop;
	(pc) =	sbr.ind lr, $3  }
0x3a: {  	_ = 	snop  }
0x3b: {  	_ = 	snop  }
0x3c: {  	p2 =	seq.s32 s10, $0x1;
	s10 =	sld [smem:$0x3FAD]  }
0x3d: {  	_ =	shalt  }
0x3e: {  	_ =	shalt  }
0x3f: {  	_ =	shalt  }
0x40: {  	_ =	shalt  }
0x41: {  	_ =	shalt  }
0x42: {  	_ =	shalt  }
0x43: {  	_ =	shalt  }
0x44: {  	_ =	shalt  }
0x45: {  	_ =	shalt  }
0x46: {  	_ =	shalt  }
0x47: {  	_ =	shalt  }
0x48: {  	_ =	shalt  }
0x49: {  	_ =	shalt  }
0x4a: {  	_ =	shalt  }
0x4b: {  	_ =	shalt  }
0x4c: {  	_ =	shalt  }
0x4d: {  	_ =	shalt  }
0x4e: {  	_ =	shalt  }
0x4f: {  	_ =	shalt  }
0x50: {  	_ =	shalt  }
0x51: {  	_ =	shalt  }
0x52: {  	_ =	shalt  }
0x53: {  	_ =	shalt  }
0x54: {  	_ =	shalt  }
0x55: {  	_ =	shalt  }
0x56: {  	_ =	shalt  }
0x57: {  	_ =	shalt  }
0x58: {  	_ =	shalt  }
0x59: {  	_ =	shalt  }
0x5a: {  	_ =	shalt  }
0x5b: {  	_ =	shalt  }
0x5c: {  	_ =	shalt  }
0x5d: {  	_ =	shalt  }
0x5e: {  	_ =	shalt  }
0x5f: {  	_ =	shalt  }
0x60: {  	_ =	shalt  }
0x61: {  	_ =	shalt  }
0x62: {  	_ =	shalt  }
0x63: {  	_ =	shalt  }
0x64: {  	_ =	shalt  }
0x65: {  	_ =	shalt  }
0x66: {  	_ =	shalt  }
0x67: {  	_ =	shalt  }
0x68: {  	_ =	shalt  }
0x69: {  	_ =	shalt  }
0x6a: {  	_ =	shalt  }
0x6b: {  	_ =	shalt  }
0x6c: {  	_ =	shalt  }
0x6d: {  	_ =	shalt  }
0x6e: {  	_ =	shalt  }
0x6f: {  	_ =	shalt  }
0x70: {  	_ =	shalt  }
0x71: {  	_ =	shalt  }
0x72: {  	_ =	shalt  }
0x73: {  	_ =	shalt  }
0x74: {  	_ =	shalt  }
0x75: {  	_ =	shalt  }
0x76: {  	_ =	shalt  }
0x77: {  	_ =	shalt  }
0x78: {  	_ =	shalt  }
0x79: {  	_ =	shalt  }
0x7a: {  	_ =	shalt  }
0x7b: {  	_ =	shalt  }
0x7c: {  	_ =	shalt  }
0x7d: {  	_ =	shalt  }
0x7e: {  	_ =	shalt  }
0x7f: {  	_ =	shalt  }
0x80: {  	_ =	shalt  }
0x81: {  	_ =	shalt  }
0x82: {  	_ =	shalt  }
0x83: {  	_ =	shalt  }
0x84: {  	_ =	shalt  }
0x85: {  	_ =	shalt  }
0x86: {  	_ =	shalt  }
0x87: {  	_ =	shalt  }
.Lfunc_end0:
.L_simem_size_0:
called_computation.1_lowered:
.L_overlay_start_0:
0x88: {  	s2 =	sld [smem:$0x3FD9]  }
0x89: {  	s3 =	sld [smem:$0x3FFE];
	_ =	sdelay $0x1  }
0x8a: {  	s1 =	srdreg.scid  }
0x8b: {  	s0 =	sand.u32 $0x1, s1  }
0x8c: {  	s17 =	sshll.u32 s0, $0xA;
	s2 =	sadd.s32 s3, s2  }
0x8d: {  	s2 =	sadd.s32 s2, s17  }
0x8e: {  	[smem:$0x3FB9] =	sst s2  }
0x8f: {  	_ = 	snop  }
0x90: {  	s2 =	sld [smem:$0x3FD0];
	(tm) =	ssettm $0x1  }
0x91: {  	s18 =	sld [smem:$0x3FFB];
	_ =	sdelay $0x3  }
0x92: {  	_ =	strace s18  }
0x93: {  	s3 =	sld [smem:$0x3FFC];
	_ =	sdelay $0x3  }
0x94: {  	_ =	strace s3  }
0x95: {  	s3 =	sld [smem:$0x3FFD];
	_ =	sdelay $0x3  }
0x96: {  	_ =	strace s3  }
0x97: {  	_ =	strace $0x8FFFFFFF  }
0x98: {  	s19 =	sld [smem:$0x3FDB];
	_ =	sdelay $0x1  }
0x99: {  	s4 =	simm.s32 $_scs_section_size  }
0x9a: {  	s5 =	simm.s32 $_size__tile_overlayer_lowered;
	s6 =	simm.s32 $_tile_overlayer_lowered  }
0x9b: {  	s22 =	simm.s32 $0x1BFF;
	s21 =	sshll.u32 s6, $0x1;
	s3 =	sadd.s32 s4, s19  }
0x9c: {  	s7 =	simm.s32 $0x0;
	s20 =	sshll.u32 s5, $0x1;
	s5 =	sadd.s32 s21, s3  }
0x9d: {  	[timem:s7], [sflag:s22] =	dma.local [hbm:s5], s20  }
0x9e: {  	_ =	swait.ge [sflag:s22], s20  }
0x9f: {  	s4 =	ssub.s32 $0x0, s20;
	[sflag:s22] =	ssyncset.done $0x0  }
0xa0: {  	[sflag:s22] =	ssyncadd.s32 s4;
	_ =	sdelay $0x1  }
0xa1: {  	s23 =	simm.s32 $0x1B8B  }
0xa2: {  	_ =	swait.ge [sflag:s23], $0x1  }
0xa3: {  	[sflag:s23] =	ssyncset.done $0x0  }
0xa4: {  	s25 =	simm.s32 $0x1B8E;
	s24 =	sld [smem:$0x3FFE];
	[sflag:s23] =	ssyncadd.s32 $0xFFFFFFFF  }
0xa5: {  	s26 =	simm.s32 $execute0_lowered;
	[smem:$0x3FD2] =	sst s25  }
0xa6: {  	s5 =	sshll.u32 s26, $0x1;
	_ =	strace $0x80000049;
	[dreg:$0x1] =	wrdreg $0xFFFFFFFF  }
0xa7: {  	s28 =	simm.s32 $_size_execute0_lowered;
	s3 =	sadd.s32 s3, s5;
	[dreg:$0x0] =	wrdreg $0x0  }
0xa8: {  	s5 =	sshll.u32 s28, $0x1;
	[dreg:$0x2] =	wrdreg s3  }
0xa9: {  	[dreg:$0x3] =	wrdreg s5  }
0xaa: {  	[dreg:$0x4] =	wrdreg $0xC0  }
0xab: {  	_ =	task [dreg:s7], $0x5FFFF  }
0xac: {  	[dreg:$0x1] =	wrdreg $0xFFFFFFFF  }
0xad: {  	[dreg:$0x0] =	wrdreg $0x60  }
0xae: {  	[dreg:$0x2] =	wrdreg s24  }
0xaf: {  	[dreg:$0x3] =	wrdreg s2  }
0xb0: {  	[dreg:$0x4] =	wrdreg $0xA8000  }
0xb1: {  	[dreg:$0x5] =	wrdreg $0x9  }
0xb2: {  	_ =	task.clear_ibuf [dreg:s7], $0x6FFFF;
	_ =	strace $0x90000049  }
0xb3: {  	s29 =	simm.s32 $0x9;
	_ =	strace $0x8000004E  }
0xb4: {  	_ =	swait.ge [sflag:s29], $0x1  }
0xb5: {  	[sflag:s29] =	ssyncadd.s32 $0xFFFFFFFF  }
0xb6: {  	_ =	strace $0x9000004E  }
0xb7: {  	_ =	sfence  }
0xb8: {  	s30 =	sld [smem:$0x0];
	_ =	sdelay $0x2  }
0xb9: {  	s31 =	sshll.u32 s1, $0xD;
	s1 =	sshrl.u32 s1, $0x2  }
0xba: {  	s3 =	sand.u32 $0x4000, s31;
	s1 =	sadd.s32 s1, s30  }
0xbb: {  	s0 =	sor.u32 s3, s0;
	s1 =	sshll.u32 s1, $0x11  }
0xbc: {  	s0 =	sor.u32 s1, s0  }
0xbd: {  	s0 =	sadd.s32 $0x8F2B, s0  }
0xbe: {  	[sflag:s0] =	ssyncadd.remote.s32 $0x1  }
0xbf: {  	_ =	sfence.sel $0xFFFF  }
0xc0: {  	[dreg:$0x0] =	wrdreg $0xFFFFFFFF;
	(pc) =	sbr.abs _section_cstart, $3  }
0xc1: {  	[dreg:$0x1] =	wrdreg $0xFFFFFFFF  }
0xc2: {  	_ =	task.clear_ibuf [dreg:s7], $0x2FFFF;
	_ =	strace $0x9FFFFFFF  }
0xc3: {  	(tm) =	ssettm $0x7FFFFFFF  }
tec
execute0_lowered:
.L_overlay_start_1:
0x0: {  	(tag) =	ssettag $0x1  }
0x1: {  	s0 =	rddreg [dreg:$0x0]  }
0x2: {  	s1 =	srdreg.scid;
	s8 =	stileid.u32  }
0x3: {  	s3 =	rddreg [dreg:$0x2];
	s4 =	simm.s32 $0x0;
	s21 =	simm.s32 $0x2800  }
0x4: {  	s22 =	simm.s32 $0x3;
	s28 =	simm.s32 $0x2;
	s29 =	simm.s32 $0x1380  }
0x5: {  	s30 =	simm.s32 $0x2700;
	s31 =	simm.s32 $0x2780;
	s1 =	sand.u32 $0x1, s1  }
0x6: {  	s2 =	sshll.u32 s8, $0x1;
	[smem:$0x7FF] =	sst s4;
	s6 =	smul.u32 $0x50000, s8  }
0x7: {  	s10 =	smul.u32 $0x14000, s8;
	s5 =	sshll.u32 s1, $0x5;
	_ =	strace $0x8000004A  }
0x8: {  	s7 =	ssub.s32 $0x2, s1;
	s1 =	smul.u32 $0x140000, s1;
	s2 =	sor.u32 s5, s2  }
0x9: {  	s5 =	sadd.s32 $0x47C00, s0;
	s23 =	sshrl.u32 s7, $0x1;
	s6 =	sshrl.u32 s6, $0x2  }
0xa: {  	s11 =	sadd.s32 $0x4000, s10;
	s13 =	sadd.s32 $0x8000, s10;
	s14 =	sadd.s32 $0xC000, s10  }
0xb: {  	s15 =	sadd.s32 $0x10000, s10;
	s2 =	smul.u32 $0x1400, s2;
	s16 =	ssub.s32 s7, s23  }
0xc: {  	s6 =	sadd.s32 s6, s3;
	s7 =	sadd.s32 s11, s3;
	s8 =	sadd.s32 s13, s3  }
0xd: {  	s9 =	sadd.s32 s14, s3;
	s12 =	sadd.s32 s10, s1;
	s11 =	sadd.s32 s1, s11  }
0xe: {  	s10 =	sadd.s32 s15, s3;
	s13 =	sadd.s32 s1, s13;
	s14 =	sadd.s32 s1, s14  }
0xf: {  	s1 =	sadd.s32 s1, s15;
	s23 =	simm.s32 $0x1;
	s12 =	sshrl.u32 s12, $0x3  }
0x10: {  	s17 =	sshrl.u32 s11, $0x3;
	s13 =	sshrl.u32 s13, $0x3;
	s2 =	sshrl.u32 s2, $0x3  }
0x11: {  	s14 =	sshrl.u32 s14, $0x3;
	s2 =	sadd.s32 s2, s0;
	s0 =	sadd.s32 $0x97C00, s0  }
0x12: {  	s1 =	sshrl.u32 s1, $0x3;
	s16 =	smax.u32 s16, $0x1;
	s24 =	sadd.s32 s0, s12  }
0x13: {  	s25 =	sadd.s32 s0, s17;
	s26 =	sadd.s32 s0, s13;
	s14 =	sadd.s32 s0, s14  }
0x14: {  	s15 =	sadd.s32 s0, s1;
	s17 =	sadd.s32 $0x1C00, s2;
	[dreg:$0x4] =	wrdreg s24  }
0x15: {  	s18 =	sadd.s32 $0xBC00, s2;
	s19 =	sadd.s32 $0x1E80, s2;
	[dreg:$0x5] =	wrdreg s25  }
0x16: {  	s20 =	sadd.s32 $0xBE80, s2;
	s1 =	simm.s32 $0x0;
	[dreg:$0x6] =	wrdreg s26  }
0x17: {  	s24 =	simm.s32 $0x1400;
	s25 =	simm.s32 $0x80;
	s26 =	simm.s32 $0x6800  }
.LBB2_1:
0x18: {  	_ =	strace $0x8000004B  }
0x19: {  	s0 =	rddreg [dreg:$0x1]  }
0x1a: {  	[tilespmem:s21], [sflag:$0x3] =	stream.linear.gather [hbm4b:s0+s4], $0x4000, $0x200038;
	[tilespmem:$0x1E800] =	vst v63  }
0x1b: {  	_ =	swait.ge [sflag:s22], $0x4000  }
0x1c: {  	[sflag:s22] =	ssyncset.done $0x0  }
0x1d: {  	[sflag:s22] =	ssyncadd.s32 $0xFFFFC000  }
0x1e: {  	[spmem:s6] =	stream.linear.scatter [tilespmem:s21], [sflag:$0x1], $0x4000, $0x200038;
	[tilespmem:$0x1E800] =	vst v63  }
0x1f: {  	_ = 	snop  }
0x20: {  	[spmem:s7] =	stream.linear.scatter [tilespmem:s21], [sflag:$0x1], $0x4000, $0x200038;
	[tilespmem:$0x1E800] =	vst v63  }
0x21: {  	_ = 	snop  }
0x22: {  	[spmem:s8] =	stream.linear.scatter [tilespmem:s21], [sflag:$0x1], $0x4000, $0x200038;
	[tilespmem:$0x1E800] =	vst v63  }
0x23: {  	_ = 	snop  }
0x24: {  	[spmem:s9] =	stream.linear.scatter [tilespmem:s21], [sflag:$0x1], $0x4000, $0x200038;
	[tilespmem:$0x1E800] =	vst v63  }
0x25: {  	_ = 	snop  }
0x26: {  	[spmem:s10] =	stream.linear.scatter [tilespmem:s21], [sflag:$0x1], $0x4000, $0x200038;
	[tilespmem:$0x1E800] =	vst v63  }
0x27: {  	_ =	swait.ge [sflag:s23], $0x4000  }
0x28: {  	[sflag:s23] =	ssyncset.done $0x0  }
0x29: {  	[sflag:s23] =	ssyncadd.s32 $0xFFFFC000  }
0x2a: {  	_ =	swait.ge [sflag:s23], $0x4000  }
0x2b: {  	[sflag:s23] =	ssyncset.done $0x0  }
0x2c: {  	[sflag:s23] =	ssyncadd.s32 $0xFFFFC000  }
0x2d: {  	_ =	swait.ge [sflag:s23], $0x4000  }
0x2e: {  	[sflag:s23] =	ssyncset.done $0x0  }
0x2f: {  	[sflag:s23] =	ssyncadd.s32 $0xFFFFC000  }
0x30: {  	_ =	swait.ge [sflag:s23], $0x4000  }
0x31: {  	[sflag:s23] =	ssyncset.done $0x0  }
0x32: {  	[sflag:s23] =	ssyncadd.s32 $0xFFFFC000  }
0x33: {  	_ =	swait.ge [sflag:s23], $0x4000  }
0x34: {  	[sflag:s23] =	ssyncset.done $0x0  }
0x35: {  	[sflag:s23] =	ssyncadd.s32 $0xFFFFC000  }
0x36: {  	[bflag:$0x0] =	sbarrier.arrive $0xFFFF  }
0x37: {  	_ =	strace $0x9000004B  }
0x38: {  	_ =	strace $0x8000004C  }
0x39: {  	[tilespmem:s4], [sflag:$0x3] =	stream.linear.gather [hbm4b:s17+s4], $0x1400, $0x200038;
	[tilespmem:$0x1E800] =	vst v63  }
0x3a: {  	_ =	swait.ge [sflag:s22], $0x1400  }
0x3b: {  	[sflag:s22] =	ssyncset.done $0x0  }
0x3c: {  	[sflag:s22] =	ssyncadd.s32 $0xFFFFEC00  }
0x3d: {  	[tilespmem:s24], [sflag:$0x3] =	stream.linear.gather [hbm4b:s18+s4], $0x1400, $0x200038;
	[tilespmem:$0x1E800] =	vst v63  }
0x3e: {  	_ =	swait.ge [sflag:s22], $0x1400  }
0x3f: {  	[sflag:s22] =	ssyncset.done $0x0  }
0x40: {  	[sflag:s22] =	ssyncadd.s32 $0xFFFFEC00  }
0x41: {  	[tilespmem:s21], [sflag:$0x1] =	stream.indirect.gather [hbm4b:s5+s25], $0x80, s4, s25, $0x2000b8;
	[tilespmem:$0x1E800] =	vst v63  }
0x42: {  	s2 =	simm.s32 $0x80  }
0x43: {  	[tilespmem:s26], [sflag:$0x2] =	stream.indirect.gather [hbm4b:s5+s25], $0x80, s2, s25, $0x2000b8;
	[tilespmem:$0x1E800] =	vst v63  }
0x44: {  	_ =	swait.ge [sflag:s23], $0x4000  }
0x45: {  	[sflag:s23] =	ssyncset.done $0x0  }
0x46: {  	s11 =	simm.s32 $0x1400;
	[sflag:s23] =	ssyncadd.s32 $0xFFFFC000  }
0x47: {  	[spmem:s3] =	stream.indirect.scatter.add.f32 [tilespmem:s21], [sflag:$0x3], $0x80, s11, s25, $0x2000b8;
	[tilespmem:$0x1E800] =	vst v63  }
0x48: {  	_ =	swait.ge [sflag:s22], $0x4000  }
0x49: {  	[sflag:s22] =	ssyncset.done $0x0  }
0x4a: {  	s12 =	simm.s32 $0x100;
	[sflag:s22] =	ssyncadd.s32 $0xFFFFC000  }
0x4b: {  	[tilespmem:s21], [sflag:$0x1] =	stream.indirect.gather [hbm4b:s5+s25], $0x80, s12, s25, $0x2000b8;
	[tilespmem:$0x1E800] =	vst v63  }
0x4c: {  	_ =	swait.ge [sflag:s28], $0x4000  }
0x4d: {  	[sflag:s28] =	ssyncset.done $0x0  }
0x4e: {  	s13 =	simm.s32 $0x1480;
	[sflag:s28] =	ssyncadd.s32 $0xFFFFC000  }
0x4f: {  	[spmem:s3] =	stream.indirect.scatter.add.f32 [tilespmem:s26], [sflag:$0x3], $0x80, s13, s25, $0x2000b8;
	[tilespmem:$0x1E800] =	vst v63  }
0x50: {  	_ =	swait.ge [sflag:s22], $0x4000  }
0x51: {  	s0 =	simm.s32 $0x100;
	s2 =	simm.s32 $0x800;
	[sflag:s22] =	ssyncset.done $0x0  }
.LBB2_2:
0x52: {  	s11 =	sadd.s32 $0x80, s0  }
0x53: {  	[sflag:s22] =	ssyncadd.s32 $0xFFFFC000;
	s12 =	smov.u32 s2;
	s13 =	sadd.s32 $0x400, s2  }
0x54: {  	[tilespmem:s26], [sflag:$0x2] =	stream.indirect.gather [hbm4b:s5+s25], $0x80, s11, s25, $0x2000b8;
	[tilespmem:$0x1E800] =	vst v63  }
0x55: {  	p0 =	sne.s32 s2, $0x4800;
	_ =	swait.ge [sflag:s23], $0x4000  }
0x56: {  	[sflag:s23] =	ssyncset.done $0x0  }
0x57: {  	s2 =	sadd.s32 $0x1400, s0;
	[sflag:s23] =	ssyncadd.s32 $0xFFFFC000  }
0x58: {  	[spmem:s3] =	stream.indirect.scatter.add.f32 [tilespmem:s21], [sflag:$0x3], $0x80, s2, s25, $0x2000b8;
	[tilespmem:$0x1E800] =	vst v63  }
0x59: {  	_ =	swait.ge [sflag:s22], $0x4000  }
0x5a: {  	[sflag:s22] =	ssyncset.done $0x0  }
0x5b: {  	s2 =	sadd.s32 $0x100, s0;
	[sflag:s22] =	ssyncadd.s32 $0xFFFFC000  }
0x5c: {  	[tilespmem:s21], [sflag:$0x1] =	stream.indirect.gather [hbm4b:s5+s25], $0x80, s2, s25, $0x2000b8;
	[tilespmem:$0x1E800] =	vst v63  }
0x5d: {  	_ =	swait.ge [sflag:s28], $0x4000  }
.Ltmp0:
0x5e: {  	[sflag:s28] =	ssyncset.done $0x0;
	(pc) =	sbr.rel @p0 .LBB2_2-.Ltmp0, $4  }
0x5f: {  	s0 =	sadd.s32 $0x1480, s0;
	[sflag:s28] =	ssyncadd.s32 $0xFFFFC000  }
0x60: {  	[spmem:s3] =	stream.indirect.scatter.add.f32 [tilespmem:s26], [sflag:$0x3], $0x80, s0, s25, $0x2000b8;
	[tilespmem:$0x1E800] =	vst v63  }
0x61: {  	_ =	swait.ge [sflag:s22], $0x4000  }
0x62: {  	s2 =	smov.u32 s13;
	s0 =	sshra.s32 s12, $0x2;
	[sflag:s22] =	ssyncset.done $0x0  }
0x63: {  	s2 =	sadd.s32 $0x80, s0;
	[sflag:s22] =	ssyncadd.s32 $0xFFFFC000  }
0x64: {  	[tilespmem:s26], [sflag:$0x2] =	stream.indirect.gather [hbm4b:s5+s25], $0x80, s2, s25, $0x2000b8;
	[tilespmem:$0x1E800] =	vst v63  }
0x65: {  	_ =	swait.ge [sflag:s23], $0x4000  }
0x66: {  	[sflag:s23] =	ssyncset.done $0x0  }
0x67: {  	s13 =	sadd.s32 $0x1400, s0;
	[sflag:s23] =	ssyncadd.s32 $0xFFFFC000  }
0x68: {  	[spmem:s3] =	stream.indirect.scatter.add.f32 [tilespmem:s21], [sflag:$0x3], $0x80, s13, s25, $0x2000b8;
	[tilespmem:$0x1E800] =	vst v63  }
0x69: {  	_ =	swait.ge [sflag:s22], $0x4000  }
0x6a: {  	[sflag:s22] =	ssyncset.done $0x0  }
0x6b: {  	s11 =	sadd.s32 $0x100, s0;
	[sflag:s22] =	ssyncadd.s32 $0xFFFFC000  }
0x6c: {  	[tilespmem:s21], [sflag:$0x1] =	stream.indirect.gather [hbm4b:s5+s25], $0x80, s11, s25, $0x2000b8;
	[tilespmem:$0x1E800] =	vst v63  }
0x6d: {  	_ =	swait.ge [sflag:s28], $0x4000  }
0x6e: {  	[sflag:s28] =	ssyncset.done $0x0  }
0x6f: {  	s12 =	sadd.s32 $0x1480, s0;
	[sflag:s28] =	ssyncadd.s32 $0xFFFFC000  }
0x70: {  	[spmem:s3] =	stream.indirect.scatter.add.f32 [tilespmem:s26], [sflag:$0x3], $0x80, s12, s25, $0x2000b8;
	[tilespmem:$0x1E800] =	vst v63  }
0x71: {  	_ =	swait.ge [sflag:s22], $0x4000  }
0x72: {  	[sflag:s22] =	ssyncset.done $0x0  }
0x73: {  	[sflag:s22] =	ssyncadd.s32 $0xFFFFC000  }
0x74: {  	[tilespmem:s26], [sflag:$0x2] =	stream.indirect.gather [hbm4b:s5+s25], $0x80, s29, s25, $0x2000b8;
	[tilespmem:$0x1E800] =	vst v63  }
0x75: {  	_ =	swait.ge [sflag:s23], $0x4000  }
0x76: {  	[sflag:s23] =	ssyncset.done $0x0  }
0x77: {  	[sflag:s23] =	ssyncadd.s32 $0xFFFFC000  }
0x78: {  	[spmem:s3] =	stream.indirect.scatter.add.f32 [tilespmem:s21], [sflag:$0x3], $0x80, s30, s25, $0x2000b8;
	[tilespmem:$0x1E800] =	vst v63  }
0x79: {  	_ =	swait.ge [sflag:s22], $0x4000  }
0x7a: {  	[sflag:s22] =	ssyncset.done $0x0  }
0x7b: {  	[sflag:s22] =	ssyncadd.s32 $0xFFFFC000  }
0x7c: {  	_ =	swait.ge [sflag:s28], $0x4000  }
0x7d: {  	[sflag:s28] =	ssyncset.done $0x0  }
0x7e: {  	[sflag:s28] =	ssyncadd.s32 $0xFFFFC000  }
0x7f: {  	[spmem:s3] =	stream.indirect.scatter.add.f32 [tilespmem:s26], [sflag:$0x3], $0x80, s31, s25, $0x2000b8;
	[tilespmem:$0x1E800] =	vst v63  }
0x80: {  	_ =	swait.ge [sflag:s22], $0x4000  }
0x81: {  	[sflag:s22] =	ssyncset.done $0x0  }
0x82: {  	s13 =	simm.s32 $0x0;
	[sflag:s22] =	ssyncadd.s32 $0xFFFFC000  }
0x83: {  	[tilespmem:s13], [sflag:$0x3] =	stream.linear.gather [hbm4b:s19+s13], $0x1400, $0x200038;
	[tilespmem:$0x1E800] =	vst v63  }
0x84: {  	_ =	swait.ge [sflag:s22], $0x1400  }
0x85: {  	[sflag:s22] =	ssyncset.done $0x0  }
0x86: {  	[sflag:s22] =	ssyncadd.s32 $0xFFFFEC00  }
0x87: {  	[tilespmem:s24], [sflag:$0x3] =	stream.linear.gather [hbm4b:s20+s13], $0x1400, $0x200038;
	[tilespmem:$0x1E800] =	vst v63  }
0x88: {  	_ =	swait.ge [sflag:s22], $0x1400  }
0x89: {  	[sflag:s22] =	ssyncset.done $0x0  }
0x8a: {  	[sflag:s22] =	ssyncadd.s32 $0xFFFFEC00  }
0x8b: {  	[tilespmem:s21], [sflag:$0x1] =	stream.indirect.gather [hbm4b:s5+s25], $0x80, s13, s25, $0x2000b8;
	[tilespmem:$0x1E800] =	vst v63  }
0x8c: {  	s2 =	simm.s32 $0x80  }
0x8d: {  	[tilespmem:s26], [sflag:$0x2] =	stream.indirect.gather [hbm4b:s5+s25], $0x80, s2, s25, $0x2000b8;
	[tilespmem:$0x1E800] =	vst v63  }
0x8e: {  	_ =	swait.ge [sflag:s23], $0x4000  }
0x8f: {  	[sflag:s23] =	ssyncset.done $0x0  }
0x90: {  	s11 =	simm.s32 $0x1400;
	[sflag:s23] =	ssyncadd.s32 $0xFFFFC000  }
0x91: {  	[spmem:s3] =	stream.indirect.scatter.add.f32 [tilespmem:s21], [sflag:$0x3], $0x80, s11, s25, $0x2000b8;
	[tilespmem:$0x1E800] =	vst v63  }
0x92: {  	_ =	swait.ge [sflag:s22], $0x4000  }
0x93: {  	[sflag:s22] =	ssyncset.done $0x0  }
0x94: {  	s12 =	simm.s32 $0x100;
	[sflag:s22] =	ssyncadd.s32 $0xFFFFC000  }
0x95: {  	[tilespmem:s21], [sflag:$0x1] =	stream.indirect.gather [hbm4b:s5+s25], $0x80, s12, s25, $0x2000b8;
	[tilespmem:$0x1E800] =	vst v63  }
0x96: {  	_ =	swait.ge [sflag:s28], $0x4000  }
0x97: {  	[sflag:s28] =	ssyncset.done $0x0  }
0x98: {  	s13 =	simm.s32 $0x1480;
	[sflag:s28] =	ssyncadd.s32 $0xFFFFC000  }
0x99: {  	[spmem:s3] =	stream.indirect.scatter.add.f32 [tilespmem:s26], [sflag:$0x3], $0x80, s13, s25, $0x2000b8;
	[tilespmem:$0x1E800] =	vst v63  }
0x9a: {  	_ =	swait.ge [sflag:s22], $0x4000  }
0x9b: {  	s0 =	simm.s32 $0x100;
	s2 =	simm.s32 $0x800;
	[sflag:s22] =	ssyncset.done $0x0  }
.LBB2_4:
0x9c: {  	s11 =	sadd.s32 $0x80, s0  }
0x9d: {  	[sflag:s22] =	ssyncadd.s32 $0xFFFFC000;
	s12 =	smov.u32 s2;
	s13 =	sadd.s32 $0x400, s2  }
0x9e: {  	[tilespmem:s26], [sflag:$0x2] =	stream.indirect.gather [hbm4b:s5+s25], $0x80, s11, s25, $0x2000b8;
	[tilespmem:$0x1E800] =	vst v63  }
0x9f: {  	p0 =	sne.s32 s2, $0x4800;
	_ =	swait.ge [sflag:s23], $0x4000  }
0xa0: {  	[sflag:s23] =	ssyncset.done $0x0  }
0xa1: {  	s2 =	sadd.s32 $0x1400, s0;
	[sflag:s23] =	ssyncadd.s32 $0xFFFFC000  }
0xa2: {  	[spmem:s3] =	stream.indirect.scatter.add.f32 [tilespmem:s21], [sflag:$0x3], $0x80, s2, s25, $0x2000b8;
	[tilespmem:$0x1E800] =	vst v63  }
0xa3: {  	_ =	swait.ge [sflag:s22], $0x4000  }
0xa4: {  	[sflag:s22] =	ssyncset.done $0x0  }
0xa5: {  	s2 =	sadd.s32 $0x100, s0;
	[sflag:s22] =	ssyncadd.s32 $0xFFFFC000  }
0xa6: {  	[tilespmem:s21], [sflag:$0x1] =	stream.indirect.gather [hbm4b:s5+s25], $0x80, s2, s25, $0x2000b8;
	[tilespmem:$0x1E800] =	vst v63  }
0xa7: {  	_ =	swait.ge [sflag:s28], $0x4000  }
.Ltmp1:
0xa8: {  	[sflag:s28] =	ssyncset.done $0x0;
	(pc) =	sbr.rel @p0 .LBB2_4-.Ltmp1, $4  }
0xa9: {  	s0 =	sadd.s32 $0x1480, s0;
	[sflag:s28] =	ssyncadd.s32 $0xFFFFC000  }
0xaa: {  	[spmem:s3] =	stream.indirect.scatter.add.f32 [tilespmem:s26], [sflag:$0x3], $0x80, s0, s25, $0x2000b8;
	[tilespmem:$0x1E800] =	vst v63  }
0xab: {  	_ =	swait.ge [sflag:s22], $0x4000  }
0xac: {  	s2 =	smov.u32 s13;
	s0 =	sshra.s32 s12, $0x2;
	[sflag:s22] =	ssyncset.done $0x0  }
0xad: {  	s2 =	sadd.s32 $0x80, s0;
	[sflag:s22] =	ssyncadd.s32 $0xFFFFC000  }
0xae: {  	[tilespmem:s26], [sflag:$0x2] =	stream.indirect.gather [hbm4b:s5+s25], $0x80, s2, s25, $0x2000b8;
	[tilespmem:$0x1E800] =	vst v63  }
0xaf: {  	_ =	swait.ge [sflag:s23], $0x4000  }
0xb0: {  	[sflag:s23] =	ssyncset.done $0x0  }
0xb1: {  	s12 =	sadd.s32 $0x1400, s0;
	[sflag:s23] =	ssyncadd.s32 $0xFFFFC000  }
0xb2: {  	[spmem:s3] =	stream.indirect.scatter.add.f32 [tilespmem:s21], [sflag:$0x3], $0x80, s12, s25, $0x2000b8;
	[tilespmem:$0x1E800] =	vst v63  }
0xb3: {  	_ =	swait.ge [sflag:s22], $0x4000  }
0xb4: {  	[sflag:s22] =	ssyncset.done $0x0  }
0xb5: {  	s13 =	sadd.s32 $0x100, s0;
	[sflag:s22] =	ssyncadd.s32 $0xFFFFC000  }
0xb6: {  	[tilespmem:s21], [sflag:$0x1] =	stream.indirect.gather [hbm4b:s5+s25], $0x80, s13, s25, $0x2000b8;
	[tilespmem:$0x1E800] =	vst v63  }
0xb7: {  	_ =	swait.ge [sflag:s28], $0x4000  }
0xb8: {  	[sflag:s28] =	ssyncset.done $0x0  }
0xb9: {  	s2 =	sadd.s32 $0x1480, s0;
	[sflag:s28] =	ssyncadd.s32 $0xFFFFC000  }
0xba: {  	[spmem:s3] =	stream.indirect.scatter.add.f32 [tilespmem:s26], [sflag:$0x3], $0x80, s2, s25, $0x2000b8;
	[tilespmem:$0x1E800] =	vst v63  }
0xbb: {  	_ =	swait.ge [sflag:s22], $0x4000  }
0xbc: {  	[sflag:s22] =	ssyncset.done $0x0  }
0xbd: {  	[sflag:s22] =	ssyncadd.s32 $0xFFFFC000  }
0xbe: {  	[tilespmem:s26], [sflag:$0x2] =	stream.indirect.gather [hbm4b:s5+s25], $0x80, s29, s25, $0x2000b8;
	[tilespmem:$0x1E800] =	vst v63  }
0xbf: {  	_ =	swait.ge [sflag:s23], $0x4000  }
0xc0: {  	[sflag:s23] =	ssyncset.done $0x0  }
0xc1: {  	[sflag:s23] =	ssyncadd.s32 $0xFFFFC000  }
0xc2: {  	[spmem:s3] =	stream.indirect.scatter.add.f32 [tilespmem:s21], [sflag:$0x3], $0x80, s30, s25, $0x2000b8;
	[tilespmem:$0x1E800] =	vst v63  }
0xc3: {  	_ =	swait.ge [sflag:s22], $0x4000  }
0xc4: {  	[sflag:s22] =	ssyncset.done $0x0  }
0xc5: {  	[sflag:s22] =	ssyncadd.s32 $0xFFFFC000  }
0xc6: {  	_ =	swait.ge [sflag:s28], $0x4000  }
0xc7: {  	[sflag:s28] =	ssyncset.done $0x0  }
0xc8: {  	[sflag:s28] =	ssyncadd.s32 $0xFFFFC000  }
0xc9: {  	[spmem:s3] =	stream.indirect.scatter.add.f32 [tilespmem:s26], [sflag:$0x3], $0x80, s31, s25, $0x2000b8;
	[tilespmem:$0x1E800] =	vst v63  }
0xca: {  	_ =	swait.ge [sflag:s22], $0x4000  }
0xcb: {  	[sflag:s22] =	ssyncset.done $0x0  }
0xcc: {  	[sflag:s22] =	ssyncadd.s32 $0xFFFFC000  }
0xcd: {  	[bflag:$0x0] =	sbarrier.arrive $0xFFFF  }
0xce: {  	_ =	strace $0x9000004C  }
0xcf: {  	_ =	strace $0x8000004D  }
0xd0: {  	[tilespmem:s21], [sflag:$0x3] =	stream.linear.gather [spmem:s6], $0x4000, $0x200038;
	[tilespmem:$0x1E800] =	vst v63  }
0xd1: {  	_ =	swait.ge [sflag:s22], $0x4000  }
0xd2: {  	[sflag:s22] =	ssyncset.done $0x0  }
0xd3: {  	[sflag:s22] =	ssyncadd.s32 $0xFFFFC000  }
0xd4: {  	[tilespmem:s26], [sflag:$0x3] =	stream.linear.gather [spmem:s7], $0x4000, $0x200038;
	[tilespmem:$0x1E800] =	vst v63  }
0xd5: {  	_ =	swait.ge [sflag:s22], $0x4000  }
0xd6: {  	[sflag:s22] =	ssyncset.done $0x0  }
0xd7: {  	s11 =	rddreg [dreg:$0x4];
	[sflag:s22] =	ssyncadd.s32 $0xFFFFC000  }
0xd8: {  	[hbm4b:s11+s4] =	stream.linear.scatter [tilespmem:s21], [sflag:$0x1], $0x4000, $0x200038;
	[tilespmem:$0x1E800] =	vst v63  }
0xd9: {  	_ =	swait.ge [sflag:s23], $0x4000  }
0xda: {  	[sflag:s23] =	ssyncset.done $0x0  }
0xdb: {  	[sflag:s23] =	ssyncadd.s32 $0xFFFFC000  }
0xdc: {  	[tilespmem:s21], [sflag:$0x3] =	stream.linear.gather [spmem:s8], $0x4000, $0x200038;
	[tilespmem:$0x1E800] =	vst v63  }
0xdd: {  	_ =	swait.ge [sflag:s22], $0x4000  }
0xde: {  	[sflag:s22] =	ssyncset.done $0x0  }
0xdf: {  	s12 =	rddreg [dreg:$0x5];
	[sflag:s22] =	ssyncadd.s32 $0xFFFFC000  }
0xe0: {  	[hbm4b:s12+s4] =	stream.linear.scatter [tilespmem:s26], [sflag:$0x2], $0x4000, $0x200038;
	[tilespmem:$0x1E800] =	vst v63  }
0xe1: {  	_ =	swait.ge [sflag:s28], $0x4000  }
0xe2: {  	[sflag:s28] =	ssyncset.done $0x0  }
0xe3: {  	[sflag:s28] =	ssyncadd.s32 $0xFFFFC000  }
0xe4: {  	[tilespmem:s26], [sflag:$0x3] =	stream.linear.gather [spmem:s9], $0x4000, $0x200038;
	[tilespmem:$0x1E800] =	vst v63  }
0xe5: {  	_ =	swait.ge [sflag:s22], $0x4000  }
0xe6: {  	[sflag:s22] =	ssyncset.done $0x0  }
0xe7: {  	s13 =	rddreg [dreg:$0x6];
	[sflag:s22] =	ssyncadd.s32 $0xFFFFC000  }
0xe8: {  	[hbm4b:s13+s4] =	stream.linear.scatter [tilespmem:s21], [sflag:$0x1], $0x4000, $0x200038;
	[tilespmem:$0x1E800] =	vst v63  }
0xe9: {  	_ =	swait.ge [sflag:s23], $0x4000  }
0xea: {  	[sflag:s23] =	ssyncset.done $0x0  }
0xeb: {  	[sflag:s23] =	ssyncadd.s32 $0xFFFFC000  }
0xec: {  	[tilespmem:s21], [sflag:$0x3] =	stream.linear.gather [spmem:s10], $0x4000, $0x200038;
	[tilespmem:$0x1E800] =	vst v63  }
0xed: {  	_ =	swait.ge [sflag:s22], $0x4000  }
0xee: {  	[sflag:s22] =	ssyncset.done $0x0  }
0xef: {  	[sflag:s22] =	ssyncadd.s32 $0xFFFFC000  }
0xf0: {  	[hbm4b:s14+s4] =	stream.linear.scatter [tilespmem:s26], [sflag:$0x2], $0x4000, $0x200038;
	[tilespmem:$0x1E800] =	vst v63  }
0xf1: {  	_ =	swait.ge [sflag:s28], $0x4000  }
0xf2: {  	s1 =	sadd.s32 $0x1, s1;
	[sflag:s28] =	ssyncset.done $0x0  }
0xf3: {  	p0 =	sne.s32 s1, s16;
	[sflag:s28] =	ssyncadd.s32 $0xFFFFC000  }
0xf4: {  	[hbm4b:s15+s4] =	stream.linear.scatter [tilespmem:s21], [sflag:$0x1], $0x4000, $0x200038;
	[tilespmem:$0x1E800] =	vst v63  }
.Ltmp2:
0xf5: {  	_ = 	snop;
	(pc) =	sbr.rel @p0 .LBB2_1-.Ltmp2, $4  }
0xf6: {  	_ =	swait.ge [sflag:s23], $0x4000  }
0xf7: {  	[sflag:s23] =	ssyncset.done $0x0  }
0xf8: {  	[sflag:s23] =	ssyncadd.s32 $0xFFFFC000  }
0xf9: {  	_ =	strace $0x9000004D  }
0xfa: {  	_ =	sfence.sel $0x180000  }
0xfb: {  	[bflag:$0x0] =	sbarrier.arrive $0xFFFF  }
0xfc: {  	_ =	strace $0x9000004A  }
0xfd: {  	s0 =	stileid.u32;
	[bflag:$0x2] =	sbarrier.arrive $0xFFFF  }
0xfe: {  	p0 =	sne.s32 s0, $0x0;
	s0 =	rddreg [dreg:$0x3]  }
0xff: {  	s0 =	sadd.s32 @!p0 $0x100000, s0  }
0x100: {  	[sflag:s0] =	ssyncadd.tile.s32 @!p0 $0x1;
	_ =	shalt  }
.Lfunc_end2:
_tile_overlayer_lowered:
.L_overlay_start_2:
0x101: {  	(tag) =	ssettag $0x2  }
0x102: {  	s0 =	rddreg [dreg:$0x0];
	s2 =	stileid.u32  }
0x103: {  	s1 =	rddreg [dreg:$0x1];
	p0 =	sne.s32 s2, $0x0  }
0x104: {  	s3 =	rddreg [dreg:$0x2];
	[bflag:$0x3] =	sbarrier.arrive $0xFFFF;
	s2 =	simm.s32 @!p0 $0x1C03  }
0x105: {  	[timem:s3], [sflag:s2] =	dma.local @!p0 [hbm:s0], s1  }
0x106: {  	s0 =	simm.s32 @!p0 $0x3  }
0x107: {  	_ =	swait.ge @!p0 [sflag:s0], s1  }
0x108: {  	s1 =	ssub.s32 @!p0 $0x0, s1;
	[sflag:s0] =	ssyncset.done @!p0 $0x0  }
0x109: {  	[sflag:s0] =	ssyncadd.s32 @!p0 s1  }
0x10a: {  	[bflag:$0x3] =	sbarrier.arrive $0xFFFF  }
0x10b: {  	_ =	shalt  }

// kernel: kernel.16.cloned.1.call-start
scs
__scs_entry_jumppad:
0x0: {  	(pc) =	sbr.rel $0x88, $3  }
0x1: {  	(tag) =	ssettag $0x0;
	lr =	simm.s32 $0x1  }
0x2: {  	[smem:$0x3F92] =	sst lr;
	_ =	strace $0xD0000000  }
0x3: {  	_ = 	snop  }
0x4: {  	_ = 	snop  }
0x5: {  	_ = 	snop  }
0x6: {  	_ = 	snop  }
0x7: {  	_ = 	snop  }
__scs_overlays_trampoline_lowered:
0x8: {  	[smem:$0x3FA1] =	sst s0  }
0x9: {  	[smem:$0x3FA2] =	sst s1  }
0xa: {  	[smem:$0x3FA3] =	sst s2  }
0xb: {  	[smem:$0x3FA4] =	sst s3  }
0xc: {  	[smem:$0x3FA5] =	sst s4  }
0xd: {  	[smem:$0x3FA6] =	sst s5  }
0xe: {  	[smem:$0x3FA7] =	sst s6  }
0xf: {  	[smem:$0x3FA8] =	sst s7  }
0x10: {  	[smem:$0x3FA9] =	sst s8  }
0x11: {  	[smem:$0x3FAA] =	sst s9;
	s0 =	simm.s32 @!p0 $0x0  }
0x12: {  	s1 =	sld [smem:$0x3F90];
	s0 =	simm.s32 @p0 $0x1  }
0x13: {  	[smem:$0x3FAB] =	sst s0;
	s0 =	simm.s32 @!p1 $0x0  }
0x14: {  	s2 =	sld [smem:$0x3F8F];
	s0 =	simm.s32 @p1 $0x1  }
0x15: {  	[smem:$0x3FAC] =	sst s0;
	s0 =	simm.s32 @!p2 $0x0  }
0x16: {  	s3 =	sld [smem:$0x3FDB];
	s0 =	simm.s32 @p2 $0x1  }
0x17: {  	s4 =	simm.s32 $0x1BF5;
	[smem:$0x3FAE] =	sst s0  }
0x18: {  	s0 =	sld [smem:$0x3F91];
	_ =	swait.ge [sflag:s4], $0x0  }
0x19: {  	s7 =	sld [smem:$0x3F92]  }
0x1a: {  	s8 =	sadd.s32 $0xFFFFE003, lr  }
0x1b: {  	s9 =	sadd.s32 $0xFFFFFEF7, lr;
	s5 =	simm.s32 $0xFFFFFFFF;
	p2 =	slt.u32 s8, $0xFFFFF086  }
0x1c: {  	p1 =	slt.u32 s9, $0xF7A;
	s5 =	simm.s32 @!p2 $0x0  }
0x1d: {  	s5 =	simm.s32 @p1 $0x1;
	p0 =	seq.s32 s7, s2  }
0x1e: {  	s7 =	smul.u32 @!p0 $0xF7A, s2;
	p2 =	seq.s32 @!p0 s5, $0x0  }
0x1f: {  	s9 =	smul.u32 $0xF7A, s1;
	s8 =	simm.s32 @!p0 $0x1BF5;
	p2 =	por !p2, p0  }
0x20: {  	[sflag:s8] =	ssyncset.s32 @!p0 $0xFFFFF086;
	s6 =	sadd.s32 @!p0 s3, s7;
	s7 =	simm.s32 @!p0 $0x108  }
0x21: {  	s3 =	sadd.s32 s3, s9;
	s6 =	sadd.s32 @!p0 $0x88, s6;
	s7 =	simm.s32 @p2 $0x1082  }
0x22: {  	[simem:s7], [sflag:s8] =	dma.local @!p0 [hbm:s6], $0xF7A  }
0x23: {  	s9 =	sor.u32 $0xD0000000, s2;
	s6 =	simm.s32 $0x108;
	_ =	swait.ge @!p0 [sflag:s8], $0x0  }
0x24: {  	s3 =	sadd.s32 $0x88, s3;
	s6 =	simm.s32 @!p1 $0x1082;
	[sflag:s4] =	ssyncset.s32 $0xFFFFF086  }
0x25: {  	[simem:s6], [sflag:s4] =	dma.local [hbm:s3], $0xF7A  }
0x26: {  	[smem:$0x3F92] =	sst s1;
	(tag) =	ssettag s2;
	_ =	strace s9  }
0x27: {  	s1 =	sld [smem:$0x3FA2]  }
0x28: {  	s2 =	sld [smem:$0x3FA3]  }
0x29: {  	s4 =	sld [smem:$0x3FA5]  }
0x2a: {  	p0 =	seq.s32 s5, $0x0;
	s5 =	sld [smem:$0x3FA6]  }
0x2b: {  	s6 =	sld [smem:$0x3FA7]  }
0x2c: {  	s7 =	sld [smem:$0x3FA8]  }
0x2d: {  	s3 =	simm.s32 $0x108;
	s8 =	sld [smem:$0x3FA9]  }
0x2e: {  	s3 =	simm.s32 @!p0 $0x1082;
	s9 =	sld [smem:$0x3FAA]  }
0x2f: {  	lr =	sadd.s32 s0, s3;
	s0 =	sld [smem:$0x3FA1]  }
0x30: {  	s3 =	sld [smem:$0x3FA4]  }
0x31: {  	[smem:$0x3FAD] =	sst s10  }
0x32: {  	s10 =	sld [smem:$0x3FAB];
	_ =	sdelay $0x3  }
0x33: {  	p0 =	seq.s32 s10, $0x1;
	s10 =	sld [smem:$0x3FAD];
	_ =	sdelay $0x3  }
0x34: {  	[smem:$0x3FAD] =	sst s10  }
0x35: {  	s10 =	sld [smem:$0x3FAC];
	_ =	sdelay $0x3  }
0x36: {  	p1 =	seq.s32 s10, $0x1;
	s10 =	sld [smem:$0x3FAD];
	_ =	sdelay $0x3  }
0x37: {  	[smem:$0x3FAD] =	sst s10  }
0x38: {  	s10 =	sld [smem:$0x3FAE]  }
0x39: {  	_ = 	snop;
	(pc) =	sbr.ind lr, $3  }
0x3a: {  	_ = 	snop  }
0x3b: {  	_ = 	snop  }
0x3c: {  	p2 =	seq.s32 s10, $0x1;
	s10 =	sld [smem:$0x3FAD]  }
0x3d: {  	_ =	shalt  }
0x3e: {  	_ =	shalt  }
0x3f: {  	_ =	shalt  }
0x40: {  	_ =	shalt  }
0x41: {  	_ =	shalt  }
0x42: {  	_ =	shalt  }
0x43: {  	_ =	shalt  }
0x44: {  	_ =	shalt  }
0x45: {  	_ =	shalt  }
0x46: {  	_ =	shalt  }
0x47: {  	_ =	shalt  }
0x48: {  	_ =	shalt  }
0x49: {  	_ =	shalt  }
0x4a: {  	_ =	shalt  }
0x4b: {  	_ =	shalt  }
0x4c: {  	_ =	shalt  }
0x4d: {  	_ =	shalt  }
0x4e: {  	_ =	shalt  }
0x4f: {  	_ =	shalt  }
0x50: {  	_ =	shalt  }
0x51: {  	_ =	shalt  }
0x52: {  	_ =	shalt  }
0x53: {  	_ =	shalt  }
0x54: {  	_ =	shalt  }
0x55: {  	_ =	shalt  }
0x56: {  	_ =	shalt  }
0x57: {  	_ =	shalt  }
0x58: {  	_ =	shalt  }
0x59: {  	_ =	shalt  }
0x5a: {  	_ =	shalt  }
0x5b: {  	_ =	shalt  }
0x5c: {  	_ =	shalt  }
0x5d: {  	_ =	shalt  }
0x5e: {  	_ =	shalt  }
0x5f: {  	_ =	shalt  }
0x60: {  	_ =	shalt  }
0x61: {  	_ =	shalt  }
0x62: {  	_ =	shalt  }
0x63: {  	_ =	shalt  }
0x64: {  	_ =	shalt  }
0x65: {  	_ =	shalt  }
0x66: {  	_ =	shalt  }
0x67: {  	_ =	shalt  }
0x68: {  	_ =	shalt  }
0x69: {  	_ =	shalt  }
0x6a: {  	_ =	shalt  }
0x6b: {  	_ =	shalt  }
0x6c: {  	_ =	shalt  }
0x6d: {  	_ =	shalt  }
0x6e: {  	_ =	shalt  }
0x6f: {  	_ =	shalt  }
0x70: {  	_ =	shalt  }
0x71: {  	_ =	shalt  }
0x72: {  	_ =	shalt  }
0x73: {  	_ =	shalt  }
0x74: {  	_ =	shalt  }
0x75: {  	_ =	shalt  }
0x76: {  	_ =	shalt  }
0x77: {  	_ =	shalt  }
0x78: {  	_ =	shalt  }
0x79: {  	_ =	shalt  }
0x7a: {  	_ =	shalt  }
0x7b: {  	_ =	shalt  }
0x7c: {  	_ =	shalt  }
0x7d: {  	_ =	shalt  }
0x7e: {  	_ =	shalt  }
0x7f: {  	_ =	shalt  }
0x80: {  	_ =	shalt  }
0x81: {  	_ =	shalt  }
0x82: {  	_ =	shalt  }
0x83: {  	_ =	shalt  }
0x84: {  	_ =	shalt  }
0x85: {  	_ =	shalt  }
0x86: {  	_ =	shalt  }
0x87: {  	_ =	shalt  }
.Lfunc_end0:
.L_simem_size_0:
called_computation.2_lowered:
.L_overlay_start_0:
0x88: {  	s2 =	sld [smem:$0x3FD9]  }
0x89: {  	s3 =	sld [smem:$0x3FFE];
	_ =	sdelay $0x1  }
0x8a: {  	s1 =	srdreg.scid  }
0x8b: {  	s0 =	sand.u32 $0x1, s1  }
0x8c: {  	s17 =	sshll.u32 s0, $0xA;
	s2 =	sadd.s32 s3, s2  }
0x8d: {  	s2 =	sadd.s32 s2, s17  }
0x8e: {  	[smem:$0x3FB9] =	sst s2  }
0x8f: {  	_ = 	snop  }
0x90: {  	s2 =	sld [smem:$0x3FD0];
	(tm) =	ssettm $0x1  }
0x91: {  	s18 =	sld [smem:$0x3FFB];
	_ =	sdelay $0x3  }
0x92: {  	_ =	strace s18  }
0x93: {  	s3 =	sld [smem:$0x3FFC];
	_ =	sdelay $0x3  }
0x94: {  	_ =	strace s3  }
0x95: {  	s3 =	sld [smem:$0x3FFD];
	_ =	sdelay $0x3  }
0x96: {  	_ =	strace s3  }
0x97: {  	_ =	strace $0x8FFFFFFF  }
0x98: {  	s19 =	sld [smem:$0x3FDB];
	_ =	sdelay $0x1  }
0x99: {  	s4 =	simm.s32 $_scs_section_size  }
0x9a: {  	s5 =	simm.s32 $_size__tile_overlayer_lowered;
	s6 =	simm.s32 $_tile_overlayer_lowered  }
0x9b: {  	s22 =	simm.s32 $0x1BFF;
	s21 =	sshll.u32 s6, $0x1;
	s3 =	sadd.s32 s4, s19  }
0x9c: {  	s7 =	simm.s32 $0x0;
	s20 =	sshll.u32 s5, $0x1;
	s5 =	sadd.s32 s21, s3  }
0x9d: {  	[timem:s7], [sflag:s22] =	dma.local [hbm:s5], s20  }
0x9e: {  	_ =	swait.ge [sflag:s22], s20  }
0x9f: {  	s4 =	ssub.s32 $0x0, s20;
	[sflag:s22] =	ssyncset.done $0x0  }
0xa0: {  	[sflag:s22] =	ssyncadd.s32 s4;
	_ =	sdelay $0x1  }
0xa1: {  	s23 =	simm.s32 $0x1B8B  }
0xa2: {  	_ =	swait.ge [sflag:s23], $0x1  }
0xa3: {  	[sflag:s23] =	ssyncset.done $0x0  }
0xa4: {  	s25 =	simm.s32 $0x1B8E;
	s24 =	sld [smem:$0x3FFE];
	[sflag:s23] =	ssyncadd.s32 $0xFFFFFFFF  }
0xa5: {  	s26 =	simm.s32 $execute0_lowered;
	[smem:$0x3FD2] =	sst s25  }
0xa6: {  	s5 =	sshll.u32 s26, $0x1;
	_ =	strace $0x8000004F;
	[dreg:$0x1] =	wrdreg $0xFFFFFFFF  }
0xa7: {  	s28 =	simm.s32 $_size_execute0_lowered;
	s3 =	sadd.s32 s3, s5;
	[dreg:$0x0] =	wrdreg $0x0  }
0xa8: {  	s5 =	sshll.u32 s28, $0x1;
	[dreg:$0x2] =	wrdreg s3  }
0xa9: {  	[dreg:$0x3] =	wrdreg s5  }
0xaa: {  	[dreg:$0x4] =	wrdreg $0xC0  }
0xab: {  	_ =	task [dreg:s7], $0x5FFFF  }
0xac: {  	[dreg:$0x1] =	wrdreg $0xFFFFFFFF  }
0xad: {  	[dreg:$0x0] =	wrdreg $0x60  }
0xae: {  	[dreg:$0x2] =	wrdreg s24  }
0xaf: {  	[dreg:$0x3] =	wrdreg s2  }
0xb0: {  	[dreg:$0x4] =	wrdreg $0xA8000  }
0xb1: {  	[dreg:$0x5] =	wrdreg $0x9  }
0xb2: {  	_ =	task.clear_ibuf [dreg:s7], $0x6FFFF;
	_ =	strace $0x9000004F  }
0xb3: {  	s29 =	simm.s32 $0x9;
	_ =	strace $0x80000054  }
0xb4: {  	_ =	swait.ge [sflag:s29], $0x1  }
0xb5: {  	[sflag:s29] =	ssyncadd.s32 $0xFFFFFFFF  }
0xb6: {  	_ =	strace $0x90000054  }
0xb7: {  	_ =	sfence  }
0xb8: {  	s30 =	sld [smem:$0x0];
	_ =	sdelay $0x2  }
0xb9: {  	s31 =	sshll.u32 s1, $0xD;
	s1 =	sshrl.u32 s1, $0x2  }
0xba: {  	s3 =	sand.u32 $0x4000, s31;
	s1 =	sadd.s32 s1, s30  }
0xbb: {  	s0 =	sor.u32 s3, s0;
	s1 =	sshll.u32 s1, $0x11  }
0xbc: {  	s0 =	sor.u32 s1, s0  }
0xbd: {  	s0 =	sadd.s32 $0x8F2B, s0  }
0xbe: {  	[sflag:s0] =	ssyncadd.remote.s32 $0x1  }
0xbf: {  	_ =	sfence.sel $0xFFFF  }
0xc0: {  	[dreg:$0x0] =	wrdreg $0xFFFFFFFF;
	(pc) =	sbr.abs _section_cstart, $3  }
0xc1: {  	[dreg:$0x1] =	wrdreg $0xFFFFFFFF  }
0xc2: {  	_ =	task.clear_ibuf [dreg:s7], $0x2FFFF;
	_ =	strace $0x9FFFFFFF  }
0xc3: {  	(tm) =	ssettm $0x7FFFFFFF  }
tec
execute0_lowered:
.L_overlay_start_1:
0x0: {  	(tag) =	ssettag $0x1  }
0x1: {  	s0 =	rddreg [dreg:$0x0]  }
0x2: {  	s1 =	srdreg.scid;
	s8 =	stileid.u32  }
0x3: {  	s3 =	rddreg [dreg:$0x2];
	s4 =	simm.s32 $0x0;
	s21 =	simm.s32 $0x2800  }
0x4: {  	s22 =	simm.s32 $0x3;
	s28 =	simm.s32 $0x2;
	s29 =	simm.s32 $0x1380  }
0x5: {  	s30 =	simm.s32 $0x2700;
	s31 =	simm.s32 $0x2780;
	s1 =	sand.u32 $0x1, s1  }
0x6: {  	s2 =	sshll.u32 s8, $0x1;
	[smem:$0x7FF] =	sst s4;
	s6 =	smul.u32 $0x50000, s8  }
0x7: {  	s10 =	smul.u32 $0x14000, s8;
	s5 =	sshll.u32 s1, $0x5;
	_ =	strace $0x80000050  }
0x8: {  	s7 =	ssub.s32 $0x2, s1;
	s1 =	smul.u32 $0x140000, s1;
	s2 =	sor.u32 s5, s2  }
0x9: {  	s5 =	sadd.s32 $0x15C00, s0;
	s23 =	sshrl.u32 s7, $0x1;
	s6 =	sshrl.u32 s6, $0x2  }
0xa: {  	s11 =	sadd.s32 $0x4000, s10;
	s13 =	sadd.s32 $0x8000, s10;
	s14 =	sadd.s32 $0xC000, s10  }
0xb: {  	s15 =	sadd.s32 $0x10000, s10;
	s2 =	smul.u32 $0x1400, s2;
	s16 =	ssub.s32 s7, s23  }
0xc: {  	s6 =	sadd.s32 s6, s3;
	s7 =	sadd.s32 s11, s3;
	s8 =	sadd.s32 s13, s3  }
0xd: {  	s9 =	sadd.s32 s14, s3;
	s12 =	sadd.s32 s10, s1;
	s11 =	sadd.s32 s1, s11  }
0xe: {  	s10 =	sadd.s32 s15, s3;
	s13 =	sadd.s32 s1, s13;
	s14 =	sadd.s32 s1, s14  }
0xf: {  	s1 =	sadd.s32 s1, s15;
	s23 =	simm.s32 $0x1;
	s12 =	sshrl.u32 s12, $0x3  }
0x10: {  	s17 =	sshrl.u32 s11, $0x3;
	s13 =	sshrl.u32 s13, $0x3;
	s2 =	sshrl.u32 s2, $0x3  }
0x11: {  	s14 =	sshrl.u32 s14, $0x3;
	s2 =	sadd.s32 s2, s0;
	s0 =	sadd.s32 $0x97C00, s0  }
0x12: {  	s1 =	sshrl.u32 s1, $0x3;
	s16 =	smax.u32 s16, $0x1;
	s24 =	sadd.s32 s0, s12  }
0x13: {  	s25 =	sadd.s32 s0, s17;
	s26 =	sadd.s32 s0, s13;
	s14 =	sadd.s32 s0, s14  }
0x14: {  	s15 =	sadd.s32 s0, s1;
	s17 =	sadd.s32 $0x1C00, s2;
	[dreg:$0x4] =	wrdreg s24  }
0x15: {  	s18 =	sadd.s32 $0xBC00, s2;
	s19 =	sadd.s32 $0x1E80, s2;
	[dreg:$0x5] =	wrdreg s25  }
0x16: {  	s20 =	sadd.s32 $0xBE80, s2;
	s1 =	simm.s32 $0x0;
	[dreg:$0x6] =	wrdreg s26  }
0x17: {  	s24 =	simm.s32 $0x1400;
	s25 =	simm.s32 $0x80;
	s26 =	simm.s32 $0x6800  }
.LBB2_1:
0x18: {  	_ =	strace $0x80000051  }
0x19: {  	s0 =	rddreg [dreg:$0x1]  }
0x1a: {  	[tilespmem:s21], [sflag:$0x3] =	stream.linear.gather [hbm4b:s0+s4], $0x4000, $0x200038;
	[tilespmem:$0x1E800] =	vst v63  }
0x1b: {  	_ =	swait.ge [sflag:s22], $0x4000  }
0x1c: {  	[sflag:s22] =	ssyncset.done $0x0  }
0x1d: {  	[sflag:s22] =	ssyncadd.s32 $0xFFFFC000  }
0x1e: {  	[spmem:s6] =	stream.linear.scatter [tilespmem:s21], [sflag:$0x1], $0x4000, $0x200038;
	[tilespmem:$0x1E800] =	vst v63  }
0x1f: {  	_ = 	snop  }
0x20: {  	[spmem:s7] =	stream.linear.scatter [tilespmem:s21], [sflag:$0x1], $0x4000, $0x200038;
	[tilespmem:$0x1E800] =	vst v63  }
0x21: {  	_ = 	snop  }
0x22: {  	[spmem:s8] =	stream.linear.scatter [tilespmem:s21], [sflag:$0x1], $0x4000, $0x200038;
	[tilespmem:$0x1E800] =	vst v63  }
0x23: {  	_ = 	snop  }
0x24: {  	[spmem:s9] =	stream.linear.scatter [tilespmem:s21], [sflag:$0x1], $0x4000, $0x200038;
	[tilespmem:$0x1E800] =	vst v63  }
0x25: {  	_ = 	snop  }
0x26: {  	[spmem:s10] =	stream.linear.scatter [tilespmem:s21], [sflag:$0x1], $0x4000, $0x200038;
	[tilespmem:$0x1E800] =	vst v63  }
0x27: {  	_ =	swait.ge [sflag:s23], $0x4000  }
0x28: {  	[sflag:s23] =	ssyncset.done $0x0  }
0x29: {  	[sflag:s23] =	ssyncadd.s32 $0xFFFFC000  }
0x2a: {  	_ =	swait.ge [sflag:s23], $0x4000  }
0x2b: {  	[sflag:s23] =	ssyncset.done $0x0  }
0x2c: {  	[sflag:s23] =	ssyncadd.s32 $0xFFFFC000  }
0x2d: {  	_ =	swait.ge [sflag:s23], $0x4000  }
0x2e: {  	[sflag:s23] =	ssyncset.done $0x0  }
0x2f: {  	[sflag:s23] =	ssyncadd.s32 $0xFFFFC000  }
0x30: {  	_ =	swait.ge [sflag:s23], $0x4000  }
0x31: {  	[sflag:s23] =	ssyncset.done $0x0  }
0x32: {  	[sflag:s23] =	ssyncadd.s32 $0xFFFFC000  }
0x33: {  	_ =	swait.ge [sflag:s23], $0x4000  }
0x34: {  	[sflag:s23] =	ssyncset.done $0x0  }
0x35: {  	[sflag:s23] =	ssyncadd.s32 $0xFFFFC000  }
0x36: {  	[bflag:$0x0] =	sbarrier.arrive $0xFFFF  }
0x37: {  	_ =	strace $0x90000051  }
0x38: {  	_ =	strace $0x80000052  }
0x39: {  	[tilespmem:s4], [sflag:$0x3] =	stream.linear.gather [hbm4b:s17+s4], $0x1400, $0x200038;
	[tilespmem:$0x1E800] =	vst v63  }
0x3a: {  	_ =	swait.ge [sflag:s22], $0x1400  }
0x3b: {  	[sflag:s22] =	ssyncset.done $0x0  }
0x3c: {  	[sflag:s22] =	ssyncadd.s32 $0xFFFFEC00  }
0x3d: {  	[tilespmem:s24], [sflag:$0x3] =	stream.linear.gather [hbm4b:s18+s4], $0x1400, $0x200038;
	[tilespmem:$0x1E800] =	vst v63  }
0x3e: {  	_ =	swait.ge [sflag:s22], $0x1400  }
0x3f: {  	[sflag:s22] =	ssyncset.done $0x0  }
0x40: {  	[sflag:s22] =	ssyncadd.s32 $0xFFFFEC00  }
0x41: {  	[tilespmem:s21], [sflag:$0x1] =	stream.indirect.gather [hbm4b:s5+s25], $0x80, s4, s25, $0x2000b8;
	[tilespmem:$0x1E800] =	vst v63  }
0x42: {  	s2 =	simm.s32 $0x80  }
0x43: {  	[tilespmem:s26], [sflag:$0x2] =	stream.indirect.gather [hbm4b:s5+s25], $0x80, s2, s25, $0x2000b8;
	[tilespmem:$0x1E800] =	vst v63  }
0x44: {  	_ =	swait.ge [sflag:s23], $0x4000  }
0x45: {  	[sflag:s23] =	ssyncset.done $0x0  }
0x46: {  	s11 =	simm.s32 $0x1400;
	[sflag:s23] =	ssyncadd.s32 $0xFFFFC000  }
0x47: {  	[spmem:s3] =	stream.indirect.scatter.add.f32 [tilespmem:s21], [sflag:$0x3], $0x80, s11, s25, $0x2000b8;
	[tilespmem:$0x1E800] =	vst v63  }
0x48: {  	_ =	swait.ge [sflag:s22], $0x4000  }
0x49: {  	[sflag:s22] =	ssyncset.done $0x0  }
0x4a: {  	s12 =	simm.s32 $0x100;
	[sflag:s22] =	ssyncadd.s32 $0xFFFFC000  }
0x4b: {  	[tilespmem:s21], [sflag:$0x1] =	stream.indirect.gather [hbm4b:s5+s25], $0x80, s12, s25, $0x2000b8;
	[tilespmem:$0x1E800] =	vst v63  }
0x4c: {  	_ =	swait.ge [sflag:s28], $0x4000  }
0x4d: {  	[sflag:s28] =	ssyncset.done $0x0  }
0x4e: {  	s13 =	simm.s32 $0x1480;
	[sflag:s28] =	ssyncadd.s32 $0xFFFFC000  }
0x4f: {  	[spmem:s3] =	stream.indirect.scatter.add.f32 [tilespmem:s26], [sflag:$0x3], $0x80, s13, s25, $0x2000b8;
	[tilespmem:$0x1E800] =	vst v63  }
0x50: {  	_ =	swait.ge [sflag:s22], $0x4000  }
0x51: {  	s0 =	simm.s32 $0x100;
	s2 =	simm.s32 $0x800;
	[sflag:s22] =	ssyncset.done $0x0  }
.LBB2_2:
0x52: {  	s11 =	sadd.s32 $0x80, s0  }
0x53: {  	[sflag:s22] =	ssyncadd.s32 $0xFFFFC000;
	s12 =	smov.u32 s2;
	s13 =	sadd.s32 $0x400, s2  }
0x54: {  	[tilespmem:s26], [sflag:$0x2] =	stream.indirect.gather [hbm4b:s5+s25], $0x80, s11, s25, $0x2000b8;
	[tilespmem:$0x1E800] =	vst v63  }
0x55: {  	p0 =	sne.s32 s2, $0x4800;
	_ =	swait.ge [sflag:s23], $0x4000  }
0x56: {  	[sflag:s23] =	ssyncset.done $0x0  }
0x57: {  	s2 =	sadd.s32 $0x1400, s0;
	[sflag:s23] =	ssyncadd.s32 $0xFFFFC000  }
0x58: {  	[spmem:s3] =	stream.indirect.scatter.add.f32 [tilespmem:s21], [sflag:$0x3], $0x80, s2, s25, $0x2000b8;
	[tilespmem:$0x1E800] =	vst v63  }
0x59: {  	_ =	swait.ge [sflag:s22], $0x4000  }
0x5a: {  	[sflag:s22] =	ssyncset.done $0x0  }
0x5b: {  	s2 =	sadd.s32 $0x100, s0;
	[sflag:s22] =	ssyncadd.s32 $0xFFFFC000  }
0x5c: {  	[tilespmem:s21], [sflag:$0x1] =	stream.indirect.gather [hbm4b:s5+s25], $0x80, s2, s25, $0x2000b8;
	[tilespmem:$0x1E800] =	vst v63  }
0x5d: {  	_ =	swait.ge [sflag:s28], $0x4000  }
.Ltmp0:
0x5e: {  	[sflag:s28] =	ssyncset.done $0x0;
	(pc) =	sbr.rel @p0 .LBB2_2-.Ltmp0, $4  }
0x5f: {  	s0 =	sadd.s32 $0x1480, s0;
	[sflag:s28] =	ssyncadd.s32 $0xFFFFC000  }
0x60: {  	[spmem:s3] =	stream.indirect.scatter.add.f32 [tilespmem:s26], [sflag:$0x3], $0x80, s0, s25, $0x2000b8;
	[tilespmem:$0x1E800] =	vst v63  }
0x61: {  	_ =	swait.ge [sflag:s22], $0x4000  }
0x62: {  	s2 =	smov.u32 s13;
	s0 =	sshra.s32 s12, $0x2;
	[sflag:s22] =	ssyncset.done $0x0  }
0x63: {  	s2 =	sadd.s32 $0x80, s0;
	[sflag:s22] =	ssyncadd.s32 $0xFFFFC000  }
0x64: {  	[tilespmem:s26], [sflag:$0x2] =	stream.indirect.gather [hbm4b:s5+s25], $0x80, s2, s25, $0x2000b8;
	[tilespmem:$0x1E800] =	vst v63  }
0x65: {  	_ =	swait.ge [sflag:s23], $0x4000  }
0x66: {  	[sflag:s23] =	ssyncset.done $0x0  }
0x67: {  	s13 =	sadd.s32 $0x1400, s0;
	[sflag:s23] =	ssyncadd.s32 $0xFFFFC000  }
0x68: {  	[spmem:s3] =	stream.indirect.scatter.add.f32 [tilespmem:s21], [sflag:$0x3], $0x80, s13, s25, $0x2000b8;
	[tilespmem:$0x1E800] =	vst v63  }
0x69: {  	_ =	swait.ge [sflag:s22], $0x4000  }
0x6a: {  	[sflag:s22] =	ssyncset.done $0x0  }
0x6b: {  	s11 =	sadd.s32 $0x100, s0;
	[sflag:s22] =	ssyncadd.s32 $0xFFFFC000  }
0x6c: {  	[tilespmem:s21], [sflag:$0x1] =	stream.indirect.gather [hbm4b:s5+s25], $0x80, s11, s25, $0x2000b8;
	[tilespmem:$0x1E800] =	vst v63  }
0x6d: {  	_ =	swait.ge [sflag:s28], $0x4000  }
0x6e: {  	[sflag:s28] =	ssyncset.done $0x0  }
0x6f: {  	s12 =	sadd.s32 $0x1480, s0;
	[sflag:s28] =	ssyncadd.s32 $0xFFFFC000  }
0x70: {  	[spmem:s3] =	stream.indirect.scatter.add.f32 [tilespmem:s26], [sflag:$0x3], $0x80, s12, s25, $0x2000b8;
	[tilespmem:$0x1E800] =	vst v63  }
0x71: {  	_ =	swait.ge [sflag:s22], $0x4000  }
0x72: {  	[sflag:s22] =	ssyncset.done $0x0  }
0x73: {  	[sflag:s22] =	ssyncadd.s32 $0xFFFFC000  }
0x74: {  	[tilespmem:s26], [sflag:$0x2] =	stream.indirect.gather [hbm4b:s5+s25], $0x80, s29, s25, $0x2000b8;
	[tilespmem:$0x1E800] =	vst v63  }
0x75: {  	_ =	swait.ge [sflag:s23], $0x4000  }
0x76: {  	[sflag:s23] =	ssyncset.done $0x0  }
0x77: {  	[sflag:s23] =	ssyncadd.s32 $0xFFFFC000  }
0x78: {  	[spmem:s3] =	stream.indirect.scatter.add.f32 [tilespmem:s21], [sflag:$0x3], $0x80, s30, s25, $0x2000b8;
	[tilespmem:$0x1E800] =	vst v63  }
0x79: {  	_ =	swait.ge [sflag:s22], $0x4000  }
0x7a: {  	[sflag:s22] =	ssyncset.done $0x0  }
0x7b: {  	[sflag:s22] =	ssyncadd.s32 $0xFFFFC000  }
0x7c: {  	_ =	swait.ge [sflag:s28], $0x4000  }
0x7d: {  	[sflag:s28] =	ssyncset.done $0x0  }
0x7e: {  	[sflag:s28] =	ssyncadd.s32 $0xFFFFC000  }
0x7f: {  	[spmem:s3] =	stream.indirect.scatter.add.f32 [tilespmem:s26], [sflag:$0x3], $0x80, s31, s25, $0x2000b8;
	[tilespmem:$0x1E800] =	vst v63  }
0x80: {  	_ =	swait.ge [sflag:s22], $0x4000  }
0x81: {  	[sflag:s22] =	ssyncset.done $0x0  }
0x82: {  	s13 =	simm.s32 $0x0;
	[sflag:s22] =	ssyncadd.s32 $0xFFFFC000  }
0x83: {  	[tilespmem:s13], [sflag:$0x3] =	stream.linear.gather [hbm4b:s19+s13], $0x1400, $0x200038;
	[tilespmem:$0x1E800] =	vst v63  }
0x84: {  	_ =	swait.ge [sflag:s22], $0x1400  }
0x85: {  	[sflag:s22] =	ssyncset.done $0x0  }
0x86: {  	[sflag:s22] =	ssyncadd.s32 $0xFFFFEC00  }
0x87: {  	[tilespmem:s24], [sflag:$0x3] =	stream.linear.gather [hbm4b:s20+s13], $0x1400, $0x200038;
	[tilespmem:$0x1E800] =	vst v63  }
0x88: {  	_ =	swait.ge [sflag:s22], $0x1400  }
0x89: {  	[sflag:s22] =	ssyncset.done $0x0  }
0x8a: {  	[sflag:s22] =	ssyncadd.s32 $0xFFFFEC00  }
0x8b: {  	[tilespmem:s21], [sflag:$0x1] =	stream.indirect.gather [hbm4b:s5+s25], $0x80, s13, s25, $0x2000b8;
	[tilespmem:$0x1E800] =	vst v63  }
0x8c: {  	s2 =	simm.s32 $0x80  }
0x8d: {  	[tilespmem:s26], [sflag:$0x2] =	stream.indirect.gather [hbm4b:s5+s25], $0x80, s2, s25, $0x2000b8;
	[tilespmem:$0x1E800] =	vst v63  }
0x8e: {  	_ =	swait.ge [sflag:s23], $0x4000  }
0x8f: {  	[sflag:s23] =	ssyncset.done $0x0  }
0x90: {  	s11 =	simm.s32 $0x1400;
	[sflag:s23] =	ssyncadd.s32 $0xFFFFC000  }
0x91: {  	[spmem:s3] =	stream.indirect.scatter.add.f32 [tilespmem:s21], [sflag:$0x3], $0x80, s11, s25, $0x2000b8;
	[tilespmem:$0x1E800] =	vst v63  }
0x92: {  	_ =	swait.ge [sflag:s22], $0x4000  }
0x93: {  	[sflag:s22] =	ssyncset.done $0x0  }
0x94: {  	s12 =	simm.s32 $0x100;
	[sflag:s22] =	ssyncadd.s32 $0xFFFFC000  }
0x95: {  	[tilespmem:s21], [sflag:$0x1] =	stream.indirect.gather [hbm4b:s5+s25], $0x80, s12, s25, $0x2000b8;
	[tilespmem:$0x1E800] =	vst v63  }
0x96: {  	_ =	swait.ge [sflag:s28], $0x4000  }
0x97: {  	[sflag:s28] =	ssyncset.done $0x0  }
0x98: {  	s13 =	simm.s32 $0x1480;
	[sflag:s28] =	ssyncadd.s32 $0xFFFFC000  }
0x99: {  	[spmem:s3] =	stream.indirect.scatter.add.f32 [tilespmem:s26], [sflag:$0x3], $0x80, s13, s25, $0x2000b8;
	[tilespmem:$0x1E800] =	vst v63  }
0x9a: {  	_ =	swait.ge [sflag:s22], $0x4000  }
0x9b: {  	s0 =	simm.s32 $0x100;
	s2 =	simm.s32 $0x800;
	[sflag:s22] =	ssyncset.done $0x0  }
.LBB2_4:
0x9c: {  	s11 =	sadd.s32 $0x80, s0  }
0x9d: {  	[sflag:s22] =	ssyncadd.s32 $0xFFFFC000;
	s12 =	smov.u32 s2;
	s13 =	sadd.s32 $0x400, s2  }
0x9e: {  	[tilespmem:s26], [sflag:$0x2] =	stream.indirect.gather [hbm4b:s5+s25], $0x80, s11, s25, $0x2000b8;
	[tilespmem:$0x1E800] =	vst v63  }
0x9f: {  	p0 =	sne.s32 s2, $0x4800;
	_ =	swait.ge [sflag:s23], $0x4000  }
0xa0: {  	[sflag:s23] =	ssyncset.done $0x0  }
0xa1: {  	s2 =	sadd.s32 $0x1400, s0;
	[sflag:s23] =	ssyncadd.s32 $0xFFFFC000  }
0xa2: {  	[spmem:s3] =	stream.indirect.scatter.add.f32 [tilespmem:s21], [sflag:$0x3], $0x80, s2, s25, $0x2000b8;
	[tilespmem:$0x1E800] =	vst v63  }
0xa3: {  	_ =	swait.ge [sflag:s22], $0x4000  }
0xa4: {  	[sflag:s22] =	ssyncset.done $0x0  }
0xa5: {  	s2 =	sadd.s32 $0x100, s0;
	[sflag:s22] =	ssyncadd.s32 $0xFFFFC000  }
0xa6: {  	[tilespmem:s21], [sflag:$0x1] =	stream.indirect.gather [hbm4b:s5+s25], $0x80, s2, s25, $0x2000b8;
	[tilespmem:$0x1E800] =	vst v63  }
0xa7: {  	_ =	swait.ge [sflag:s28], $0x4000  }
.Ltmp1:
0xa8: {  	[sflag:s28] =	ssyncset.done $0x0;
	(pc) =	sbr.rel @p0 .LBB2_4-.Ltmp1, $4  }
0xa9: {  	s0 =	sadd.s32 $0x1480, s0;
	[sflag:s28] =	ssyncadd.s32 $0xFFFFC000  }
0xaa: {  	[spmem:s3] =	stream.indirect.scatter.add.f32 [tilespmem:s26], [sflag:$0x3], $0x80, s0, s25, $0x2000b8;
	[tilespmem:$0x1E800] =	vst v63  }
0xab: {  	_ =	swait.ge [sflag:s22], $0x4000  }
0xac: {  	s2 =	smov.u32 s13;
	s0 =	sshra.s32 s12, $0x2;
	[sflag:s22] =	ssyncset.done $0x0  }
0xad: {  	s2 =	sadd.s32 $0x80, s0;
	[sflag:s22] =	ssyncadd.s32 $0xFFFFC000  }
0xae: {  	[tilespmem:s26], [sflag:$0x2] =	stream.indirect.gather [hbm4b:s5+s25], $0x80, s2, s25, $0x2000b8;
	[tilespmem:$0x1E800] =	vst v63  }
0xaf: {  	_ =	swait.ge [sflag:s23], $0x4000  }
0xb0: {  	[sflag:s23] =	ssyncset.done $0x0  }
0xb1: {  	s12 =	sadd.s32 $0x1400, s0;
	[sflag:s23] =	ssyncadd.s32 $0xFFFFC000  }
0xb2: {  	[spmem:s3] =	stream.indirect.scatter.add.f32 [tilespmem:s21], [sflag:$0x3], $0x80, s12, s25, $0x2000b8;
	[tilespmem:$0x1E800] =	vst v63  }
0xb3: {  	_ =	swait.ge [sflag:s22], $0x4000  }
0xb4: {  	[sflag:s22] =	ssyncset.done $0x0  }
0xb5: {  	s13 =	sadd.s32 $0x100, s0;
	[sflag:s22] =	ssyncadd.s32 $0xFFFFC000  }
0xb6: {  	[tilespmem:s21], [sflag:$0x1] =	stream.indirect.gather [hbm4b:s5+s25], $0x80, s13, s25, $0x2000b8;
	[tilespmem:$0x1E800] =	vst v63  }
0xb7: {  	_ =	swait.ge [sflag:s28], $0x4000  }
0xb8: {  	[sflag:s28] =	ssyncset.done $0x0  }
0xb9: {  	s2 =	sadd.s32 $0x1480, s0;
	[sflag:s28] =	ssyncadd.s32 $0xFFFFC000  }
0xba: {  	[spmem:s3] =	stream.indirect.scatter.add.f32 [tilespmem:s26], [sflag:$0x3], $0x80, s2, s25, $0x2000b8;
	[tilespmem:$0x1E800] =	vst v63  }
0xbb: {  	_ =	swait.ge [sflag:s22], $0x4000  }
0xbc: {  	[sflag:s22] =	ssyncset.done $0x0  }
0xbd: {  	[sflag:s22] =	ssyncadd.s32 $0xFFFFC000  }
0xbe: {  	[tilespmem:s26], [sflag:$0x2] =	stream.indirect.gather [hbm4b:s5+s25], $0x80, s29, s25, $0x2000b8;
	[tilespmem:$0x1E800] =	vst v63  }
0xbf: {  	_ =	swait.ge [sflag:s23], $0x4000  }
0xc0: {  	[sflag:s23] =	ssyncset.done $0x0  }
0xc1: {  	[sflag:s23] =	ssyncadd.s32 $0xFFFFC000  }
0xc2: {  	[spmem:s3] =	stream.indirect.scatter.add.f32 [tilespmem:s21], [sflag:$0x3], $0x80, s30, s25, $0x2000b8;
	[tilespmem:$0x1E800] =	vst v63  }
0xc3: {  	_ =	swait.ge [sflag:s22], $0x4000  }
0xc4: {  	[sflag:s22] =	ssyncset.done $0x0  }
0xc5: {  	[sflag:s22] =	ssyncadd.s32 $0xFFFFC000  }
0xc6: {  	_ =	swait.ge [sflag:s28], $0x4000  }
0xc7: {  	[sflag:s28] =	ssyncset.done $0x0  }
0xc8: {  	[sflag:s28] =	ssyncadd.s32 $0xFFFFC000  }
0xc9: {  	[spmem:s3] =	stream.indirect.scatter.add.f32 [tilespmem:s26], [sflag:$0x3], $0x80, s31, s25, $0x2000b8;
	[tilespmem:$0x1E800] =	vst v63  }
0xca: {  	_ =	swait.ge [sflag:s22], $0x4000  }
0xcb: {  	[sflag:s22] =	ssyncset.done $0x0  }
0xcc: {  	[sflag:s22] =	ssyncadd.s32 $0xFFFFC000  }
0xcd: {  	[bflag:$0x0] =	sbarrier.arrive $0xFFFF  }
0xce: {  	_ =	strace $0x90000052  }
0xcf: {  	_ =	strace $0x80000053  }
0xd0: {  	[tilespmem:s21], [sflag:$0x3] =	stream.linear.gather [spmem:s6], $0x4000, $0x200038;
	[tilespmem:$0x1E800] =	vst v63  }
0xd1: {  	_ =	swait.ge [sflag:s22], $0x4000  }
0xd2: {  	[sflag:s22] =	ssyncset.done $0x0  }
0xd3: {  	[sflag:s22] =	ssyncadd.s32 $0xFFFFC000  }
0xd4: {  	[tilespmem:s26], [sflag:$0x3] =	stream.linear.gather [spmem:s7], $0x4000, $0x200038;
	[tilespmem:$0x1E800] =	vst v63  }
0xd5: {  	_ =	swait.ge [sflag:s22], $0x4000  }
0xd6: {  	[sflag:s22] =	ssyncset.done $0x0  }
0xd7: {  	s11 =	rddreg [dreg:$0x4];
	[sflag:s22] =	ssyncadd.s32 $0xFFFFC000  }
0xd8: {  	[hbm4b:s11+s4] =	stream.linear.scatter [tilespmem:s21], [sflag:$0x1], $0x4000, $0x200038;
	[tilespmem:$0x1E800] =	vst v63  }
0xd9: {  	_ =	swait.ge [sflag:s23], $0x4000  }
0xda: {  	[sflag:s23] =	ssyncset.done $0x0  }
0xdb: {  	[sflag:s23] =	ssyncadd.s32 $0xFFFFC000  }
0xdc: {  	[tilespmem:s21], [sflag:$0x3] =	stream.linear.gather [spmem:s8], $0x4000, $0x200038;
	[tilespmem:$0x1E800] =	vst v63  }
0xdd: {  	_ =	swait.ge [sflag:s22], $0x4000  }
0xde: {  	[sflag:s22] =	ssyncset.done $0x0  }
0xdf: {  	s12 =	rddreg [dreg:$0x5];
	[sflag:s22] =	ssyncadd.s32 $0xFFFFC000  }
0xe0: {  	[hbm4b:s12+s4] =	stream.linear.scatter [tilespmem:s26], [sflag:$0x2], $0x4000, $0x200038;
	[tilespmem:$0x1E800] =	vst v63  }
0xe1: {  	_ =	swait.ge [sflag:s28], $0x4000  }
0xe2: {  	[sflag:s28] =	ssyncset.done $0x0  }
0xe3: {  	[sflag:s28] =	ssyncadd.s32 $0xFFFFC000  }
0xe4: {  	[tilespmem:s26], [sflag:$0x3] =	stream.linear.gather [spmem:s9], $0x4000, $0x200038;
	[tilespmem:$0x1E800] =	vst v63  }
0xe5: {  	_ =	swait.ge [sflag:s22], $0x4000  }
0xe6: {  	[sflag:s22] =	ssyncset.done $0x0  }
0xe7: {  	s13 =	rddreg [dreg:$0x6];
	[sflag:s22] =	ssyncadd.s32 $0xFFFFC000  }
0xe8: {  	[hbm4b:s13+s4] =	stream.linear.scatter [tilespmem:s21], [sflag:$0x1], $0x4000, $0x200038;
	[tilespmem:$0x1E800] =	vst v63  }
0xe9: {  	_ =	swait.ge [sflag:s23], $0x4000  }
0xea: {  	[sflag:s23] =	ssyncset.done $0x0  }
0xeb: {  	[sflag:s23] =	ssyncadd.s32 $0xFFFFC000  }
0xec: {  	[tilespmem:s21], [sflag:$0x3] =	stream.linear.gather [spmem:s10], $0x4000, $0x200038;
	[tilespmem:$0x1E800] =	vst v63  }
0xed: {  	_ =	swait.ge [sflag:s22], $0x4000  }
0xee: {  	[sflag:s22] =	ssyncset.done $0x0  }
0xef: {  	[sflag:s22] =	ssyncadd.s32 $0xFFFFC000  }
0xf0: {  	[hbm4b:s14+s4] =	stream.linear.scatter [tilespmem:s26], [sflag:$0x2], $0x4000, $0x200038;
	[tilespmem:$0x1E800] =	vst v63  }
0xf1: {  	_ =	swait.ge [sflag:s28], $0x4000  }
0xf2: {  	s1 =	sadd.s32 $0x1, s1;
	[sflag:s28] =	ssyncset.done $0x0  }
0xf3: {  	p0 =	sne.s32 s1, s16;
	[sflag:s28] =	ssyncadd.s32 $0xFFFFC000  }
0xf4: {  	[hbm4b:s15+s4] =	stream.linear.scatter [tilespmem:s21], [sflag:$0x1], $0x4000, $0x200038;
	[tilespmem:$0x1E800] =	vst v63  }
.Ltmp2:
0xf5: {  	_ = 	snop;
	(pc) =	sbr.rel @p0 .LBB2_1-.Ltmp2, $4  }
0xf6: {  	_ =	swait.ge [sflag:s23], $0x4000  }
0xf7: {  	[sflag:s23] =	ssyncset.done $0x0  }
0xf8: {  	[sflag:s23] =	ssyncadd.s32 $0xFFFFC000  }
0xf9: {  	_ =	strace $0x90000053  }
0xfa: {  	_ =	sfence.sel $0x180000  }
0xfb: {  	[bflag:$0x0] =	sbarrier.arrive $0xFFFF  }
0xfc: {  	_ =	strace $0x90000050  }
0xfd: {  	s0 =	stileid.u32;
	[bflag:$0x2] =	sbarrier.arrive $0xFFFF  }
0xfe: {  	p0 =	sne.s32 s0, $0x0;
	s0 =	rddreg [dreg:$0x3]  }
0xff: {  	s0 =	sadd.s32 @!p0 $0x100000, s0  }
0x100: {  	[sflag:s0] =	ssyncadd.tile.s32 @!p0 $0x1;
	_ =	shalt  }
.Lfunc_end2:
_tile_overlayer_lowered:
.L_overlay_start_2:
0x101: {  	(tag) =	ssettag $0x2  }
0x102: {  	s0 =	rddreg [dreg:$0x0];
	s2 =	stileid.u32  }
0x103: {  	s1 =	rddreg [dreg:$0x1];
	p0 =	sne.s32 s2, $0x0  }
0x104: {  	s3 =	rddreg [dreg:$0x2];
	[bflag:$0x3] =	sbarrier.arrive $0xFFFF;
	s2 =	simm.s32 @!p0 $0x1C03  }
0x105: {  	[timem:s3], [sflag:s2] =	dma.local @!p0 [hbm:s0], s1  }
0x106: {  	s0 =	simm.s32 @!p0 $0x3  }
0x107: {  	_ =	swait.ge @!p0 [sflag:s0], s1  }
0x108: {  	s1 =	ssub.s32 @!p0 $0x0, s1;
	[sflag:s0] =	ssyncset.done @!p0 $0x0  }
0x109: {  	[sflag:s0] =	ssyncadd.s32 @!p0 s1  }
0x10a: {  	[bflag:$0x3] =	sbarrier.arrive $0xFFFF  }
0x10b: {  	_ =	shalt  }

// kernel: kernel.19.cloned.1.call-start
scs
__scs_entry_jumppad:
0x0: {  	(pc) =	sbr.rel $0x88, $3  }
0x1: {  	(tag) =	ssettag $0x0;
	lr =	simm.s32 $0x1  }
0x2: {  	[smem:$0x3F92] =	sst lr;
	_ =	strace $0xD0000000  }
0x3: {  	_ = 	snop  }
0x4: {  	_ = 	snop  }
0x5: {  	_ = 	snop  }
0x6: {  	_ = 	snop  }
0x7: {  	_ = 	snop  }
__scs_overlays_trampoline_lowered:
0x8: {  	[smem:$0x3FA1] =	sst s0  }
0x9: {  	[smem:$0x3FA2] =	sst s1  }
0xa: {  	[smem:$0x3FA3] =	sst s2  }
0xb: {  	[smem:$0x3FA4] =	sst s3  }
0xc: {  	[smem:$0x3FA5] =	sst s4  }
0xd: {  	[smem:$0x3FA6] =	sst s5  }
0xe: {  	[smem:$0x3FA7] =	sst s6  }
0xf: {  	[smem:$0x3FA8] =	sst s7  }
0x10: {  	[smem:$0x3FA9] =	sst s8  }
0x11: {  	[smem:$0x3FAA] =	sst s9;
	s0 =	simm.s32 @!p0 $0x0  }
0x12: {  	s1 =	sld [smem:$0x3F90];
	s0 =	simm.s32 @p0 $0x1  }
0x13: {  	[smem:$0x3FAB] =	sst s0;
	s0 =	simm.s32 @!p1 $0x0  }
0x14: {  	s2 =	sld [smem:$0x3F8F];
	s0 =	simm.s32 @p1 $0x1  }
0x15: {  	[smem:$0x3FAC] =	sst s0;
	s0 =	simm.s32 @!p2 $0x0  }
0x16: {  	s3 =	sld [smem:$0x3FDB];
	s0 =	simm.s32 @p2 $0x1  }
0x17: {  	s4 =	simm.s32 $0x1BF5;
	[smem:$0x3FAE] =	sst s0  }
0x18: {  	s0 =	sld [smem:$0x3F91];
	_ =	swait.ge [sflag:s4], $0x0  }
0x19: {  	s7 =	sld [smem:$0x3F92]  }
0x1a: {  	s8 =	sadd.s32 $0xFFFFE003, lr  }
0x1b: {  	s9 =	sadd.s32 $0xFFFFFEF7, lr;
	s5 =	simm.s32 $0xFFFFFFFF;
	p2 =	slt.u32 s8, $0xFFFFF086  }
0x1c: {  	p1 =	slt.u32 s9, $0xF7A;
	s5 =	simm.s32 @!p2 $0x0  }
0x1d: {  	s5 =	simm.s32 @p1 $0x1;
	p0 =	seq.s32 s7, s2  }
0x1e: {  	s7 =	smul.u32 @!p0 $0xF7A, s2;
	p2 =	seq.s32 @!p0 s5, $0x0  }
0x1f: {  	s9 =	smul.u32 $0xF7A, s1;
	s8 =	simm.s32 @!p0 $0x1BF5;
	p2 =	por !p2, p0  }
0x20: {  	[sflag:s8] =	ssyncset.s32 @!p0 $0xFFFFF086;
	s6 =	sadd.s32 @!p0 s3, s7;
	s7 =	simm.s32 @!p0 $0x108  }
0x21: {  	s3 =	sadd.s32 s3, s9;
	s6 =	sadd.s32 @!p0 $0x88, s6;
	s7 =	simm.s32 @p2 $0x1082  }
0x22: {  	[simem:s7], [sflag:s8] =	dma.local @!p0 [hbm:s6], $0xF7A  }
0x23: {  	s9 =	sor.u32 $0xD0000000, s2;
	s6 =	simm.s32 $0x108;
	_ =	swait.ge @!p0 [sflag:s8], $0x0  }
0x24: {  	s3 =	sadd.s32 $0x88, s3;
	s6 =	simm.s32 @!p1 $0x1082;
	[sflag:s4] =	ssyncset.s32 $0xFFFFF086  }
0x25: {  	[simem:s6], [sflag:s4] =	dma.local [hbm:s3], $0xF7A  }
0x26: {  	[smem:$0x3F92] =	sst s1;
	(tag) =	ssettag s2;
	_ =	strace s9  }
0x27: {  	s1 =	sld [smem:$0x3FA2]  }
0x28: {  	s2 =	sld [smem:$0x3FA3]  }
0x29: {  	s4 =	sld [smem:$0x3FA5]  }
0x2a: {  	p0 =	seq.s32 s5, $0x0;
	s5 =	sld [smem:$0x3FA6]  }
0x2b: {  	s6 =	sld [smem:$0x3FA7]  }
0x2c: {  	s7 =	sld [smem:$0x3FA8]  }
0x2d: {  	s3 =	simm.s32 $0x108;
	s8 =	sld [smem:$0x3FA9]  }
0x2e: {  	s3 =	simm.s32 @!p0 $0x1082;
	s9 =	sld [smem:$0x3FAA]  }
0x2f: {  	lr =	sadd.s32 s0, s3;
	s0 =	sld [smem:$0x3FA1]  }
0x30: {  	s3 =	sld [smem:$0x3FA4]  }
0x31: {  	[smem:$0x3FAD] =	sst s10  }
0x32: {  	s10 =	sld [smem:$0x3FAB];
	_ =	sdelay $0x3  }
0x33: {  	p0 =	seq.s32 s10, $0x1;
	s10 =	sld [smem:$0x3FAD];
	_ =	sdelay $0x3  }
0x34: {  	[smem:$0x3FAD] =	sst s10  }
0x35: {  	s10 =	sld [smem:$0x3FAC];
	_ =	sdelay $0x3  }
0x36: {  	p1 =	seq.s32 s10, $0x1;
	s10 =	sld [smem:$0x3FAD];
	_ =	sdelay $0x3  }
0x37: {  	[smem:$0x3FAD] =	sst s10  }
0x38: {  	s10 =	sld [smem:$0x3FAE]  }
0x39: {  	_ = 	snop;
	(pc) =	sbr.ind lr, $3  }
0x3a: {  	_ = 	snop  }
0x3b: {  	_ = 	snop  }
0x3c: {  	p2 =	seq.s32 s10, $0x1;
	s10 =	sld [smem:$0x3FAD]  }
0x3d: {  	_ =	shalt  }
0x3e: {  	_ =	shalt  }
0x3f: {  	_ =	shalt  }
0x40: {  	_ =	shalt  }
0x41: {  	_ =	shalt  }
0x42: {  	_ =	shalt  }
0x43: {  	_ =	shalt  }
0x44: {  	_ =	shalt  }
0x45: {  	_ =	shalt  }
0x46: {  	_ =	shalt  }
0x47: {  	_ =	shalt  }
0x48: {  	_ =	shalt  }
0x49: {  	_ =	shalt  }
0x4a: {  	_ =	shalt  }
0x4b: {  	_ =	shalt  }
0x4c: {  	_ =	shalt  }
0x4d: {  	_ =	shalt  }
0x4e: {  	_ =	shalt  }
0x4f: {  	_ =	shalt  }
0x50: {  	_ =	shalt  }
0x51: {  	_ =	shalt  }
0x52: {  	_ =	shalt  }
0x53: {  	_ =	shalt  }
0x54: {  	_ =	shalt  }
0x55: {  	_ =	shalt  }
0x56: {  	_ =	shalt  }
0x57: {  	_ =	shalt  }
0x58: {  	_ =	shalt  }
0x59: {  	_ =	shalt  }
0x5a: {  	_ =	shalt  }
0x5b: {  	_ =	shalt  }
0x5c: {  	_ =	shalt  }
0x5d: {  	_ =	shalt  }
0x5e: {  	_ =	shalt  }
0x5f: {  	_ =	shalt  }
0x60: {  	_ =	shalt  }
0x61: {  	_ =	shalt  }
0x62: {  	_ =	shalt  }
0x63: {  	_ =	shalt  }
0x64: {  	_ =	shalt  }
0x65: {  	_ =	shalt  }
0x66: {  	_ =	shalt  }
0x67: {  	_ =	shalt  }
0x68: {  	_ =	shalt  }
0x69: {  	_ =	shalt  }
0x6a: {  	_ =	shalt  }
0x6b: {  	_ =	shalt  }
0x6c: {  	_ =	shalt  }
0x6d: {  	_ =	shalt  }
0x6e: {  	_ =	shalt  }
0x6f: {  	_ =	shalt  }
0x70: {  	_ =	shalt  }
0x71: {  	_ =	shalt  }
0x72: {  	_ =	shalt  }
0x73: {  	_ =	shalt  }
0x74: {  	_ =	shalt  }
0x75: {  	_ =	shalt  }
0x76: {  	_ =	shalt  }
0x77: {  	_ =	shalt  }
0x78: {  	_ =	shalt  }
0x79: {  	_ =	shalt  }
0x7a: {  	_ =	shalt  }
0x7b: {  	_ =	shalt  }
0x7c: {  	_ =	shalt  }
0x7d: {  	_ =	shalt  }
0x7e: {  	_ =	shalt  }
0x7f: {  	_ =	shalt  }
0x80: {  	_ =	shalt  }
0x81: {  	_ =	shalt  }
0x82: {  	_ =	shalt  }
0x83: {  	_ =	shalt  }
0x84: {  	_ =	shalt  }
0x85: {  	_ =	shalt  }
0x86: {  	_ =	shalt  }
0x87: {  	_ =	shalt  }
.Lfunc_end0:
.L_simem_size_0:
called_computation.3_lowered:
.L_overlay_start_0:
0x88: {  	s2 =	sld [smem:$0x3FD9]  }
0x89: {  	s3 =	sld [smem:$0x3FFE];
	_ =	sdelay $0x1  }
0x8a: {  	s1 =	srdreg.scid  }
0x8b: {  	s0 =	sand.u32 $0x1, s1  }
0x8c: {  	s17 =	sshll.u32 s0, $0xA;
	s2 =	sadd.s32 s3, s2  }
0x8d: {  	s2 =	sadd.s32 s2, s17  }
0x8e: {  	[smem:$0x3FB9] =	sst s2  }
0x8f: {  	_ = 	snop  }
0x90: {  	s2 =	sld [smem:$0x3FD0];
	(tm) =	ssettm $0x1  }
0x91: {  	s18 =	sld [smem:$0x3FFB];
	_ =	sdelay $0x3  }
0x92: {  	_ =	strace s18  }
0x93: {  	s3 =	sld [smem:$0x3FFC];
	_ =	sdelay $0x3  }
0x94: {  	_ =	strace s3  }
0x95: {  	s3 =	sld [smem:$0x3FFD];
	_ =	sdelay $0x3  }
0x96: {  	_ =	strace s3  }
0x97: {  	_ =	strace $0x8FFFFFFF  }
0x98: {  	s19 =	sld [smem:$0x3FDB];
	_ =	sdelay $0x1  }
0x99: {  	s4 =	simm.s32 $_scs_section_size  }
0x9a: {  	s5 =	simm.s32 $_size__tile_overlayer_lowered;
	s6 =	simm.s32 $_tile_overlayer_lowered  }
0x9b: {  	s22 =	simm.s32 $0x1BFF;
	s21 =	sshll.u32 s6, $0x1;
	s3 =	sadd.s32 s4, s19  }
0x9c: {  	s7 =	simm.s32 $0x0;
	s20 =	sshll.u32 s5, $0x1;
	s5 =	sadd.s32 s21, s3  }
0x9d: {  	[timem:s7], [sflag:s22] =	dma.local [hbm:s5], s20  }
0x9e: {  	_ =	swait.ge [sflag:s22], s20  }
0x9f: {  	s4 =	ssub.s32 $0x0, s20;
	[sflag:s22] =	ssyncset.done $0x0  }
0xa0: {  	[sflag:s22] =	ssyncadd.s32 s4;
	_ =	sdelay $0x1  }
0xa1: {  	s23 =	simm.s32 $0x1B8B  }
0xa2: {  	_ =	swait.ge [sflag:s23], $0x1  }
0xa3: {  	[sflag:s23] =	ssyncset.done $0x0  }
0xa4: {  	s25 =	simm.s32 $0x1B8E;
	s24 =	sld [smem:$0x3FFE];
	[sflag:s23] =	ssyncadd.s32 $0xFFFFFFFF  }
0xa5: {  	s26 =	simm.s32 $execute0_lowered;
	[smem:$0x3FD2] =	sst s25  }
0xa6: {  	s5 =	sshll.u32 s26, $0x1;
	_ =	strace $0x80000055;
	[dreg:$0x1] =	wrdreg $0xFFFFFFFF  }
0xa7: {  	s28 =	simm.s32 $_size_execute0_lowered;
	s3 =	sadd.s32 s3, s5;
	[dreg:$0x0] =	wrdreg $0x0  }
0xa8: {  	s5 =	sshll.u32 s28, $0x1;
	[dreg:$0x2] =	wrdreg s3  }
0xa9: {  	[dreg:$0x3] =	wrdreg s5  }
0xaa: {  	[dreg:$0x4] =	wrdreg $0xC0  }
0xab: {  	_ =	task [dreg:s7], $0x5FFFF  }
0xac: {  	[dreg:$0x1] =	wrdreg $0xFFFFFFFF  }
0xad: {  	[dreg:$0x0] =	wrdreg $0x60  }
0xae: {  	[dreg:$0x2] =	wrdreg s24  }
0xaf: {  	[dreg:$0x3] =	wrdreg s2  }
0xb0: {  	[dreg:$0x4] =	wrdreg $0xA8000  }
0xb1: {  	[dreg:$0x5] =	wrdreg $0x9  }
0xb2: {  	_ =	task.clear_ibuf [dreg:s7], $0x6FFFF;
	_ =	strace $0x90000055  }
0xb3: {  	s29 =	simm.s32 $0x9;
	_ =	strace $0x8000005A  }
0xb4: {  	_ =	swait.ge [sflag:s29], $0x1  }
0xb5: {  	[sflag:s29] =	ssyncadd.s32 $0xFFFFFFFF  }
0xb6: {  	_ =	strace $0x9000005A  }
0xb7: {  	_ =	sfence  }
0xb8: {  	s30 =	sld [smem:$0x0];
	_ =	sdelay $0x2  }
0xb9: {  	s31 =	sshll.u32 s1, $0xD;
	s1 =	sshrl.u32 s1, $0x2  }
0xba: {  	s3 =	sand.u32 $0x4000, s31;
	s1 =	sadd.s32 s1, s30  }
0xbb: {  	s0 =	sor.u32 s3, s0;
	s1 =	sshll.u32 s1, $0x11  }
0xbc: {  	s0 =	sor.u32 s1, s0  }
0xbd: {  	s0 =	sadd.s32 $0x8F2B, s0  }
0xbe: {  	[sflag:s0] =	ssyncadd.remote.s32 $0x1  }
0xbf: {  	_ =	sfence.sel $0xFFFF  }
0xc0: {  	[dreg:$0x0] =	wrdreg $0xFFFFFFFF;
	(pc) =	sbr.abs _section_cstart, $3  }
0xc1: {  	[dreg:$0x1] =	wrdreg $0xFFFFFFFF  }
0xc2: {  	_ =	task.clear_ibuf [dreg:s7], $0x2FFFF;
	_ =	strace $0x9FFFFFFF  }
0xc3: {  	(tm) =	ssettm $0x7FFFFFFF  }
tec
execute0_lowered:
.L_overlay_start_1:
0x0: {  	(tag) =	ssettag $0x1  }
0x1: {  	s0 =	rddreg [dreg:$0x0]  }
0x2: {  	s1 =	srdreg.scid;
	s8 =	stileid.u32  }
0x3: {  	s3 =	rddreg [dreg:$0x2];
	s4 =	simm.s32 $0x0;
	s21 =	simm.s32 $0x2800  }
0x4: {  	s22 =	simm.s32 $0x3;
	s28 =	simm.s32 $0x2;
	s29 =	simm.s32 $0x1380  }
0x5: {  	s30 =	simm.s32 $0x2700;
	s31 =	simm.s32 $0x2780;
	s1 =	sand.u32 $0x1, s1  }
0x6: {  	s2 =	sshll.u32 s8, $0x1;
	[smem:$0x7FF] =	sst s4;
	s6 =	smul.u32 $0x50000, s8  }
0x7: {  	s10 =	smul.u32 $0x14000, s8;
	s5 =	sshll.u32 s1, $0x5;
	_ =	strace $0x80000056  }
0x8: {  	s7 =	ssub.s32 $0x2, s1;
	s1 =	smul.u32 $0x140000, s1;
	s2 =	sor.u32 s5, s2  }
0x9: {  	s5 =	sadd.s32 $0x3DC00, s0;
	s23 =	sshrl.u32 s7, $0x1;
	s6 =	sshrl.u32 s6, $0x2  }
0xa: {  	s11 =	sadd.s32 $0x4000, s10;
	s13 =	sadd.s32 $0x8000, s10;
	s14 =	sadd.s32 $0xC000, s10  }
0xb: {  	s15 =	sadd.s32 $0x10000, s10;
	s2 =	smul.u32 $0x1400, s2;
	s16 =	ssub.s32 s7, s23  }
0xc: {  	s6 =	sadd.s32 s6, s3;
	s7 =	sadd.s32 s11, s3;
	s8 =	sadd.s32 s13, s3  }
0xd: {  	s9 =	sadd.s32 s14, s3;
	s12 =	sadd.s32 s10, s1;
	s11 =	sadd.s32 s1, s11  }
0xe: {  	s10 =	sadd.s32 s15, s3;
	s13 =	sadd.s32 s1, s13;
	s14 =	sadd.s32 s1, s14  }
0xf: {  	s1 =	sadd.s32 s1, s15;
	s23 =	simm.s32 $0x1;
	s12 =	sshrl.u32 s12, $0x3  }
0x10: {  	s17 =	sshrl.u32 s11, $0x3;
	s13 =	sshrl.u32 s13, $0x3;
	s2 =	sshrl.u32 s2, $0x3  }
0x11: {  	s14 =	sshrl.u32 s14, $0x3;
	s2 =	sadd.s32 s2, s0;
	s0 =	sadd.s32 $0x97C00, s0  }
0x12: {  	s1 =	sshrl.u32 s1, $0x3;
	s16 =	smax.u32 s16, $0x1;
	s24 =	sadd.s32 s0, s12  }
0x13: {  	s25 =	sadd.s32 s0, s17;
	s26 =	sadd.s32 s0, s13;
	s14 =	sadd.s32 s0, s14  }
0x14: {  	s15 =	sadd.s32 s0, s1;
	s17 =	sadd.s32 $0x1C00, s2;
	[dreg:$0x4] =	wrdreg s24  }
0x15: {  	s18 =	sadd.s32 $0xBC00, s2;
	s19 =	sadd.s32 $0x1E80, s2;
	[dreg:$0x5] =	wrdreg s25  }
0x16: {  	s20 =	sadd.s32 $0xBE80, s2;
	s1 =	simm.s32 $0x0;
	[dreg:$0x6] =	wrdreg s26  }
0x17: {  	s24 =	simm.s32 $0x1400;
	s25 =	simm.s32 $0x80;
	s26 =	simm.s32 $0x6800  }
.LBB2_1:
0x18: {  	_ =	strace $0x80000057  }
0x19: {  	s0 =	rddreg [dreg:$0x1]  }
0x1a: {  	[tilespmem:s21], [sflag:$0x3] =	stream.linear.gather [hbm4b:s0+s4], $0x4000, $0x200038;
	[tilespmem:$0x1E800] =	vst v63  }
0x1b: {  	_ =	swait.ge [sflag:s22], $0x4000  }
0x1c: {  	[sflag:s22] =	ssyncset.done $0x0  }
0x1d: {  	[sflag:s22] =	ssyncadd.s32 $0xFFFFC000  }
0x1e: {  	[spmem:s6] =	stream.linear.scatter [tilespmem:s21], [sflag:$0x1], $0x4000, $0x200038;
	[tilespmem:$0x1E800] =	vst v63  }
0x1f: {  	_ = 	snop  }
0x20: {  	[spmem:s7] =	stream.linear.scatter [tilespmem:s21], [sflag:$0x1], $0x4000, $0x200038;
	[tilespmem:$0x1E800] =	vst v63  }
0x21: {  	_ = 	snop  }
0x22: {  	[spmem:s8] =	stream.linear.scatter [tilespmem:s21], [sflag:$0x1], $0x4000, $0x200038;
	[tilespmem:$0x1E800] =	vst v63  }
0x23: {  	_ = 	snop  }
0x24: {  	[spmem:s9] =	stream.linear.scatter [tilespmem:s21], [sflag:$0x1], $0x4000, $0x200038;
	[tilespmem:$0x1E800] =	vst v63  }
0x25: {  	_ = 	snop  }
0x26: {  	[spmem:s10] =	stream.linear.scatter [tilespmem:s21], [sflag:$0x1], $0x4000, $0x200038;
	[tilespmem:$0x1E800] =	vst v63  }
0x27: {  	_ =	swait.ge [sflag:s23], $0x4000  }
0x28: {  	[sflag:s23] =	ssyncset.done $0x0  }
0x29: {  	[sflag:s23] =	ssyncadd.s32 $0xFFFFC000  }
0x2a: {  	_ =	swait.ge [sflag:s23], $0x4000  }
0x2b: {  	[sflag:s23] =	ssyncset.done $0x0  }
0x2c: {  	[sflag:s23] =	ssyncadd.s32 $0xFFFFC000  }
0x2d: {  	_ =	swait.ge [sflag:s23], $0x4000  }
0x2e: {  	[sflag:s23] =	ssyncset.done $0x0  }
0x2f: {  	[sflag:s23] =	ssyncadd.s32 $0xFFFFC000  }
0x30: {  	_ =	swait.ge [sflag:s23], $0x4000  }
0x31: {  	[sflag:s23] =	ssyncset.done $0x0  }
0x32: {  	[sflag:s23] =	ssyncadd.s32 $0xFFFFC000  }
0x33: {  	_ =	swait.ge [sflag:s23], $0x4000  }
0x34: {  	[sflag:s23] =	ssyncset.done $0x0  }
0x35: {  	[sflag:s23] =	ssyncadd.s32 $0xFFFFC000  }
0x36: {  	[bflag:$0x0] =	sbarrier.arrive $0xFFFF  }
0x37: {  	_ =	strace $0x90000057  }
0x38: {  	_ =	strace $0x80000058  }
0x39: {  	[tilespmem:s4], [sflag:$0x3] =	stream.linear.gather [hbm4b:s17+s4], $0x1400, $0x200038;
	[tilespmem:$0x1E800] =	vst v63  }
0x3a: {  	_ =	swait.ge [sflag:s22], $0x1400  }
0x3b: {  	[sflag:s22] =	ssyncset.done $0x0  }
0x3c: {  	[sflag:s22] =	ssyncadd.s32 $0xFFFFEC00  }
0x3d: {  	[tilespmem:s24], [sflag:$0x3] =	stream.linear.gather [hbm4b:s18+s4], $0x1400, $0x200038;
	[tilespmem:$0x1E800] =	vst v63  }
0x3e: {  	_ =	swait.ge [sflag:s22], $0x1400  }
0x3f: {  	[sflag:s22] =	ssyncset.done $0x0  }
0x40: {  	[sflag:s22] =	ssyncadd.s32 $0xFFFFEC00  }
0x41: {  	[tilespmem:s21], [sflag:$0x1] =	stream.indirect.gather [hbm4b:s5+s25], $0x80, s4, s25, $0x2000b8;
	[tilespmem:$0x1E800] =	vst v63  }
0x42: {  	s2 =	simm.s32 $0x80  }
0x43: {  	[tilespmem:s26], [sflag:$0x2] =	stream.indirect.gather [hbm4b:s5+s25], $0x80, s2, s25, $0x2000b8;
	[tilespmem:$0x1E800] =	vst v63  }
0x44: {  	_ =	swait.ge [sflag:s23], $0x4000  }
0x45: {  	[sflag:s23] =	ssyncset.done $0x0  }
0x46: {  	s11 =	simm.s32 $0x1400;
	[sflag:s23] =	ssyncadd.s32 $0xFFFFC000  }
0x47: {  	[spmem:s3] =	stream.indirect.scatter.add.f32 [tilespmem:s21], [sflag:$0x3], $0x80, s11, s25, $0x2000b8;
	[tilespmem:$0x1E800] =	vst v63  }
0x48: {  	_ =	swait.ge [sflag:s22], $0x4000  }
0x49: {  	[sflag:s22] =	ssyncset.done $0x0  }
0x4a: {  	s12 =	simm.s32 $0x100;
	[sflag:s22] =	ssyncadd.s32 $0xFFFFC000  }
0x4b: {  	[tilespmem:s21], [sflag:$0x1] =	stream.indirect.gather [hbm4b:s5+s25], $0x80, s12, s25, $0x2000b8;
	[tilespmem:$0x1E800] =	vst v63  }
0x4c: {  	_ =	swait.ge [sflag:s28], $0x4000  }
0x4d: {  	[sflag:s28] =	ssyncset.done $0x0  }
0x4e: {  	s13 =	simm.s32 $0x1480;
	[sflag:s28] =	ssyncadd.s32 $0xFFFFC000  }
0x4f: {  	[spmem:s3] =	stream.indirect.scatter.add.f32 [tilespmem:s26], [sflag:$0x3], $0x80, s13, s25, $0x2000b8;
	[tilespmem:$0x1E800] =	vst v63  }
0x50: {  	_ =	swait.ge [sflag:s22], $0x4000  }
0x51: {  	s0 =	simm.s32 $0x100;
	s2 =	simm.s32 $0x800;
	[sflag:s22] =	ssyncset.done $0x0  }
.LBB2_2:
0x52: {  	s11 =	sadd.s32 $0x80, s0  }
0x53: {  	[sflag:s22] =	ssyncadd.s32 $0xFFFFC000;
	s12 =	smov.u32 s2;
	s13 =	sadd.s32 $0x400, s2  }
0x54: {  	[tilespmem:s26], [sflag:$0x2] =	stream.indirect.gather [hbm4b:s5+s25], $0x80, s11, s25, $0x2000b8;
	[tilespmem:$0x1E800] =	vst v63  }
0x55: {  	p0 =	sne.s32 s2, $0x4800;
	_ =	swait.ge [sflag:s23], $0x4000  }
0x56: {  	[sflag:s23] =	ssyncset.done $0x0  }
0x57: {  	s2 =	sadd.s32 $0x1400, s0;
	[sflag:s23] =	ssyncadd.s32 $0xFFFFC000  }
0x58: {  	[spmem:s3] =	stream.indirect.scatter.add.f32 [tilespmem:s21], [sflag:$0x3], $0x80, s2, s25, $0x2000b8;
	[tilespmem:$0x1E800] =	vst v63  }
0x59: {  	_ =	swait.ge [sflag:s22], $0x4000  }
0x5a: {  	[sflag:s22] =	ssyncset.done $0x0  }
0x5b: {  	s2 =	sadd.s32 $0x100, s0;
	[sflag:s22] =	ssyncadd.s32 $0xFFFFC000  }
0x5c: {  	[tilespmem:s21], [sflag:$0x1] =	stream.indirect.gather [hbm4b:s5+s25], $0x80, s2, s25, $0x2000b8;
	[tilespmem:$0x1E800] =	vst v63  }
0x5d: {  	_ =	swait.ge [sflag:s28], $0x4000  }
.Ltmp0:
0x5e: {  	[sflag:s28] =	ssyncset.done $0x0;
	(pc) =	sbr.rel @p0 .LBB2_2-.Ltmp0, $4  }
0x5f: {  	s0 =	sadd.s32 $0x1480, s0;
	[sflag:s28] =	ssyncadd.s32 $0xFFFFC000  }
0x60: {  	[spmem:s3] =	stream.indirect.scatter.add.f32 [tilespmem:s26], [sflag:$0x3], $0x80, s0, s25, $0x2000b8;
	[tilespmem:$0x1E800] =	vst v63  }
0x61: {  	_ =	swait.ge [sflag:s22], $0x4000  }
0x62: {  	s2 =	smov.u32 s13;
	s0 =	sshra.s32 s12, $0x2;
	[sflag:s22] =	ssyncset.done $0x0  }
0x63: {  	s2 =	sadd.s32 $0x80, s0;
	[sflag:s22] =	ssyncadd.s32 $0xFFFFC000  }
0x64: {  	[tilespmem:s26], [sflag:$0x2] =	stream.indirect.gather [hbm4b:s5+s25], $0x80, s2, s25, $0x2000b8;
	[tilespmem:$0x1E800] =	vst v63  }
0x65: {  	_ =	swait.ge [sflag:s23], $0x4000  }
0x66: {  	[sflag:s23] =	ssyncset.done $0x0  }
0x67: {  	s13 =	sadd.s32 $0x1400, s0;
	[sflag:s23] =	ssyncadd.s32 $0xFFFFC000  }
0x68: {  	[spmem:s3] =	stream.indirect.scatter.add.f32 [tilespmem:s21], [sflag:$0x3], $0x80, s13, s25, $0x2000b8;
	[tilespmem:$0x1E800] =	vst v63  }
0x69: {  	_ =	swait.ge [sflag:s22], $0x4000  }
0x6a: {  	[sflag:s22] =	ssyncset.done $0x0  }
0x6b: {  	s11 =	sadd.s32 $0x100, s0;
	[sflag:s22] =	ssyncadd.s32 $0xFFFFC000  }
0x6c: {  	[tilespmem:s21], [sflag:$0x1] =	stream.indirect.gather [hbm4b:s5+s25], $0x80, s11, s25, $0x2000b8;
	[tilespmem:$0x1E800] =	vst v63  }
0x6d: {  	_ =	swait.ge [sflag:s28], $0x4000  }
0x6e: {  	[sflag:s28] =	ssyncset.done $0x0  }
0x6f: {  	s12 =	sadd.s32 $0x1480, s0;
	[sflag:s28] =	ssyncadd.s32 $0xFFFFC000  }
0x70: {  	[spmem:s3] =	stream.indirect.scatter.add.f32 [tilespmem:s26], [sflag:$0x3], $0x80, s12, s25, $0x2000b8;
	[tilespmem:$0x1E800] =	vst v63  }
0x71: {  	_ =	swait.ge [sflag:s22], $0x4000  }
0x72: {  	[sflag:s22] =	ssyncset.done $0x0  }
0x73: {  	[sflag:s22] =	ssyncadd.s32 $0xFFFFC000  }
0x74: {  	[tilespmem:s26], [sflag:$0x2] =	stream.indirect.gather [hbm4b:s5+s25], $0x80, s29, s25, $0x2000b8;
	[tilespmem:$0x1E800] =	vst v63  }
0x75: {  	_ =	swait.ge [sflag:s23], $0x4000  }
0x76: {  	[sflag:s23] =	ssyncset.done $0x0  }
0x77: {  	[sflag:s23] =	ssyncadd.s32 $0xFFFFC000  }
0x78: {  	[spmem:s3] =	stream.indirect.scatter.add.f32 [tilespmem:s21], [sflag:$0x3], $0x80, s30, s25, $0x2000b8;
	[tilespmem:$0x1E800] =	vst v63  }
0x79: {  	_ =	swait.ge [sflag:s22], $0x4000  }
0x7a: {  	[sflag:s22] =	ssyncset.done $0x0  }
0x7b: {  	[sflag:s22] =	ssyncadd.s32 $0xFFFFC000  }
0x7c: {  	_ =	swait.ge [sflag:s28], $0x4000  }
0x7d: {  	[sflag:s28] =	ssyncset.done $0x0  }
0x7e: {  	[sflag:s28] =	ssyncadd.s32 $0xFFFFC000  }
0x7f: {  	[spmem:s3] =	stream.indirect.scatter.add.f32 [tilespmem:s26], [sflag:$0x3], $0x80, s31, s25, $0x2000b8;
	[tilespmem:$0x1E800] =	vst v63  }
0x80: {  	_ =	swait.ge [sflag:s22], $0x4000  }
0x81: {  	[sflag:s22] =	ssyncset.done $0x0  }
0x82: {  	s13 =	simm.s32 $0x0;
	[sflag:s22] =	ssyncadd.s32 $0xFFFFC000  }
0x83: {  	[tilespmem:s13], [sflag:$0x3] =	stream.linear.gather [hbm4b:s19+s13], $0x1400, $0x200038;
	[tilespmem:$0x1E800] =	vst v63  }
0x84: {  	_ =	swait.ge [sflag:s22], $0x1400  }
0x85: {  	[sflag:s22] =	ssyncset.done $0x0  }
0x86: {  	[sflag:s22] =	ssyncadd.s32 $0xFFFFEC00  }
0x87: {  	[tilespmem:s24], [sflag:$0x3] =	stream.linear.gather [hbm4b:s20+s13], $0x1400, $0x200038;
	[tilespmem:$0x1E800] =	vst v63  }
0x88: {  	_ =	swait.ge [sflag:s22], $0x1400  }
0x89: {  	[sflag:s22] =	ssyncset.done $0x0  }
0x8a: {  	[sflag:s22] =	ssyncadd.s32 $0xFFFFEC00  }
0x8b: {  	[tilespmem:s21], [sflag:$0x1] =	stream.indirect.gather [hbm4b:s5+s25], $0x80, s13, s25, $0x2000b8;
	[tilespmem:$0x1E800] =	vst v63  }
0x8c: {  	s2 =	simm.s32 $0x80  }
0x8d: {  	[tilespmem:s26], [sflag:$0x2] =	stream.indirect.gather [hbm4b:s5+s25], $0x80, s2, s25, $0x2000b8;
	[tilespmem:$0x1E800] =	vst v63  }
0x8e: {  	_ =	swait.ge [sflag:s23], $0x4000  }
0x8f: {  	[sflag:s23] =	ssyncset.done $0x0  }
0x90: {  	s11 =	simm.s32 $0x1400;
	[sflag:s23] =	ssyncadd.s32 $0xFFFFC000  }
0x91: {  	[spmem:s3] =	stream.indirect.scatter.add.f32 [tilespmem:s21], [sflag:$0x3], $0x80, s11, s25, $0x2000b8;
	[tilespmem:$0x1E800] =	vst v63  }
0x92: {  	_ =	swait.ge [sflag:s22], $0x4000  }
0x93: {  	[sflag:s22] =	ssyncset.done $0x0  }
0x94: {  	s12 =	simm.s32 $0x100;
	[sflag:s22] =	ssyncadd.s32 $0xFFFFC000  }
0x95: {  	[tilespmem:s21], [sflag:$0x1] =	stream.indirect.gather [hbm4b:s5+s25], $0x80, s12, s25, $0x2000b8;
	[tilespmem:$0x1E800] =	vst v63  }
0x96: {  	_ =	swait.ge [sflag:s28], $0x4000  }
0x97: {  	[sflag:s28] =	ssyncset.done $0x0  }
0x98: {  	s13 =	simm.s32 $0x1480;
	[sflag:s28] =	ssyncadd.s32 $0xFFFFC000  }
0x99: {  	[spmem:s3] =	stream.indirect.scatter.add.f32 [tilespmem:s26], [sflag:$0x3], $0x80, s13, s25, $0x2000b8;
	[tilespmem:$0x1E800] =	vst v63  }
0x9a: {  	_ =	swait.ge [sflag:s22], $0x4000  }
0x9b: {  	s0 =	simm.s32 $0x100;
	s2 =	simm.s32 $0x800;
	[sflag:s22] =	ssyncset.done $0x0  }
.LBB2_4:
0x9c: {  	s11 =	sadd.s32 $0x80, s0  }
0x9d: {  	[sflag:s22] =	ssyncadd.s32 $0xFFFFC000;
	s12 =	smov.u32 s2;
	s13 =	sadd.s32 $0x400, s2  }
0x9e: {  	[tilespmem:s26], [sflag:$0x2] =	stream.indirect.gather [hbm4b:s5+s25], $0x80, s11, s25, $0x2000b8;
	[tilespmem:$0x1E800] =	vst v63  }
0x9f: {  	p0 =	sne.s32 s2, $0x4800;
	_ =	swait.ge [sflag:s23], $0x4000  }
0xa0: {  	[sflag:s23] =	ssyncset.done $0x0  }
0xa1: {  	s2 =	sadd.s32 $0x1400, s0;
	[sflag:s23] =	ssyncadd.s32 $0xFFFFC000  }
0xa2: {  	[spmem:s3] =	stream.indirect.scatter.add.f32 [tilespmem:s21], [sflag:$0x3], $0x80, s2, s25, $0x2000b8;
	[tilespmem:$0x1E800] =	vst v63  }
0xa3: {  	_ =	swait.ge [sflag:s22], $0x4000  }
0xa4: {  	[sflag:s22] =	ssyncset.done $0x0  }
0xa5: {  	s2 =	sadd.s32 $0x100, s0;
	[sflag:s22] =	ssyncadd.s32 $0xFFFFC000  }
0xa6: {  	[tilespmem:s21], [sflag:$0x1] =	stream.indirect.gather [hbm4b:s5+s25], $0x80, s2, s25, $0x2000b8;
	[tilespmem:$0x1E800] =	vst v63  }
0xa7: {  	_ =	swait.ge [sflag:s28], $0x4000  }
.Ltmp1:
0xa8: {  	[sflag:s28] =	ssyncset.done $0x0;
	(pc) =	sbr.rel @p0 .LBB2_4-.Ltmp1, $4  }
0xa9: {  	s0 =	sadd.s32 $0x1480, s0;
	[sflag:s28] =	ssyncadd.s32 $0xFFFFC000  }
0xaa: {  	[spmem:s3] =	stream.indirect.scatter.add.f32 [tilespmem:s26], [sflag:$0x3], $0x80, s0, s25, $0x2000b8;
	[tilespmem:$0x1E800] =	vst v63  }
0xab: {  	_ =	swait.ge [sflag:s22], $0x4000  }
0xac: {  	s2 =	smov.u32 s13;
	s0 =	sshra.s32 s12, $0x2;
	[sflag:s22] =	ssyncset.done $0x0  }
0xad: {  	s2 =	sadd.s32 $0x80, s0;
	[sflag:s22] =	ssyncadd.s32 $0xFFFFC000  }
0xae: {  	[tilespmem:s26], [sflag:$0x2] =	stream.indirect.gather [hbm4b:s5+s25], $0x80, s2, s25, $0x2000b8;
	[tilespmem:$0x1E800] =	vst v63  }
0xaf: {  	_ =	swait.ge [sflag:s23], $0x4000  }
0xb0: {  	[sflag:s23] =	ssyncset.done $0x0  }
0xb1: {  	s12 =	sadd.s32 $0x1400, s0;
	[sflag:s23] =	ssyncadd.s32 $0xFFFFC000  }
0xb2: {  	[spmem:s3] =	stream.indirect.scatter.add.f32 [tilespmem:s21], [sflag:$0x3], $0x80, s12, s25, $0x2000b8;
	[tilespmem:$0x1E800] =	vst v63  }
0xb3: {  	_ =	swait.ge [sflag:s22], $0x4000  }
0xb4: {  	[sflag:s22] =	ssyncset.done $0x0  }
0xb5: {  	s13 =	sadd.s32 $0x100, s0;
	[sflag:s22] =	ssyncadd.s32 $0xFFFFC000  }
0xb6: {  	[tilespmem:s21], [sflag:$0x1] =	stream.indirect.gather [hbm4b:s5+s25], $0x80, s13, s25, $0x2000b8;
	[tilespmem:$0x1E800] =	vst v63  }
0xb7: {  	_ =	swait.ge [sflag:s28], $0x4000  }
0xb8: {  	[sflag:s28] =	ssyncset.done $0x0  }
0xb9: {  	s2 =	sadd.s32 $0x1480, s0;
	[sflag:s28] =	ssyncadd.s32 $0xFFFFC000  }
0xba: {  	[spmem:s3] =	stream.indirect.scatter.add.f32 [tilespmem:s26], [sflag:$0x3], $0x80, s2, s25, $0x2000b8;
	[tilespmem:$0x1E800] =	vst v63  }
0xbb: {  	_ =	swait.ge [sflag:s22], $0x4000  }
0xbc: {  	[sflag:s22] =	ssyncset.done $0x0  }
0xbd: {  	[sflag:s22] =	ssyncadd.s32 $0xFFFFC000  }
0xbe: {  	[tilespmem:s26], [sflag:$0x2] =	stream.indirect.gather [hbm4b:s5+s25], $0x80, s29, s25, $0x2000b8;
	[tilespmem:$0x1E800] =	vst v63  }
0xbf: {  	_ =	swait.ge [sflag:s23], $0x4000  }
0xc0: {  	[sflag:s23] =	ssyncset.done $0x0  }
0xc1: {  	[sflag:s23] =	ssyncadd.s32 $0xFFFFC000  }
0xc2: {  	[spmem:s3] =	stream.indirect.scatter.add.f32 [tilespmem:s21], [sflag:$0x3], $0x80, s30, s25, $0x2000b8;
	[tilespmem:$0x1E800] =	vst v63  }
0xc3: {  	_ =	swait.ge [sflag:s22], $0x4000  }
0xc4: {  	[sflag:s22] =	ssyncset.done $0x0  }
0xc5: {  	[sflag:s22] =	ssyncadd.s32 $0xFFFFC000  }
0xc6: {  	_ =	swait.ge [sflag:s28], $0x4000  }
0xc7: {  	[sflag:s28] =	ssyncset.done $0x0  }
0xc8: {  	[sflag:s28] =	ssyncadd.s32 $0xFFFFC000  }
0xc9: {  	[spmem:s3] =	stream.indirect.scatter.add.f32 [tilespmem:s26], [sflag:$0x3], $0x80, s31, s25, $0x2000b8;
	[tilespmem:$0x1E800] =	vst v63  }
0xca: {  	_ =	swait.ge [sflag:s22], $0x4000  }
0xcb: {  	[sflag:s22] =	ssyncset.done $0x0  }
0xcc: {  	[sflag:s22] =	ssyncadd.s32 $0xFFFFC000  }
0xcd: {  	[bflag:$0x0] =	sbarrier.arrive $0xFFFF  }
0xce: {  	_ =	strace $0x90000058  }
0xcf: {  	_ =	strace $0x80000059  }
0xd0: {  	[tilespmem:s21], [sflag:$0x3] =	stream.linear.gather [spmem:s6], $0x4000, $0x200038;
	[tilespmem:$0x1E800] =	vst v63  }
0xd1: {  	_ =	swait.ge [sflag:s22], $0x4000  }
0xd2: {  	[sflag:s22] =	ssyncset.done $0x0  }
0xd3: {  	[sflag:s22] =	ssyncadd.s32 $0xFFFFC000  }
0xd4: {  	[tilespmem:s26], [sflag:$0x3] =	stream.linear.gather [spmem:s7], $0x4000, $0x200038;
	[tilespmem:$0x1E800] =	vst v63  }
0xd5: {  	_ =	swait.ge [sflag:s22], $0x4000  }
0xd6: {  	[sflag:s22] =	ssyncset.done $0x0  }
0xd7: {  	s11 =	rddreg [dreg:$0x4];
	[sflag:s22] =	ssyncadd.s32 $0xFFFFC000  }
0xd8: {  	[hbm4b:s11+s4] =	stream.linear.scatter [tilespmem:s21], [sflag:$0x1], $0x4000, $0x200038;
	[tilespmem:$0x1E800] =	vst v63  }
0xd9: {  	_ =	swait.ge [sflag:s23], $0x4000  }
0xda: {  	[sflag:s23] =	ssyncset.done $0x0  }
0xdb: {  	[sflag:s23] =	ssyncadd.s32 $0xFFFFC000  }
0xdc: {  	[tilespmem:s21], [sflag:$0x3] =	stream.linear.gather [spmem:s8], $0x4000, $0x200038;
	[tilespmem:$0x1E800] =	vst v63  }
0xdd: {  	_ =	swait.ge [sflag:s22], $0x4000  }
0xde: {  	[sflag:s22] =	ssyncset.done $0x0  }
0xdf: {  	s12 =	rddreg [dreg:$0x5];
	[sflag:s22] =	ssyncadd.s32 $0xFFFFC000  }
0xe0: {  	[hbm4b:s12+s4] =	stream.linear.scatter [tilespmem:s26], [sflag:$0x2], $0x4000, $0x200038;
	[tilespmem:$0x1E800] =	vst v63  }
0xe1: {  	_ =	swait.ge [sflag:s28], $0x4000  }
0xe2: {  	[sflag:s28] =	ssyncset.done $0x0  }
0xe3: {  	[sflag:s28] =	ssyncadd.s32 $0xFFFFC000  }
0xe4: {  	[tilespmem:s26], [sflag:$0x3] =	stream.linear.gather [spmem:s9], $0x4000, $0x200038;
	[tilespmem:$0x1E800] =	vst v63  }
0xe5: {  	_ =	swait.ge [sflag:s22], $0x4000  }
0xe6: {  	[sflag:s22] =	ssyncset.done $0x0  }
0xe7: {  	s13 =	rddreg [dreg:$0x6];
	[sflag:s22] =	ssyncadd.s32 $0xFFFFC000  }
0xe8: {  	[hbm4b:s13+s4] =	stream.linear.scatter [tilespmem:s21], [sflag:$0x1], $0x4000, $0x200038;
	[tilespmem:$0x1E800] =	vst v63  }
0xe9: {  	_ =	swait.ge [sflag:s23], $0x4000  }
0xea: {  	[sflag:s23] =	ssyncset.done $0x0  }
0xeb: {  	[sflag:s23] =	ssyncadd.s32 $0xFFFFC000  }
0xec: {  	[tilespmem:s21], [sflag:$0x3] =	stream.linear.gather [spmem:s10], $0x4000, $0x200038;
	[tilespmem:$0x1E800] =	vst v63  }
0xed: {  	_ =	swait.ge [sflag:s22], $0x4000  }
0xee: {  	[sflag:s22] =	ssyncset.done $0x0  }
0xef: {  	[sflag:s22] =	ssyncadd.s32 $0xFFFFC000  }
0xf0: {  	[hbm4b:s14+s4] =	stream.linear.scatter [tilespmem:s26], [sflag:$0x2], $0x4000, $0x200038;
	[tilespmem:$0x1E800] =	vst v63  }
0xf1: {  	_ =	swait.ge [sflag:s28], $0x4000  }
0xf2: {  	s1 =	sadd.s32 $0x1, s1;
	[sflag:s28] =	ssyncset.done $0x0  }
0xf3: {  	p0 =	sne.s32 s1, s16;
	[sflag:s28] =	ssyncadd.s32 $0xFFFFC000  }
0xf4: {  	[hbm4b:s15+s4] =	stream.linear.scatter [tilespmem:s21], [sflag:$0x1], $0x4000, $0x200038;
	[tilespmem:$0x1E800] =	vst v63  }
.Ltmp2:
0xf5: {  	_ = 	snop;
	(pc) =	sbr.rel @p0 .LBB2_1-.Ltmp2, $4  }
0xf6: {  	_ =	swait.ge [sflag:s23], $0x4000  }
0xf7: {  	[sflag:s23] =	ssyncset.done $0x0  }
0xf8: {  	[sflag:s23] =	ssyncadd.s32 $0xFFFFC000  }
0xf9: {  	_ =	strace $0x90000059  }
0xfa: {  	_ =	sfence.sel $0x180000  }
0xfb: {  	[bflag:$0x0] =	sbarrier.arrive $0xFFFF  }
0xfc: {  	_ =	strace $0x90000056  }
0xfd: {  	s0 =	stileid.u32;
	[bflag:$0x2] =	sbarrier.arrive $0xFFFF  }
0xfe: {  	p0 =	sne.s32 s0, $0x0;
	s0 =	rddreg [dreg:$0x3]  }
0xff: {  	s0 =	sadd.s32 @!p0 $0x100000, s0  }
0x100: {  	[sflag:s0] =	ssyncadd.tile.s32 @!p0 $0x1;
	_ =	shalt  }
.Lfunc_end2:
_tile_overlayer_lowered:
.L_overlay_start_2:
0x101: {  	(tag) =	ssettag $0x2  }
0x102: {  	s0 =	rddreg [dreg:$0x0];
	s2 =	stileid.u32  }
0x103: {  	s1 =	rddreg [dreg:$0x1];
	p0 =	sne.s32 s2, $0x0  }
0x104: {  	s3 =	rddreg [dreg:$0x2];
	[bflag:$0x3] =	sbarrier.arrive $0xFFFF;
	s2 =	simm.s32 @!p0 $0x1C03  }
0x105: {  	[timem:s3], [sflag:s2] =	dma.local @!p0 [hbm:s0], s1  }
0x106: {  	s0 =	simm.s32 @!p0 $0x3  }
0x107: {  	_ =	swait.ge @!p0 [sflag:s0], s1  }
0x108: {  	s1 =	ssub.s32 @!p0 $0x0, s1;
	[sflag:s0] =	ssyncset.done @!p0 $0x0  }
0x109: {  	[sflag:s0] =	ssyncadd.s32 @!p0 s1  }
0x10a: {  	[bflag:$0x3] =	sbarrier.arrive $0xFFFF  }
0x10b: {  	_ =	shalt  }

</sc_bundles>
